<compile_context>
chip_gen: v7x
topology: tpu7x:2x2x1
jax: 0.10.2.dev20260603
libtpu: 0.0.44.dev20260713+nightly
codegen_flags: <defaults>
</compile_context>

<pallas_src>
import jax
import jax.numpy as jnp
from jax import lax
from jax.experimental import pallas as pl
from jax.experimental.pallas import tpu as pltpu
from jax.experimental.pallas import tpu_sc as plsc

U, S, F, D = 33, 256, 64, 64
L = 16
NJ = F // L
NC, NS = 2, 16
NW = NC * NS
SF = S * F
TD, TS = 8, 128
NTR = D // TD
NQ = 4
QSF = SF // NQ
UNIT = TD * QSF
TASKS = U * NTR * NQ
TPW = TASKS // NW
UPT = NTR * NQ
DF = D * F

WV0, BV0, UN0, FL0, FT0 = 0, D, 2 * D, 4 * D, 6 * D
TBL = FT0 + DF


def _sc_body(mf_hbm, tbl_hbm, out_hbm,
             m_v, tbl_v, bu_v, dfl_v, baset_v,
             obuf0, obuf1, sem0, sem1):
    w = lax.axis_index("s") * NC + lax.axis_index("c")
    u0 = (w * TPW) // UPT

    pltpu.sync_copy(mf_hbm.at[pl.ds(u0 * SF, 2 * SF)], m_v)
    pltpu.sync_copy(tbl_hbm, tbl_v)

    zero16 = jnp.zeros((L,), jnp.float32)
    iota16 = lax.iota(jnp.int32, L)

    for j in range(NJ):
        dfl_v[pl.ds(L * j, L)] = (tbl_v[pl.ds(FL0 + D + L * j, L)]
                                  - tbl_v[pl.ds(FL0 + L * j, L)])

    def build_base(u, ui):
        upred = jnp.full((L,), u > 0)
        for j in range(NJ):
            dsj = pl.ds(L * j, L)
            uv = jnp.where(upred, tbl_v[pl.ds(UN0 + D + L * j, L)],
                           tbl_v[pl.ds(UN0 + L * j, L)])
            bu_v[dsj] = (tbl_v[pl.ds(BV0 + L * j, L)] + uv
                         + tbl_v[pl.ds(FL0 + L * j, L)])

        @plsc.parallel_loop(0, D, step=1, unroll=2)
        def dbody(d):
            bub = plsc.load_gather(bu_v, [jnp.full((L,), d, jnp.int32)])
            dfb = plsc.load_gather(dfl_v, [jnp.full((L,), d, jnp.int32)])
            for j in range(NJ):
                fmask = (iota16 + (L * j)) == (u - 1)
                baset_v[pl.ds(ui * DF + d * F + L * j, L)] = (
                    tbl_v[pl.ds(FT0 + d * F + L * j, L)] + bub
                    + jnp.where(fmask, dfb, zero16))

    build_base(u0, 0)
    build_base(u0 + 1, 1)

    def fill_unit(ui, tr, q, buf):
        def ddbody(dd, c):
            d = tr * TD + dd
            wvb = plsc.load_gather(tbl_v, [jnp.full((L,), WV0 + d,
                                                    jnp.int32)])
            bt = [baset_v[pl.ds(ui * DF + d * F + L * j, L)]
                  for j in range(NJ)]

            @plsc.parallel_loop(0, QSF // F, step=1, unroll=8)
            def ibody(i4):
                for jj in range(NJ):
                    moff = ui * SF + q * QSF + i4 * F + L * jj
                    pos = i4 * NJ + jj
                    boff = ((pos // 8) * (TD * TS) + dd * TS
                            + (pos % 8) * L)
                    buf[pl.ds(boff, L)] = (
                        m_v[pl.ds(moff, L)] * wvb + bt[jj])
            return c

        lax.fori_loop(0, TD, ddbody, 0)

    def do_unit(ti, buf, sem, wait_first):
        t = w * TPW + ti
        u = t // UPT
        rem = t % UPT
        tr = rem // NQ
        q = rem % NQ

        if wait_first:
            t2 = t - 2
            pltpu.make_async_copy(
                buf, out_hbm.at[pl.ds(t2 * UNIT, UNIT)], sem).wait()
        fill_unit(u - u0, tr, q, buf)
        pltpu.async_copy(buf, out_hbm.at[pl.ds(t * UNIT, UNIT)], sem)

    do_unit(0, obuf0, sem0, False)
    do_unit(1, obuf1, sem1, False)

    def pair_body(p, c):
        do_unit(2 * p, obuf0, sem0, True)
        do_unit(2 * p + 1, obuf1, sem1, True)
        return c

    lax.fori_loop(1, TPW // 2, pair_body, 0)
    do_unit(TPW - 1, obuf0, sem0, True)

    t_a = w * TPW + TPW - 2
    pltpu.make_async_copy(
        obuf1, out_hbm.at[pl.ds(t_a * UNIT, UNIT)], sem1).wait()
    t_b = w * TPW + TPW - 1
    pltpu.make_async_copy(
        obuf0, out_hbm.at[pl.ds(t_b * UNIT, UNIT)], sem0).wait()


@jax.jit
def _sc_embed(mf, tbl):
    mesh = plsc.VectorSubcoreMesh(
        core_axis_name="c", subcore_axis_name="s",
        num_cores=NC, num_subcores=NS)
    run = pl.kernel(
        _sc_body,
        out_type=jax.ShapeDtypeStruct((TASKS * UNIT,), jnp.float32),
        mesh=mesh,
        compiler_params=pltpu.CompilerParams(needs_layout_passes=False),
        scratch_types=[
            pltpu.VMEM((2 * SF,), jnp.float32),
            pltpu.VMEM((TBL,), jnp.float32),
            pltpu.VMEM((D,), jnp.float32),
            pltpu.VMEM((D,), jnp.float32),
            pltpu.VMEM((2 * DF,), jnp.float32),
            pltpu.VMEM((UNIT,), jnp.float32),
            pltpu.VMEM((UNIT,), jnp.float32),
            pltpu.SemaphoreType.DMA,
            pltpu.SemaphoreType.DMA,
        ],
    )
    return run(mf, tbl)


def kernel(m_data, Wv, bv, feat_table, univ_table, flag_table):
    mf = m_data.reshape(U * S * F)
    tbl = jnp.concatenate([
        Wv.reshape(D), bv, univ_table.reshape(2 * D),
        flag_table.reshape(2 * D), feat_table.T.reshape(DF)])
    out = _sc_embed(mf, tbl)
    out = (out.reshape(U, NTR, SF // TS, TD, TS)
           .transpose(0, 1, 3, 2, 4)
           .reshape(U, D, SF)
           .transpose(0, 2, 1))
    return out

# --- scband reference (transcript-rebuilt; emitter-appended) ---
"""Pipeline reference for scband-parallel-universe-embedding-10900626997642 (READ-ONLY COPY).

The authoritative reference and input builder live on the scoring server;
editing this copy changes nothing except your own understanding.
"""

import jax, jax.numpy as jnp
import numpy as np

U, S, F, D = 33, 256, 64, 64

def setup_inputs(seed: int = 0) -> dict:
    key = jax.random.key(seed)
    ks = jax.random.split(key, 6)
    m_data = jax.random.normal(ks[0], (U, S, F), dtype=jnp.float32)
    Wv = jax.random.normal(ks[1], (1, D), dtype=jnp.float32) * 0.02
    bv = jnp.zeros((D,), dtype=jnp.float32)
    feat_table = jax.random.normal(ks[2], (F, D), dtype=jnp.float32) * 0.02
    univ_table = jax.random.normal(ks[3], (2, D), dtype=jnp.float32) * 0.02
    flag_table = jax.random.normal(ks[4], (2, D), dtype=jnp.float32) * 0.02
    return {"m_data": m_data, "Wv": Wv, "bv": bv, "feat_table": feat_table, "univ_table": univ_table, "flag_table": flag_table}

def reference(m_data, Wv, bv, feat_table, univ_table, flag_table):
    u, s, f = m_data.shape
    d = Wv.shape[1]
    flat_data = m_data.reshape(-1, 1)
    # feat_idx = arange(f) repeated u*s times
    feat_idx = jnp.tile(jnp.arange(f, dtype=jnp.int32), u * s)
    # univ_idx: first universe observational (0), rest interventional (1)
    univ_idx = jnp.concatenate([
        jnp.zeros(s * f, dtype=jnp.int32),
        jnp.ones((u - 1) * s * f, dtype=jnp.int32),
    ])
    # intervention flags: flags[i, :, i-1] = 1 for i >= 1
    rows = jnp.arange(u, dtype=jnp.int32)[:, None, None]
    cols = jnp.arange(f, dtype=jnp.int32)[None, None, :]
    flags = ((cols == rows - 1) & (rows >= 1)).astype(jnp.int32)
    flags = jnp.broadcast_to(flags, (u, s, f)).reshape(-1)
    value_emb = flat_data @ Wv + bv
    combined = (value_emb
                + jnp.take(feat_table, feat_idx, axis=0)
                + jnp.take(univ_table, univ_idx, axis=0)
                + jnp.take(flag_table, flags, axis=0))
    return combined.reshape(u, s * f, d)

if False:  # reference __main__ guard neutralized (emitter)
    inp = setup_inputs()
    out = reference(**inp)
    print(out.shape)

if __name__ == "__main__":
    import jax
    _d = setup_inputs()
    print(jax.jit(kernel)(*tuple(_d.values())))

</pallas_src>

<mosaic_0001>
#map = affine_map<(d0, d1) -> (0)>
module attributes {stable_mosaic.version = 14 : i64} {
  func.func @_sc_body(%arg0: i32, %arg1: i32, %arg2: memref<540672xf32, #tpu.memory_space<hbm>>, %arg3: memref<4480xf32, #tpu.memory_space<hbm>>, %arg4: memref<34603008xf32, #tpu.memory_space<hbm>>, %arg5: memref<32768xf32, #tpu.memory_space<vmem>>, %arg6: memref<4480xf32, #tpu.memory_space<vmem>>, %arg7: memref<64xf32, #tpu.memory_space<vmem>>, %arg8: memref<64xf32, #tpu.memory_space<vmem>>, %arg9: memref<8192xf32, #tpu.memory_space<vmem>>, %arg10: memref<32768xf32, #tpu.memory_space<vmem>>, %arg11: memref<32768xf32, #tpu.memory_space<vmem>>, %arg12: memref<!tpu.dma_semaphore, #tpu.memory_space<semaphore_mem>>, %arg13: memref<!tpu.dma_semaphore, #tpu.memory_space<semaphore_mem>>) attributes {dimension_semantics = [#tpu.dimension_semantics<core_parallel>, #tpu.dimension_semantics<subcore_parallel>], iteration_bounds = array<i64: 2, 16>, scalar_prefetch = 0 : i64, scratch_operands = 9 : i64, tpu.core_type = #tpu.core_type<sc_vector_subcore>, window_params = [{transform_indices = #map}, {transform_indices = #map}, {transform_indices = #map}]} {
    %mul3A = arith.constant 2 : i32
    %mul3A_0 = arith.muli %arg1, %mul3A : i32
    %add3A = arith.addi %mul3A_0, %arg0 : i32
    %mul3A_1 = arith.constant 33 : i32
    %mul3A_2 = arith.muli %add3A, %mul3A_1 : i32
    %jit3A = arith.constant 32 : i32
    %div3A = arith.divsi %mul3A_2, %jit3A : i32
    %sign3A = arith.constant 0 : i32
    %sign3A_3 = arith.cmpi sgt, %mul3A_2, %sign3A : i32
    %sign3A_4 = arith.extui %sign3A_3 : i1 to i32
    %sign3A_5 = arith.constant 0 : i32
    %sign3A_6 = arith.cmpi slt, %mul3A_2, %sign3A_5 : i32
    %sign3A_7 = arith.extui %sign3A_6 : i1 to i32
    %sign3A_8 = arith.subi %sign3A_4, %sign3A_7 : i32
    %sign3A_9 = arith.constant 0 : i32
    %sign3A_10 = arith.cmpi sgt, %jit3A, %sign3A_9 : i32
    %sign3A_11 = arith.extui %sign3A_10 : i1 to i32
    %sign3A_12 = arith.constant 0 : i32
    %sign3A_13 = arith.cmpi slt, %jit3A, %sign3A_12 : i32
    %sign3A_14 = arith.extui %sign3A_13 : i1 to i32
    %sign3A_15 = arith.subi %sign3A_11, %sign3A_14 : i32
    %ne3A = arith.cmpi ne, %sign3A_8, %sign3A_15 : i32
    %rem3A = arith.remsi %mul3A_2, %jit3A : i32
    %ne3A_16 = arith.constant 0 : i32
    %ne3A_17 = arith.cmpi ne, %rem3A, %ne3A_16 : i32
    %and3A = arith.andi %ne3A, %ne3A_17 : i1
    %sub3A = arith.constant 1 : i32
    %sub3A_18 = arith.subi %div3A, %sub3A : i32
    %select_n3A = arith.select %and3A, %sub3A_18, %div3A : i32
    %mul3A_19 = arith.constant 16384 : i32
    %mul3A_20 = arith.muli %select_n3A, %mul3A_19 : i32
    "tpu.region"() ({
      %run_scoped3A = tpu.sem_alloc : memref<!tpu.dma_semaphore, #tpu.memory_space<semaphore_mem>>
      %dma_start3A_476 = tpu.memref_slice %arg2[%mul3A_20] : memref<540672xf32, #tpu.memory_space<hbm>> -> memref<32768xf32, #tpu.memory_space<hbm>>
      %dma_start3A_477 = tpu.memref_slice %arg2[%mul3A_20] : memref<540672xf32, #tpu.memory_space<hbm>> -> memref<32768xf32, #tpu.memory_space<hbm>>
      tpu.enqueue_dma source(%dma_start3A_477 : memref<32768xf32, #tpu.memory_space<hbm>>) target(%arg5 : memref<32768xf32, #tpu.memory_space<vmem>>) target_semaphore(%run_scoped3A : memref<!tpu.dma_semaphore, #tpu.memory_space<semaphore_mem>>)
      %dma_wait3A_478 = tpu.memref_slice %arg2[%mul3A_20] : memref<540672xf32, #tpu.memory_space<hbm>> -> memref<32768xf32, #tpu.memory_space<hbm>>
      %dma_wait3A_479 = tpu.memref_slice %arg2[%mul3A_20] : memref<540672xf32, #tpu.memory_space<hbm>> -> memref<32768xf32, #tpu.memory_space<hbm>>
      tpu.wait_dma2 semaphore(%run_scoped3A : memref<!tpu.dma_semaphore, #tpu.memory_space<semaphore_mem>>) src(%dma_wait3A_479 : memref<32768xf32, #tpu.memory_space<hbm>>) dst(%arg5 : memref<32768xf32, #tpu.memory_space<vmem>>)
      tpu.yield
    }) : () -> ()
    "tpu.region"() ({
      %run_scoped3A = tpu.sem_alloc : memref<!tpu.dma_semaphore, #tpu.memory_space<semaphore_mem>>
      tpu.enqueue_dma source(%arg3 : memref<4480xf32, #tpu.memory_space<hbm>>) target(%arg6 : memref<4480xf32, #tpu.memory_space<vmem>>) target_semaphore(%run_scoped3A : memref<!tpu.dma_semaphore, #tpu.memory_space<semaphore_mem>>)
      tpu.wait_dma2 semaphore(%run_scoped3A : memref<!tpu.dma_semaphore, #tpu.memory_space<semaphore_mem>>) src(%arg3 : memref<4480xf32, #tpu.memory_space<hbm>>) dst(%arg6 : memref<4480xf32, #tpu.memory_space<vmem>>)
      tpu.yield
    }) : () -> ()
    %broadcast_in_dim3A = arith.constant 0.000000e+00 : f32
    %broadcast_in_dim3A_21 = vector.broadcast %broadcast_in_dim3A : f32 to vector<16xf32>
    %iota3A = tpu.iota {dimensions = array<i32: 0>} : vector<16xi32>
    %get3A = arith.constant 320 : index
    %get3A_22 = tpu.vector_load %arg6[%get3A] {strides = array<i32>} : memref<4480xf32, #tpu.memory_space<vmem>>, vector<16xf32>,
    %get3A_23 = arith.constant 256 : index
    %get3A_24 = tpu.vector_load %arg6[%get3A_23] {strides = array<i32>} : memref<4480xf32, #tpu.memory_space<vmem>>, vector<16xf32>,
    %sub3A_25 = arith.subf %get3A_22, %get3A_24 : vector<16xf32>
    %swap3A = arith.constant 0 : index
    %swap3A_26 = tpu.vector_load %arg8[%swap3A] {strides = array<i32>} : memref<64xf32, #tpu.memory_space<vmem>>, vector<16xf32>,
    tpu.vector_store %arg8[%swap3A], %sub3A_25 {strides = array<i32>} : memref<64xf32, #tpu.memory_space<vmem>>, vector<16xf32>,
    %get3A_27 = arith.constant 336 : index
    %get3A_28 = tpu.vector_load %arg6[%get3A_27] {strides = array<i32>} : memref<4480xf32, #tpu.memory_space<vmem>>, vector<16xf32>,
    %get3A_29 = arith.constant 272 : index
    %get3A_30 = tpu.vector_load %arg6[%get3A_29] {strides = array<i32>} : memref<4480xf32, #tpu.memory_space<vmem>>, vector<16xf32>,
    %sub3A_31 = arith.subf %get3A_28, %get3A_30 : vector<16xf32>
    %swap3A_32 = arith.constant 16 : index
    %swap3A_33 = tpu.vector_load %arg8[%swap3A_32] {strides = array<i32>} : memref<64xf32, #tpu.memory_space<vmem>>, vector<16xf32>,
    tpu.vector_store %arg8[%swap3A_32], %sub3A_31 {strides = array<i32>} : memref<64xf32, #tpu.memory_space<vmem>>, vector<16xf32>,
    %get3A_34 = arith.constant 352 : index
    %get3A_35 = tpu.vector_load %arg6[%get3A_34] {strides = array<i32>} : memref<4480xf32, #tpu.memory_space<vmem>>, vector<16xf32>,
    %get3A_36 = arith.constant 288 : index
    %get3A_37 = tpu.vector_load %arg6[%get3A_36] {strides = array<i32>} : memref<4480xf32, #tpu.memory_space<vmem>>, vector<16xf32>,
    %sub3A_38 = arith.subf %get3A_35, %get3A_37 : vector<16xf32>
    %swap3A_39 = arith.constant 32 : index
    %swap3A_40 = tpu.vector_load %arg8[%swap3A_39] {strides = array<i32>} : memref<64xf32, #tpu.memory_space<vmem>>, vector<16xf32>,
    tpu.vector_store %arg8[%swap3A_39], %sub3A_38 {strides = array<i32>} : memref<64xf32, #tpu.memory_space<vmem>>, vector<16xf32>,
    %get3A_41 = arith.constant 368 : index
    %get3A_42 = tpu.vector_load %arg6[%get3A_41] {strides = array<i32>} : memref<4480xf32, #tpu.memory_space<vmem>>, vector<16xf32>,
    %get3A_43 = arith.constant 304 : index
    %get3A_44 = tpu.vector_load %arg6[%get3A_43] {strides = array<i32>} : memref<4480xf32, #tpu.memory_space<vmem>>, vector<16xf32>,
    %sub3A_45 = arith.subf %get3A_42, %get3A_44 : vector<16xf32>
    %swap3A_46 = arith.constant 48 : index
    %swap3A_47 = tpu.vector_load %arg8[%swap3A_46] {strides = array<i32>} : memref<64xf32, #tpu.memory_space<vmem>>, vector<16xf32>,
    tpu.vector_store %arg8[%swap3A_46], %sub3A_45 {strides = array<i32>} : memref<64xf32, #tpu.memory_space<vmem>>, vector<16xf32>,
    %gt3A = arith.constant 0 : i32
    %gt3A_48 = arith.cmpi sgt, %select_n3A, %gt3A : i32
    %broadcast_in_dim3A_49 = vector.broadcast %gt3A_48 : i1 to vector<16xi1>
    %get3A_50 = arith.constant 192 : index
    %get3A_51 = tpu.vector_load %arg6[%get3A_50] {strides = array<i32>} : memref<4480xf32, #tpu.memory_space<vmem>>, vector<16xf32>,
    %get3A_52 = arith.constant 128 : index
    %get3A_53 = tpu.vector_load %arg6[%get3A_52] {strides = array<i32>} : memref<4480xf32, #tpu.memory_space<vmem>>, vector<16xf32>,
    %select_n3A_54 = arith.select %broadcast_in_dim3A_49, %get3A_51, %get3A_53 : vector<16xi1>, vector<16xf32>
    %get3A_55 = arith.constant 64 : index
    %get3A_56 = tpu.vector_load %arg6[%get3A_55] {strides = array<i32>} : memref<4480xf32, #tpu.memory_space<vmem>>, vector<16xf32>,
    %add3A_57 = arith.addf %get3A_56, %select_n3A_54 : vector<16xf32>
    %get3A_58 = arith.constant 256 : index
    %get3A_59 = tpu.vector_load %arg6[%get3A_58] {strides = array<i32>} : memref<4480xf32, #tpu.memory_space<vmem>>, vector<16xf32>,
    %add3A_60 = arith.addf %add3A_57, %get3A_59 : vector<16xf32>
    %swap3A_61 = arith.constant 0 : index
    %swap3A_62 = tpu.vector_load %arg7[%swap3A_61] {strides = array<i32>} : memref<64xf32, #tpu.memory_space<vmem>>, vector<16xf32>,
    tpu.vector_store %arg7[%swap3A_61], %add3A_60 {strides = array<i32>} : memref<64xf32, #tpu.memory_space<vmem>>, vector<16xf32>,
    %get3A_63 = arith.constant 208 : index
    %get3A_64 = tpu.vector_load %arg6[%get3A_63] {strides = array<i32>} : memref<4480xf32, #tpu.memory_space<vmem>>, vector<16xf32>,
    %get3A_65 = arith.constant 144 : index
    %get3A_66 = tpu.vector_load %arg6[%get3A_65] {strides = array<i32>} : memref<4480xf32, #tpu.memory_space<vmem>>, vector<16xf32>,
    %select_n3A_67 = arith.select %broadcast_in_dim3A_49, %get3A_64, %get3A_66 : vector<16xi1>, vector<16xf32>
    %get3A_68 = arith.constant 80 : index
    %get3A_69 = tpu.vector_load %arg6[%get3A_68] {strides = array<i32>} : memref<4480xf32, #tpu.memory_space<vmem>>, vector<16xf32>,
    %add3A_70 = arith.addf %get3A_69, %select_n3A_67 : vector<16xf32>
    %get3A_71 = arith.constant 272 : index
    %get3A_72 = tpu.vector_load %arg6[%get3A_71] {strides = array<i32>} : memref<4480xf32, #tpu.memory_space<vmem>>, vector<16xf32>,
    %add3A_73 = arith.addf %add3A_70, %get3A_72 : vector<16xf32>
    %swap3A_74 = arith.constant 16 : index
    %swap3A_75 = tpu.vector_load %arg7[%swap3A_74] {strides = array<i32>} : memref<64xf32, #tpu.memory_space<vmem>>, vector<16xf32>,
    tpu.vector_store %arg7[%swap3A_74], %add3A_73 {strides = array<i32>} : memref<64xf32, #tpu.memory_space<vmem>>, vector<16xf32>,
    %get3A_76 = arith.constant 224 : index
    %get3A_77 = tpu.vector_load %arg6[%get3A_76] {strides = array<i32>} : memref<4480xf32, #tpu.memory_space<vmem>>, vector<16xf32>,
    %get3A_78 = arith.constant 160 : index
    %get3A_79 = tpu.vector_load %arg6[%get3A_78] {strides = array<i32>} : memref<4480xf32, #tpu.memory_space<vmem>>, vector<16xf32>,
    %select_n3A_80 = arith.select %broadcast_in_dim3A_49, %get3A_77, %get3A_79 : vector<16xi1>, vector<16xf32>
    %get3A_81 = arith.constant 96 : index
    %get3A_82 = tpu.vector_load %arg6[%get3A_81] {strides = array<i32>} : memref<4480xf32, #tpu.memory_space<vmem>>, vector<16xf32>,
    %add3A_83 = arith.addf %get3A_82, %select_n3A_80 : vector<16xf32>
    %get3A_84 = arith.constant 288 : index
    %get3A_85 = tpu.vector_load %arg6[%get3A_84] {strides = array<i32>} : memref<4480xf32, #tpu.memory_space<vmem>>, vector<16xf32>,
    %add3A_86 = arith.addf %add3A_83, %get3A_85 : vector<16xf32>
    %swap3A_87 = arith.constant 32 : index
    %swap3A_88 = tpu.vector_load %arg7[%swap3A_87] {strides = array<i32>} : memref<64xf32, #tpu.memory_space<vmem>>, vector<16xf32>,
    tpu.vector_store %arg7[%swap3A_87], %add3A_86 {strides = array<i32>} : memref<64xf32, #tpu.memory_space<vmem>>, vector<16xf32>,
    %get3A_89 = arith.constant 240 : index
    %get3A_90 = tpu.vector_load %arg6[%get3A_89] {strides = array<i32>} : memref<4480xf32, #tpu.memory_space<vmem>>, vector<16xf32>,
    %get3A_91 = arith.constant 176 : index
    %get3A_92 = tpu.vector_load %arg6[%get3A_91] {strides = array<i32>} : memref<4480xf32, #tpu.memory_space<vmem>>, vector<16xf32>,
    %select_n3A_93 = arith.select %broadcast_in_dim3A_49, %get3A_90, %get3A_92 : vector<16xi1>, vector<16xf32>
    %get3A_94 = arith.constant 112 : index
    %get3A_95 = tpu.vector_load %arg6[%get3A_94] {strides = array<i32>} : memref<4480xf32, #tpu.memory_space<vmem>>, vector<16xf32>,
    %add3A_96 = arith.addf %get3A_95, %select_n3A_93 : vector<16xf32>
    %get3A_97 = arith.constant 304 : index
    %get3A_98 = tpu.vector_load %arg6[%get3A_97] {strides = array<i32>} : memref<4480xf32, #tpu.memory_space<vmem>>, vector<16xf32>,
    %add3A_99 = arith.addf %add3A_96, %get3A_98 : vector<16xf32>
    %swap3A_100 = arith.constant 48 : index
    %swap3A_101 = tpu.vector_load %arg7[%swap3A_100] {strides = array<i32>} : memref<64xf32, #tpu.memory_space<vmem>>, vector<16xf32>,
    tpu.vector_store %arg7[%swap3A_100], %add3A_99 {strides = array<i32>} : memref<64xf32, #tpu.memory_space<vmem>>, vector<16xf32>,
    %parallel_loop3A = arith.constant 0 : i32
    %parallel_loop3A_102 = arith.constant 64 : i32
    %parallel_loop3A_103 = arith.constant 1 : i32
    scf.for %parallel_loop3A_476 = %parallel_loop3A to %parallel_loop3A_102 step %parallel_loop3A_103  : i32 {
      %parallel_loop3A_477 = vector.broadcast %parallel_loop3A_476 : i32 to vector<16xi32>
      %parallel_loop3A_478 = tpu.vector_load_idx %arg7[%parallel_loop3A_477] : memref<64xf32, #tpu.memory_space<vmem>>[vector<16xi32>], vector<16xf32>,
      %parallel_loop3A_479 = vector.broadcast %parallel_loop3A_476 : i32 to vector<16xi32>
      %parallel_loop3A_480 = tpu.vector_load_idx %arg8[%parallel_loop3A_479] : memref<64xf32, #tpu.memory_space<vmem>>[vector<16xi32>], vector<16xf32>,
      %parallel_loop3A_481 = arith.constant 0 : i32
      %parallel_loop3A_482 = vector.broadcast %parallel_loop3A_481 : i32 to vector<16xi32>
      %parallel_loop3A_483 = arith.addi %iota3A, %parallel_loop3A_482 : vector<16xi32>
      %parallel_loop3A_484 = arith.constant 1 : i32
      %parallel_loop3A_485 = arith.subi %select_n3A, %parallel_loop3A_484 : i32
      %parallel_loop3A_486 = vector.broadcast %parallel_loop3A_485 : i32 to vector<16xi32>
      %parallel_loop3A_487 = arith.cmpi eq, %parallel_loop3A_483, %parallel_loop3A_486 : vector<16xi32>
      %parallel_loop3A_488 = arith.constant 64 : i32
      %parallel_loop3A_489 = arith.muli %parallel_loop3A_476, %parallel_loop3A_488 : i32
      %parallel_loop3A_490 = arith.constant 384 : i32
      %parallel_loop3A_491 = arith.addi %parallel_loop3A_490, %parallel_loop3A_489 : i32
      %parallel_loop3A_492 = arith.constant 0 : i32
      %parallel_loop3A_493 = arith.addi %parallel_loop3A_491, %parallel_loop3A_492 : i32
      %parallel_loop3A_494 = arith.index_cast %parallel_loop3A_493 : i32 to index
      %parallel_loop3A_495 = tpu.vector_load %arg6[%parallel_loop3A_494] {strides = array<i32>} : memref<4480xf32, #tpu.memory_space<vmem>>, vector<16xf32>,
      %parallel_loop3A_496 = arith.addf %parallel_loop3A_495, %parallel_loop3A_478 : vector<16xf32>
      %parallel_loop3A_497 = arith.select %parallel_loop3A_487, %parallel_loop3A_480, %broadcast_in_dim3A_21 : vector<16xi1>, vector<16xf32>
      %parallel_loop3A_498 = arith.addf %parallel_loop3A_496, %parallel_loop3A_497 : vector<16xf32>
      %parallel_loop3A_499 = arith.constant 64 : i32
      %parallel_loop3A_500 = arith.muli %parallel_loop3A_476, %parallel_loop3A_499 : i32
      %parallel_loop3A_501 = arith.constant 0 : i32
      %parallel_loop3A_502 = arith.addi %parallel_loop3A_501, %parallel_loop3A_500 : i32
      %parallel_loop3A_503 = arith.constant 0 : i32
      %parallel_loop3A_504 = arith.addi %parallel_loop3A_502, %parallel_loop3A_503 : i32
      %parallel_loop3A_505 = arith.index_cast %parallel_loop3A_504 : i32 to index
      %parallel_loop3A_506 = tpu.vector_load %arg9[%parallel_loop3A_505] {strides = array<i32>} : memref<8192xf32, #tpu.memory_space<vmem>>, vector<16xf32>,
      tpu.vector_store %arg9[%parallel_loop3A_505], %parallel_loop3A_498 {strides = array<i32>} : memref<8192xf32, #tpu.memory_space<vmem>>, vector<16xf32>,
      %parallel_loop3A_507 = arith.constant 16 : i32
      %parallel_loop3A_508 = vector.broadcast %parallel_loop3A_507 : i32 to vector<16xi32>
      %parallel_loop3A_509 = arith.addi %iota3A, %parallel_loop3A_508 : vector<16xi32>
      %parallel_loop3A_510 = arith.constant 1 : i32
      %parallel_loop3A_511 = arith.subi %select_n3A, %parallel_loop3A_510 : i32
      %parallel_loop3A_512 = vector.broadcast %parallel_loop3A_511 : i32 to vector<16xi32>
      %parallel_loop3A_513 = arith.cmpi eq, %parallel_loop3A_509, %parallel_loop3A_512 : vector<16xi32>
      %parallel_loop3A_514 = arith.constant 64 : i32
      %parallel_loop3A_515 = arith.muli %parallel_loop3A_476, %parallel_loop3A_514 : i32
      %parallel_loop3A_516 = arith.constant 384 : i32
      %parallel_loop3A_517 = arith.addi %parallel_loop3A_516, %parallel_loop3A_515 : i32
      %parallel_loop3A_518 = arith.constant 16 : i32
      %parallel_loop3A_519 = arith.addi %parallel_loop3A_517, %parallel_loop3A_518 : i32
      %parallel_loop3A_520 = arith.index_cast %parallel_loop3A_519 : i32 to index
      %parallel_loop3A_521 = tpu.vector_load %arg6[%parallel_loop3A_520] {strides = array<i32>} : memref<4480xf32, #tpu.memory_space<vmem>>, vector<16xf32>,
      %parallel_loop3A_522 = arith.addf %parallel_loop3A_521, %parallel_loop3A_478 : vector<16xf32>
      %parallel_loop3A_523 = arith.select %parallel_loop3A_513, %parallel_loop3A_480, %broadcast_in_dim3A_21 : vector<16xi1>, vector<16xf32>
      %parallel_loop3A_524 = arith.addf %parallel_loop3A_522, %parallel_loop3A_523 : vector<16xf32>
      %parallel_loop3A_525 = arith.constant 64 : i32
      %parallel_loop3A_526 = arith.muli %parallel_loop3A_476, %parallel_loop3A_525 : i32
      %parallel_loop3A_527 = arith.constant 0 : i32
      %parallel_loop3A_528 = arith.addi %parallel_loop3A_527, %parallel_loop3A_526 : i32
      %parallel_loop3A_529 = arith.constant 16 : i32
      %parallel_loop3A_530 = arith.addi %parallel_loop3A_528, %parallel_loop3A_529 : i32
      %parallel_loop3A_531 = arith.index_cast %parallel_loop3A_530 : i32 to index
      %parallel_loop3A_532 = tpu.vector_load %arg9[%parallel_loop3A_531] {strides = array<i32>} : memref<8192xf32, #tpu.memory_space<vmem>>, vector<16xf32>,
      tpu.vector_store %arg9[%parallel_loop3A_531], %parallel_loop3A_524 {strides = array<i32>} : memref<8192xf32, #tpu.memory_space<vmem>>, vector<16xf32>,
      %parallel_loop3A_533 = arith.constant 32 : i32
      %parallel_loop3A_534 = vector.broadcast %parallel_loop3A_533 : i32 to vector<16xi32>
      %parallel_loop3A_535 = arith.addi %iota3A, %parallel_loop3A_534 : vector<16xi32>
      %parallel_loop3A_536 = arith.constant 1 : i32
      %parallel_loop3A_537 = arith.subi %select_n3A, %parallel_loop3A_536 : i32
      %parallel_loop3A_538 = vector.broadcast %parallel_loop3A_537 : i32 to vector<16xi32>
      %parallel_loop3A_539 = arith.cmpi eq, %parallel_loop3A_535, %parallel_loop3A_538 : vector<16xi32>
      %parallel_loop3A_540 = arith.constant 64 : i32
      %parallel_loop3A_541 = arith.muli %parallel_loop3A_476, %parallel_loop3A_540 : i32
      %parallel_loop3A_542 = arith.constant 384 : i32
      %parallel_loop3A_543 = arith.addi %parallel_loop3A_542, %parallel_loop3A_541 : i32
      %parallel_loop3A_544 = arith.constant 32 : i32
      %parallel_loop3A_545 = arith.addi %parallel_loop3A_543, %parallel_loop3A_544 : i32
      %parallel_loop3A_546 = arith.index_cast %parallel_loop3A_545 : i32 to index
      %parallel_loop3A_547 = tpu.vector_load %arg6[%parallel_loop3A_546] {strides = array<i32>} : memref<4480xf32, #tpu.memory_space<vmem>>, vector<16xf32>,
      %parallel_loop3A_548 = arith.addf %parallel_loop3A_547, %parallel_loop3A_478 : vector<16xf32>
      %parallel_loop3A_549 = arith.select %parallel_loop3A_539, %parallel_loop3A_480, %broadcast_in_dim3A_21 : vector<16xi1>, vector<16xf32>
      %parallel_loop3A_550 = arith.addf %parallel_loop3A_548, %parallel_loop3A_549 : vector<16xf32>
      %parallel_loop3A_551 = arith.constant 64 : i32
      %parallel_loop3A_552 = arith.muli %parallel_loop3A_476, %parallel_loop3A_551 : i32
      %parallel_loop3A_553 = arith.constant 0 : i32
      %parallel_loop3A_554 = arith.addi %parallel_loop3A_553, %parallel_loop3A_552 : i32
      %parallel_loop3A_555 = arith.constant 32 : i32
      %parallel_loop3A_556 = arith.addi %parallel_loop3A_554, %parallel_loop3A_555 : i32
      %parallel_loop3A_557 = arith.index_cast %parallel_loop3A_556 : i32 to index
      %parallel_loop3A_558 = tpu.vector_load %arg9[%parallel_loop3A_557] {strides = array<i32>} : memref<8192xf32, #tpu.memory_space<vmem>>, vector<16xf32>,
      tpu.vector_store %arg9[%parallel_loop3A_557], %parallel_loop3A_550 {strides = array<i32>} : memref<8192xf32, #tpu.memory_space<vmem>>, vector<16xf32>,
      %parallel_loop3A_559 = arith.constant 48 : i32
      %parallel_loop3A_560 = vector.broadcast %parallel_loop3A_559 : i32 to vector<16xi32>
      %parallel_loop3A_561 = arith.addi %iota3A, %parallel_loop3A_560 : vector<16xi32>
      %parallel_loop3A_562 = arith.constant 1 : i32
      %parallel_loop3A_563 = arith.subi %select_n3A, %parallel_loop3A_562 : i32
      %parallel_loop3A_564 = vector.broadcast %parallel_loop3A_563 : i32 to vector<16xi32>
      %parallel_loop3A_565 = arith.cmpi eq, %parallel_loop3A_561, %parallel_loop3A_564 : vector<16xi32>
      %parallel_loop3A_566 = arith.constant 64 : i32
      %parallel_loop3A_567 = arith.muli %parallel_loop3A_476, %parallel_loop3A_566 : i32
      %parallel_loop3A_568 = arith.constant 384 : i32
      %parallel_loop3A_569 = arith.addi %parallel_loop3A_568, %parallel_loop3A_567 : i32
      %parallel_loop3A_570 = arith.constant 48 : i32
      %parallel_loop3A_571 = arith.addi %parallel_loop3A_569, %parallel_loop3A_570 : i32
      %parallel_loop3A_572 = arith.index_cast %parallel_loop3A_571 : i32 to index
      %parallel_loop3A_573 = tpu.vector_load %arg6[%parallel_loop3A_572] {strides = array<i32>} : memref<4480xf32, #tpu.memory_space<vmem>>, vector<16xf32>,
      %parallel_loop3A_574 = arith.addf %parallel_loop3A_573, %parallel_loop3A_478 : vector<16xf32>
      %parallel_loop3A_575 = arith.select %parallel_loop3A_565, %parallel_loop3A_480, %broadcast_in_dim3A_21 : vector<16xi1>, vector<16xf32>
      %parallel_loop3A_576 = arith.addf %parallel_loop3A_574, %parallel_loop3A_575 : vector<16xf32>
      %parallel_loop3A_577 = arith.constant 64 : i32
      %parallel_loop3A_578 = arith.muli %parallel_loop3A_476, %parallel_loop3A_577 : i32
      %parallel_loop3A_579 = arith.constant 0 : i32
      %parallel_loop3A_580 = arith.addi %parallel_loop3A_579, %parallel_loop3A_578 : i32
      %parallel_loop3A_581 = arith.constant 48 : i32
      %parallel_loop3A_582 = arith.addi %parallel_loop3A_580, %parallel_loop3A_581 : i32
      %parallel_loop3A_583 = arith.index_cast %parallel_loop3A_582 : i32 to index
      %parallel_loop3A_584 = tpu.vector_load %arg9[%parallel_loop3A_583] {strides = array<i32>} : memref<8192xf32, #tpu.memory_space<vmem>>, vector<16xf32>,
      tpu.vector_store %arg9[%parallel_loop3A_583], %parallel_loop3A_576 {strides = array<i32>} : memref<8192xf32, #tpu.memory_space<vmem>>, vector<16xf32>,
    } {sc.loop_unroll_factor = 2 : i64, sc.parallel_access}
    %add3A_104 = arith.constant 1 : i32
    %add3A_105 = arith.addi %select_n3A, %add3A_104 : i32
    %gt3A_106 = arith.constant 0 : i32
    %gt3A_107 = arith.cmpi sgt, %add3A_105, %gt3A_106 : i32
    %broadcast_in_dim3A_108 = vector.broadcast %gt3A_107 : i1 to vector<16xi1>
    %get3A_109 = arith.constant 192 : index
    %get3A_110 = tpu.vector_load %arg6[%get3A_109] {strides = array<i32>} : memref<4480xf32, #tpu.memory_space<vmem>>, vector<16xf32>,
    %get3A_111 = arith.constant 128 : index
    %get3A_112 = tpu.vector_load %arg6[%get3A_111] {strides = array<i32>} : memref<4480xf32, #tpu.memory_space<vmem>>, vector<16xf32>,
    %select_n3A_113 = arith.select %broadcast_in_dim3A_108, %get3A_110, %get3A_112 : vector<16xi1>, vector<16xf32>
    %get3A_114 = arith.constant 64 : index
    %get3A_115 = tpu.vector_load %arg6[%get3A_114] {strides = array<i32>} : memref<4480xf32, #tpu.memory_space<vmem>>, vector<16xf32>,
    %add3A_116 = arith.addf %get3A_115, %select_n3A_113 : vector<16xf32>
    %get3A_117 = arith.constant 256 : index
    %get3A_118 = tpu.vector_load %arg6[%get3A_117] {strides = array<i32>} : memref<4480xf32, #tpu.memory_space<vmem>>, vector<16xf32>,
    %add3A_119 = arith.addf %add3A_116, %get3A_118 : vector<16xf32>
    %swap3A_120 = arith.constant 0 : index
    %swap3A_121 = tpu.vector_load %arg7[%swap3A_120] {strides = array<i32>} : memref<64xf32, #tpu.memory_space<vmem>>, vector<16xf32>,
    tpu.vector_store %arg7[%swap3A_120], %add3A_119 {strides = array<i32>} : memref<64xf32, #tpu.memory_space<vmem>>, vector<16xf32>,
    %get3A_122 = arith.constant 208 : index
    %get3A_123 = tpu.vector_load %arg6[%get3A_122] {strides = array<i32>} : memref<4480xf32, #tpu.memory_space<vmem>>, vector<16xf32>,
    %get3A_124 = arith.constant 144 : index
    %get3A_125 = tpu.vector_load %arg6[%get3A_124] {strides = array<i32>} : memref<4480xf32, #tpu.memory_space<vmem>>, vector<16xf32>,
    %select_n3A_126 = arith.select %broadcast_in_dim3A_108, %get3A_123, %get3A_125 : vector<16xi1>, vector<16xf32>
    %get3A_127 = arith.constant 80 : index
    %get3A_128 = tpu.vector_load %arg6[%get3A_127] {strides = array<i32>} : memref<4480xf32, #tpu.memory_space<vmem>>, vector<16xf32>,
    %add3A_129 = arith.addf %get3A_128, %select_n3A_126 : vector<16xf32>
    %get3A_130 = arith.constant 272 : index
    %get3A_131 = tpu.vector_load %arg6[%get3A_130] {strides = array<i32>} : memref<4480xf32, #tpu.memory_space<vmem>>, vector<16xf32>,
    %add3A_132 = arith.addf %add3A_129, %get3A_131 : vector<16xf32>
    %swap3A_133 = arith.constant 16 : index
    %swap3A_134 = tpu.vector_load %arg7[%swap3A_133] {strides = array<i32>} : memref<64xf32, #tpu.memory_space<vmem>>, vector<16xf32>,
    tpu.vector_store %arg7[%swap3A_133], %add3A_132 {strides = array<i32>} : memref<64xf32, #tpu.memory_space<vmem>>, vector<16xf32>,
    %get3A_135 = arith.constant 224 : index
    %get3A_136 = tpu.vector_load %arg6[%get3A_135] {strides = array<i32>} : memref<4480xf32, #tpu.memory_space<vmem>>, vector<16xf32>,
    %get3A_137 = arith.constant 160 : index
    %get3A_138 = tpu.vector_load %arg6[%get3A_137] {strides = array<i32>} : memref<4480xf32, #tpu.memory_space<vmem>>, vector<16xf32>,
    %select_n3A_139 = arith.select %broadcast_in_dim3A_108, %get3A_136, %get3A_138 : vector<16xi1>, vector<16xf32>
    %get3A_140 = arith.constant 96 : index
    %get3A_141 = tpu.vector_load %arg6[%get3A_140] {strides = array<i32>} : memref<4480xf32, #tpu.memory_space<vmem>>, vector<16xf32>,
    %add3A_142 = arith.addf %get3A_141, %select_n3A_139 : vector<16xf32>
    %get3A_143 = arith.constant 288 : index
    %get3A_144 = tpu.vector_load %arg6[%get3A_143] {strides = array<i32>} : memref<4480xf32, #tpu.memory_space<vmem>>, vector<16xf32>,
    %add3A_145 = arith.addf %add3A_142, %get3A_144 : vector<16xf32>
    %swap3A_146 = arith.constant 32 : index
    %swap3A_147 = tpu.vector_load %arg7[%swap3A_146] {strides = array<i32>} : memref<64xf32, #tpu.memory_space<vmem>>, vector<16xf32>,
    tpu.vector_store %arg7[%swap3A_146], %add3A_145 {strides = array<i32>} : memref<64xf32, #tpu.memory_space<vmem>>, vector<16xf32>,
    %get3A_148 = arith.constant 240 : index
    %get3A_149 = tpu.vector_load %arg6[%get3A_148] {strides = array<i32>} : memref<4480xf32, #tpu.memory_space<vmem>>, vector<16xf32>,
    %get3A_150 = arith.constant 176 : index
    %get3A_151 = tpu.vector_load %arg6[%get3A_150] {strides = array<i32>} : memref<4480xf32, #tpu.memory_space<vmem>>, vector<16xf32>,
    %select_n3A_152 = arith.select %broadcast_in_dim3A_108, %get3A_149, %get3A_151 : vector<16xi1>, vector<16xf32>
    %get3A_153 = arith.constant 112 : index
    %get3A_154 = tpu.vector_load %arg6[%get3A_153] {strides = array<i32>} : memref<4480xf32, #tpu.memory_space<vmem>>, vector<16xf32>,
    %add3A_155 = arith.addf %get3A_154, %select_n3A_152 : vector<16xf32>
    %get3A_156 = arith.constant 304 : index
    %get3A_157 = tpu.vector_load %arg6[%get3A_156] {strides = array<i32>} : memref<4480xf32, #tpu.memory_space<vmem>>, vector<16xf32>,
    %add3A_158 = arith.addf %add3A_155, %get3A_157 : vector<16xf32>
    %swap3A_159 = arith.constant 48 : index
    %swap3A_160 = tpu.vector_load %arg7[%swap3A_159] {strides = array<i32>} : memref<64xf32, #tpu.memory_space<vmem>>, vector<16xf32>,
    tpu.vector_store %arg7[%swap3A_159], %add3A_158 {strides = array<i32>} : memref<64xf32, #tpu.memory_space<vmem>>, vector<16xf32>,
    %parallel_loop3A_161 = arith.constant 0 : i32
    %parallel_loop3A_162 = arith.constant 64 : i32
    %parallel_loop3A_163 = arith.constant 1 : i32
    scf.for %parallel_loop3A_476 = %parallel_loop3A_161 to %parallel_loop3A_162 step %parallel_loop3A_163  : i32 {
      %parallel_loop3A_477 = vector.broadcast %parallel_loop3A_476 : i32 to vector<16xi32>
      %parallel_loop3A_478 = tpu.vector_load_idx %arg7[%parallel_loop3A_477] : memref<64xf32, #tpu.memory_space<vmem>>[vector<16xi32>], vector<16xf32>,
      %parallel_loop3A_479 = vector.broadcast %parallel_loop3A_476 : i32 to vector<16xi32>
      %parallel_loop3A_480 = tpu.vector_load_idx %arg8[%parallel_loop3A_479] : memref<64xf32, #tpu.memory_space<vmem>>[vector<16xi32>], vector<16xf32>,
      %parallel_loop3A_481 = arith.constant 0 : i32
      %parallel_loop3A_482 = vector.broadcast %parallel_loop3A_481 : i32 to vector<16xi32>
      %parallel_loop3A_483 = arith.addi %iota3A, %parallel_loop3A_482 : vector<16xi32>
      %parallel_loop3A_484 = arith.constant 1 : i32
      %parallel_loop3A_485 = arith.subi %add3A_105, %parallel_loop3A_484 : i32
      %parallel_loop3A_486 = vector.broadcast %parallel_loop3A_485 : i32 to vector<16xi32>
      %parallel_loop3A_487 = arith.cmpi eq, %parallel_loop3A_483, %parallel_loop3A_486 : vector<16xi32>
      %parallel_loop3A_488 = arith.constant 64 : i32
      %parallel_loop3A_489 = arith.muli %parallel_loop3A_476, %parallel_loop3A_488 : i32
      %parallel_loop3A_490 = arith.constant 384 : i32
      %parallel_loop3A_491 = arith.addi %parallel_loop3A_490, %parallel_loop3A_489 : i32
      %parallel_loop3A_492 = arith.constant 0 : i32
      %parallel_loop3A_493 = arith.addi %parallel_loop3A_491, %parallel_loop3A_492 : i32
      %parallel_loop3A_494 = arith.index_cast %parallel_loop3A_493 : i32 to index
      %parallel_loop3A_495 = tpu.vector_load %arg6[%parallel_loop3A_494] {strides = array<i32>} : memref<4480xf32, #tpu.memory_space<vmem>>, vector<16xf32>,
      %parallel_loop3A_496 = arith.addf %parallel_loop3A_495, %parallel_loop3A_478 : vector<16xf32>
      %parallel_loop3A_497 = arith.select %parallel_loop3A_487, %parallel_loop3A_480, %broadcast_in_dim3A_21 : vector<16xi1>, vector<16xf32>
      %parallel_loop3A_498 = arith.addf %parallel_loop3A_496, %parallel_loop3A_497 : vector<16xf32>
      %parallel_loop3A_499 = arith.constant 64 : i32
      %parallel_loop3A_500 = arith.muli %parallel_loop3A_476, %parallel_loop3A_499 : i32
      %parallel_loop3A_501 = arith.constant 4096 : i32
      %parallel_loop3A_502 = arith.addi %parallel_loop3A_501, %parallel_loop3A_500 : i32
      %parallel_loop3A_503 = arith.constant 0 : i32
      %parallel_loop3A_504 = arith.addi %parallel_loop3A_502, %parallel_loop3A_503 : i32
      %parallel_loop3A_505 = arith.index_cast %parallel_loop3A_504 : i32 to index
      %parallel_loop3A_506 = tpu.vector_load %arg9[%parallel_loop3A_505] {strides = array<i32>} : memref<8192xf32, #tpu.memory_space<vmem>>, vector<16xf32>,
      tpu.vector_store %arg9[%parallel_loop3A_505], %parallel_loop3A_498 {strides = array<i32>} : memref<8192xf32, #tpu.memory_space<vmem>>, vector<16xf32>,
      %parallel_loop3A_507 = arith.constant 16 : i32
      %parallel_loop3A_508 = vector.broadcast %parallel_loop3A_507 : i32 to vector<16xi32>
      %parallel_loop3A_509 = arith.addi %iota3A, %parallel_loop3A_508 : vector<16xi32>
      %parallel_loop3A_510 = arith.constant 1 : i32
      %parallel_loop3A_511 = arith.subi %add3A_105, %parallel_loop3A_510 : i32
      %parallel_loop3A_512 = vector.broadcast %parallel_loop3A_511 : i32 to vector<16xi32>
      %parallel_loop3A_513 = arith.cmpi eq, %parallel_loop3A_509, %parallel_loop3A_512 : vector<16xi32>
      %parallel_loop3A_514 = arith.constant 64 : i32
      %parallel_loop3A_515 = arith.muli %parallel_loop3A_476, %parallel_loop3A_514 : i32
      %parallel_loop3A_516 = arith.constant 384 : i32
      %parallel_loop3A_517 = arith.addi %parallel_loop3A_516, %parallel_loop3A_515 : i32
      %parallel_loop3A_518 = arith.constant 16 : i32
      %parallel_loop3A_519 = arith.addi %parallel_loop3A_517, %parallel_loop3A_518 : i32
      %parallel_loop3A_520 = arith.index_cast %parallel_loop3A_519 : i32 to index
      %parallel_loop3A_521 = tpu.vector_load %arg6[%parallel_loop3A_520] {strides = array<i32>} : memref<4480xf32, #tpu.memory_space<vmem>>, vector<16xf32>,
      %parallel_loop3A_522 = arith.addf %parallel_loop3A_521, %parallel_loop3A_478 : vector<16xf32>
      %parallel_loop3A_523 = arith.select %parallel_loop3A_513, %parallel_loop3A_480, %broadcast_in_dim3A_21 : vector<16xi1>, vector<16xf32>
      %parallel_loop3A_524 = arith.addf %parallel_loop3A_522, %parallel_loop3A_523 : vector<16xf32>
      %parallel_loop3A_525 = arith.constant 64 : i32
      %parallel_loop3A_526 = arith.muli %parallel_loop3A_476, %parallel_loop3A_525 : i32
      %parallel_loop3A_527 = arith.constant 4096 : i32
      %parallel_loop3A_528 = arith.addi %parallel_loop3A_527, %parallel_loop3A_526 : i32
      %parallel_loop3A_529 = arith.constant 16 : i32
      %parallel_loop3A_530 = arith.addi %parallel_loop3A_528, %parallel_loop3A_529 : i32
      %parallel_loop3A_531 = arith.index_cast %parallel_loop3A_530 : i32 to index
      %parallel_loop3A_532 = tpu.vector_load %arg9[%parallel_loop3A_531] {strides = array<i32>} : memref<8192xf32, #tpu.memory_space<vmem>>, vector<16xf32>,
      tpu.vector_store %arg9[%parallel_loop3A_531], %parallel_loop3A_524 {strides = array<i32>} : memref<8192xf32, #tpu.memory_space<vmem>>, vector<16xf32>,
      %parallel_loop3A_533 = arith.constant 32 : i32
      %parallel_loop3A_534 = vector.broadcast %parallel_loop3A_533 : i32 to vector<16xi32>
      %parallel_loop3A_535 = arith.addi %iota3A, %parallel_loop3A_534 : vector<16xi32>
      %parallel_loop3A_536 = arith.constant 1 : i32
      %parallel_loop3A_537 = arith.subi %add3A_105, %parallel_loop3A_536 : i32
      %parallel_loop3A_538 = vector.broadcast %parallel_loop3A_537 : i32 to vector<16xi32>
      %parallel_loop3A_539 = arith.cmpi eq, %parallel_loop3A_535, %parallel_loop3A_538 : vector<16xi32>
      %parallel_loop3A_540 = arith.constant 64 : i32
      %parallel_loop3A_541 = arith.muli %parallel_loop3A_476, %parallel_loop3A_540 : i32
      %parallel_loop3A_542 = arith.constant 384 : i32
      %parallel_loop3A_543 = arith.addi %parallel_loop3A_542, %parallel_loop3A_541 : i32
      %parallel_loop3A_544 = arith.constant 32 : i32
      %parallel_loop3A_545 = arith.addi %parallel_loop3A_543, %parallel_loop3A_544 : i32
      %parallel_loop3A_546 = arith.index_cast %parallel_loop3A_545 : i32 to index
      %parallel_loop3A_547 = tpu.vector_load %arg6[%parallel_loop3A_546] {strides = array<i32>} : memref<4480xf32, #tpu.memory_space<vmem>>, vector<16xf32>,
      %parallel_loop3A_548 = arith.addf %parallel_loop3A_547, %parallel_loop3A_478 : vector<16xf32>
      %parallel_loop3A_549 = arith.select %parallel_loop3A_539, %parallel_loop3A_480, %broadcast_in_dim3A_21 : vector<16xi1>, vector<16xf32>
      %parallel_loop3A_550 = arith.addf %parallel_loop3A_548, %parallel_loop3A_549 : vector<16xf32>
      %parallel_loop3A_551 = arith.constant 64 : i32
      %parallel_loop3A_552 = arith.muli %parallel_loop3A_476, %parallel_loop3A_551 : i32
      %parallel_loop3A_553 = arith.constant 4096 : i32
      %parallel_loop3A_554 = arith.addi %parallel_loop3A_553, %parallel_loop3A_552 : i32
      %parallel_loop3A_555 = arith.constant 32 : i32
      %parallel_loop3A_556 = arith.addi %parallel_loop3A_554, %parallel_loop3A_555 : i32
      %parallel_loop3A_557 = arith.index_cast %parallel_loop3A_556 : i32 to index
      %parallel_loop3A_558 = tpu.vector_load %arg9[%parallel_loop3A_557] {strides = array<i32>} : memref<8192xf32, #tpu.memory_space<vmem>>, vector<16xf32>,
      tpu.vector_store %arg9[%parallel_loop3A_557], %parallel_loop3A_550 {strides = array<i32>} : memref<8192xf32, #tpu.memory_space<vmem>>, vector<16xf32>,
      %parallel_loop3A_559 = arith.constant 48 : i32
      %parallel_loop3A_560 = vector.broadcast %parallel_loop3A_559 : i32 to vector<16xi32>
      %parallel_loop3A_561 = arith.addi %iota3A, %parallel_loop3A_560 : vector<16xi32>
      %parallel_loop3A_562 = arith.constant 1 : i32
      %parallel_loop3A_563 = arith.subi %add3A_105, %parallel_loop3A_562 : i32
      %parallel_loop3A_564 = vector.broadcast %parallel_loop3A_563 : i32 to vector<16xi32>
      %parallel_loop3A_565 = arith.cmpi eq, %parallel_loop3A_561, %parallel_loop3A_564 : vector<16xi32>
      %parallel_loop3A_566 = arith.constant 64 : i32
      %parallel_loop3A_567 = arith.muli %parallel_loop3A_476, %parallel_loop3A_566 : i32
      %parallel_loop3A_568 = arith.constant 384 : i32
      %parallel_loop3A_569 = arith.addi %parallel_loop3A_568, %parallel_loop3A_567 : i32
      %parallel_loop3A_570 = arith.constant 48 : i32
      %parallel_loop3A_571 = arith.addi %parallel_loop3A_569, %parallel_loop3A_570 : i32
      %parallel_loop3A_572 = arith.index_cast %parallel_loop3A_571 : i32 to index
      %parallel_loop3A_573 = tpu.vector_load %arg6[%parallel_loop3A_572] {strides = array<i32>} : memref<4480xf32, #tpu.memory_space<vmem>>, vector<16xf32>,
      %parallel_loop3A_574 = arith.addf %parallel_loop3A_573, %parallel_loop3A_478 : vector<16xf32>
      %parallel_loop3A_575 = arith.select %parallel_loop3A_565, %parallel_loop3A_480, %broadcast_in_dim3A_21 : vector<16xi1>, vector<16xf32>
      %parallel_loop3A_576 = arith.addf %parallel_loop3A_574, %parallel_loop3A_575 : vector<16xf32>
      %parallel_loop3A_577 = arith.constant 64 : i32
      %parallel_loop3A_578 = arith.muli %parallel_loop3A_476, %parallel_loop3A_577 : i32
      %parallel_loop3A_579 = arith.constant 4096 : i32
      %parallel_loop3A_580 = arith.addi %parallel_loop3A_579, %parallel_loop3A_578 : i32
      %parallel_loop3A_581 = arith.constant 48 : i32
      %parallel_loop3A_582 = arith.addi %parallel_loop3A_580, %parallel_loop3A_581 : i32
      %parallel_loop3A_583 = arith.index_cast %parallel_loop3A_582 : i32 to index
      %parallel_loop3A_584 = tpu.vector_load %arg9[%parallel_loop3A_583] {strides = array<i32>} : memref<8192xf32, #tpu.memory_space<vmem>>, vector<16xf32>,
      tpu.vector_store %arg9[%parallel_loop3A_583], %parallel_loop3A_576 {strides = array<i32>} : memref<8192xf32, #tpu.memory_space<vmem>>, vector<16xf32>,
    } {sc.loop_unroll_factor = 2 : i64, sc.parallel_access}
    %mul3A_164 = arith.constant 33 : i32
    %mul3A_165 = arith.muli %add3A, %mul3A_164 : i32
    %add3A_166 = arith.constant 0 : i32
    %add3A_167 = arith.addi %mul3A_165, %add3A_166 : i32
    %jit3A_168 = arith.constant 32 : i32
    %div3A_169 = arith.divsi %add3A_167, %jit3A_168 : i32
    %sign3A_170 = arith.constant 0 : i32
    %sign3A_171 = arith.cmpi sgt, %add3A_167, %sign3A_170 : i32
    %sign3A_172 = arith.extui %sign3A_171 : i1 to i32
    %sign3A_173 = arith.constant 0 : i32
    %sign3A_174 = arith.cmpi slt, %add3A_167, %sign3A_173 : i32
    %sign3A_175 = arith.extui %sign3A_174 : i1 to i32
    %sign3A_176 = arith.subi %sign3A_172, %sign3A_175 : i32
    %sign3A_177 = arith.constant 0 : i32
    %sign3A_178 = arith.cmpi sgt, %jit3A_168, %sign3A_177 : i32
    %sign3A_179 = arith.extui %sign3A_178 : i1 to i32
    %sign3A_180 = arith.constant 0 : i32
    %sign3A_181 = arith.cmpi slt, %jit3A_168, %sign3A_180 : i32
    %sign3A_182 = arith.extui %sign3A_181 : i1 to i32
    %sign3A_183 = arith.subi %sign3A_179, %sign3A_182 : i32
    %ne3A_184 = arith.cmpi ne, %sign3A_176, %sign3A_183 : i32
    %rem3A_185 = arith.remsi %add3A_167, %jit3A_168 : i32
    %ne3A_186 = arith.constant 0 : i32
    %ne3A_187 = arith.cmpi ne, %rem3A_185, %ne3A_186 : i32
    %and3A_188 = arith.andi %ne3A_184, %ne3A_187 : i1
    %sub3A_189 = arith.constant 1 : i32
    %sub3A_190 = arith.subi %div3A_169, %sub3A_189 : i32
    %select_n3A_191 = arith.select %and3A_188, %sub3A_190, %div3A_169 : i32
    %jit3A_192 = arith.constant 32 : i32
    %eq3A = arith.constant 0 : i32
    %eq3A_193 = arith.cmpi eq, %jit3A_192, %eq3A : i32
    %jit3A_194 = arith.constant 1 : i32
    %select_n3A_195 = arith.select %eq3A_193, %jit3A_194, %jit3A_192 : i32
    %rem3A_196 = arith.remsi %add3A_167, %select_n3A_195 : i32
    %ne3A_197 = arith.constant 0 : i32
    %ne3A_198 = arith.cmpi ne, %rem3A_196, %ne3A_197 : i32
    %lt3A = arith.constant 0 : i32
    %lt3A_199 = arith.cmpi slt, %rem3A_196, %lt3A : i32
    %lt3A_200 = arith.constant 0 : i32
    %lt3A_201 = arith.cmpi slt, %select_n3A_195, %lt3A_200 : i32
    %ne3A_202 = arith.xori %lt3A_199, %lt3A_201 : i1
    %and3A_203 = arith.andi %ne3A_202, %ne3A_198 : i1
    %add3A_204 = arith.addi %rem3A_196, %select_n3A_195 : i32
    %select_n3A_205 = arith.select %and3A_203, %add3A_204, %rem3A_196 : i32
    %jit3A_206 = arith.constant 4 : i32
    %div3A_207 = arith.divsi %select_n3A_205, %jit3A_206 : i32
    %sign3A_208 = arith.constant 0 : i32
    %sign3A_209 = arith.cmpi sgt, %select_n3A_205, %sign3A_208 : i32
    %sign3A_210 = arith.extui %sign3A_209 : i1 to i32
    %sign3A_211 = arith.constant 0 : i32
    %sign3A_212 = arith.cmpi slt, %select_n3A_205, %sign3A_211 : i32
    %sign3A_213 = arith.extui %sign3A_212 : i1 to i32
    %sign3A_214 = arith.subi %sign3A_210, %sign3A_213 : i32
    %sign3A_215 = arith.constant 0 : i32
    %sign3A_216 = arith.cmpi sgt, %jit3A_206, %sign3A_215 : i32
    %sign3A_217 = arith.extui %sign3A_216 : i1 to i32
    %sign3A_218 = arith.constant 0 : i32
    %sign3A_219 = arith.cmpi slt, %jit3A_206, %sign3A_218 : i32
    %sign3A_220 = arith.extui %sign3A_219 : i1 to i32
    %sign3A_221 = arith.subi %sign3A_217, %sign3A_220 : i32
    %ne3A_222 = arith.cmpi ne, %sign3A_214, %sign3A_221 : i32
    %rem3A_223 = arith.remsi %select_n3A_205, %jit3A_206 : i32
    %ne3A_224 = arith.constant 0 : i32
    %ne3A_225 = arith.cmpi ne, %rem3A_223, %ne3A_224 : i32
    %and3A_226 = arith.andi %ne3A_222, %ne3A_225 : i1
    %sub3A_227 = arith.constant 1 : i32
    %sub3A_228 = arith.subi %div3A_207, %sub3A_227 : i32
    %select_n3A_229 = arith.select %and3A_226, %sub3A_228, %div3A_207 : i32
    %jit3A_230 = arith.constant 4 : i32
    %eq3A_231 = arith.constant 0 : i32
    %eq3A_232 = arith.cmpi eq, %jit3A_230, %eq3A_231 : i32
    %jit3A_233 = arith.constant 1 : i32
    %select_n3A_234 = arith.select %eq3A_232, %jit3A_233, %jit3A_230 : i32
    %rem3A_235 = arith.remsi %select_n3A_205, %select_n3A_234 : i32
    %ne3A_236 = arith.constant 0 : i32
    %ne3A_237 = arith.cmpi ne, %rem3A_235, %ne3A_236 : i32
    %lt3A_238 = arith.constant 0 : i32
    %lt3A_239 = arith.cmpi slt, %rem3A_235, %lt3A_238 : i32
    %lt3A_240 = arith.constant 0 : i32
    %lt3A_241 = arith.cmpi slt, %select_n3A_234, %lt3A_240 : i32
    %ne3A_242 = arith.xori %lt3A_239, %lt3A_241 : i1
    %and3A_243 = arith.andi %ne3A_242, %ne3A_237 : i1
    %add3A_244 = arith.addi %rem3A_235, %select_n3A_234 : i32
    %select_n3A_245 = arith.select %and3A_243, %add3A_244, %rem3A_235 : i32
    %sub3A_246 = arith.subi %select_n3A_191, %select_n3A : i32
    %scan3A = arith.constant 0 : i32
    %scan3A_247 = arith.constant 0 : i32
    %scan3A_248 = arith.constant 8 : i32
    %scan3A_249 = arith.addi %scan3A_247, %scan3A_248 : i32
    %scan3A_250 = arith.constant 1 : i32
    scf.for %scan3A_476 = %scan3A_247 to %scan3A_249 step %scan3A_250  : i32 {
      %mul3A_477 = arith.constant 8 : i32
      %mul3A_478 = arith.muli %select_n3A_229, %mul3A_477 : i32
      %add3A_479 = arith.addi %mul3A_478, %scan3A_476 : i32
      %add3A_480 = arith.constant 0 : i32
      %add3A_481 = arith.addi %add3A_480, %add3A_479 : i32
      %broadcast_in_dim3A_482 = vector.broadcast %add3A_481 : i32 to vector<16xi32>
      %gather3A = tpu.vector_load_idx %arg6[%broadcast_in_dim3A_482] : memref<4480xf32, #tpu.memory_space<vmem>>[vector<16xi32>], vector<16xf32>,
      %mul3A_483 = arith.constant 4096 : i32
      %mul3A_484 = arith.muli %sub3A_246, %mul3A_483 : i32
      %mul3A_485 = arith.constant 64 : i32
      %mul3A_486 = arith.muli %add3A_479, %mul3A_485 : i32
      %add3A_487 = arith.addi %mul3A_484, %mul3A_486 : i32
      %add3A_488 = arith.constant 0 : i32
      %add3A_489 = arith.addi %add3A_487, %add3A_488 : i32
      %get3A_490 = arith.index_cast %add3A_489 : i32 to index
      %get3A_491 = tpu.vector_load %arg9[%get3A_490] {strides = array<i32>} : memref<8192xf32, #tpu.memory_space<vmem>>, vector<16xf32>,
      %mul3A_492 = arith.constant 4096 : i32
      %mul3A_493 = arith.muli %sub3A_246, %mul3A_492 : i32
      %mul3A_494 = arith.constant 64 : i32
      %mul3A_495 = arith.muli %add3A_479, %mul3A_494 : i32
      %add3A_496 = arith.addi %mul3A_493, %mul3A_495 : i32
      %add3A_497 = arith.constant 16 : i32
      %add3A_498 = arith.addi %add3A_496, %add3A_497 : i32
      %get3A_499 = arith.index_cast %add3A_498 : i32 to index
      %get3A_500 = tpu.vector_load %arg9[%get3A_499] {strides = array<i32>} : memref<8192xf32, #tpu.memory_space<vmem>>, vector<16xf32>,
      %mul3A_501 = arith.constant 4096 : i32
      %mul3A_502 = arith.muli %sub3A_246, %mul3A_501 : i32
      %mul3A_503 = arith.constant 64 : i32
      %mul3A_504 = arith.muli %add3A_479, %mul3A_503 : i32
      %add3A_505 = arith.addi %mul3A_502, %mul3A_504 : i32
      %add3A_506 = arith.constant 32 : i32
      %add3A_507 = arith.addi %add3A_505, %add3A_506 : i32
      %get3A_508 = arith.index_cast %add3A_507 : i32 to index
      %get3A_509 = tpu.vector_load %arg9[%get3A_508] {strides = array<i32>} : memref<8192xf32, #tpu.memory_space<vmem>>, vector<16xf32>,
      %mul3A_510 = arith.constant 4096 : i32
      %mul3A_511 = arith.muli %sub3A_246, %mul3A_510 : i32
      %mul3A_512 = arith.constant 64 : i32
      %mul3A_513 = arith.muli %add3A_479, %mul3A_512 : i32
      %add3A_514 = arith.addi %mul3A_511, %mul3A_513 : i32
      %add3A_515 = arith.constant 48 : i32
      %add3A_516 = arith.addi %add3A_514, %add3A_515 : i32
      %get3A_517 = arith.index_cast %add3A_516 : i32 to index
      %get3A_518 = tpu.vector_load %arg9[%get3A_517] {strides = array<i32>} : memref<8192xf32, #tpu.memory_space<vmem>>, vector<16xf32>,
      %parallel_loop3A_519 = arith.constant 0 : i32
      %parallel_loop3A_520 = arith.constant 64 : i32
      %parallel_loop3A_521 = arith.constant 1 : i32
      scf.for %parallel_loop3A_522 = %parallel_loop3A_519 to %parallel_loop3A_520 step %parallel_loop3A_521  : i32 {
        %parallel_loop3A_523 = arith.constant 16384 : i32
        %parallel_loop3A_524 = arith.muli %sub3A_246, %parallel_loop3A_523 : i32
        %parallel_loop3A_525 = arith.constant 4096 : i32
        %parallel_loop3A_526 = arith.muli %select_n3A_245, %parallel_loop3A_525 : i32
        %parallel_loop3A_527 = arith.addi %parallel_loop3A_524, %parallel_loop3A_526 : i32
        %parallel_loop3A_528 = arith.constant 64 : i32
        %parallel_loop3A_529 = arith.muli %parallel_loop3A_522, %parallel_loop3A_528 : i32
        %parallel_loop3A_530 = arith.addi %parallel_loop3A_527, %parallel_loop3A_529 : i32
        %parallel_loop3A_531 = arith.constant 0 : i32
        %parallel_loop3A_532 = arith.addi %parallel_loop3A_530, %parallel_loop3A_531 : i32
        %parallel_loop3A_533 = arith.constant 4 : i32
        %parallel_loop3A_534 = arith.muli %parallel_loop3A_522, %parallel_loop3A_533 : i32
        %parallel_loop3A_535 = arith.constant 0 : i32
        %parallel_loop3A_536 = arith.addi %parallel_loop3A_534, %parallel_loop3A_535 : i32
        %parallel_loop3A_537 = arith.constant 8 : i32
        %parallel_loop3A_538 = arith.divsi %parallel_loop3A_536, %parallel_loop3A_537 : i32
        %parallel_loop3A_539 = arith.constant 0 : i32
        %parallel_loop3A_540 = arith.cmpi sgt, %parallel_loop3A_536, %parallel_loop3A_539 : i32
        %parallel_loop3A_541 = arith.extui %parallel_loop3A_540 : i1 to i32
        %parallel_loop3A_542 = arith.constant 0 : i32
        %parallel_loop3A_543 = arith.cmpi slt, %parallel_loop3A_536, %parallel_loop3A_542 : i32
        %parallel_loop3A_544 = arith.extui %parallel_loop3A_543 : i1 to i32
        %parallel_loop3A_545 = arith.subi %parallel_loop3A_541, %parallel_loop3A_544 : i32
        %parallel_loop3A_546 = arith.constant 0 : i32
        %parallel_loop3A_547 = arith.cmpi sgt, %parallel_loop3A_537, %parallel_loop3A_546 : i32
        %parallel_loop3A_548 = arith.extui %parallel_loop3A_547 : i1 to i32
        %parallel_loop3A_549 = arith.constant 0 : i32
        %parallel_loop3A_550 = arith.cmpi slt, %parallel_loop3A_537, %parallel_loop3A_549 : i32
        %parallel_loop3A_551 = arith.extui %parallel_loop3A_550 : i1 to i32
        %parallel_loop3A_552 = arith.subi %parallel_loop3A_548, %parallel_loop3A_551 : i32
        %parallel_loop3A_553 = arith.cmpi ne, %parallel_loop3A_545, %parallel_loop3A_552 : i32
        %parallel_loop3A_554 = arith.remsi %parallel_loop3A_536, %parallel_loop3A_537 : i32
        %parallel_loop3A_555 = arith.constant 0 : i32
        %parallel_loop3A_556 = arith.cmpi ne, %parallel_loop3A_554, %parallel_loop3A_555 : i32
        %parallel_loop3A_557 = arith.andi %parallel_loop3A_553, %parallel_loop3A_556 : i1
        %parallel_loop3A_558 = arith.constant 1 : i32
        %parallel_loop3A_559 = arith.subi %parallel_loop3A_538, %parallel_loop3A_558 : i32
        %parallel_loop3A_560 = arith.select %parallel_loop3A_557, %parallel_loop3A_559, %parallel_loop3A_538 : i32
        %parallel_loop3A_561 = arith.constant 1024 : i32
        %parallel_loop3A_562 = arith.muli %parallel_loop3A_560, %parallel_loop3A_561 : i32
        %parallel_loop3A_563 = arith.constant 128 : i32
        %parallel_loop3A_564 = arith.muli %scan3A_476, %parallel_loop3A_563 : i32
        %parallel_loop3A_565 = arith.addi %parallel_loop3A_562, %parallel_loop3A_564 : i32
        %parallel_loop3A_566 = arith.constant 8 : i32
        %parallel_loop3A_567 = arith.constant 0 : i32
        %parallel_loop3A_568 = arith.cmpi eq, %parallel_loop3A_566, %parallel_loop3A_567 : i32
        %parallel_loop3A_569 = arith.constant 1 : i32
        %parallel_loop3A_570 = arith.select %parallel_loop3A_568, %parallel_loop3A_569, %parallel_loop3A_566 : i32
        %parallel_loop3A_571 = arith.remsi %parallel_loop3A_536, %parallel_loop3A_570 : i32
        %parallel_loop3A_572 = arith.constant 0 : i32
        %parallel_loop3A_573 = arith.cmpi ne, %parallel_loop3A_571, %parallel_loop3A_572 : i32
        %parallel_loop3A_574 = arith.constant 0 : i32
        %parallel_loop3A_575 = arith.cmpi slt, %parallel_loop3A_571, %parallel_loop3A_574 : i32
        %parallel_loop3A_576 = arith.constant 0 : i32
        %parallel_loop3A_577 = arith.cmpi slt, %parallel_loop3A_570, %parallel_loop3A_576 : i32
        %parallel_loop3A_578 = arith.xori %parallel_loop3A_575, %parallel_loop3A_577 : i1
        %parallel_loop3A_579 = arith.andi %parallel_loop3A_578, %parallel_loop3A_573 : i1
        %parallel_loop3A_580 = arith.addi %parallel_loop3A_571, %parallel_loop3A_570 : i32
        %parallel_loop3A_581 = arith.select %parallel_loop3A_579, %parallel_loop3A_580, %parallel_loop3A_571 : i32
        %parallel_loop3A_582 = arith.constant 16 : i32
        %parallel_loop3A_583 = arith.muli %parallel_loop3A_581, %parallel_loop3A_582 : i32
        %parallel_loop3A_584 = arith.addi %parallel_loop3A_565, %parallel_loop3A_583 : i32
        %parallel_loop3A_585 = arith.index_cast %parallel_loop3A_532 : i32 to index
        %parallel_loop3A_586 = tpu.vector_load %arg5[%parallel_loop3A_585] {strides = array<i32>} : memref<32768xf32, #tpu.memory_space<vmem>>, vector<16xf32>,
        %parallel_loop3A_587 = arith.mulf %parallel_loop3A_586, %gather3A : vector<16xf32>
        %parallel_loop3A_588 = arith.addf %parallel_loop3A_587, %get3A_491 : vector<16xf32>
        %parallel_loop3A_589 = arith.index_cast %parallel_loop3A_584 : i32 to index
        %parallel_loop3A_590 = tpu.vector_load %arg10[%parallel_loop3A_589] {strides = array<i32>} : memref<32768xf32, #tpu.memory_space<vmem>>, vector<16xf32>,
        tpu.vector_store %arg10[%parallel_loop3A_589], %parallel_loop3A_588 {strides = array<i32>} : memref<32768xf32, #tpu.memory_space<vmem>>, vector<16xf32>,
        %parallel_loop3A_591 = arith.constant 16384 : i32
        %parallel_loop3A_592 = arith.muli %sub3A_246, %parallel_loop3A_591 : i32
        %parallel_loop3A_593 = arith.constant 4096 : i32
        %parallel_loop3A_594 = arith.muli %select_n3A_245, %parallel_loop3A_593 : i32
        %parallel_loop3A_595 = arith.addi %parallel_loop3A_592, %parallel_loop3A_594 : i32
        %parallel_loop3A_596 = arith.constant 64 : i32
        %parallel_loop3A_597 = arith.muli %parallel_loop3A_522, %parallel_loop3A_596 : i32
        %parallel_loop3A_598 = arith.addi %parallel_loop3A_595, %parallel_loop3A_597 : i32
        %parallel_loop3A_599 = arith.constant 16 : i32
        %parallel_loop3A_600 = arith.addi %parallel_loop3A_598, %parallel_loop3A_599 : i32
        %parallel_loop3A_601 = arith.constant 4 : i32
        %parallel_loop3A_602 = arith.muli %parallel_loop3A_522, %parallel_loop3A_601 : i32
        %parallel_loop3A_603 = arith.constant 1 : i32
        %parallel_loop3A_604 = arith.addi %parallel_loop3A_602, %parallel_loop3A_603 : i32
        %parallel_loop3A_605 = arith.constant 8 : i32
        %parallel_loop3A_606 = arith.divsi %parallel_loop3A_604, %parallel_loop3A_605 : i32
        %parallel_loop3A_607 = arith.constant 0 : i32
        %parallel_loop3A_608 = arith.cmpi sgt, %parallel_loop3A_604, %parallel_loop3A_607 : i32
        %parallel_loop3A_609 = arith.extui %parallel_loop3A_608 : i1 to i32
        %parallel_loop3A_610 = arith.constant 0 : i32
        %parallel_loop3A_611 = arith.cmpi slt, %parallel_loop3A_604, %parallel_loop3A_610 : i32
        %parallel_loop3A_612 = arith.extui %parallel_loop3A_611 : i1 to i32
        %parallel_loop3A_613 = arith.subi %parallel_loop3A_609, %parallel_loop3A_612 : i32
        %parallel_loop3A_614 = arith.constant 0 : i32
        %parallel_loop3A_615 = arith.cmpi sgt, %parallel_loop3A_605, %parallel_loop3A_614 : i32
        %parallel_loop3A_616 = arith.extui %parallel_loop3A_615 : i1 to i32
        %parallel_loop3A_617 = arith.constant 0 : i32
        %parallel_loop3A_618 = arith.cmpi slt, %parallel_loop3A_605, %parallel_loop3A_617 : i32
        %parallel_loop3A_619 = arith.extui %parallel_loop3A_618 : i1 to i32
        %parallel_loop3A_620 = arith.subi %parallel_loop3A_616, %parallel_loop3A_619 : i32
        %parallel_loop3A_621 = arith.cmpi ne, %parallel_loop3A_613, %parallel_loop3A_620 : i32
        %parallel_loop3A_622 = arith.remsi %parallel_loop3A_604, %parallel_loop3A_605 : i32
        %parallel_loop3A_623 = arith.constant 0 : i32
        %parallel_loop3A_624 = arith.cmpi ne, %parallel_loop3A_622, %parallel_loop3A_623 : i32
        %parallel_loop3A_625 = arith.andi %parallel_loop3A_621, %parallel_loop3A_624 : i1
        %parallel_loop3A_626 = arith.constant 1 : i32
        %parallel_loop3A_627 = arith.subi %parallel_loop3A_606, %parallel_loop3A_626 : i32
        %parallel_loop3A_628 = arith.select %parallel_loop3A_625, %parallel_loop3A_627, %parallel_loop3A_606 : i32
        %parallel_loop3A_629 = arith.constant 1024 : i32
        %parallel_loop3A_630 = arith.muli %parallel_loop3A_628, %parallel_loop3A_629 : i32
        %parallel_loop3A_631 = arith.constant 128 : i32
        %parallel_loop3A_632 = arith.muli %scan3A_476, %parallel_loop3A_631 : i32
        %parallel_loop3A_633 = arith.addi %parallel_loop3A_630, %parallel_loop3A_632 : i32
        %parallel_loop3A_634 = arith.constant 8 : i32
        %parallel_loop3A_635 = arith.constant 0 : i32
        %parallel_loop3A_636 = arith.cmpi eq, %parallel_loop3A_634, %parallel_loop3A_635 : i32
        %parallel_loop3A_637 = arith.constant 1 : i32
        %parallel_loop3A_638 = arith.select %parallel_loop3A_636, %parallel_loop3A_637, %parallel_loop3A_634 : i32
        %parallel_loop3A_639 = arith.remsi %parallel_loop3A_604, %parallel_loop3A_638 : i32
        %parallel_loop3A_640 = arith.constant 0 : i32
        %parallel_loop3A_641 = arith.cmpi ne, %parallel_loop3A_639, %parallel_loop3A_640 : i32
        %parallel_loop3A_642 = arith.constant 0 : i32
        %parallel_loop3A_643 = arith.cmpi slt, %parallel_loop3A_639, %parallel_loop3A_642 : i32
        %parallel_loop3A_644 = arith.constant 0 : i32
        %parallel_loop3A_645 = arith.cmpi slt, %parallel_loop3A_638, %parallel_loop3A_644 : i32
        %parallel_loop3A_646 = arith.xori %parallel_loop3A_643, %parallel_loop3A_645 : i1
        %parallel_loop3A_647 = arith.andi %parallel_loop3A_646, %parallel_loop3A_641 : i1
        %parallel_loop3A_648 = arith.addi %parallel_loop3A_639, %parallel_loop3A_638 : i32
        %parallel_loop3A_649 = arith.select %parallel_loop3A_647, %parallel_loop3A_648, %parallel_loop3A_639 : i32
        %parallel_loop3A_650 = arith.constant 16 : i32
        %parallel_loop3A_651 = arith.muli %parallel_loop3A_649, %parallel_loop3A_650 : i32
        %parallel_loop3A_652 = arith.addi %parallel_loop3A_633, %parallel_loop3A_651 : i32
        %parallel_loop3A_653 = arith.index_cast %parallel_loop3A_600 : i32 to index
        %parallel_loop3A_654 = tpu.vector_load %arg5[%parallel_loop3A_653] {strides = array<i32>} : memref<32768xf32, #tpu.memory_space<vmem>>, vector<16xf32>,
        %parallel_loop3A_655 = arith.mulf %parallel_loop3A_654, %gather3A : vector<16xf32>
        %parallel_loop3A_656 = arith.addf %parallel_loop3A_655, %get3A_500 : vector<16xf32>
        %parallel_loop3A_657 = arith.index_cast %parallel_loop3A_652 : i32 to index
        %parallel_loop3A_658 = tpu.vector_load %arg10[%parallel_loop3A_657] {strides = array<i32>} : memref<32768xf32, #tpu.memory_space<vmem>>, vector<16xf32>,
        tpu.vector_store %arg10[%parallel_loop3A_657], %parallel_loop3A_656 {strides = array<i32>} : memref<32768xf32, #tpu.memory_space<vmem>>, vector<16xf32>,
        %parallel_loop3A_659 = arith.constant 16384 : i32
        %parallel_loop3A_660 = arith.muli %sub3A_246, %parallel_loop3A_659 : i32
        %parallel_loop3A_661 = arith.constant 4096 : i32
        %parallel_loop3A_662 = arith.muli %select_n3A_245, %parallel_loop3A_661 : i32
        %parallel_loop3A_663 = arith.addi %parallel_loop3A_660, %parallel_loop3A_662 : i32
        %parallel_loop3A_664 = arith.constant 64 : i32
        %parallel_loop3A_665 = arith.muli %parallel_loop3A_522, %parallel_loop3A_664 : i32
        %parallel_loop3A_666 = arith.addi %parallel_loop3A_663, %parallel_loop3A_665 : i32
        %parallel_loop3A_667 = arith.constant 32 : i32
        %parallel_loop3A_668 = arith.addi %parallel_loop3A_666, %parallel_loop3A_667 : i32
        %parallel_loop3A_669 = arith.constant 4 : i32
        %parallel_loop3A_670 = arith.muli %parallel_loop3A_522, %parallel_loop3A_669 : i32
        %parallel_loop3A_671 = arith.constant 2 : i32
        %parallel_loop3A_672 = arith.addi %parallel_loop3A_670, %parallel_loop3A_671 : i32
        %parallel_loop3A_673 = arith.constant 8 : i32
        %parallel_loop3A_674 = arith.divsi %parallel_loop3A_672, %parallel_loop3A_673 : i32
        %parallel_loop3A_675 = arith.constant 0 : i32
        %parallel_loop3A_676 = arith.cmpi sgt, %parallel_loop3A_672, %parallel_loop3A_675 : i32
        %parallel_loop3A_677 = arith.extui %parallel_loop3A_676 : i1 to i32
        %parallel_loop3A_678 = arith.constant 0 : i32
        %parallel_loop3A_679 = arith.cmpi slt, %parallel_loop3A_672, %parallel_loop3A_678 : i32
        %parallel_loop3A_680 = arith.extui %parallel_loop3A_679 : i1 to i32
        %parallel_loop3A_681 = arith.subi %parallel_loop3A_677, %parallel_loop3A_680 : i32
        %parallel_loop3A_682 = arith.constant 0 : i32
        %parallel_loop3A_683 = arith.cmpi sgt, %parallel_loop3A_673, %parallel_loop3A_682 : i32
        %parallel_loop3A_684 = arith.extui %parallel_loop3A_683 : i1 to i32
        %parallel_loop3A_685 = arith.constant 0 : i32
        %parallel_loop3A_686 = arith.cmpi slt, %parallel_loop3A_673, %parallel_loop3A_685 : i32
        %parallel_loop3A_687 = arith.extui %parallel_loop3A_686 : i1 to i32
        %parallel_loop3A_688 = arith.subi %parallel_loop3A_684, %parallel_loop3A_687 : i32
        %parallel_loop3A_689 = arith.cmpi ne, %parallel_loop3A_681, %parallel_loop3A_688 : i32
        %parallel_loop3A_690 = arith.remsi %parallel_loop3A_672, %parallel_loop3A_673 : i32
        %parallel_loop3A_691 = arith.constant 0 : i32
        %parallel_loop3A_692 = arith.cmpi ne, %parallel_loop3A_690, %parallel_loop3A_691 : i32
        %parallel_loop3A_693 = arith.andi %parallel_loop3A_689, %parallel_loop3A_692 : i1
        %parallel_loop3A_694 = arith.constant 1 : i32
        %parallel_loop3A_695 = arith.subi %parallel_loop3A_674, %parallel_loop3A_694 : i32
        %parallel_loop3A_696 = arith.select %parallel_loop3A_693, %parallel_loop3A_695, %parallel_loop3A_674 : i32
        %parallel_loop3A_697 = arith.constant 1024 : i32
        %parallel_loop3A_698 = arith.muli %parallel_loop3A_696, %parallel_loop3A_697 : i32
        %parallel_loop3A_699 = arith.constant 128 : i32
        %parallel_loop3A_700 = arith.muli %scan3A_476, %parallel_loop3A_699 : i32
        %parallel_loop3A_701 = arith.addi %parallel_loop3A_698, %parallel_loop3A_700 : i32
        %parallel_loop3A_702 = arith.constant 8 : i32
        %parallel_loop3A_703 = arith.constant 0 : i32
        %parallel_loop3A_704 = arith.cmpi eq, %parallel_loop3A_702, %parallel_loop3A_703 : i32
        %parallel_loop3A_705 = arith.constant 1 : i32
        %parallel_loop3A_706 = arith.select %parallel_loop3A_704, %parallel_loop3A_705, %parallel_loop3A_702 : i32
        %parallel_loop3A_707 = arith.remsi %parallel_loop3A_672, %parallel_loop3A_706 : i32
        %parallel_loop3A_708 = arith.constant 0 : i32
        %parallel_loop3A_709 = arith.cmpi ne, %parallel_loop3A_707, %parallel_loop3A_708 : i32
        %parallel_loop3A_710 = arith.constant 0 : i32
        %parallel_loop3A_711 = arith.cmpi slt, %parallel_loop3A_707, %parallel_loop3A_710 : i32
        %parallel_loop3A_712 = arith.constant 0 : i32
        %parallel_loop3A_713 = arith.cmpi slt, %parallel_loop3A_706, %parallel_loop3A_712 : i32
        %parallel_loop3A_714 = arith.xori %parallel_loop3A_711, %parallel_loop3A_713 : i1
        %parallel_loop3A_715 = arith.andi %parallel_loop3A_714, %parallel_loop3A_709 : i1
        %parallel_loop3A_716 = arith.addi %parallel_loop3A_707, %parallel_loop3A_706 : i32
        %parallel_loop3A_717 = arith.select %parallel_loop3A_715, %parallel_loop3A_716, %parallel_loop3A_707 : i32
        %parallel_loop3A_718 = arith.constant 16 : i32
        %parallel_loop3A_719 = arith.muli %parallel_loop3A_717, %parallel_loop3A_718 : i32
        %parallel_loop3A_720 = arith.addi %parallel_loop3A_701, %parallel_loop3A_719 : i32
        %parallel_loop3A_721 = arith.index_cast %parallel_loop3A_668 : i32 to index
        %parallel_loop3A_722 = tpu.vector_load %arg5[%parallel_loop3A_721] {strides = array<i32>} : memref<32768xf32, #tpu.memory_space<vmem>>, vector<16xf32>,
        %parallel_loop3A_723 = arith.mulf %parallel_loop3A_722, %gather3A : vector<16xf32>
        %parallel_loop3A_724 = arith.addf %parallel_loop3A_723, %get3A_509 : vector<16xf32>
        %parallel_loop3A_725 = arith.index_cast %parallel_loop3A_720 : i32 to index
        %parallel_loop3A_726 = tpu.vector_load %arg10[%parallel_loop3A_725] {strides = array<i32>} : memref<32768xf32, #tpu.memory_space<vmem>>, vector<16xf32>,
        tpu.vector_store %arg10[%parallel_loop3A_725], %parallel_loop3A_724 {strides = array<i32>} : memref<32768xf32, #tpu.memory_space<vmem>>, vector<16xf32>,
        %parallel_loop3A_727 = arith.constant 16384 : i32
        %parallel_loop3A_728 = arith.muli %sub3A_246, %parallel_loop3A_727 : i32
        %parallel_loop3A_729 = arith.constant 4096 : i32
        %parallel_loop3A_730 = arith.muli %select_n3A_245, %parallel_loop3A_729 : i32
        %parallel_loop3A_731 = arith.addi %parallel_loop3A_728, %parallel_loop3A_730 : i32
        %parallel_loop3A_732 = arith.constant 64 : i32
        %parallel_loop3A_733 = arith.muli %parallel_loop3A_522, %parallel_loop3A_732 : i32
        %parallel_loop3A_734 = arith.addi %parallel_loop3A_731, %parallel_loop3A_733 : i32
        %parallel_loop3A_735 = arith.constant 48 : i32
        %parallel_loop3A_736 = arith.addi %parallel_loop3A_734, %parallel_loop3A_735 : i32
        %parallel_loop3A_737 = arith.constant 4 : i32
        %parallel_loop3A_738 = arith.muli %parallel_loop3A_522, %parallel_loop3A_737 : i32
        %parallel_loop3A_739 = arith.constant 3 : i32
        %parallel_loop3A_740 = arith.addi %parallel_loop3A_738, %parallel_loop3A_739 : i32
        %parallel_loop3A_741 = arith.constant 8 : i32
        %parallel_loop3A_742 = arith.divsi %parallel_loop3A_740, %parallel_loop3A_741 : i32
        %parallel_loop3A_743 = arith.constant 0 : i32
        %parallel_loop3A_744 = arith.cmpi sgt, %parallel_loop3A_740, %parallel_loop3A_743 : i32
        %parallel_loop3A_745 = arith.extui %parallel_loop3A_744 : i1 to i32
        %parallel_loop3A_746 = arith.constant 0 : i32
        %parallel_loop3A_747 = arith.cmpi slt, %parallel_loop3A_740, %parallel_loop3A_746 : i32
        %parallel_loop3A_748 = arith.extui %parallel_loop3A_747 : i1 to i32
        %parallel_loop3A_749 = arith.subi %parallel_loop3A_745, %parallel_loop3A_748 : i32
        %parallel_loop3A_750 = arith.constant 0 : i32
        %parallel_loop3A_751 = arith.cmpi sgt, %parallel_loop3A_741, %parallel_loop3A_750 : i32
        %parallel_loop3A_752 = arith.extui %parallel_loop3A_751 : i1 to i32
        %parallel_loop3A_753 = arith.constant 0 : i32
        %parallel_loop3A_754 = arith.cmpi slt, %parallel_loop3A_741, %parallel_loop3A_753 : i32
        %parallel_loop3A_755 = arith.extui %parallel_loop3A_754 : i1 to i32
        %parallel_loop3A_756 = arith.subi %parallel_loop3A_752, %parallel_loop3A_755 : i32
        %parallel_loop3A_757 = arith.cmpi ne, %parallel_loop3A_749, %parallel_loop3A_756 : i32
        %parallel_loop3A_758 = arith.remsi %parallel_loop3A_740, %parallel_loop3A_741 : i32
        %parallel_loop3A_759 = arith.constant 0 : i32
        %parallel_loop3A_760 = arith.cmpi ne, %parallel_loop3A_758, %parallel_loop3A_759 : i32
        %parallel_loop3A_761 = arith.andi %parallel_loop3A_757, %parallel_loop3A_760 : i1
        %parallel_loop3A_762 = arith.constant 1 : i32
        %parallel_loop3A_763 = arith.subi %parallel_loop3A_742, %parallel_loop3A_762 : i32
        %parallel_loop3A_764 = arith.select %parallel_loop3A_761, %parallel_loop3A_763, %parallel_loop3A_742 : i32
        %parallel_loop3A_765 = arith.constant 1024 : i32
        %parallel_loop3A_766 = arith.muli %parallel_loop3A_764, %parallel_loop3A_765 : i32
        %parallel_loop3A_767 = arith.constant 128 : i32
        %parallel_loop3A_768 = arith.muli %scan3A_476, %parallel_loop3A_767 : i32
        %parallel_loop3A_769 = arith.addi %parallel_loop3A_766, %parallel_loop3A_768 : i32
        %parallel_loop3A_770 = arith.constant 8 : i32
        %parallel_loop3A_771 = arith.constant 0 : i32
        %parallel_loop3A_772 = arith.cmpi eq, %parallel_loop3A_770, %parallel_loop3A_771 : i32
        %parallel_loop3A_773 = arith.constant 1 : i32
        %parallel_loop3A_774 = arith.select %parallel_loop3A_772, %parallel_loop3A_773, %parallel_loop3A_770 : i32
        %parallel_loop3A_775 = arith.remsi %parallel_loop3A_740, %parallel_loop3A_774 : i32
        %parallel_loop3A_776 = arith.constant 0 : i32
        %parallel_loop3A_777 = arith.cmpi ne, %parallel_loop3A_775, %parallel_loop3A_776 : i32
        %parallel_loop3A_778 = arith.constant 0 : i32
        %parallel_loop3A_779 = arith.cmpi slt, %parallel_loop3A_775, %parallel_loop3A_778 : i32
        %parallel_loop3A_780 = arith.constant 0 : i32
        %parallel_loop3A_781 = arith.cmpi slt, %parallel_loop3A_774, %parallel_loop3A_780 : i32
        %parallel_loop3A_782 = arith.xori %parallel_loop3A_779, %parallel_loop3A_781 : i1
        %parallel_loop3A_783 = arith.andi %parallel_loop3A_782, %parallel_loop3A_777 : i1
        %parallel_loop3A_784 = arith.addi %parallel_loop3A_775, %parallel_loop3A_774 : i32
        %parallel_loop3A_785 = arith.select %parallel_loop3A_783, %parallel_loop3A_784, %parallel_loop3A_775 : i32
        %parallel_loop3A_786 = arith.constant 16 : i32
        %parallel_loop3A_787 = arith.muli %parallel_loop3A_785, %parallel_loop3A_786 : i32
        %parallel_loop3A_788 = arith.addi %parallel_loop3A_769, %parallel_loop3A_787 : i32
        %parallel_loop3A_789 = arith.index_cast %parallel_loop3A_736 : i32 to index
        %parallel_loop3A_790 = tpu.vector_load %arg5[%parallel_loop3A_789] {strides = array<i32>} : memref<32768xf32, #tpu.memory_space<vmem>>, vector<16xf32>,
        %parallel_loop3A_791 = arith.mulf %parallel_loop3A_790, %gather3A : vector<16xf32>
        %parallel_loop3A_792 = arith.addf %parallel_loop3A_791, %get3A_518 : vector<16xf32>
        %parallel_loop3A_793 = arith.index_cast %parallel_loop3A_788 : i32 to index
        %parallel_loop3A_794 = tpu.vector_load %arg10[%parallel_loop3A_793] {strides = array<i32>} : memref<32768xf32, #tpu.memory_space<vmem>>, vector<16xf32>,
        tpu.vector_store %arg10[%parallel_loop3A_793], %parallel_loop3A_792 {strides = array<i32>} : memref<32768xf32, #tpu.memory_space<vmem>>, vector<16xf32>,
      } {sc.loop_unroll_factor = 8 : i64, sc.parallel_access}
    }
    %scan3A_251 = arith.constant 8 : i32
    %mul3A_252 = arith.constant 32768 : i32
    %mul3A_253 = arith.muli %add3A_167, %mul3A_252 : i32
    %dma_start3A = tpu.memref_slice %arg4[%mul3A_253] : memref<34603008xf32, #tpu.memory_space<hbm>> -> memref<32768xf32, #tpu.memory_space<hbm>>
    %dma_start3A_254 = tpu.memref_slice %arg4[%mul3A_253] : memref<34603008xf32, #tpu.memory_space<hbm>> -> memref<32768xf32, #tpu.memory_space<hbm>>
    tpu.enqueue_dma source(%arg10 : memref<32768xf32, #tpu.memory_space<vmem>>) target(%dma_start3A_254 : memref<32768xf32, #tpu.memory_space<hbm>>) target_semaphore(%arg12 : memref<!tpu.dma_semaphore, #tpu.memory_space<semaphore_mem>>)
    %mul3A_255 = arith.constant 33 : i32
    %mul3A_256 = arith.muli %add3A, %mul3A_255 : i32
    %add3A_257 = arith.constant 1 : i32
    %add3A_258 = arith.addi %mul3A_256, %add3A_257 : i32
    %jit3A_259 = arith.constant 32 : i32
    %div3A_260 = arith.divsi %add3A_258, %jit3A_259 : i32
    %sign3A_261 = arith.constant 0 : i32
    %sign3A_262 = arith.cmpi sgt, %add3A_258, %sign3A_261 : i32
    %sign3A_263 = arith.extui %sign3A_262 : i1 to i32
    %sign3A_264 = arith.constant 0 : i32
    %sign3A_265 = arith.cmpi slt, %add3A_258, %sign3A_264 : i32
    %sign3A_266 = arith.extui %sign3A_265 : i1 to i32
    %sign3A_267 = arith.subi %sign3A_263, %sign3A_266 : i32
    %sign3A_268 = arith.constant 0 : i32
    %sign3A_269 = arith.cmpi sgt, %jit3A_259, %sign3A_268 : i32
    %sign3A_270 = arith.extui %sign3A_269 : i1 to i32
    %sign3A_271 = arith.constant 0 : i32
    %sign3A_272 = arith.cmpi slt, %jit3A_259, %sign3A_271 : i32
    %sign3A_273 = arith.extui %sign3A_272 : i1 to i32
    %sign3A_274 = arith.subi %sign3A_270, %sign3A_273 : i32
    %ne3A_275 = arith.cmpi ne, %sign3A_267, %sign3A_274 : i32
    %rem3A_276 = arith.remsi %add3A_258, %jit3A_259 : i32
    %ne3A_277 = arith.constant 0 : i32
    %ne3A_278 = arith.cmpi ne, %rem3A_276, %ne3A_277 : i32
    %and3A_279 = arith.andi %ne3A_275, %ne3A_278 : i1
    %sub3A_280 = arith.constant 1 : i32
    %sub3A_281 = arith.subi %div3A_260, %sub3A_280 : i32
    %select_n3A_282 = arith.select %and3A_279, %sub3A_281, %div3A_260 : i32
    %jit3A_283 = arith.constant 32 : i32
    %eq3A_284 = arith.constant 0 : i32
    %eq3A_285 = arith.cmpi eq, %jit3A_283, %eq3A_284 : i32
    %jit3A_286 = arith.constant 1 : i32
    %select_n3A_287 = arith.select %eq3A_285, %jit3A_286, %jit3A_283 : i32
    %rem3A_288 = arith.remsi %add3A_258, %select_n3A_287 : i32
    %ne3A_289 = arith.constant 0 : i32
    %ne3A_290 = arith.cmpi ne, %rem3A_288, %ne3A_289 : i32
    %lt3A_291 = arith.constant 0 : i32
    %lt3A_292 = arith.cmpi slt, %rem3A_288, %lt3A_291 : i32
    %lt3A_293 = arith.constant 0 : i32
    %lt3A_294 = arith.cmpi slt, %select_n3A_287, %lt3A_293 : i32
    %ne3A_295 = arith.xori %lt3A_292, %lt3A_294 : i1
    %and3A_296 = arith.andi %ne3A_295, %ne3A_290 : i1
    %add3A_297 = arith.addi %rem3A_288, %select_n3A_287 : i32
    %select_n3A_298 = arith.select %and3A_296, %add3A_297, %rem3A_288 : i32
    %jit3A_299 = arith.constant 4 : i32
    %div3A_300 = arith.divsi %select_n3A_298, %jit3A_299 : i32
    %sign3A_301 = arith.constant 0 : i32
    %sign3A_302 = arith.cmpi sgt, %select_n3A_298, %sign3A_301 : i32
    %sign3A_303 = arith.extui %sign3A_302 : i1 to i32
    %sign3A_304 = arith.constant 0 : i32
    %sign3A_305 = arith.cmpi slt, %select_n3A_298, %sign3A_304 : i32
    %sign3A_306 = arith.extui %sign3A_305 : i1 to i32
    %sign3A_307 = arith.subi %sign3A_303, %sign3A_306 : i32
    %sign3A_308 = arith.constant 0 : i32
    %sign3A_309 = arith.cmpi sgt, %jit3A_299, %sign3A_308 : i32
    %sign3A_310 = arith.extui %sign3A_309 : i1 to i32
    %sign3A_311 = arith.constant 0 : i32
    %sign3A_312 = arith.cmpi slt, %jit3A_299, %sign3A_311 : i32
    %sign3A_313 = arith.extui %sign3A_312 : i1 to i32
    %sign3A_314 = arith.subi %sign3A_310, %sign3A_313 : i32
    %ne3A_315 = arith.cmpi ne, %sign3A_307, %sign3A_314 : i32
    %rem3A_316 = arith.remsi %select_n3A_298, %jit3A_299 : i32
    %ne3A_317 = arith.constant 0 : i32
    %ne3A_318 = arith.cmpi ne, %rem3A_316, %ne3A_317 : i32
    %and3A_319 = arith.andi %ne3A_315, %ne3A_318 : i1
    %sub3A_320 = arith.constant 1 : i32
    %sub3A_321 = arith.subi %div3A_300, %sub3A_320 : i32
    %select_n3A_322 = arith.select %and3A_319, %sub3A_321, %div3A_300 : i32
    %jit3A_323 = arith.constant 4 : i32
    %eq3A_324 = arith.constant 0 : i32
    %eq3A_325 = arith.cmpi eq, %jit3A_323, %eq3A_324 : i32
    %jit3A_326 = arith.constant 1 : i32
    %select_n3A_327 = arith.select %eq3A_325, %jit3A_326, %jit3A_323 : i32
    %rem3A_328 = arith.remsi %select_n3A_298, %select_n3A_327 : i32
    %ne3A_329 = arith.constant 0 : i32
    %ne3A_330 = arith.cmpi ne, %rem3A_328, %ne3A_329 : i32
    %lt3A_331 = arith.constant 0 : i32
    %lt3A_332 = arith.cmpi slt, %rem3A_328, %lt3A_331 : i32
    %lt3A_333 = arith.constant 0 : i32
    %lt3A_334 = arith.cmpi slt, %select_n3A_327, %lt3A_333 : i32
    %ne3A_335 = arith.xori %lt3A_332, %lt3A_334 : i1
    %and3A_336 = arith.andi %ne3A_335, %ne3A_330 : i1
    %add3A_337 = arith.addi %rem3A_328, %select_n3A_327 : i32
    %select_n3A_338 = arith.select %and3A_336, %add3A_337, %rem3A_328 : i32
    %sub3A_339 = arith.subi %select_n3A_282, %select_n3A : i32
    %scan3A_340 = arith.constant 0 : i32
    %scan3A_341 = arith.constant 0 : i32
    %scan3A_342 = arith.constant 8 : i32
    %scan3A_343 = arith.addi %scan3A_341, %scan3A_342 : i32
    %scan3A_344 = arith.constant 1 : i32
    scf.for %scan3A_476 = %scan3A_341 to %scan3A_343 step %scan3A_344  : i32 {
      %mul3A_477 = arith.constant 8 : i32
      %mul3A_478 = arith.muli %select_n3A_322, %mul3A_477 : i32
      %add3A_479 = arith.addi %mul3A_478, %scan3A_476 : i32
      %add3A_480 = arith.constant 0 : i32
      %add3A_481 = arith.addi %add3A_480, %add3A_479 : i32
      %broadcast_in_dim3A_482 = vector.broadcast %add3A_481 : i32 to vector<16xi32>
      %gather3A = tpu.vector_load_idx %arg6[%broadcast_in_dim3A_482] : memref<4480xf32, #tpu.memory_space<vmem>>[vector<16xi32>], vector<16xf32>,
      %mul3A_483 = arith.constant 4096 : i32
      %mul3A_484 = arith.muli %sub3A_339, %mul3A_483 : i32
      %mul3A_485 = arith.constant 64 : i32
      %mul3A_486 = arith.muli %add3A_479, %mul3A_485 : i32
      %add3A_487 = arith.addi %mul3A_484, %mul3A_486 : i32
      %add3A_488 = arith.constant 0 : i32
      %add3A_489 = arith.addi %add3A_487, %add3A_488 : i32
      %get3A_490 = arith.index_cast %add3A_489 : i32 to index
      %get3A_491 = tpu.vector_load %arg9[%get3A_490] {strides = array<i32>} : memref<8192xf32, #tpu.memory_space<vmem>>, vector<16xf32>,
      %mul3A_492 = arith.constant 4096 : i32
      %mul3A_493 = arith.muli %sub3A_339, %mul3A_492 : i32
      %mul3A_494 = arith.constant 64 : i32
      %mul3A_495 = arith.muli %add3A_479, %mul3A_494 : i32
      %add3A_496 = arith.addi %mul3A_493, %mul3A_495 : i32
      %add3A_497 = arith.constant 16 : i32
      %add3A_498 = arith.addi %add3A_496, %add3A_497 : i32
      %get3A_499 = arith.index_cast %add3A_498 : i32 to index
      %get3A_500 = tpu.vector_load %arg9[%get3A_499] {strides = array<i32>} : memref<8192xf32, #tpu.memory_space<vmem>>, vector<16xf32>,
      %mul3A_501 = arith.constant 4096 : i32
      %mul3A_502 = arith.muli %sub3A_339, %mul3A_501 : i32
      %mul3A_503 = arith.constant 64 : i32
      %mul3A_504 = arith.muli %add3A_479, %mul3A_503 : i32
      %add3A_505 = arith.addi %mul3A_502, %mul3A_504 : i32
      %add3A_506 = arith.constant 32 : i32
      %add3A_507 = arith.addi %add3A_505, %add3A_506 : i32
      %get3A_508 = arith.index_cast %add3A_507 : i32 to index
      %get3A_509 = tpu.vector_load %arg9[%get3A_508] {strides = array<i32>} : memref<8192xf32, #tpu.memory_space<vmem>>, vector<16xf32>,
      %mul3A_510 = arith.constant 4096 : i32
      %mul3A_511 = arith.muli %sub3A_339, %mul3A_510 : i32
      %mul3A_512 = arith.constant 64 : i32
      %mul3A_513 = arith.muli %add3A_479, %mul3A_512 : i32
      %add3A_514 = arith.addi %mul3A_511, %mul3A_513 : i32
      %add3A_515 = arith.constant 48 : i32
      %add3A_516 = arith.addi %add3A_514, %add3A_515 : i32
      %get3A_517 = arith.index_cast %add3A_516 : i32 to index
      %get3A_518 = tpu.vector_load %arg9[%get3A_517] {strides = array<i32>} : memref<8192xf32, #tpu.memory_space<vmem>>, vector<16xf32>,
      %parallel_loop3A_519 = arith.constant 0 : i32
      %parallel_loop3A_520 = arith.constant 64 : i32
      %parallel_loop3A_521 = arith.constant 1 : i32
      scf.for %parallel_loop3A_522 = %parallel_loop3A_519 to %parallel_loop3A_520 step %parallel_loop3A_521  : i32 {
        %parallel_loop3A_523 = arith.constant 16384 : i32
        %parallel_loop3A_524 = arith.muli %sub3A_339, %parallel_loop3A_523 : i32
        %parallel_loop3A_525 = arith.constant 4096 : i32
        %parallel_loop3A_526 = arith.muli %select_n3A_338, %parallel_loop3A_525 : i32
        %parallel_loop3A_527 = arith.addi %parallel_loop3A_524, %parallel_loop3A_526 : i32
        %parallel_loop3A_528 = arith.constant 64 : i32
        %parallel_loop3A_529 = arith.muli %parallel_loop3A_522, %parallel_loop3A_528 : i32
        %parallel_loop3A_530 = arith.addi %parallel_loop3A_527, %parallel_loop3A_529 : i32
        %parallel_loop3A_531 = arith.constant 0 : i32
        %parallel_loop3A_532 = arith.addi %parallel_loop3A_530, %parallel_loop3A_531 : i32
        %parallel_loop3A_533 = arith.constant 4 : i32
        %parallel_loop3A_534 = arith.muli %parallel_loop3A_522, %parallel_loop3A_533 : i32
        %parallel_loop3A_535 = arith.constant 0 : i32
        %parallel_loop3A_536 = arith.addi %parallel_loop3A_534, %parallel_loop3A_535 : i32
        %parallel_loop3A_537 = arith.constant 8 : i32
        %parallel_loop3A_538 = arith.divsi %parallel_loop3A_536, %parallel_loop3A_537 : i32
        %parallel_loop3A_539 = arith.constant 0 : i32
        %parallel_loop3A_540 = arith.cmpi sgt, %parallel_loop3A_536, %parallel_loop3A_539 : i32
        %parallel_loop3A_541 = arith.extui %parallel_loop3A_540 : i1 to i32
        %parallel_loop3A_542 = arith.constant 0 : i32
        %parallel_loop3A_543 = arith.cmpi slt, %parallel_loop3A_536, %parallel_loop3A_542 : i32
        %parallel_loop3A_544 = arith.extui %parallel_loop3A_543 : i1 to i32
        %parallel_loop3A_545 = arith.subi %parallel_loop3A_541, %parallel_loop3A_544 : i32
        %parallel_loop3A_546 = arith.constant 0 : i32
        %parallel_loop3A_547 = arith.cmpi sgt, %parallel_loop3A_537, %parallel_loop3A_546 : i32
        %parallel_loop3A_548 = arith.extui %parallel_loop3A_547 : i1 to i32
        %parallel_loop3A_549 = arith.constant 0 : i32
        %parallel_loop3A_550 = arith.cmpi slt, %parallel_loop3A_537, %parallel_loop3A_549 : i32
        %parallel_loop3A_551 = arith.extui %parallel_loop3A_550 : i1 to i32
        %parallel_loop3A_552 = arith.subi %parallel_loop3A_548, %parallel_loop3A_551 : i32
        %parallel_loop3A_553 = arith.cmpi ne, %parallel_loop3A_545, %parallel_loop3A_552 : i32
        %parallel_loop3A_554 = arith.remsi %parallel_loop3A_536, %parallel_loop3A_537 : i32
        %parallel_loop3A_555 = arith.constant 0 : i32
        %parallel_loop3A_556 = arith.cmpi ne, %parallel_loop3A_554, %parallel_loop3A_555 : i32
        %parallel_loop3A_557 = arith.andi %parallel_loop3A_553, %parallel_loop3A_556 : i1
        %parallel_loop3A_558 = arith.constant 1 : i32
        %parallel_loop3A_559 = arith.subi %parallel_loop3A_538, %parallel_loop3A_558 : i32
        %parallel_loop3A_560 = arith.select %parallel_loop3A_557, %parallel_loop3A_559, %parallel_loop3A_538 : i32
        %parallel_loop3A_561 = arith.constant 1024 : i32
        %parallel_loop3A_562 = arith.muli %parallel_loop3A_560, %parallel_loop3A_561 : i32
        %parallel_loop3A_563 = arith.constant 128 : i32
        %parallel_loop3A_564 = arith.muli %scan3A_476, %parallel_loop3A_563 : i32
        %parallel_loop3A_565 = arith.addi %parallel_loop3A_562, %parallel_loop3A_564 : i32
        %parallel_loop3A_566 = arith.constant 8 : i32
        %parallel_loop3A_567 = arith.constant 0 : i32
        %parallel_loop3A_568 = arith.cmpi eq, %parallel_loop3A_566, %parallel_loop3A_567 : i32
        %parallel_loop3A_569 = arith.constant 1 : i32
        %parallel_loop3A_570 = arith.select %parallel_loop3A_568, %parallel_loop3A_569, %parallel_loop3A_566 : i32
        %parallel_loop3A_571 = arith.remsi %parallel_loop3A_536, %parallel_loop3A_570 : i32
        %parallel_loop3A_572 = arith.constant 0 : i32
        %parallel_loop3A_573 = arith.cmpi ne, %parallel_loop3A_571, %parallel_loop3A_572 : i32
        %parallel_loop3A_574 = arith.constant 0 : i32
        %parallel_loop3A_575 = arith.cmpi slt, %parallel_loop3A_571, %parallel_loop3A_574 : i32
        %parallel_loop3A_576 = arith.constant 0 : i32
        %parallel_loop3A_577 = arith.cmpi slt, %parallel_loop3A_570, %parallel_loop3A_576 : i32
        %parallel_loop3A_578 = arith.xori %parallel_loop3A_575, %parallel_loop3A_577 : i1
        %parallel_loop3A_579 = arith.andi %parallel_loop3A_578, %parallel_loop3A_573 : i1
        %parallel_loop3A_580 = arith.addi %parallel_loop3A_571, %parallel_loop3A_570 : i32
        %parallel_loop3A_581 = arith.select %parallel_loop3A_579, %parallel_loop3A_580, %parallel_loop3A_571 : i32
        %parallel_loop3A_582 = arith.constant 16 : i32
        %parallel_loop3A_583 = arith.muli %parallel_loop3A_581, %parallel_loop3A_582 : i32
        %parallel_loop3A_584 = arith.addi %parallel_loop3A_565, %parallel_loop3A_583 : i32
        %parallel_loop3A_585 = arith.index_cast %parallel_loop3A_532 : i32 to index
        %parallel_loop3A_586 = tpu.vector_load %arg5[%parallel_loop3A_585] {strides = array<i32>} : memref<32768xf32, #tpu.memory_space<vmem>>, vector<16xf32>,
        %parallel_loop3A_587 = arith.mulf %parallel_loop3A_586, %gather3A : vector<16xf32>
        %parallel_loop3A_588 = arith.addf %parallel_loop3A_587, %get3A_491 : vector<16xf32>
        %parallel_loop3A_589 = arith.index_cast %parallel_loop3A_584 : i32 to index
        %parallel_loop3A_590 = tpu.vector_load %arg11[%parallel_loop3A_589] {strides = array<i32>} : memref<32768xf32, #tpu.memory_space<vmem>>, vector<16xf32>,
        tpu.vector_store %arg11[%parallel_loop3A_589], %parallel_loop3A_588 {strides = array<i32>} : memref<32768xf32, #tpu.memory_space<vmem>>, vector<16xf32>,
        %parallel_loop3A_591 = arith.constant 16384 : i32
        %parallel_loop3A_592 = arith.muli %sub3A_339, %parallel_loop3A_591 : i32
        %parallel_loop3A_593 = arith.constant 4096 : i32
        %parallel_loop3A_594 = arith.muli %select_n3A_338, %parallel_loop3A_593 : i32
        %parallel_loop3A_595 = arith.addi %parallel_loop3A_592, %parallel_loop3A_594 : i32
        %parallel_loop3A_596 = arith.constant 64 : i32
        %parallel_loop3A_597 = arith.muli %parallel_loop3A_522, %parallel_loop3A_596 : i32
        %parallel_loop3A_598 = arith.addi %parallel_loop3A_595, %parallel_loop3A_597 : i32
        %parallel_loop3A_599 = arith.constant 16 : i32
        %parallel_loop3A_600 = arith.addi %parallel_loop3A_598, %parallel_loop3A_599 : i32
        %parallel_loop3A_601 = arith.constant 4 : i32
        %parallel_loop3A_602 = arith.muli %parallel_loop3A_522, %parallel_loop3A_601 : i32
        %parallel_loop3A_603 = arith.constant 1 : i32
        %parallel_loop3A_604 = arith.addi %parallel_loop3A_602, %parallel_loop3A_603 : i32
        %parallel_loop3A_605 = arith.constant 8 : i32
        %parallel_loop3A_606 = arith.divsi %parallel_loop3A_604, %parallel_loop3A_605 : i32
        %parallel_loop3A_607 = arith.constant 0 : i32
        %parallel_loop3A_608 = arith.cmpi sgt, %parallel_loop3A_604, %parallel_loop3A_607 : i32
        %parallel_loop3A_609 = arith.extui %parallel_loop3A_608 : i1 to i32
        %parallel_loop3A_610 = arith.constant 0 : i32
        %parallel_loop3A_611 = arith.cmpi slt, %parallel_loop3A_604, %parallel_loop3A_610 : i32
        %parallel_loop3A_612 = arith.extui %parallel_loop3A_611 : i1 to i32
        %parallel_loop3A_613 = arith.subi %parallel_loop3A_609, %parallel_loop3A_612 : i32
        %parallel_loop3A_614 = arith.constant 0 : i32
        %parallel_loop3A_615 = arith.cmpi sgt, %parallel_loop3A_605, %parallel_loop3A_614 : i32
        %parallel_loop3A_616 = arith.extui %parallel_loop3A_615 : i1 to i32
        %parallel_loop3A_617 = arith.constant 0 : i32
        %parallel_loop3A_618 = arith.cmpi slt, %parallel_loop3A_605, %parallel_loop3A_617 : i32
        %parallel_loop3A_619 = arith.extui %parallel_loop3A_618 : i1 to i32
        %parallel_loop3A_620 = arith.subi %parallel_loop3A_616, %parallel_loop3A_619 : i32
        %parallel_loop3A_621 = arith.cmpi ne, %parallel_loop3A_613, %parallel_loop3A_620 : i32
        %parallel_loop3A_622 = arith.remsi %parallel_loop3A_604, %parallel_loop3A_605 : i32
        %parallel_loop3A_623 = arith.constant 0 : i32
        %parallel_loop3A_624 = arith.cmpi ne, %parallel_loop3A_622, %parallel_loop3A_623 : i32
        %parallel_loop3A_625 = arith.andi %parallel_loop3A_621, %parallel_loop3A_624 : i1
        %parallel_loop3A_626 = arith.constant 1 : i32
        %parallel_loop3A_627 = arith.subi %parallel_loop3A_606, %parallel_loop3A_626 : i32
        %parallel_loop3A_628 = arith.select %parallel_loop3A_625, %parallel_loop3A_627, %parallel_loop3A_606 : i32
        %parallel_loop3A_629 = arith.constant 1024 : i32
        %parallel_loop3A_630 = arith.muli %parallel_loop3A_628, %parallel_loop3A_629 : i32
        %parallel_loop3A_631 = arith.constant 128 : i32
        %parallel_loop3A_632 = arith.muli %scan3A_476, %parallel_loop3A_631 : i32
        %parallel_loop3A_633 = arith.addi %parallel_loop3A_630, %parallel_loop3A_632 : i32
        %parallel_loop3A_634 = arith.constant 8 : i32
        %parallel_loop3A_635 = arith.constant 0 : i32
        %parallel_loop3A_636 = arith.cmpi eq, %parallel_loop3A_634, %parallel_loop3A_635 : i32
        %parallel_loop3A_637 = arith.constant 1 : i32
        %parallel_loop3A_638 = arith.select %parallel_loop3A_636, %parallel_loop3A_637, %parallel_loop3A_634 : i32
        %parallel_loop3A_639 = arith.remsi %parallel_loop3A_604, %parallel_loop3A_638 : i32
        %parallel_loop3A_640 = arith.constant 0 : i32
        %parallel_loop3A_641 = arith.cmpi ne, %parallel_loop3A_639, %parallel_loop3A_640 : i32
        %parallel_loop3A_642 = arith.constant 0 : i32
        %parallel_loop3A_643 = arith.cmpi slt, %parallel_loop3A_639, %parallel_loop3A_642 : i32
        %parallel_loop3A_644 = arith.constant 0 : i32
        %parallel_loop3A_645 = arith.cmpi slt, %parallel_loop3A_638, %parallel_loop3A_644 : i32
        %parallel_loop3A_646 = arith.xori %parallel_loop3A_643, %parallel_loop3A_645 : i1
        %parallel_loop3A_647 = arith.andi %parallel_loop3A_646, %parallel_loop3A_641 : i1
        %parallel_loop3A_648 = arith.addi %parallel_loop3A_639, %parallel_loop3A_638 : i32
        %parallel_loop3A_649 = arith.select %parallel_loop3A_647, %parallel_loop3A_648, %parallel_loop3A_639 : i32
        %parallel_loop3A_650 = arith.constant 16 : i32
        %parallel_loop3A_651 = arith.muli %parallel_loop3A_649, %parallel_loop3A_650 : i32
        %parallel_loop3A_652 = arith.addi %parallel_loop3A_633, %parallel_loop3A_651 : i32
        %parallel_loop3A_653 = arith.index_cast %parallel_loop3A_600 : i32 to index
        %parallel_loop3A_654 = tpu.vector_load %arg5[%parallel_loop3A_653] {strides = array<i32>} : memref<32768xf32, #tpu.memory_space<vmem>>, vector<16xf32>,
        %parallel_loop3A_655 = arith.mulf %parallel_loop3A_654, %gather3A : vector<16xf32>
        %parallel_loop3A_656 = arith.addf %parallel_loop3A_655, %get3A_500 : vector<16xf32>
        %parallel_loop3A_657 = arith.index_cast %parallel_loop3A_652 : i32 to index
        %parallel_loop3A_658 = tpu.vector_load %arg11[%parallel_loop3A_657] {strides = array<i32>} : memref<32768xf32, #tpu.memory_space<vmem>>, vector<16xf32>,
        tpu.vector_store %arg11[%parallel_loop3A_657], %parallel_loop3A_656 {strides = array<i32>} : memref<32768xf32, #tpu.memory_space<vmem>>, vector<16xf32>,
        %parallel_loop3A_659 = arith.constant 16384 : i32
        %parallel_loop3A_660 = arith.muli %sub3A_339, %parallel_loop3A_659 : i32
        %parallel_loop3A_661 = arith.constant 4096 : i32
        %parallel_loop3A_662 = arith.muli %select_n3A_338, %parallel_loop3A_661 : i32
        %parallel_loop3A_663 = arith.addi %parallel_loop3A_660, %parallel_loop3A_662 : i32
        %parallel_loop3A_664 = arith.constant 64 : i32
        %parallel_loop3A_665 = arith.muli %parallel_loop3A_522, %parallel_loop3A_664 : i32
        %parallel_loop3A_666 = arith.addi %parallel_loop3A_663, %parallel_loop3A_665 : i32
        %parallel_loop3A_667 = arith.constant 32 : i32
        %parallel_loop3A_668 = arith.addi %parallel_loop3A_666, %parallel_loop3A_667 : i32
        %parallel_loop3A_669 = arith.constant 4 : i32
        %parallel_loop3A_670 = arith.muli %parallel_loop3A_522, %parallel_loop3A_669 : i32
        %parallel_loop3A_671 = arith.constant 2 : i32
        %parallel_loop3A_672 = arith.addi %parallel_loop3A_670, %parallel_loop3A_671 : i32
        %parallel_loop3A_673 = arith.constant 8 : i32
        %parallel_loop3A_674 = arith.divsi %parallel_loop3A_672, %parallel_loop3A_673 : i32
        %parallel_loop3A_675 = arith.constant 0 : i32
        %parallel_loop3A_676 = arith.cmpi sgt, %parallel_loop3A_672, %parallel_loop3A_675 : i32
        %parallel_loop3A_677 = arith.extui %parallel_loop3A_676 : i1 to i32
        %parallel_loop3A_678 = arith.constant 0 : i32
        %parallel_loop3A_679 = arith.cmpi slt, %parallel_loop3A_672, %parallel_loop3A_678 : i32
        %parallel_loop3A_680 = arith.extui %parallel_loop3A_679 : i1 to i32
        %parallel_loop3A_681 = arith.subi %parallel_loop3A_677, %parallel_loop3A_680 : i32
        %parallel_loop3A_682 = arith.constant 0 : i32
        %parallel_loop3A_683 = arith.cmpi sgt, %parallel_loop3A_673, %parallel_loop3A_682 : i32
        %parallel_loop3A_684 = arith.extui %parallel_loop3A_683 : i1 to i32
        %parallel_loop3A_685 = arith.constant 0 : i32
        %parallel_loop3A_686 = arith.cmpi slt, %parallel_loop3A_673, %parallel_loop3A_685 : i32
        %parallel_loop3A_687 = arith.extui %parallel_loop3A_686 : i1 to i32
        %parallel_loop3A_688 = arith.subi %parallel_loop3A_684, %parallel_loop3A_687 : i32
        %parallel_loop3A_689 = arith.cmpi ne, %parallel_loop3A_681, %parallel_loop3A_688 : i32
        %parallel_loop3A_690 = arith.remsi %parallel_loop3A_672, %parallel_loop3A_673 : i32
        %parallel_loop3A_691 = arith.constant 0 : i32
        %parallel_loop3A_692 = arith.cmpi ne, %parallel_loop3A_690, %parallel_loop3A_691 : i32
        %parallel_loop3A_693 = arith.andi %parallel_loop3A_689, %parallel_loop3A_692 : i1
        %parallel_loop3A_694 = arith.constant 1 : i32
        %parallel_loop3A_695 = arith.subi %parallel_loop3A_674, %parallel_loop3A_694 : i32
        %parallel_loop3A_696 = arith.select %parallel_loop3A_693, %parallel_loop3A_695, %parallel_loop3A_674 : i32
        %parallel_loop3A_697 = arith.constant 1024 : i32
        %parallel_loop3A_698 = arith.muli %parallel_loop3A_696, %parallel_loop3A_697 : i32
        %parallel_loop3A_699 = arith.constant 128 : i32
        %parallel_loop3A_700 = arith.muli %scan3A_476, %parallel_loop3A_699 : i32
        %parallel_loop3A_701 = arith.addi %parallel_loop3A_698, %parallel_loop3A_700 : i32
        %parallel_loop3A_702 = arith.constant 8 : i32
        %parallel_loop3A_703 = arith.constant 0 : i32
        %parallel_loop3A_704 = arith.cmpi eq, %parallel_loop3A_702, %parallel_loop3A_703 : i32
        %parallel_loop3A_705 = arith.constant 1 : i32
        %parallel_loop3A_706 = arith.select %parallel_loop3A_704, %parallel_loop3A_705, %parallel_loop3A_702 : i32
        %parallel_loop3A_707 = arith.remsi %parallel_loop3A_672, %parallel_loop3A_706 : i32
        %parallel_loop3A_708 = arith.constant 0 : i32
        %parallel_loop3A_709 = arith.cmpi ne, %parallel_loop3A_707, %parallel_loop3A_708 : i32
        %parallel_loop3A_710 = arith.constant 0 : i32
        %parallel_loop3A_711 = arith.cmpi slt, %parallel_loop3A_707, %parallel_loop3A_710 : i32
        %parallel_loop3A_712 = arith.constant 0 : i32
        %parallel_loop3A_713 = arith.cmpi slt, %parallel_loop3A_706, %parallel_loop3A_712 : i32
        %parallel_loop3A_714 = arith.xori %parallel_loop3A_711, %parallel_loop3A_713 : i1
        %parallel_loop3A_715 = arith.andi %parallel_loop3A_714, %parallel_loop3A_709 : i1
        %parallel_loop3A_716 = arith.addi %parallel_loop3A_707, %parallel_loop3A_706 : i32
        %parallel_loop3A_717 = arith.select %parallel_loop3A_715, %parallel_loop3A_716, %parallel_loop3A_707 : i32
        %parallel_loop3A_718 = arith.constant 16 : i32
        %parallel_loop3A_719 = arith.muli %parallel_loop3A_717, %parallel_loop3A_718 : i32
        %parallel_loop3A_720 = arith.addi %parallel_loop3A_701, %parallel_loop3A_719 : i32
        %parallel_loop3A_721 = arith.index_cast %parallel_loop3A_668 : i32 to index
        %parallel_loop3A_722 = tpu.vector_load %arg5[%parallel_loop3A_721] {strides = array<i32>} : memref<32768xf32, #tpu.memory_space<vmem>>, vector<16xf32>,
        %parallel_loop3A_723 = arith.mulf %parallel_loop3A_722, %gather3A : vector<16xf32>
        %parallel_loop3A_724 = arith.addf %parallel_loop3A_723, %get3A_509 : vector<16xf32>
        %parallel_loop3A_725 = arith.index_cast %parallel_loop3A_720 : i32 to index
        %parallel_loop3A_726 = tpu.vector_load %arg11[%parallel_loop3A_725] {strides = array<i32>} : memref<32768xf32, #tpu.memory_space<vmem>>, vector<16xf32>,
        tpu.vector_store %arg11[%parallel_loop3A_725], %parallel_loop3A_724 {strides = array<i32>} : memref<32768xf32, #tpu.memory_space<vmem>>, vector<16xf32>,
        %parallel_loop3A_727 = arith.constant 16384 : i32
        %parallel_loop3A_728 = arith.muli %sub3A_339, %parallel_loop3A_727 : i32
        %parallel_loop3A_729 = arith.constant 4096 : i32
        %parallel_loop3A_730 = arith.muli %select_n3A_338, %parallel_loop3A_729 : i32
        %parallel_loop3A_731 = arith.addi %parallel_loop3A_728, %parallel_loop3A_730 : i32
        %parallel_loop3A_732 = arith.constant 64 : i32
        %parallel_loop3A_733 = arith.muli %parallel_loop3A_522, %parallel_loop3A_732 : i32
        %parallel_loop3A_734 = arith.addi %parallel_loop3A_731, %parallel_loop3A_733 : i32
        %parallel_loop3A_735 = arith.constant 48 : i32
        %parallel_loop3A_736 = arith.addi %parallel_loop3A_734, %parallel_loop3A_735 : i32
        %parallel_loop3A_737 = arith.constant 4 : i32
        %parallel_loop3A_738 = arith.muli %parallel_loop3A_522, %parallel_loop3A_737 : i32
        %parallel_loop3A_739 = arith.constant 3 : i32
        %parallel_loop3A_740 = arith.addi %parallel_loop3A_738, %parallel_loop3A_739 : i32
        %parallel_loop3A_741 = arith.constant 8 : i32
        %parallel_loop3A_742 = arith.divsi %parallel_loop3A_740, %parallel_loop3A_741 : i32
        %parallel_loop3A_743 = arith.constant 0 : i32
        %parallel_loop3A_744 = arith.cmpi sgt, %parallel_loop3A_740, %parallel_loop3A_743 : i32
        %parallel_loop3A_745 = arith.extui %parallel_loop3A_744 : i1 to i32
        %parallel_loop3A_746 = arith.constant 0 : i32
        %parallel_loop3A_747 = arith.cmpi slt, %parallel_loop3A_740, %parallel_loop3A_746 : i32
        %parallel_loop3A_748 = arith.extui %parallel_loop3A_747 : i1 to i32
        %parallel_loop3A_749 = arith.subi %parallel_loop3A_745, %parallel_loop3A_748 : i32
        %parallel_loop3A_750 = arith.constant 0 : i32
        %parallel_loop3A_751 = arith.cmpi sgt, %parallel_loop3A_741, %parallel_loop3A_750 : i32
        %parallel_loop3A_752 = arith.extui %parallel_loop3A_751 : i1 to i32
        %parallel_loop3A_753 = arith.constant 0 : i32
        %parallel_loop3A_754 = arith.cmpi slt, %parallel_loop3A_741, %parallel_loop3A_753 : i32
        %parallel_loop3A_755 = arith.extui %parallel_loop3A_754 : i1 to i32
        %parallel_loop3A_756 = arith.subi %parallel_loop3A_752, %parallel_loop3A_755 : i32
        %parallel_loop3A_757 = arith.cmpi ne, %parallel_loop3A_749, %parallel_loop3A_756 : i32
        %parallel_loop3A_758 = arith.remsi %parallel_loop3A_740, %parallel_loop3A_741 : i32
        %parallel_loop3A_759 = arith.constant 0 : i32
        %parallel_loop3A_760 = arith.cmpi ne, %parallel_loop3A_758, %parallel_loop3A_759 : i32
        %parallel_loop3A_761 = arith.andi %parallel_loop3A_757, %parallel_loop3A_760 : i1
        %parallel_loop3A_762 = arith.constant 1 : i32
        %parallel_loop3A_763 = arith.subi %parallel_loop3A_742, %parallel_loop3A_762 : i32
        %parallel_loop3A_764 = arith.select %parallel_loop3A_761, %parallel_loop3A_763, %parallel_loop3A_742 : i32
        %parallel_loop3A_765 = arith.constant 1024 : i32
        %parallel_loop3A_766 = arith.muli %parallel_loop3A_764, %parallel_loop3A_765 : i32
        %parallel_loop3A_767 = arith.constant 128 : i32
        %parallel_loop3A_768 = arith.muli %scan3A_476, %parallel_loop3A_767 : i32
        %parallel_loop3A_769 = arith.addi %parallel_loop3A_766, %parallel_loop3A_768 : i32
        %parallel_loop3A_770 = arith.constant 8 : i32
        %parallel_loop3A_771 = arith.constant 0 : i32
        %parallel_loop3A_772 = arith.cmpi eq, %parallel_loop3A_770, %parallel_loop3A_771 : i32
        %parallel_loop3A_773 = arith.constant 1 : i32
        %parallel_loop3A_774 = arith.select %parallel_loop3A_772, %parallel_loop3A_773, %parallel_loop3A_770 : i32
        %parallel_loop3A_775 = arith.remsi %parallel_loop3A_740, %parallel_loop3A_774 : i32
        %parallel_loop3A_776 = arith.constant 0 : i32
        %parallel_loop3A_777 = arith.cmpi ne, %parallel_loop3A_775, %parallel_loop3A_776 : i32
        %parallel_loop3A_778 = arith.constant 0 : i32
        %parallel_loop3A_779 = arith.cmpi slt, %parallel_loop3A_775, %parallel_loop3A_778 : i32
        %parallel_loop3A_780 = arith.constant 0 : i32
        %parallel_loop3A_781 = arith.cmpi slt, %parallel_loop3A_774, %parallel_loop3A_780 : i32
        %parallel_loop3A_782 = arith.xori %parallel_loop3A_779, %parallel_loop3A_781 : i1
        %parallel_loop3A_783 = arith.andi %parallel_loop3A_782, %parallel_loop3A_777 : i1
        %parallel_loop3A_784 = arith.addi %parallel_loop3A_775, %parallel_loop3A_774 : i32
        %parallel_loop3A_785 = arith.select %parallel_loop3A_783, %parallel_loop3A_784, %parallel_loop3A_775 : i32
        %parallel_loop3A_786 = arith.constant 16 : i32
        %parallel_loop3A_787 = arith.muli %parallel_loop3A_785, %parallel_loop3A_786 : i32
        %parallel_loop3A_788 = arith.addi %parallel_loop3A_769, %parallel_loop3A_787 : i32
        %parallel_loop3A_789 = arith.index_cast %parallel_loop3A_736 : i32 to index
        %parallel_loop3A_790 = tpu.vector_load %arg5[%parallel_loop3A_789] {strides = array<i32>} : memref<32768xf32, #tpu.memory_space<vmem>>, vector<16xf32>,
        %parallel_loop3A_791 = arith.mulf %parallel_loop3A_790, %gather3A : vector<16xf32>
        %parallel_loop3A_792 = arith.addf %parallel_loop3A_791, %get3A_518 : vector<16xf32>
        %parallel_loop3A_793 = arith.index_cast %parallel_loop3A_788 : i32 to index
        %parallel_loop3A_794 = tpu.vector_load %arg11[%parallel_loop3A_793] {strides = array<i32>} : memref<32768xf32, #tpu.memory_space<vmem>>, vector<16xf32>,
        tpu.vector_store %arg11[%parallel_loop3A_793], %parallel_loop3A_792 {strides = array<i32>} : memref<32768xf32, #tpu.memory_space<vmem>>, vector<16xf32>,
      } {sc.loop_unroll_factor = 8 : i64, sc.parallel_access}
    }
    %scan3A_345 = arith.constant 8 : i32
    %mul3A_346 = arith.constant 32768 : i32
    %mul3A_347 = arith.muli %add3A_258, %mul3A_346 : i32
    %dma_start3A_348 = tpu.memref_slice %arg4[%mul3A_347] : memref<34603008xf32, #tpu.memory_space<hbm>> -> memref<32768xf32, #tpu.memory_space<hbm>>
    %dma_start3A_349 = tpu.memref_slice %arg4[%mul3A_347] : memref<34603008xf32, #tpu.memory_space<hbm>> -> memref<32768xf32, #tpu.memory_space<hbm>>
    tpu.enqueue_dma source(%arg11 : memref<32768xf32, #tpu.memory_space<vmem>>) target(%dma_start3A_349 : memref<32768xf32, #tpu.memory_space<hbm>>) target_semaphore(%arg13 : memref<!tpu.dma_semaphore, #tpu.memory_space<semaphore_mem>>)
    %scan3A_350 = arith.constant 0 : i32
    %scan3A_351 = arith.constant 1 : i32
    %scan3A_352 = arith.constant 15 : i32
    %scan3A_353 = arith.addi %scan3A_351, %scan3A_352 : i32
    %scan3A_354 = arith.constant 1 : i32
    scf.for %scan3A_476 = %scan3A_351 to %scan3A_353 step %scan3A_354  : i32 {
      %mul3A_477 = arith.constant 2 : i32
      %mul3A_478 = arith.muli %mul3A_477, %scan3A_476 : i32
      %mul3A_479 = arith.constant 33 : i32
      %mul3A_480 = arith.muli %add3A, %mul3A_479 : i32
      %add3A_481 = arith.addi %mul3A_480, %mul3A_478 : i32
      %jit3A_482 = arith.constant 32 : i32
      %div3A_483 = arith.divsi %add3A_481, %jit3A_482 : i32
      %sign3A_484 = arith.constant 0 : i32
      %sign3A_485 = arith.cmpi sgt, %add3A_481, %sign3A_484 : i32
      %sign3A_486 = arith.extui %sign3A_485 : i1 to i32
      %sign3A_487 = arith.constant 0 : i32
      %sign3A_488 = arith.cmpi slt, %add3A_481, %sign3A_487 : i32
      %sign3A_489 = arith.extui %sign3A_488 : i1 to i32
      %sign3A_490 = arith.subi %sign3A_486, %sign3A_489 : i32
      %sign3A_491 = arith.constant 0 : i32
      %sign3A_492 = arith.cmpi sgt, %jit3A_482, %sign3A_491 : i32
      %sign3A_493 = arith.extui %sign3A_492 : i1 to i32
      %sign3A_494 = arith.constant 0 : i32
      %sign3A_495 = arith.cmpi slt, %jit3A_482, %sign3A_494 : i32
      %sign3A_496 = arith.extui %sign3A_495 : i1 to i32
      %sign3A_497 = arith.subi %sign3A_493, %sign3A_496 : i32
      %ne3A_498 = arith.cmpi ne, %sign3A_490, %sign3A_497 : i32
      %rem3A_499 = arith.remsi %add3A_481, %jit3A_482 : i32
      %ne3A_500 = arith.constant 0 : i32
      %ne3A_501 = arith.cmpi ne, %rem3A_499, %ne3A_500 : i32
      %and3A_502 = arith.andi %ne3A_498, %ne3A_501 : i1
      %sub3A_503 = arith.constant 1 : i32
      %sub3A_504 = arith.subi %div3A_483, %sub3A_503 : i32
      %select_n3A_505 = arith.select %and3A_502, %sub3A_504, %div3A_483 : i32
      %jit3A_506 = arith.constant 32 : i32
      %eq3A_507 = arith.constant 0 : i32
      %eq3A_508 = arith.cmpi eq, %jit3A_506, %eq3A_507 : i32
      %jit3A_509 = arith.constant 1 : i32
      %select_n3A_510 = arith.select %eq3A_508, %jit3A_509, %jit3A_506 : i32
      %rem3A_511 = arith.remsi %add3A_481, %select_n3A_510 : i32
      %ne3A_512 = arith.constant 0 : i32
      %ne3A_513 = arith.cmpi ne, %rem3A_511, %ne3A_512 : i32
      %lt3A_514 = arith.constant 0 : i32
      %lt3A_515 = arith.cmpi slt, %rem3A_511, %lt3A_514 : i32
      %lt3A_516 = arith.constant 0 : i32
      %lt3A_517 = arith.cmpi slt, %select_n3A_510, %lt3A_516 : i32
      %ne3A_518 = arith.xori %lt3A_515, %lt3A_517 : i1
      %and3A_519 = arith.andi %ne3A_518, %ne3A_513 : i1
      %add3A_520 = arith.addi %rem3A_511, %select_n3A_510 : i32
      %select_n3A_521 = arith.select %and3A_519, %add3A_520, %rem3A_511 : i32
      %jit3A_522 = arith.constant 4 : i32
      %div3A_523 = arith.divsi %select_n3A_521, %jit3A_522 : i32
      %sign3A_524 = arith.constant 0 : i32
      %sign3A_525 = arith.cmpi sgt, %select_n3A_521, %sign3A_524 : i32
      %sign3A_526 = arith.extui %sign3A_525 : i1 to i32
      %sign3A_527 = arith.constant 0 : i32
      %sign3A_528 = arith.cmpi slt, %select_n3A_521, %sign3A_527 : i32
      %sign3A_529 = arith.extui %sign3A_528 : i1 to i32
      %sign3A_530 = arith.subi %sign3A_526, %sign3A_529 : i32
      %sign3A_531 = arith.constant 0 : i32
      %sign3A_532 = arith.cmpi sgt, %jit3A_522, %sign3A_531 : i32
      %sign3A_533 = arith.extui %sign3A_532 : i1 to i32
      %sign3A_534 = arith.constant 0 : i32
      %sign3A_535 = arith.cmpi slt, %jit3A_522, %sign3A_534 : i32
      %sign3A_536 = arith.extui %sign3A_535 : i1 to i32
      %sign3A_537 = arith.subi %sign3A_533, %sign3A_536 : i32
      %ne3A_538 = arith.cmpi ne, %sign3A_530, %sign3A_537 : i32
      %rem3A_539 = arith.remsi %select_n3A_521, %jit3A_522 : i32
      %ne3A_540 = arith.constant 0 : i32
      %ne3A_541 = arith.cmpi ne, %rem3A_539, %ne3A_540 : i32
      %and3A_542 = arith.andi %ne3A_538, %ne3A_541 : i1
      %sub3A_543 = arith.constant 1 : i32
      %sub3A_544 = arith.subi %div3A_523, %sub3A_543 : i32
      %select_n3A_545 = arith.select %and3A_542, %sub3A_544, %div3A_523 : i32
      %jit3A_546 = arith.constant 4 : i32
      %eq3A_547 = arith.constant 0 : i32
      %eq3A_548 = arith.cmpi eq, %jit3A_546, %eq3A_547 : i32
      %jit3A_549 = arith.constant 1 : i32
      %select_n3A_550 = arith.select %eq3A_548, %jit3A_549, %jit3A_546 : i32
      %rem3A_551 = arith.remsi %select_n3A_521, %select_n3A_550 : i32
      %ne3A_552 = arith.constant 0 : i32
      %ne3A_553 = arith.cmpi ne, %rem3A_551, %ne3A_552 : i32
      %lt3A_554 = arith.constant 0 : i32
      %lt3A_555 = arith.cmpi slt, %rem3A_551, %lt3A_554 : i32
      %lt3A_556 = arith.constant 0 : i32
      %lt3A_557 = arith.cmpi slt, %select_n3A_550, %lt3A_556 : i32
      %ne3A_558 = arith.xori %lt3A_555, %lt3A_557 : i1
      %and3A_559 = arith.andi %ne3A_558, %ne3A_553 : i1
      %add3A_560 = arith.addi %rem3A_551, %select_n3A_550 : i32
      %select_n3A_561 = arith.select %and3A_559, %add3A_560, %rem3A_551 : i32
      %sub3A_562 = arith.constant 2 : i32
      %sub3A_563 = arith.subi %add3A_481, %sub3A_562 : i32
      %mul3A_564 = arith.constant 32768 : i32
      %mul3A_565 = arith.muli %sub3A_563, %mul3A_564 : i32
      %dma_wait3A_566 = tpu.memref_slice %arg4[%mul3A_565] : memref<34603008xf32, #tpu.memory_space<hbm>> -> memref<32768xf32, #tpu.memory_space<hbm>>
      %dma_wait3A_567 = tpu.memref_slice %arg4[%mul3A_565] : memref<34603008xf32, #tpu.memory_space<hbm>> -> memref<32768xf32, #tpu.memory_space<hbm>>
      tpu.wait_dma2 semaphore(%arg12 : memref<!tpu.dma_semaphore, #tpu.memory_space<semaphore_mem>>) src(%arg10 : memref<32768xf32, #tpu.memory_space<vmem>>) dst(%dma_wait3A_567 : memref<32768xf32, #tpu.memory_space<hbm>>)
      %sub3A_568 = arith.subi %select_n3A_505, %select_n3A : i32
      %scan3A_569 = arith.constant 0 : i32
      %scan3A_570 = arith.constant 0 : i32
      %scan3A_571 = arith.constant 8 : i32
      %scan3A_572 = arith.addi %scan3A_570, %scan3A_571 : i32
      %scan3A_573 = arith.constant 1 : i32
      scf.for %scan3A_683 = %scan3A_570 to %scan3A_572 step %scan3A_573  : i32 {
        %mul3A_684 = arith.constant 8 : i32
        %mul3A_685 = arith.muli %select_n3A_545, %mul3A_684 : i32
        %add3A_686 = arith.addi %mul3A_685, %scan3A_683 : i32
        %add3A_687 = arith.constant 0 : i32
        %add3A_688 = arith.addi %add3A_687, %add3A_686 : i32
        %broadcast_in_dim3A_689 = vector.broadcast %add3A_688 : i32 to vector<16xi32>
        %gather3A = tpu.vector_load_idx %arg6[%broadcast_in_dim3A_689] : memref<4480xf32, #tpu.memory_space<vmem>>[vector<16xi32>], vector<16xf32>,
        %mul3A_690 = arith.constant 4096 : i32
        %mul3A_691 = arith.muli %sub3A_568, %mul3A_690 : i32
        %mul3A_692 = arith.constant 64 : i32
        %mul3A_693 = arith.muli %add3A_686, %mul3A_692 : i32
        %add3A_694 = arith.addi %mul3A_691, %mul3A_693 : i32
        %add3A_695 = arith.constant 0 : i32
        %add3A_696 = arith.addi %add3A_694, %add3A_695 : i32
        %get3A_697 = arith.index_cast %add3A_696 : i32 to index
        %get3A_698 = tpu.vector_load %arg9[%get3A_697] {strides = array<i32>} : memref<8192xf32, #tpu.memory_space<vmem>>, vector<16xf32>,
        %mul3A_699 = arith.constant 4096 : i32
        %mul3A_700 = arith.muli %sub3A_568, %mul3A_699 : i32
        %mul3A_701 = arith.constant 64 : i32
        %mul3A_702 = arith.muli %add3A_686, %mul3A_701 : i32
        %add3A_703 = arith.addi %mul3A_700, %mul3A_702 : i32
        %add3A_704 = arith.constant 16 : i32
        %add3A_705 = arith.addi %add3A_703, %add3A_704 : i32
        %get3A_706 = arith.index_cast %add3A_705 : i32 to index
        %get3A_707 = tpu.vector_load %arg9[%get3A_706] {strides = array<i32>} : memref<8192xf32, #tpu.memory_space<vmem>>, vector<16xf32>,
        %mul3A_708 = arith.constant 4096 : i32
        %mul3A_709 = arith.muli %sub3A_568, %mul3A_708 : i32
        %mul3A_710 = arith.constant 64 : i32
        %mul3A_711 = arith.muli %add3A_686, %mul3A_710 : i32
        %add3A_712 = arith.addi %mul3A_709, %mul3A_711 : i32
        %add3A_713 = arith.constant 32 : i32
        %add3A_714 = arith.addi %add3A_712, %add3A_713 : i32
        %get3A_715 = arith.index_cast %add3A_714 : i32 to index
        %get3A_716 = tpu.vector_load %arg9[%get3A_715] {strides = array<i32>} : memref<8192xf32, #tpu.memory_space<vmem>>, vector<16xf32>,
        %mul3A_717 = arith.constant 4096 : i32
        %mul3A_718 = arith.muli %sub3A_568, %mul3A_717 : i32
        %mul3A_719 = arith.constant 64 : i32
        %mul3A_720 = arith.muli %add3A_686, %mul3A_719 : i32
        %add3A_721 = arith.addi %mul3A_718, %mul3A_720 : i32
        %add3A_722 = arith.constant 48 : i32
        %add3A_723 = arith.addi %add3A_721, %add3A_722 : i32
        %get3A_724 = arith.index_cast %add3A_723 : i32 to index
        %get3A_725 = tpu.vector_load %arg9[%get3A_724] {strides = array<i32>} : memref<8192xf32, #tpu.memory_space<vmem>>, vector<16xf32>,
        %parallel_loop3A_726 = arith.constant 0 : i32
        %parallel_loop3A_727 = arith.constant 64 : i32
        %parallel_loop3A_728 = arith.constant 1 : i32
        scf.for %parallel_loop3A_729 = %parallel_loop3A_726 to %parallel_loop3A_727 step %parallel_loop3A_728  : i32 {
          %parallel_loop3A_730 = arith.constant 16384 : i32
          %parallel_loop3A_731 = arith.muli %sub3A_568, %parallel_loop3A_730 : i32
          %parallel_loop3A_732 = arith.constant 4096 : i32
          %parallel_loop3A_733 = arith.muli %select_n3A_561, %parallel_loop3A_732 : i32
          %parallel_loop3A_734 = arith.addi %parallel_loop3A_731, %parallel_loop3A_733 : i32
          %parallel_loop3A_735 = arith.constant 64 : i32
          %parallel_loop3A_736 = arith.muli %parallel_loop3A_729, %parallel_loop3A_735 : i32
          %parallel_loop3A_737 = arith.addi %parallel_loop3A_734, %parallel_loop3A_736 : i32
          %parallel_loop3A_738 = arith.constant 0 : i32
          %parallel_loop3A_739 = arith.addi %parallel_loop3A_737, %parallel_loop3A_738 : i32
          %parallel_loop3A_740 = arith.constant 4 : i32
          %parallel_loop3A_741 = arith.muli %parallel_loop3A_729, %parallel_loop3A_740 : i32
          %parallel_loop3A_742 = arith.constant 0 : i32
          %parallel_loop3A_743 = arith.addi %parallel_loop3A_741, %parallel_loop3A_742 : i32
          %parallel_loop3A_744 = arith.constant 8 : i32
          %parallel_loop3A_745 = arith.divsi %parallel_loop3A_743, %parallel_loop3A_744 : i32
          %parallel_loop3A_746 = arith.constant 0 : i32
          %parallel_loop3A_747 = arith.cmpi sgt, %parallel_loop3A_743, %parallel_loop3A_746 : i32
          %parallel_loop3A_748 = arith.extui %parallel_loop3A_747 : i1 to i32
          %parallel_loop3A_749 = arith.constant 0 : i32
          %parallel_loop3A_750 = arith.cmpi slt, %parallel_loop3A_743, %parallel_loop3A_749 : i32
          %parallel_loop3A_751 = arith.extui %parallel_loop3A_750 : i1 to i32
          %parallel_loop3A_752 = arith.subi %parallel_loop3A_748, %parallel_loop3A_751 : i32
          %parallel_loop3A_753 = arith.constant 0 : i32
          %parallel_loop3A_754 = arith.cmpi sgt, %parallel_loop3A_744, %parallel_loop3A_753 : i32
          %parallel_loop3A_755 = arith.extui %parallel_loop3A_754 : i1 to i32
          %parallel_loop3A_756 = arith.constant 0 : i32
          %parallel_loop3A_757 = arith.cmpi slt, %parallel_loop3A_744, %parallel_loop3A_756 : i32
          %parallel_loop3A_758 = arith.extui %parallel_loop3A_757 : i1 to i32
          %parallel_loop3A_759 = arith.subi %parallel_loop3A_755, %parallel_loop3A_758 : i32
          %parallel_loop3A_760 = arith.cmpi ne, %parallel_loop3A_752, %parallel_loop3A_759 : i32
          %parallel_loop3A_761 = arith.remsi %parallel_loop3A_743, %parallel_loop3A_744 : i32
          %parallel_loop3A_762 = arith.constant 0 : i32
          %parallel_loop3A_763 = arith.cmpi ne, %parallel_loop3A_761, %parallel_loop3A_762 : i32
          %parallel_loop3A_764 = arith.andi %parallel_loop3A_760, %parallel_loop3A_763 : i1
          %parallel_loop3A_765 = arith.constant 1 : i32
          %parallel_loop3A_766 = arith.subi %parallel_loop3A_745, %parallel_loop3A_765 : i32
          %parallel_loop3A_767 = arith.select %parallel_loop3A_764, %parallel_loop3A_766, %parallel_loop3A_745 : i32
          %parallel_loop3A_768 = arith.constant 1024 : i32
          %parallel_loop3A_769 = arith.muli %parallel_loop3A_767, %parallel_loop3A_768 : i32
          %parallel_loop3A_770 = arith.constant 128 : i32
          %parallel_loop3A_771 = arith.muli %scan3A_683, %parallel_loop3A_770 : i32
          %parallel_loop3A_772 = arith.addi %parallel_loop3A_769, %parallel_loop3A_771 : i32
          %parallel_loop3A_773 = arith.constant 8 : i32
          %parallel_loop3A_774 = arith.constant 0 : i32
          %parallel_loop3A_775 = arith.cmpi eq, %parallel_loop3A_773, %parallel_loop3A_774 : i32
          %parallel_loop3A_776 = arith.constant 1 : i32
          %parallel_loop3A_777 = arith.select %parallel_loop3A_775, %parallel_loop3A_776, %parallel_loop3A_773 : i32
          %parallel_loop3A_778 = arith.remsi %parallel_loop3A_743, %parallel_loop3A_777 : i32
          %parallel_loop3A_779 = arith.constant 0 : i32
          %parallel_loop3A_780 = arith.cmpi ne, %parallel_loop3A_778, %parallel_loop3A_779 : i32
          %parallel_loop3A_781 = arith.constant 0 : i32
          %parallel_loop3A_782 = arith.cmpi slt, %parallel_loop3A_778, %parallel_loop3A_781 : i32
          %parallel_loop3A_783 = arith.constant 0 : i32
          %parallel_loop3A_784 = arith.cmpi slt, %parallel_loop3A_777, %parallel_loop3A_783 : i32
          %parallel_loop3A_785 = arith.xori %parallel_loop3A_782, %parallel_loop3A_784 : i1
          %parallel_loop3A_786 = arith.andi %parallel_loop3A_785, %parallel_loop3A_780 : i1
          %parallel_loop3A_787 = arith.addi %parallel_loop3A_778, %parallel_loop3A_777 : i32
          %parallel_loop3A_788 = arith.select %parallel_loop3A_786, %parallel_loop3A_787, %parallel_loop3A_778 : i32
          %parallel_loop3A_789 = arith.constant 16 : i32
          %parallel_loop3A_790 = arith.muli %parallel_loop3A_788, %parallel_loop3A_789 : i32
          %parallel_loop3A_791 = arith.addi %parallel_loop3A_772, %parallel_loop3A_790 : i32
          %parallel_loop3A_792 = arith.index_cast %parallel_loop3A_739 : i32 to index
          %parallel_loop3A_793 = tpu.vector_load %arg5[%parallel_loop3A_792] {strides = array<i32>} : memref<32768xf32, #tpu.memory_space<vmem>>, vector<16xf32>,
          %parallel_loop3A_794 = arith.mulf %parallel_loop3A_793, %gather3A : vector<16xf32>
          %parallel_loop3A_795 = arith.addf %parallel_loop3A_794, %get3A_698 : vector<16xf32>
          %parallel_loop3A_796 = arith.index_cast %parallel_loop3A_791 : i32 to index
          %parallel_loop3A_797 = tpu.vector_load %arg10[%parallel_loop3A_796] {strides = array<i32>} : memref<32768xf32, #tpu.memory_space<vmem>>, vector<16xf32>,
          tpu.vector_store %arg10[%parallel_loop3A_796], %parallel_loop3A_795 {strides = array<i32>} : memref<32768xf32, #tpu.memory_space<vmem>>, vector<16xf32>,
          %parallel_loop3A_798 = arith.constant 16384 : i32
          %parallel_loop3A_799 = arith.muli %sub3A_568, %parallel_loop3A_798 : i32
          %parallel_loop3A_800 = arith.constant 4096 : i32
          %parallel_loop3A_801 = arith.muli %select_n3A_561, %parallel_loop3A_800 : i32
          %parallel_loop3A_802 = arith.addi %parallel_loop3A_799, %parallel_loop3A_801 : i32
          %parallel_loop3A_803 = arith.constant 64 : i32
          %parallel_loop3A_804 = arith.muli %parallel_loop3A_729, %parallel_loop3A_803 : i32
          %parallel_loop3A_805 = arith.addi %parallel_loop3A_802, %parallel_loop3A_804 : i32
          %parallel_loop3A_806 = arith.constant 16 : i32
          %parallel_loop3A_807 = arith.addi %parallel_loop3A_805, %parallel_loop3A_806 : i32
          %parallel_loop3A_808 = arith.constant 4 : i32
          %parallel_loop3A_809 = arith.muli %parallel_loop3A_729, %parallel_loop3A_808 : i32
          %parallel_loop3A_810 = arith.constant 1 : i32
          %parallel_loop3A_811 = arith.addi %parallel_loop3A_809, %parallel_loop3A_810 : i32
          %parallel_loop3A_812 = arith.constant 8 : i32
          %parallel_loop3A_813 = arith.divsi %parallel_loop3A_811, %parallel_loop3A_812 : i32
          %parallel_loop3A_814 = arith.constant 0 : i32
          %parallel_loop3A_815 = arith.cmpi sgt, %parallel_loop3A_811, %parallel_loop3A_814 : i32
          %parallel_loop3A_816 = arith.extui %parallel_loop3A_815 : i1 to i32
          %parallel_loop3A_817 = arith.constant 0 : i32
          %parallel_loop3A_818 = arith.cmpi slt, %parallel_loop3A_811, %parallel_loop3A_817 : i32
          %parallel_loop3A_819 = arith.extui %parallel_loop3A_818 : i1 to i32
          %parallel_loop3A_820 = arith.subi %parallel_loop3A_816, %parallel_loop3A_819 : i32
          %parallel_loop3A_821 = arith.constant 0 : i32
          %parallel_loop3A_822 = arith.cmpi sgt, %parallel_loop3A_812, %parallel_loop3A_821 : i32
          %parallel_loop3A_823 = arith.extui %parallel_loop3A_822 : i1 to i32
          %parallel_loop3A_824 = arith.constant 0 : i32
          %parallel_loop3A_825 = arith.cmpi slt, %parallel_loop3A_812, %parallel_loop3A_824 : i32
          %parallel_loop3A_826 = arith.extui %parallel_loop3A_825 : i1 to i32
          %parallel_loop3A_827 = arith.subi %parallel_loop3A_823, %parallel_loop3A_826 : i32
          %parallel_loop3A_828 = arith.cmpi ne, %parallel_loop3A_820, %parallel_loop3A_827 : i32
          %parallel_loop3A_829 = arith.remsi %parallel_loop3A_811, %parallel_loop3A_812 : i32
          %parallel_loop3A_830 = arith.constant 0 : i32
          %parallel_loop3A_831 = arith.cmpi ne, %parallel_loop3A_829, %parallel_loop3A_830 : i32
          %parallel_loop3A_832 = arith.andi %parallel_loop3A_828, %parallel_loop3A_831 : i1
          %parallel_loop3A_833 = arith.constant 1 : i32
          %parallel_loop3A_834 = arith.subi %parallel_loop3A_813, %parallel_loop3A_833 : i32
          %parallel_loop3A_835 = arith.select %parallel_loop3A_832, %parallel_loop3A_834, %parallel_loop3A_813 : i32
          %parallel_loop3A_836 = arith.constant 1024 : i32
          %parallel_loop3A_837 = arith.muli %parallel_loop3A_835, %parallel_loop3A_836 : i32
          %parallel_loop3A_838 = arith.constant 128 : i32
          %parallel_loop3A_839 = arith.muli %scan3A_683, %parallel_loop3A_838 : i32
          %parallel_loop3A_840 = arith.addi %parallel_loop3A_837, %parallel_loop3A_839 : i32
          %parallel_loop3A_841 = arith.constant 8 : i32
          %parallel_loop3A_842 = arith.constant 0 : i32
          %parallel_loop3A_843 = arith.cmpi eq, %parallel_loop3A_841, %parallel_loop3A_842 : i32
          %parallel_loop3A_844 = arith.constant 1 : i32
          %parallel_loop3A_845 = arith.select %parallel_loop3A_843, %parallel_loop3A_844, %parallel_loop3A_841 : i32
          %parallel_loop3A_846 = arith.remsi %parallel_loop3A_811, %parallel_loop3A_845 : i32
          %parallel_loop3A_847 = arith.constant 0 : i32
          %parallel_loop3A_848 = arith.cmpi ne, %parallel_loop3A_846, %parallel_loop3A_847 : i32
          %parallel_loop3A_849 = arith.constant 0 : i32
          %parallel_loop3A_850 = arith.cmpi slt, %parallel_loop3A_846, %parallel_loop3A_849 : i32
          %parallel_loop3A_851 = arith.constant 0 : i32
          %parallel_loop3A_852 = arith.cmpi slt, %parallel_loop3A_845, %parallel_loop3A_851 : i32
          %parallel_loop3A_853 = arith.xori %parallel_loop3A_850, %parallel_loop3A_852 : i1
          %parallel_loop3A_854 = arith.andi %parallel_loop3A_853, %parallel_loop3A_848 : i1
          %parallel_loop3A_855 = arith.addi %parallel_loop3A_846, %parallel_loop3A_845 : i32
          %parallel_loop3A_856 = arith.select %parallel_loop3A_854, %parallel_loop3A_855, %parallel_loop3A_846 : i32
          %parallel_loop3A_857 = arith.constant 16 : i32
          %parallel_loop3A_858 = arith.muli %parallel_loop3A_856, %parallel_loop3A_857 : i32
          %parallel_loop3A_859 = arith.addi %parallel_loop3A_840, %parallel_loop3A_858 : i32
          %parallel_loop3A_860 = arith.index_cast %parallel_loop3A_807 : i32 to index
          %parallel_loop3A_861 = tpu.vector_load %arg5[%parallel_loop3A_860] {strides = array<i32>} : memref<32768xf32, #tpu.memory_space<vmem>>, vector<16xf32>,
          %parallel_loop3A_862 = arith.mulf %parallel_loop3A_861, %gather3A : vector<16xf32>
          %parallel_loop3A_863 = arith.addf %parallel_loop3A_862, %get3A_707 : vector<16xf32>
          %parallel_loop3A_864 = arith.index_cast %parallel_loop3A_859 : i32 to index
          %parallel_loop3A_865 = tpu.vector_load %arg10[%parallel_loop3A_864] {strides = array<i32>} : memref<32768xf32, #tpu.memory_space<vmem>>, vector<16xf32>,
          tpu.vector_store %arg10[%parallel_loop3A_864], %parallel_loop3A_863 {strides = array<i32>} : memref<32768xf32, #tpu.memory_space<vmem>>, vector<16xf32>,
          %parallel_loop3A_866 = arith.constant 16384 : i32
          %parallel_loop3A_867 = arith.muli %sub3A_568, %parallel_loop3A_866 : i32
          %parallel_loop3A_868 = arith.constant 4096 : i32
          %parallel_loop3A_869 = arith.muli %select_n3A_561, %parallel_loop3A_868 : i32
          %parallel_loop3A_870 = arith.addi %parallel_loop3A_867, %parallel_loop3A_869 : i32
          %parallel_loop3A_871 = arith.constant 64 : i32
          %parallel_loop3A_872 = arith.muli %parallel_loop3A_729, %parallel_loop3A_871 : i32
          %parallel_loop3A_873 = arith.addi %parallel_loop3A_870, %parallel_loop3A_872 : i32
          %parallel_loop3A_874 = arith.constant 32 : i32
          %parallel_loop3A_875 = arith.addi %parallel_loop3A_873, %parallel_loop3A_874 : i32
          %parallel_loop3A_876 = arith.constant 4 : i32
          %parallel_loop3A_877 = arith.muli %parallel_loop3A_729, %parallel_loop3A_876 : i32
          %parallel_loop3A_878 = arith.constant 2 : i32
          %parallel_loop3A_879 = arith.addi %parallel_loop3A_877, %parallel_loop3A_878 : i32
          %parallel_loop3A_880 = arith.constant 8 : i32
          %parallel_loop3A_881 = arith.divsi %parallel_loop3A_879, %parallel_loop3A_880 : i32
          %parallel_loop3A_882 = arith.constant 0 : i32
          %parallel_loop3A_883 = arith.cmpi sgt, %parallel_loop3A_879, %parallel_loop3A_882 : i32
          %parallel_loop3A_884 = arith.extui %parallel_loop3A_883 : i1 to i32
          %parallel_loop3A_885 = arith.constant 0 : i32
          %parallel_loop3A_886 = arith.cmpi slt, %parallel_loop3A_879, %parallel_loop3A_885 : i32
          %parallel_loop3A_887 = arith.extui %parallel_loop3A_886 : i1 to i32
          %parallel_loop3A_888 = arith.subi %parallel_loop3A_884, %parallel_loop3A_887 : i32
          %parallel_loop3A_889 = arith.constant 0 : i32
          %parallel_loop3A_890 = arith.cmpi sgt, %parallel_loop3A_880, %parallel_loop3A_889 : i32
          %parallel_loop3A_891 = arith.extui %parallel_loop3A_890 : i1 to i32
          %parallel_loop3A_892 = arith.constant 0 : i32
          %parallel_loop3A_893 = arith.cmpi slt, %parallel_loop3A_880, %parallel_loop3A_892 : i32
          %parallel_loop3A_894 = arith.extui %parallel_loop3A_893 : i1 to i32
          %parallel_loop3A_895 = arith.subi %parallel_loop3A_891, %parallel_loop3A_894 : i32
          %parallel_loop3A_896 = arith.cmpi ne, %parallel_loop3A_888, %parallel_loop3A_895 : i32
          %parallel_loop3A_897 = arith.remsi %parallel_loop3A_879, %parallel_loop3A_880 : i32
          %parallel_loop3A_898 = arith.constant 0 : i32
          %parallel_loop3A_899 = arith.cmpi ne, %parallel_loop3A_897, %parallel_loop3A_898 : i32
          %parallel_loop3A_900 = arith.andi %parallel_loop3A_896, %parallel_loop3A_899 : i1
          %parallel_loop3A_901 = arith.constant 1 : i32
          %parallel_loop3A_902 = arith.subi %parallel_loop3A_881, %parallel_loop3A_901 : i32
          %parallel_loop3A_903 = arith.select %parallel_loop3A_900, %parallel_loop3A_902, %parallel_loop3A_881 : i32
          %parallel_loop3A_904 = arith.constant 1024 : i32
          %parallel_loop3A_905 = arith.muli %parallel_loop3A_903, %parallel_loop3A_904 : i32
          %parallel_loop3A_906 = arith.constant 128 : i32
          %parallel_loop3A_907 = arith.muli %scan3A_683, %parallel_loop3A_906 : i32
          %parallel_loop3A_908 = arith.addi %parallel_loop3A_905, %parallel_loop3A_907 : i32
          %parallel_loop3A_909 = arith.constant 8 : i32
          %parallel_loop3A_910 = arith.constant 0 : i32
          %parallel_loop3A_911 = arith.cmpi eq, %parallel_loop3A_909, %parallel_loop3A_910 : i32
          %parallel_loop3A_912 = arith.constant 1 : i32
          %parallel_loop3A_913 = arith.select %parallel_loop3A_911, %parallel_loop3A_912, %parallel_loop3A_909 : i32
          %parallel_loop3A_914 = arith.remsi %parallel_loop3A_879, %parallel_loop3A_913 : i32
          %parallel_loop3A_915 = arith.constant 0 : i32
          %parallel_loop3A_916 = arith.cmpi ne, %parallel_loop3A_914, %parallel_loop3A_915 : i32
          %parallel_loop3A_917 = arith.constant 0 : i32
          %parallel_loop3A_918 = arith.cmpi slt, %parallel_loop3A_914, %parallel_loop3A_917 : i32
          %parallel_loop3A_919 = arith.constant 0 : i32
          %parallel_loop3A_920 = arith.cmpi slt, %parallel_loop3A_913, %parallel_loop3A_919 : i32
          %parallel_loop3A_921 = arith.xori %parallel_loop3A_918, %parallel_loop3A_920 : i1
          %parallel_loop3A_922 = arith.andi %parallel_loop3A_921, %parallel_loop3A_916 : i1
          %parallel_loop3A_923 = arith.addi %parallel_loop3A_914, %parallel_loop3A_913 : i32
          %parallel_loop3A_924 = arith.select %parallel_loop3A_922, %parallel_loop3A_923, %parallel_loop3A_914 : i32
          %parallel_loop3A_925 = arith.constant 16 : i32
          %parallel_loop3A_926 = arith.muli %parallel_loop3A_924, %parallel_loop3A_925 : i32
          %parallel_loop3A_927 = arith.addi %parallel_loop3A_908, %parallel_loop3A_926 : i32
          %parallel_loop3A_928 = arith.index_cast %parallel_loop3A_875 : i32 to index
          %parallel_loop3A_929 = tpu.vector_load %arg5[%parallel_loop3A_928] {strides = array<i32>} : memref<32768xf32, #tpu.memory_space<vmem>>, vector<16xf32>,
          %parallel_loop3A_930 = arith.mulf %parallel_loop3A_929, %gather3A : vector<16xf32>
          %parallel_loop3A_931 = arith.addf %parallel_loop3A_930, %get3A_716 : vector<16xf32>
          %parallel_loop3A_932 = arith.index_cast %parallel_loop3A_927 : i32 to index
          %parallel_loop3A_933 = tpu.vector_load %arg10[%parallel_loop3A_932] {strides = array<i32>} : memref<32768xf32, #tpu.memory_space<vmem>>, vector<16xf32>,
          tpu.vector_store %arg10[%parallel_loop3A_932], %parallel_loop3A_931 {strides = array<i32>} : memref<32768xf32, #tpu.memory_space<vmem>>, vector<16xf32>,
          %parallel_loop3A_934 = arith.constant 16384 : i32
          %parallel_loop3A_935 = arith.muli %sub3A_568, %parallel_loop3A_934 : i32
          %parallel_loop3A_936 = arith.constant 4096 : i32
          %parallel_loop3A_937 = arith.muli %select_n3A_561, %parallel_loop3A_936 : i32
          %parallel_loop3A_938 = arith.addi %parallel_loop3A_935, %parallel_loop3A_937 : i32
          %parallel_loop3A_939 = arith.constant 64 : i32
          %parallel_loop3A_940 = arith.muli %parallel_loop3A_729, %parallel_loop3A_939 : i32
          %parallel_loop3A_941 = arith.addi %parallel_loop3A_938, %parallel_loop3A_940 : i32
          %parallel_loop3A_942 = arith.constant 48 : i32
          %parallel_loop3A_943 = arith.addi %parallel_loop3A_941, %parallel_loop3A_942 : i32
          %parallel_loop3A_944 = arith.constant 4 : i32
          %parallel_loop3A_945 = arith.muli %parallel_loop3A_729, %parallel_loop3A_944 : i32
          %parallel_loop3A_946 = arith.constant 3 : i32
          %parallel_loop3A_947 = arith.addi %parallel_loop3A_945, %parallel_loop3A_946 : i32
          %parallel_loop3A_948 = arith.constant 8 : i32
          %parallel_loop3A_949 = arith.divsi %parallel_loop3A_947, %parallel_loop3A_948 : i32
          %parallel_loop3A_950 = arith.constant 0 : i32
          %parallel_loop3A_951 = arith.cmpi sgt, %parallel_loop3A_947, %parallel_loop3A_950 : i32
          %parallel_loop3A_952 = arith.extui %parallel_loop3A_951 : i1 to i32
          %parallel_loop3A_953 = arith.constant 0 : i32
          %parallel_loop3A_954 = arith.cmpi slt, %parallel_loop3A_947, %parallel_loop3A_953 : i32
          %parallel_loop3A_955 = arith.extui %parallel_loop3A_954 : i1 to i32
          %parallel_loop3A_956 = arith.subi %parallel_loop3A_952, %parallel_loop3A_955 : i32
          %parallel_loop3A_957 = arith.constant 0 : i32
          %parallel_loop3A_958 = arith.cmpi sgt, %parallel_loop3A_948, %parallel_loop3A_957 : i32
          %parallel_loop3A_959 = arith.extui %parallel_loop3A_958 : i1 to i32
          %parallel_loop3A_960 = arith.constant 0 : i32
          %parallel_loop3A_961 = arith.cmpi slt, %parallel_loop3A_948, %parallel_loop3A_960 : i32
          %parallel_loop3A_962 = arith.extui %parallel_loop3A_961 : i1 to i32
          %parallel_loop3A_963 = arith.subi %parallel_loop3A_959, %parallel_loop3A_962 : i32
          %parallel_loop3A_964 = arith.cmpi ne, %parallel_loop3A_956, %parallel_loop3A_963 : i32
          %parallel_loop3A_965 = arith.remsi %parallel_loop3A_947, %parallel_loop3A_948 : i32
          %parallel_loop3A_966 = arith.constant 0 : i32
          %parallel_loop3A_967 = arith.cmpi ne, %parallel_loop3A_965, %parallel_loop3A_966 : i32
          %parallel_loop3A_968 = arith.andi %parallel_loop3A_964, %parallel_loop3A_967 : i1
          %parallel_loop3A_969 = arith.constant 1 : i32
          %parallel_loop3A_970 = arith.subi %parallel_loop3A_949, %parallel_loop3A_969 : i32
          %parallel_loop3A_971 = arith.select %parallel_loop3A_968, %parallel_loop3A_970, %parallel_loop3A_949 : i32
          %parallel_loop3A_972 = arith.constant 1024 : i32
          %parallel_loop3A_973 = arith.muli %parallel_loop3A_971, %parallel_loop3A_972 : i32
          %parallel_loop3A_974 = arith.constant 128 : i32
          %parallel_loop3A_975 = arith.muli %scan3A_683, %parallel_loop3A_974 : i32
          %parallel_loop3A_976 = arith.addi %parallel_loop3A_973, %parallel_loop3A_975 : i32
          %parallel_loop3A_977 = arith.constant 8 : i32
          %parallel_loop3A_978 = arith.constant 0 : i32
          %parallel_loop3A_979 = arith.cmpi eq, %parallel_loop3A_977, %parallel_loop3A_978 : i32
          %parallel_loop3A_980 = arith.constant 1 : i32
          %parallel_loop3A_981 = arith.select %parallel_loop3A_979, %parallel_loop3A_980, %parallel_loop3A_977 : i32
          %parallel_loop3A_982 = arith.remsi %parallel_loop3A_947, %parallel_loop3A_981 : i32
          %parallel_loop3A_983 = arith.constant 0 : i32
          %parallel_loop3A_984 = arith.cmpi ne, %parallel_loop3A_982, %parallel_loop3A_983 : i32
          %parallel_loop3A_985 = arith.constant 0 : i32
          %parallel_loop3A_986 = arith.cmpi slt, %parallel_loop3A_982, %parallel_loop3A_985 : i32
          %parallel_loop3A_987 = arith.constant 0 : i32
          %parallel_loop3A_988 = arith.cmpi slt, %parallel_loop3A_981, %parallel_loop3A_987 : i32
          %parallel_loop3A_989 = arith.xori %parallel_loop3A_986, %parallel_loop3A_988 : i1
          %parallel_loop3A_990 = arith.andi %parallel_loop3A_989, %parallel_loop3A_984 : i1
          %parallel_loop3A_991 = arith.addi %parallel_loop3A_982, %parallel_loop3A_981 : i32
          %parallel_loop3A_992 = arith.select %parallel_loop3A_990, %parallel_loop3A_991, %parallel_loop3A_982 : i32
          %parallel_loop3A_993 = arith.constant 16 : i32
          %parallel_loop3A_994 = arith.muli %parallel_loop3A_992, %parallel_loop3A_993 : i32
          %parallel_loop3A_995 = arith.addi %parallel_loop3A_976, %parallel_loop3A_994 : i32
          %parallel_loop3A_996 = arith.index_cast %parallel_loop3A_943 : i32 to index
          %parallel_loop3A_997 = tpu.vector_load %arg5[%parallel_loop3A_996] {strides = array<i32>} : memref<32768xf32, #tpu.memory_space<vmem>>, vector<16xf32>,
          %parallel_loop3A_998 = arith.mulf %parallel_loop3A_997, %gather3A : vector<16xf32>
          %parallel_loop3A_999 = arith.addf %parallel_loop3A_998, %get3A_725 : vector<16xf32>
          %parallel_loop3A_1000 = arith.index_cast %parallel_loop3A_995 : i32 to index
          %parallel_loop3A_1001 = tpu.vector_load %arg10[%parallel_loop3A_1000] {strides = array<i32>} : memref<32768xf32, #tpu.memory_space<vmem>>, vector<16xf32>,
          tpu.vector_store %arg10[%parallel_loop3A_1000], %parallel_loop3A_999 {strides = array<i32>} : memref<32768xf32, #tpu.memory_space<vmem>>, vector<16xf32>,
        } {sc.loop_unroll_factor = 8 : i64, sc.parallel_access}
      }
      %scan3A_574 = arith.constant 8 : i32
      %mul3A_575 = arith.constant 32768 : i32
      %mul3A_576 = arith.muli %add3A_481, %mul3A_575 : i32
      %dma_start3A_577 = tpu.memref_slice %arg4[%mul3A_576] : memref<34603008xf32, #tpu.memory_space<hbm>> -> memref<32768xf32, #tpu.memory_space<hbm>>
      %dma_start3A_578 = tpu.memref_slice %arg4[%mul3A_576] : memref<34603008xf32, #tpu.memory_space<hbm>> -> memref<32768xf32, #tpu.memory_space<hbm>>
      tpu.enqueue_dma source(%arg10 : memref<32768xf32, #tpu.memory_space<vmem>>) target(%dma_start3A_578 : memref<32768xf32, #tpu.memory_space<hbm>>) target_semaphore(%arg12 : memref<!tpu.dma_semaphore, #tpu.memory_space<semaphore_mem>>)
      %mul3A_579 = arith.constant 2 : i32
      %mul3A_580 = arith.muli %mul3A_579, %scan3A_476 : i32
      %add3A_581 = arith.constant 1 : i32
      %add3A_582 = arith.addi %mul3A_580, %add3A_581 : i32
      %mul3A_583 = arith.constant 33 : i32
      %mul3A_584 = arith.muli %add3A, %mul3A_583 : i32
      %add3A_585 = arith.addi %mul3A_584, %add3A_582 : i32
      %jit3A_586 = arith.constant 32 : i32
      %div3A_587 = arith.divsi %add3A_585, %jit3A_586 : i32
      %sign3A_588 = arith.constant 0 : i32
      %sign3A_589 = arith.cmpi sgt, %add3A_585, %sign3A_588 : i32
      %sign3A_590 = arith.extui %sign3A_589 : i1 to i32
      %sign3A_591 = arith.constant 0 : i32
      %sign3A_592 = arith.cmpi slt, %add3A_585, %sign3A_591 : i32
      %sign3A_593 = arith.extui %sign3A_592 : i1 to i32
      %sign3A_594 = arith.subi %sign3A_590, %sign3A_593 : i32
      %sign3A_595 = arith.constant 0 : i32
      %sign3A_596 = arith.cmpi sgt, %jit3A_586, %sign3A_595 : i32
      %sign3A_597 = arith.extui %sign3A_596 : i1 to i32
      %sign3A_598 = arith.constant 0 : i32
      %sign3A_599 = arith.cmpi slt, %jit3A_586, %sign3A_598 : i32
      %sign3A_600 = arith.extui %sign3A_599 : i1 to i32
      %sign3A_601 = arith.subi %sign3A_597, %sign3A_600 : i32
      %ne3A_602 = arith.cmpi ne, %sign3A_594, %sign3A_601 : i32
      %rem3A_603 = arith.remsi %add3A_585, %jit3A_586 : i32
      %ne3A_604 = arith.constant 0 : i32
      %ne3A_605 = arith.cmpi ne, %rem3A_603, %ne3A_604 : i32
      %and3A_606 = arith.andi %ne3A_602, %ne3A_605 : i1
      %sub3A_607 = arith.constant 1 : i32
      %sub3A_608 = arith.subi %div3A_587, %sub3A_607 : i32
      %select_n3A_609 = arith.select %and3A_606, %sub3A_608, %div3A_587 : i32
      %jit3A_610 = arith.constant 32 : i32
      %eq3A_611 = arith.constant 0 : i32
      %eq3A_612 = arith.cmpi eq, %jit3A_610, %eq3A_611 : i32
      %jit3A_613 = arith.constant 1 : i32
      %select_n3A_614 = arith.select %eq3A_612, %jit3A_613, %jit3A_610 : i32
      %rem3A_615 = arith.remsi %add3A_585, %select_n3A_614 : i32
      %ne3A_616 = arith.constant 0 : i32
      %ne3A_617 = arith.cmpi ne, %rem3A_615, %ne3A_616 : i32
      %lt3A_618 = arith.constant 0 : i32
      %lt3A_619 = arith.cmpi slt, %rem3A_615, %lt3A_618 : i32
      %lt3A_620 = arith.constant 0 : i32
      %lt3A_621 = arith.cmpi slt, %select_n3A_614, %lt3A_620 : i32
      %ne3A_622 = arith.xori %lt3A_619, %lt3A_621 : i1
      %and3A_623 = arith.andi %ne3A_622, %ne3A_617 : i1
      %add3A_624 = arith.addi %rem3A_615, %select_n3A_614 : i32
      %select_n3A_625 = arith.select %and3A_623, %add3A_624, %rem3A_615 : i32
      %jit3A_626 = arith.constant 4 : i32
      %div3A_627 = arith.divsi %select_n3A_625, %jit3A_626 : i32
      %sign3A_628 = arith.constant 0 : i32
      %sign3A_629 = arith.cmpi sgt, %select_n3A_625, %sign3A_628 : i32
      %sign3A_630 = arith.extui %sign3A_629 : i1 to i32
      %sign3A_631 = arith.constant 0 : i32
      %sign3A_632 = arith.cmpi slt, %select_n3A_625, %sign3A_631 : i32
      %sign3A_633 = arith.extui %sign3A_632 : i1 to i32
      %sign3A_634 = arith.subi %sign3A_630, %sign3A_633 : i32
      %sign3A_635 = arith.constant 0 : i32
      %sign3A_636 = arith.cmpi sgt, %jit3A_626, %sign3A_635 : i32
      %sign3A_637 = arith.extui %sign3A_636 : i1 to i32
      %sign3A_638 = arith.constant 0 : i32
      %sign3A_639 = arith.cmpi slt, %jit3A_626, %sign3A_638 : i32
      %sign3A_640 = arith.extui %sign3A_639 : i1 to i32
      %sign3A_641 = arith.subi %sign3A_637, %sign3A_640 : i32
      %ne3A_642 = arith.cmpi ne, %sign3A_634, %sign3A_641 : i32
      %rem3A_643 = arith.remsi %select_n3A_625, %jit3A_626 : i32
      %ne3A_644 = arith.constant 0 : i32
      %ne3A_645 = arith.cmpi ne, %rem3A_643, %ne3A_644 : i32
      %and3A_646 = arith.andi %ne3A_642, %ne3A_645 : i1
      %sub3A_647 = arith.constant 1 : i32
      %sub3A_648 = arith.subi %div3A_627, %sub3A_647 : i32
      %select_n3A_649 = arith.select %and3A_646, %sub3A_648, %div3A_627 : i32
      %jit3A_650 = arith.constant 4 : i32
      %eq3A_651 = arith.constant 0 : i32
      %eq3A_652 = arith.cmpi eq, %jit3A_650, %eq3A_651 : i32
      %jit3A_653 = arith.constant 1 : i32
      %select_n3A_654 = arith.select %eq3A_652, %jit3A_653, %jit3A_650 : i32
      %rem3A_655 = arith.remsi %select_n3A_625, %select_n3A_654 : i32
      %ne3A_656 = arith.constant 0 : i32
      %ne3A_657 = arith.cmpi ne, %rem3A_655, %ne3A_656 : i32
      %lt3A_658 = arith.constant 0 : i32
      %lt3A_659 = arith.cmpi slt, %rem3A_655, %lt3A_658 : i32
      %lt3A_660 = arith.constant 0 : i32
      %lt3A_661 = arith.cmpi slt, %select_n3A_654, %lt3A_660 : i32
      %ne3A_662 = arith.xori %lt3A_659, %lt3A_661 : i1
      %and3A_663 = arith.andi %ne3A_662, %ne3A_657 : i1
      %add3A_664 = arith.addi %rem3A_655, %select_n3A_654 : i32
      %select_n3A_665 = arith.select %and3A_663, %add3A_664, %rem3A_655 : i32
      %sub3A_666 = arith.constant 2 : i32
      %sub3A_667 = arith.subi %add3A_585, %sub3A_666 : i32
      %mul3A_668 = arith.constant 32768 : i32
      %mul3A_669 = arith.muli %sub3A_667, %mul3A_668 : i32
      %dma_wait3A_670 = tpu.memref_slice %arg4[%mul3A_669] : memref<34603008xf32, #tpu.memory_space<hbm>> -> memref<32768xf32, #tpu.memory_space<hbm>>
      %dma_wait3A_671 = tpu.memref_slice %arg4[%mul3A_669] : memref<34603008xf32, #tpu.memory_space<hbm>> -> memref<32768xf32, #tpu.memory_space<hbm>>
      tpu.wait_dma2 semaphore(%arg13 : memref<!tpu.dma_semaphore, #tpu.memory_space<semaphore_mem>>) src(%arg11 : memref<32768xf32, #tpu.memory_space<vmem>>) dst(%dma_wait3A_671 : memref<32768xf32, #tpu.memory_space<hbm>>)
      %sub3A_672 = arith.subi %select_n3A_609, %select_n3A : i32
      %scan3A_673 = arith.constant 0 : i32
      %scan3A_674 = arith.constant 0 : i32
      %scan3A_675 = arith.constant 8 : i32
      %scan3A_676 = arith.addi %scan3A_674, %scan3A_675 : i32
      %scan3A_677 = arith.constant 1 : i32
      scf.for %scan3A_683 = %scan3A_674 to %scan3A_676 step %scan3A_677  : i32 {
        %mul3A_684 = arith.constant 8 : i32
        %mul3A_685 = arith.muli %select_n3A_649, %mul3A_684 : i32
        %add3A_686 = arith.addi %mul3A_685, %scan3A_683 : i32
        %add3A_687 = arith.constant 0 : i32
        %add3A_688 = arith.addi %add3A_687, %add3A_686 : i32
        %broadcast_in_dim3A_689 = vector.broadcast %add3A_688 : i32 to vector<16xi32>
        %gather3A = tpu.vector_load_idx %arg6[%broadcast_in_dim3A_689] : memref<4480xf32, #tpu.memory_space<vmem>>[vector<16xi32>], vector<16xf32>,
        %mul3A_690 = arith.constant 4096 : i32
        %mul3A_691 = arith.muli %sub3A_672, %mul3A_690 : i32
        %mul3A_692 = arith.constant 64 : i32
        %mul3A_693 = arith.muli %add3A_686, %mul3A_692 : i32
        %add3A_694 = arith.addi %mul3A_691, %mul3A_693 : i32
        %add3A_695 = arith.constant 0 : i32
        %add3A_696 = arith.addi %add3A_694, %add3A_695 : i32
        %get3A_697 = arith.index_cast %add3A_696 : i32 to index
        %get3A_698 = tpu.vector_load %arg9[%get3A_697] {strides = array<i32>} : memref<8192xf32, #tpu.memory_space<vmem>>, vector<16xf32>,
        %mul3A_699 = arith.constant 4096 : i32
        %mul3A_700 = arith.muli %sub3A_672, %mul3A_699 : i32
        %mul3A_701 = arith.constant 64 : i32
        %mul3A_702 = arith.muli %add3A_686, %mul3A_701 : i32
        %add3A_703 = arith.addi %mul3A_700, %mul3A_702 : i32
        %add3A_704 = arith.constant 16 : i32
        %add3A_705 = arith.addi %add3A_703, %add3A_704 : i32
        %get3A_706 = arith.index_cast %add3A_705 : i32 to index
        %get3A_707 = tpu.vector_load %arg9[%get3A_706] {strides = array<i32>} : memref<8192xf32, #tpu.memory_space<vmem>>, vector<16xf32>,
        %mul3A_708 = arith.constant 4096 : i32
        %mul3A_709 = arith.muli %sub3A_672, %mul3A_708 : i32
        %mul3A_710 = arith.constant 64 : i32
        %mul3A_711 = arith.muli %add3A_686, %mul3A_710 : i32
        %add3A_712 = arith.addi %mul3A_709, %mul3A_711 : i32
        %add3A_713 = arith.constant 32 : i32
        %add3A_714 = arith.addi %add3A_712, %add3A_713 : i32
        %get3A_715 = arith.index_cast %add3A_714 : i32 to index
        %get3A_716 = tpu.vector_load %arg9[%get3A_715] {strides = array<i32>} : memref<8192xf32, #tpu.memory_space<vmem>>, vector<16xf32>,
        %mul3A_717 = arith.constant 4096 : i32
        %mul3A_718 = arith.muli %sub3A_672, %mul3A_717 : i32
        %mul3A_719 = arith.constant 64 : i32
        %mul3A_720 = arith.muli %add3A_686, %mul3A_719 : i32
        %add3A_721 = arith.addi %mul3A_718, %mul3A_720 : i32
        %add3A_722 = arith.constant 48 : i32
        %add3A_723 = arith.addi %add3A_721, %add3A_722 : i32
        %get3A_724 = arith.index_cast %add3A_723 : i32 to index
        %get3A_725 = tpu.vector_load %arg9[%get3A_724] {strides = array<i32>} : memref<8192xf32, #tpu.memory_space<vmem>>, vector<16xf32>,
        %parallel_loop3A_726 = arith.constant 0 : i32
        %parallel_loop3A_727 = arith.constant 64 : i32
        %parallel_loop3A_728 = arith.constant 1 : i32
        scf.for %parallel_loop3A_729 = %parallel_loop3A_726 to %parallel_loop3A_727 step %parallel_loop3A_728  : i32 {
          %parallel_loop3A_730 = arith.constant 16384 : i32
          %parallel_loop3A_731 = arith.muli %sub3A_672, %parallel_loop3A_730 : i32
          %parallel_loop3A_732 = arith.constant 4096 : i32
          %parallel_loop3A_733 = arith.muli %select_n3A_665, %parallel_loop3A_732 : i32
          %parallel_loop3A_734 = arith.addi %parallel_loop3A_731, %parallel_loop3A_733 : i32
          %parallel_loop3A_735 = arith.constant 64 : i32
          %parallel_loop3A_736 = arith.muli %parallel_loop3A_729, %parallel_loop3A_735 : i32
          %parallel_loop3A_737 = arith.addi %parallel_loop3A_734, %parallel_loop3A_736 : i32
          %parallel_loop3A_738 = arith.constant 0 : i32
          %parallel_loop3A_739 = arith.addi %parallel_loop3A_737, %parallel_loop3A_738 : i32
          %parallel_loop3A_740 = arith.constant 4 : i32
          %parallel_loop3A_741 = arith.muli %parallel_loop3A_729, %parallel_loop3A_740 : i32
          %parallel_loop3A_742 = arith.constant 0 : i32
          %parallel_loop3A_743 = arith.addi %parallel_loop3A_741, %parallel_loop3A_742 : i32
          %parallel_loop3A_744 = arith.constant 8 : i32
          %parallel_loop3A_745 = arith.divsi %parallel_loop3A_743, %parallel_loop3A_744 : i32
          %parallel_loop3A_746 = arith.constant 0 : i32
          %parallel_loop3A_747 = arith.cmpi sgt, %parallel_loop3A_743, %parallel_loop3A_746 : i32
          %parallel_loop3A_748 = arith.extui %parallel_loop3A_747 : i1 to i32
          %parallel_loop3A_749 = arith.constant 0 : i32
          %parallel_loop3A_750 = arith.cmpi slt, %parallel_loop3A_743, %parallel_loop3A_749 : i32
          %parallel_loop3A_751 = arith.extui %parallel_loop3A_750 : i1 to i32
          %parallel_loop3A_752 = arith.subi %parallel_loop3A_748, %parallel_loop3A_751 : i32
          %parallel_loop3A_753 = arith.constant 0 : i32
          %parallel_loop3A_754 = arith.cmpi sgt, %parallel_loop3A_744, %parallel_loop3A_753 : i32
          %parallel_loop3A_755 = arith.extui %parallel_loop3A_754 : i1 to i32
          %parallel_loop3A_756 = arith.constant 0 : i32
          %parallel_loop3A_757 = arith.cmpi slt, %parallel_loop3A_744, %parallel_loop3A_756 : i32
          %parallel_loop3A_758 = arith.extui %parallel_loop3A_757 : i1 to i32
          %parallel_loop3A_759 = arith.subi %parallel_loop3A_755, %parallel_loop3A_758 : i32
          %parallel_loop3A_760 = arith.cmpi ne, %parallel_loop3A_752, %parallel_loop3A_759 : i32
          %parallel_loop3A_761 = arith.remsi %parallel_loop3A_743, %parallel_loop3A_744 : i32
          %parallel_loop3A_762 = arith.constant 0 : i32
          %parallel_loop3A_763 = arith.cmpi ne, %parallel_loop3A_761, %parallel_loop3A_762 : i32
          %parallel_loop3A_764 = arith.andi %parallel_loop3A_760, %parallel_loop3A_763 : i1
          %parallel_loop3A_765 = arith.constant 1 : i32
          %parallel_loop3A_766 = arith.subi %parallel_loop3A_745, %parallel_loop3A_765 : i32
          %parallel_loop3A_767 = arith.select %parallel_loop3A_764, %parallel_loop3A_766, %parallel_loop3A_745 : i32
          %parallel_loop3A_768 = arith.constant 1024 : i32
          %parallel_loop3A_769 = arith.muli %parallel_loop3A_767, %parallel_loop3A_768 : i32
          %parallel_loop3A_770 = arith.constant 128 : i32
          %parallel_loop3A_771 = arith.muli %scan3A_683, %parallel_loop3A_770 : i32
          %parallel_loop3A_772 = arith.addi %parallel_loop3A_769, %parallel_loop3A_771 : i32
          %parallel_loop3A_773 = arith.constant 8 : i32
          %parallel_loop3A_774 = arith.constant 0 : i32
          %parallel_loop3A_775 = arith.cmpi eq, %parallel_loop3A_773, %parallel_loop3A_774 : i32
          %parallel_loop3A_776 = arith.constant 1 : i32
          %parallel_loop3A_777 = arith.select %parallel_loop3A_775, %parallel_loop3A_776, %parallel_loop3A_773 : i32
          %parallel_loop3A_778 = arith.remsi %parallel_loop3A_743, %parallel_loop3A_777 : i32
          %parallel_loop3A_779 = arith.constant 0 : i32
          %parallel_loop3A_780 = arith.cmpi ne, %parallel_loop3A_778, %parallel_loop3A_779 : i32
          %parallel_loop3A_781 = arith.constant 0 : i32
          %parallel_loop3A_782 = arith.cmpi slt, %parallel_loop3A_778, %parallel_loop3A_781 : i32
          %parallel_loop3A_783 = arith.constant 0 : i32
          %parallel_loop3A_784 = arith.cmpi slt, %parallel_loop3A_777, %parallel_loop3A_783 : i32
          %parallel_loop3A_785 = arith.xori %parallel_loop3A_782, %parallel_loop3A_784 : i1
          %parallel_loop3A_786 = arith.andi %parallel_loop3A_785, %parallel_loop3A_780 : i1
          %parallel_loop3A_787 = arith.addi %parallel_loop3A_778, %parallel_loop3A_777 : i32
          %parallel_loop3A_788 = arith.select %parallel_loop3A_786, %parallel_loop3A_787, %parallel_loop3A_778 : i32
          %parallel_loop3A_789 = arith.constant 16 : i32
          %parallel_loop3A_790 = arith.muli %parallel_loop3A_788, %parallel_loop3A_789 : i32
          %parallel_loop3A_791 = arith.addi %parallel_loop3A_772, %parallel_loop3A_790 : i32
          %parallel_loop3A_792 = arith.index_cast %parallel_loop3A_739 : i32 to index
          %parallel_loop3A_793 = tpu.vector_load %arg5[%parallel_loop3A_792] {strides = array<i32>} : memref<32768xf32, #tpu.memory_space<vmem>>, vector<16xf32>,
          %parallel_loop3A_794 = arith.mulf %parallel_loop3A_793, %gather3A : vector<16xf32>
          %parallel_loop3A_795 = arith.addf %parallel_loop3A_794, %get3A_698 : vector<16xf32>
          %parallel_loop3A_796 = arith.index_cast %parallel_loop3A_791 : i32 to index
          %parallel_loop3A_797 = tpu.vector_load %arg11[%parallel_loop3A_796] {strides = array<i32>} : memref<32768xf32, #tpu.memory_space<vmem>>, vector<16xf32>,
          tpu.vector_store %arg11[%parallel_loop3A_796], %parallel_loop3A_795 {strides = array<i32>} : memref<32768xf32, #tpu.memory_space<vmem>>, vector<16xf32>,
          %parallel_loop3A_798 = arith.constant 16384 : i32
          %parallel_loop3A_799 = arith.muli %sub3A_672, %parallel_loop3A_798 : i32
          %parallel_loop3A_800 = arith.constant 4096 : i32
          %parallel_loop3A_801 = arith.muli %select_n3A_665, %parallel_loop3A_800 : i32
          %parallel_loop3A_802 = arith.addi %parallel_loop3A_799, %parallel_loop3A_801 : i32
          %parallel_loop3A_803 = arith.constant 64 : i32
          %parallel_loop3A_804 = arith.muli %parallel_loop3A_729, %parallel_loop3A_803 : i32
          %parallel_loop3A_805 = arith.addi %parallel_loop3A_802, %parallel_loop3A_804 : i32
          %parallel_loop3A_806 = arith.constant 16 : i32
          %parallel_loop3A_807 = arith.addi %parallel_loop3A_805, %parallel_loop3A_806 : i32
          %parallel_loop3A_808 = arith.constant 4 : i32
          %parallel_loop3A_809 = arith.muli %parallel_loop3A_729, %parallel_loop3A_808 : i32
          %parallel_loop3A_810 = arith.constant 1 : i32
          %parallel_loop3A_811 = arith.addi %parallel_loop3A_809, %parallel_loop3A_810 : i32
          %parallel_loop3A_812 = arith.constant 8 : i32
          %parallel_loop3A_813 = arith.divsi %parallel_loop3A_811, %parallel_loop3A_812 : i32
          %parallel_loop3A_814 = arith.constant 0 : i32
          %parallel_loop3A_815 = arith.cmpi sgt, %parallel_loop3A_811, %parallel_loop3A_814 : i32
          %parallel_loop3A_816 = arith.extui %parallel_loop3A_815 : i1 to i32
          %parallel_loop3A_817 = arith.constant 0 : i32
          %parallel_loop3A_818 = arith.cmpi slt, %parallel_loop3A_811, %parallel_loop3A_817 : i32
          %parallel_loop3A_819 = arith.extui %parallel_loop3A_818 : i1 to i32
          %parallel_loop3A_820 = arith.subi %parallel_loop3A_816, %parallel_loop3A_819 : i32
          %parallel_loop3A_821 = arith.constant 0 : i32
          %parallel_loop3A_822 = arith.cmpi sgt, %parallel_loop3A_812, %parallel_loop3A_821 : i32
          %parallel_loop3A_823 = arith.extui %parallel_loop3A_822 : i1 to i32
          %parallel_loop3A_824 = arith.constant 0 : i32
          %parallel_loop3A_825 = arith.cmpi slt, %parallel_loop3A_812, %parallel_loop3A_824 : i32
          %parallel_loop3A_826 = arith.extui %parallel_loop3A_825 : i1 to i32
          %parallel_loop3A_827 = arith.subi %parallel_loop3A_823, %parallel_loop3A_826 : i32
          %parallel_loop3A_828 = arith.cmpi ne, %parallel_loop3A_820, %parallel_loop3A_827 : i32
          %parallel_loop3A_829 = arith.remsi %parallel_loop3A_811, %parallel_loop3A_812 : i32
          %parallel_loop3A_830 = arith.constant 0 : i32
          %parallel_loop3A_831 = arith.cmpi ne, %parallel_loop3A_829, %parallel_loop3A_830 : i32
          %parallel_loop3A_832 = arith.andi %parallel_loop3A_828, %parallel_loop3A_831 : i1
          %parallel_loop3A_833 = arith.constant 1 : i32
          %parallel_loop3A_834 = arith.subi %parallel_loop3A_813, %parallel_loop3A_833 : i32
          %parallel_loop3A_835 = arith.select %parallel_loop3A_832, %parallel_loop3A_834, %parallel_loop3A_813 : i32
          %parallel_loop3A_836 = arith.constant 1024 : i32
          %parallel_loop3A_837 = arith.muli %parallel_loop3A_835, %parallel_loop3A_836 : i32
          %parallel_loop3A_838 = arith.constant 128 : i32
          %parallel_loop3A_839 = arith.muli %scan3A_683, %parallel_loop3A_838 : i32
          %parallel_loop3A_840 = arith.addi %parallel_loop3A_837, %parallel_loop3A_839 : i32
          %parallel_loop3A_841 = arith.constant 8 : i32
          %parallel_loop3A_842 = arith.constant 0 : i32
          %parallel_loop3A_843 = arith.cmpi eq, %parallel_loop3A_841, %parallel_loop3A_842 : i32
          %parallel_loop3A_844 = arith.constant 1 : i32
          %parallel_loop3A_845 = arith.select %parallel_loop3A_843, %parallel_loop3A_844, %parallel_loop3A_841 : i32
          %parallel_loop3A_846 = arith.remsi %parallel_loop3A_811, %parallel_loop3A_845 : i32
          %parallel_loop3A_847 = arith.constant 0 : i32
          %parallel_loop3A_848 = arith.cmpi ne, %parallel_loop3A_846, %parallel_loop3A_847 : i32
          %parallel_loop3A_849 = arith.constant 0 : i32
          %parallel_loop3A_850 = arith.cmpi slt, %parallel_loop3A_846, %parallel_loop3A_849 : i32
          %parallel_loop3A_851 = arith.constant 0 : i32
          %parallel_loop3A_852 = arith.cmpi slt, %parallel_loop3A_845, %parallel_loop3A_851 : i32
          %parallel_loop3A_853 = arith.xori %parallel_loop3A_850, %parallel_loop3A_852 : i1
          %parallel_loop3A_854 = arith.andi %parallel_loop3A_853, %parallel_loop3A_848 : i1
          %parallel_loop3A_855 = arith.addi %parallel_loop3A_846, %parallel_loop3A_845 : i32
          %parallel_loop3A_856 = arith.select %parallel_loop3A_854, %parallel_loop3A_855, %parallel_loop3A_846 : i32
          %parallel_loop3A_857 = arith.constant 16 : i32
          %parallel_loop3A_858 = arith.muli %parallel_loop3A_856, %parallel_loop3A_857 : i32
          %parallel_loop3A_859 = arith.addi %parallel_loop3A_840, %parallel_loop3A_858 : i32
          %parallel_loop3A_860 = arith.index_cast %parallel_loop3A_807 : i32 to index
          %parallel_loop3A_861 = tpu.vector_load %arg5[%parallel_loop3A_860] {strides = array<i32>} : memref<32768xf32, #tpu.memory_space<vmem>>, vector<16xf32>,
          %parallel_loop3A_862 = arith.mulf %parallel_loop3A_861, %gather3A : vector<16xf32>
          %parallel_loop3A_863 = arith.addf %parallel_loop3A_862, %get3A_707 : vector<16xf32>
          %parallel_loop3A_864 = arith.index_cast %parallel_loop3A_859 : i32 to index
          %parallel_loop3A_865 = tpu.vector_load %arg11[%parallel_loop3A_864] {strides = array<i32>} : memref<32768xf32, #tpu.memory_space<vmem>>, vector<16xf32>,
          tpu.vector_store %arg11[%parallel_loop3A_864], %parallel_loop3A_863 {strides = array<i32>} : memref<32768xf32, #tpu.memory_space<vmem>>, vector<16xf32>,
          %parallel_loop3A_866 = arith.constant 16384 : i32
          %parallel_loop3A_867 = arith.muli %sub3A_672, %parallel_loop3A_866 : i32
          %parallel_loop3A_868 = arith.constant 4096 : i32
          %parallel_loop3A_869 = arith.muli %select_n3A_665, %parallel_loop3A_868 : i32
          %parallel_loop3A_870 = arith.addi %parallel_loop3A_867, %parallel_loop3A_869 : i32
          %parallel_loop3A_871 = arith.constant 64 : i32
          %parallel_loop3A_872 = arith.muli %parallel_loop3A_729, %parallel_loop3A_871 : i32
          %parallel_loop3A_873 = arith.addi %parallel_loop3A_870, %parallel_loop3A_872 : i32
          %parallel_loop3A_874 = arith.constant 32 : i32
          %parallel_loop3A_875 = arith.addi %parallel_loop3A_873, %parallel_loop3A_874 : i32
          %parallel_loop3A_876 = arith.constant 4 : i32
          %parallel_loop3A_877 = arith.muli %parallel_loop3A_729, %parallel_loop3A_876 : i32
          %parallel_loop3A_878 = arith.constant 2 : i32
          %parallel_loop3A_879 = arith.addi %parallel_loop3A_877, %parallel_loop3A_878 : i32
          %parallel_loop3A_880 = arith.constant 8 : i32
          %parallel_loop3A_881 = arith.divsi %parallel_loop3A_879, %parallel_loop3A_880 : i32
          %parallel_loop3A_882 = arith.constant 0 : i32
          %parallel_loop3A_883 = arith.cmpi sgt, %parallel_loop3A_879, %parallel_loop3A_882 : i32
          %parallel_loop3A_884 = arith.extui %parallel_loop3A_883 : i1 to i32
          %parallel_loop3A_885 = arith.constant 0 : i32
          %parallel_loop3A_886 = arith.cmpi slt, %parallel_loop3A_879, %parallel_loop3A_885 : i32
          %parallel_loop3A_887 = arith.extui %parallel_loop3A_886 : i1 to i32
          %parallel_loop3A_888 = arith.subi %parallel_loop3A_884, %parallel_loop3A_887 : i32
          %parallel_loop3A_889 = arith.constant 0 : i32
          %parallel_loop3A_890 = arith.cmpi sgt, %parallel_loop3A_880, %parallel_loop3A_889 : i32
          %parallel_loop3A_891 = arith.extui %parallel_loop3A_890 : i1 to i32
          %parallel_loop3A_892 = arith.constant 0 : i32
          %parallel_loop3A_893 = arith.cmpi slt, %parallel_loop3A_880, %parallel_loop3A_892 : i32
          %parallel_loop3A_894 = arith.extui %parallel_loop3A_893 : i1 to i32
          %parallel_loop3A_895 = arith.subi %parallel_loop3A_891, %parallel_loop3A_894 : i32
          %parallel_loop3A_896 = arith.cmpi ne, %parallel_loop3A_888, %parallel_loop3A_895 : i32
          %parallel_loop3A_897 = arith.remsi %parallel_loop3A_879, %parallel_loop3A_880 : i32
          %parallel_loop3A_898 = arith.constant 0 : i32
          %parallel_loop3A_899 = arith.cmpi ne, %parallel_loop3A_897, %parallel_loop3A_898 : i32
          %parallel_loop3A_900 = arith.andi %parallel_loop3A_896, %parallel_loop3A_899 : i1
          %parallel_loop3A_901 = arith.constant 1 : i32
          %parallel_loop3A_902 = arith.subi %parallel_loop3A_881, %parallel_loop3A_901 : i32
          %parallel_loop3A_903 = arith.select %parallel_loop3A_900, %parallel_loop3A_902, %parallel_loop3A_881 : i32
          %parallel_loop3A_904 = arith.constant 1024 : i32
          %parallel_loop3A_905 = arith.muli %parallel_loop3A_903, %parallel_loop3A_904 : i32
          %parallel_loop3A_906 = arith.constant 128 : i32
          %parallel_loop3A_907 = arith.muli %scan3A_683, %parallel_loop3A_906 : i32
          %parallel_loop3A_908 = arith.addi %parallel_loop3A_905, %parallel_loop3A_907 : i32
          %parallel_loop3A_909 = arith.constant 8 : i32
          %parallel_loop3A_910 = arith.constant 0 : i32
          %parallel_loop3A_911 = arith.cmpi eq, %parallel_loop3A_909, %parallel_loop3A_910 : i32
          %parallel_loop3A_912 = arith.constant 1 : i32
          %parallel_loop3A_913 = arith.select %parallel_loop3A_911, %parallel_loop3A_912, %parallel_loop3A_909 : i32
          %parallel_loop3A_914 = arith.remsi %parallel_loop3A_879, %parallel_loop3A_913 : i32
          %parallel_loop3A_915 = arith.constant 0 : i32
          %parallel_loop3A_916 = arith.cmpi ne, %parallel_loop3A_914, %parallel_loop3A_915 : i32
          %parallel_loop3A_917 = arith.constant 0 : i32
          %parallel_loop3A_918 = arith.cmpi slt, %parallel_loop3A_914, %parallel_loop3A_917 : i32
          %parallel_loop3A_919 = arith.constant 0 : i32
          %parallel_loop3A_920 = arith.cmpi slt, %parallel_loop3A_913, %parallel_loop3A_919 : i32
          %parallel_loop3A_921 = arith.xori %parallel_loop3A_918, %parallel_loop3A_920 : i1
          %parallel_loop3A_922 = arith.andi %parallel_loop3A_921, %parallel_loop3A_916 : i1
          %parallel_loop3A_923 = arith.addi %parallel_loop3A_914, %parallel_loop3A_913 : i32
          %parallel_loop3A_924 = arith.select %parallel_loop3A_922, %parallel_loop3A_923, %parallel_loop3A_914 : i32
          %parallel_loop3A_925 = arith.constant 16 : i32
          %parallel_loop3A_926 = arith.muli %parallel_loop3A_924, %parallel_loop3A_925 : i32
          %parallel_loop3A_927 = arith.addi %parallel_loop3A_908, %parallel_loop3A_926 : i32
          %parallel_loop3A_928 = arith.index_cast %parallel_loop3A_875 : i32 to index
          %parallel_loop3A_929 = tpu.vector_load %arg5[%parallel_loop3A_928] {strides = array<i32>} : memref<32768xf32, #tpu.memory_space<vmem>>, vector<16xf32>,
          %parallel_loop3A_930 = arith.mulf %parallel_loop3A_929, %gather3A : vector<16xf32>
          %parallel_loop3A_931 = arith.addf %parallel_loop3A_930, %get3A_716 : vector<16xf32>
          %parallel_loop3A_932 = arith.index_cast %parallel_loop3A_927 : i32 to index
          %parallel_loop3A_933 = tpu.vector_load %arg11[%parallel_loop3A_932] {strides = array<i32>} : memref<32768xf32, #tpu.memory_space<vmem>>, vector<16xf32>,
          tpu.vector_store %arg11[%parallel_loop3A_932], %parallel_loop3A_931 {strides = array<i32>} : memref<32768xf32, #tpu.memory_space<vmem>>, vector<16xf32>,
          %parallel_loop3A_934 = arith.constant 16384 : i32
          %parallel_loop3A_935 = arith.muli %sub3A_672, %parallel_loop3A_934 : i32
          %parallel_loop3A_936 = arith.constant 4096 : i32
          %parallel_loop3A_937 = arith.muli %select_n3A_665, %parallel_loop3A_936 : i32
          %parallel_loop3A_938 = arith.addi %parallel_loop3A_935, %parallel_loop3A_937 : i32
          %parallel_loop3A_939 = arith.constant 64 : i32
          %parallel_loop3A_940 = arith.muli %parallel_loop3A_729, %parallel_loop3A_939 : i32
          %parallel_loop3A_941 = arith.addi %parallel_loop3A_938, %parallel_loop3A_940 : i32
          %parallel_loop3A_942 = arith.constant 48 : i32
          %parallel_loop3A_943 = arith.addi %parallel_loop3A_941, %parallel_loop3A_942 : i32
          %parallel_loop3A_944 = arith.constant 4 : i32
          %parallel_loop3A_945 = arith.muli %parallel_loop3A_729, %parallel_loop3A_944 : i32
          %parallel_loop3A_946 = arith.constant 3 : i32
          %parallel_loop3A_947 = arith.addi %parallel_loop3A_945, %parallel_loop3A_946 : i32
          %parallel_loop3A_948 = arith.constant 8 : i32
          %parallel_loop3A_949 = arith.divsi %parallel_loop3A_947, %parallel_loop3A_948 : i32
          %parallel_loop3A_950 = arith.constant 0 : i32
          %parallel_loop3A_951 = arith.cmpi sgt, %parallel_loop3A_947, %parallel_loop3A_950 : i32
          %parallel_loop3A_952 = arith.extui %parallel_loop3A_951 : i1 to i32
          %parallel_loop3A_953 = arith.constant 0 : i32
          %parallel_loop3A_954 = arith.cmpi slt, %parallel_loop3A_947, %parallel_loop3A_953 : i32
          %parallel_loop3A_955 = arith.extui %parallel_loop3A_954 : i1 to i32
          %parallel_loop3A_956 = arith.subi %parallel_loop3A_952, %parallel_loop3A_955 : i32
          %parallel_loop3A_957 = arith.constant 0 : i32
          %parallel_loop3A_958 = arith.cmpi sgt, %parallel_loop3A_948, %parallel_loop3A_957 : i32
          %parallel_loop3A_959 = arith.extui %parallel_loop3A_958 : i1 to i32
          %parallel_loop3A_960 = arith.constant 0 : i32
          %parallel_loop3A_961 = arith.cmpi slt, %parallel_loop3A_948, %parallel_loop3A_960 : i32
          %parallel_loop3A_962 = arith.extui %parallel_loop3A_961 : i1 to i32
          %parallel_loop3A_963 = arith.subi %parallel_loop3A_959, %parallel_loop3A_962 : i32
          %parallel_loop3A_964 = arith.cmpi ne, %parallel_loop3A_956, %parallel_loop3A_963 : i32
          %parallel_loop3A_965 = arith.remsi %parallel_loop3A_947, %parallel_loop3A_948 : i32
          %parallel_loop3A_966 = arith.constant 0 : i32
          %parallel_loop3A_967 = arith.cmpi ne, %parallel_loop3A_965, %parallel_loop3A_966 : i32
          %parallel_loop3A_968 = arith.andi %parallel_loop3A_964, %parallel_loop3A_967 : i1
          %parallel_loop3A_969 = arith.constant 1 : i32
          %parallel_loop3A_970 = arith.subi %parallel_loop3A_949, %parallel_loop3A_969 : i32
          %parallel_loop3A_971 = arith.select %parallel_loop3A_968, %parallel_loop3A_970, %parallel_loop3A_949 : i32
          %parallel_loop3A_972 = arith.constant 1024 : i32
          %parallel_loop3A_973 = arith.muli %parallel_loop3A_971, %parallel_loop3A_972 : i32
          %parallel_loop3A_974 = arith.constant 128 : i32
          %parallel_loop3A_975 = arith.muli %scan3A_683, %parallel_loop3A_974 : i32
          %parallel_loop3A_976 = arith.addi %parallel_loop3A_973, %parallel_loop3A_975 : i32
          %parallel_loop3A_977 = arith.constant 8 : i32
          %parallel_loop3A_978 = arith.constant 0 : i32
          %parallel_loop3A_979 = arith.cmpi eq, %parallel_loop3A_977, %parallel_loop3A_978 : i32
          %parallel_loop3A_980 = arith.constant 1 : i32
          %parallel_loop3A_981 = arith.select %parallel_loop3A_979, %parallel_loop3A_980, %parallel_loop3A_977 : i32
          %parallel_loop3A_982 = arith.remsi %parallel_loop3A_947, %parallel_loop3A_981 : i32
          %parallel_loop3A_983 = arith.constant 0 : i32
          %parallel_loop3A_984 = arith.cmpi ne, %parallel_loop3A_982, %parallel_loop3A_983 : i32
          %parallel_loop3A_985 = arith.constant 0 : i32
          %parallel_loop3A_986 = arith.cmpi slt, %parallel_loop3A_982, %parallel_loop3A_985 : i32
          %parallel_loop3A_987 = arith.constant 0 : i32
          %parallel_loop3A_988 = arith.cmpi slt, %parallel_loop3A_981, %parallel_loop3A_987 : i32
          %parallel_loop3A_989 = arith.xori %parallel_loop3A_986, %parallel_loop3A_988 : i1
          %parallel_loop3A_990 = arith.andi %parallel_loop3A_989, %parallel_loop3A_984 : i1
          %parallel_loop3A_991 = arith.addi %parallel_loop3A_982, %parallel_loop3A_981 : i32
          %parallel_loop3A_992 = arith.select %parallel_loop3A_990, %parallel_loop3A_991, %parallel_loop3A_982 : i32
          %parallel_loop3A_993 = arith.constant 16 : i32
          %parallel_loop3A_994 = arith.muli %parallel_loop3A_992, %parallel_loop3A_993 : i32
          %parallel_loop3A_995 = arith.addi %parallel_loop3A_976, %parallel_loop3A_994 : i32
          %parallel_loop3A_996 = arith.index_cast %parallel_loop3A_943 : i32 to index
          %parallel_loop3A_997 = tpu.vector_load %arg5[%parallel_loop3A_996] {strides = array<i32>} : memref<32768xf32, #tpu.memory_space<vmem>>, vector<16xf32>,
          %parallel_loop3A_998 = arith.mulf %parallel_loop3A_997, %gather3A : vector<16xf32>
          %parallel_loop3A_999 = arith.addf %parallel_loop3A_998, %get3A_725 : vector<16xf32>
          %parallel_loop3A_1000 = arith.index_cast %parallel_loop3A_995 : i32 to index
          %parallel_loop3A_1001 = tpu.vector_load %arg11[%parallel_loop3A_1000] {strides = array<i32>} : memref<32768xf32, #tpu.memory_space<vmem>>, vector<16xf32>,
          tpu.vector_store %arg11[%parallel_loop3A_1000], %parallel_loop3A_999 {strides = array<i32>} : memref<32768xf32, #tpu.memory_space<vmem>>, vector<16xf32>,
        } {sc.loop_unroll_factor = 8 : i64, sc.parallel_access}
      }
      %scan3A_678 = arith.constant 8 : i32
      %mul3A_679 = arith.constant 32768 : i32
      %mul3A_680 = arith.muli %add3A_585, %mul3A_679 : i32
      %dma_start3A_681 = tpu.memref_slice %arg4[%mul3A_680] : memref<34603008xf32, #tpu.memory_space<hbm>> -> memref<32768xf32, #tpu.memory_space<hbm>>
      %dma_start3A_682 = tpu.memref_slice %arg4[%mul3A_680] : memref<34603008xf32, #tpu.memory_space<hbm>> -> memref<32768xf32, #tpu.memory_space<hbm>>
      tpu.enqueue_dma source(%arg11 : memref<32768xf32, #tpu.memory_space<vmem>>) target(%dma_start3A_682 : memref<32768xf32, #tpu.memory_space<hbm>>) target_semaphore(%arg13 : memref<!tpu.dma_semaphore, #tpu.memory_space<semaphore_mem>>)
    }
    %scan3A_355 = arith.constant 15 : i32
    %mul3A_356 = arith.constant 33 : i32
    %mul3A_357 = arith.muli %add3A, %mul3A_356 : i32
    %add3A_358 = arith.constant 32 : i32
    %add3A_359 = arith.addi %mul3A_357, %add3A_358 : i32
    %jit3A_360 = arith.constant 32 : i32
    %div3A_361 = arith.divsi %add3A_359, %jit3A_360 : i32
    %sign3A_362 = arith.constant 0 : i32
    %sign3A_363 = arith.cmpi sgt, %add3A_359, %sign3A_362 : i32
    %sign3A_364 = arith.extui %sign3A_363 : i1 to i32
    %sign3A_365 = arith.constant 0 : i32
    %sign3A_366 = arith.cmpi slt, %add3A_359, %sign3A_365 : i32
    %sign3A_367 = arith.extui %sign3A_366 : i1 to i32
    %sign3A_368 = arith.subi %sign3A_364, %sign3A_367 : i32
    %sign3A_369 = arith.constant 0 : i32
    %sign3A_370 = arith.cmpi sgt, %jit3A_360, %sign3A_369 : i32
    %sign3A_371 = arith.extui %sign3A_370 : i1 to i32
    %sign3A_372 = arith.constant 0 : i32
    %sign3A_373 = arith.cmpi slt, %jit3A_360, %sign3A_372 : i32
    %sign3A_374 = arith.extui %sign3A_373 : i1 to i32
    %sign3A_375 = arith.subi %sign3A_371, %sign3A_374 : i32
    %ne3A_376 = arith.cmpi ne, %sign3A_368, %sign3A_375 : i32
    %rem3A_377 = arith.remsi %add3A_359, %jit3A_360 : i32
    %ne3A_378 = arith.constant 0 : i32
    %ne3A_379 = arith.cmpi ne, %rem3A_377, %ne3A_378 : i32
    %and3A_380 = arith.andi %ne3A_376, %ne3A_379 : i1
    %sub3A_381 = arith.constant 1 : i32
    %sub3A_382 = arith.subi %div3A_361, %sub3A_381 : i32
    %select_n3A_383 = arith.select %and3A_380, %sub3A_382, %div3A_361 : i32
    %jit3A_384 = arith.constant 32 : i32
    %eq3A_385 = arith.constant 0 : i32
    %eq3A_386 = arith.cmpi eq, %jit3A_384, %eq3A_385 : i32
    %jit3A_387 = arith.constant 1 : i32
    %select_n3A_388 = arith.select %eq3A_386, %jit3A_387, %jit3A_384 : i32
    %rem3A_389 = arith.remsi %add3A_359, %select_n3A_388 : i32
    %ne3A_390 = arith.constant 0 : i32
    %ne3A_391 = arith.cmpi ne, %rem3A_389, %ne3A_390 : i32
    %lt3A_392 = arith.constant 0 : i32
    %lt3A_393 = arith.cmpi slt, %rem3A_389, %lt3A_392 : i32
    %lt3A_394 = arith.constant 0 : i32
    %lt3A_395 = arith.cmpi slt, %select_n3A_388, %lt3A_394 : i32
    %ne3A_396 = arith.xori %lt3A_393, %lt3A_395 : i1
    %and3A_397 = arith.andi %ne3A_396, %ne3A_391 : i1
    %add3A_398 = arith.addi %rem3A_389, %select_n3A_388 : i32
    %select_n3A_399 = arith.select %and3A_397, %add3A_398, %rem3A_389 : i32
    %jit3A_400 = arith.constant 4 : i32
    %div3A_401 = arith.divsi %select_n3A_399, %jit3A_400 : i32
    %sign3A_402 = arith.constant 0 : i32
    %sign3A_403 = arith.cmpi sgt, %select_n3A_399, %sign3A_402 : i32
    %sign3A_404 = arith.extui %sign3A_403 : i1 to i32
    %sign3A_405 = arith.constant 0 : i32
    %sign3A_406 = arith.cmpi slt, %select_n3A_399, %sign3A_405 : i32
    %sign3A_407 = arith.extui %sign3A_406 : i1 to i32
    %sign3A_408 = arith.subi %sign3A_404, %sign3A_407 : i32
    %sign3A_409 = arith.constant 0 : i32
    %sign3A_410 = arith.cmpi sgt, %jit3A_400, %sign3A_409 : i32
    %sign3A_411 = arith.extui %sign3A_410 : i1 to i32
    %sign3A_412 = arith.constant 0 : i32
    %sign3A_413 = arith.cmpi slt, %jit3A_400, %sign3A_412 : i32
    %sign3A_414 = arith.extui %sign3A_413 : i1 to i32
    %sign3A_415 = arith.subi %sign3A_411, %sign3A_414 : i32
    %ne3A_416 = arith.cmpi ne, %sign3A_408, %sign3A_415 : i32
    %rem3A_417 = arith.remsi %select_n3A_399, %jit3A_400 : i32
    %ne3A_418 = arith.constant 0 : i32
    %ne3A_419 = arith.cmpi ne, %rem3A_417, %ne3A_418 : i32
    %and3A_420 = arith.andi %ne3A_416, %ne3A_419 : i1
    %sub3A_421 = arith.constant 1 : i32
    %sub3A_422 = arith.subi %div3A_401, %sub3A_421 : i32
    %select_n3A_423 = arith.select %and3A_420, %sub3A_422, %div3A_401 : i32
    %jit3A_424 = arith.constant 4 : i32
    %eq3A_425 = arith.constant 0 : i32
    %eq3A_426 = arith.cmpi eq, %jit3A_424, %eq3A_425 : i32
    %jit3A_427 = arith.constant 1 : i32
    %select_n3A_428 = arith.select %eq3A_426, %jit3A_427, %jit3A_424 : i32
    %rem3A_429 = arith.remsi %select_n3A_399, %select_n3A_428 : i32
    %ne3A_430 = arith.constant 0 : i32
    %ne3A_431 = arith.cmpi ne, %rem3A_429, %ne3A_430 : i32
    %lt3A_432 = arith.constant 0 : i32
    %lt3A_433 = arith.cmpi slt, %rem3A_429, %lt3A_432 : i32
    %lt3A_434 = arith.constant 0 : i32
    %lt3A_435 = arith.cmpi slt, %select_n3A_428, %lt3A_434 : i32
    %ne3A_436 = arith.xori %lt3A_433, %lt3A_435 : i1
    %and3A_437 = arith.andi %ne3A_436, %ne3A_431 : i1
    %add3A_438 = arith.addi %rem3A_429, %select_n3A_428 : i32
    %select_n3A_439 = arith.select %and3A_437, %add3A_438, %rem3A_429 : i32
    %sub3A_440 = arith.constant 2 : i32
    %sub3A_441 = arith.subi %add3A_359, %sub3A_440 : i32
    %mul3A_442 = arith.constant 32768 : i32
    %mul3A_443 = arith.muli %sub3A_441, %mul3A_442 : i32
    %dma_wait3A = tpu.memref_slice %arg4[%mul3A_443] : memref<34603008xf32, #tpu.memory_space<hbm>> -> memref<32768xf32, #tpu.memory_space<hbm>>
    %dma_wait3A_444 = tpu.memref_slice %arg4[%mul3A_443] : memref<34603008xf32, #tpu.memory_space<hbm>> -> memref<32768xf32, #tpu.memory_space<hbm>>
    tpu.wait_dma2 semaphore(%arg12 : memref<!tpu.dma_semaphore, #tpu.memory_space<semaphore_mem>>) src(%arg10 : memref<32768xf32, #tpu.memory_space<vmem>>) dst(%dma_wait3A_444 : memref<32768xf32, #tpu.memory_space<hbm>>)
    %sub3A_445 = arith.subi %select_n3A_383, %select_n3A : i32
    %scan3A_446 = arith.constant 0 : i32
    %scan3A_447 = arith.constant 0 : i32
    %scan3A_448 = arith.constant 8 : i32
    %scan3A_449 = arith.addi %scan3A_447, %scan3A_448 : i32
    %scan3A_450 = arith.constant 1 : i32
    scf.for %scan3A_476 = %scan3A_447 to %scan3A_449 step %scan3A_450  : i32 {
      %mul3A_477 = arith.constant 8 : i32
      %mul3A_478 = arith.muli %select_n3A_423, %mul3A_477 : i32
      %add3A_479 = arith.addi %mul3A_478, %scan3A_476 : i32
      %add3A_480 = arith.constant 0 : i32
      %add3A_481 = arith.addi %add3A_480, %add3A_479 : i32
      %broadcast_in_dim3A_482 = vector.broadcast %add3A_481 : i32 to vector<16xi32>
      %gather3A = tpu.vector_load_idx %arg6[%broadcast_in_dim3A_482] : memref<4480xf32, #tpu.memory_space<vmem>>[vector<16xi32>], vector<16xf32>,
      %mul3A_483 = arith.constant 4096 : i32
      %mul3A_484 = arith.muli %sub3A_445, %mul3A_483 : i32
      %mul3A_485 = arith.constant 64 : i32
      %mul3A_486 = arith.muli %add3A_479, %mul3A_485 : i32
      %add3A_487 = arith.addi %mul3A_484, %mul3A_486 : i32
      %add3A_488 = arith.constant 0 : i32
      %add3A_489 = arith.addi %add3A_487, %add3A_488 : i32
      %get3A_490 = arith.index_cast %add3A_489 : i32 to index
      %get3A_491 = tpu.vector_load %arg9[%get3A_490] {strides = array<i32>} : memref<8192xf32, #tpu.memory_space<vmem>>, vector<16xf32>,
      %mul3A_492 = arith.constant 4096 : i32
      %mul3A_493 = arith.muli %sub3A_445, %mul3A_492 : i32
      %mul3A_494 = arith.constant 64 : i32
      %mul3A_495 = arith.muli %add3A_479, %mul3A_494 : i32
      %add3A_496 = arith.addi %mul3A_493, %mul3A_495 : i32
      %add3A_497 = arith.constant 16 : i32
      %add3A_498 = arith.addi %add3A_496, %add3A_497 : i32
      %get3A_499 = arith.index_cast %add3A_498 : i32 to index
      %get3A_500 = tpu.vector_load %arg9[%get3A_499] {strides = array<i32>} : memref<8192xf32, #tpu.memory_space<vmem>>, vector<16xf32>,
      %mul3A_501 = arith.constant 4096 : i32
      %mul3A_502 = arith.muli %sub3A_445, %mul3A_501 : i32
      %mul3A_503 = arith.constant 64 : i32
      %mul3A_504 = arith.muli %add3A_479, %mul3A_503 : i32
      %add3A_505 = arith.addi %mul3A_502, %mul3A_504 : i32
      %add3A_506 = arith.constant 32 : i32
      %add3A_507 = arith.addi %add3A_505, %add3A_506 : i32
      %get3A_508 = arith.index_cast %add3A_507 : i32 to index
      %get3A_509 = tpu.vector_load %arg9[%get3A_508] {strides = array<i32>} : memref<8192xf32, #tpu.memory_space<vmem>>, vector<16xf32>,
      %mul3A_510 = arith.constant 4096 : i32
      %mul3A_511 = arith.muli %sub3A_445, %mul3A_510 : i32
      %mul3A_512 = arith.constant 64 : i32
      %mul3A_513 = arith.muli %add3A_479, %mul3A_512 : i32
      %add3A_514 = arith.addi %mul3A_511, %mul3A_513 : i32
      %add3A_515 = arith.constant 48 : i32
      %add3A_516 = arith.addi %add3A_514, %add3A_515 : i32
      %get3A_517 = arith.index_cast %add3A_516 : i32 to index
      %get3A_518 = tpu.vector_load %arg9[%get3A_517] {strides = array<i32>} : memref<8192xf32, #tpu.memory_space<vmem>>, vector<16xf32>,
      %parallel_loop3A_519 = arith.constant 0 : i32
      %parallel_loop3A_520 = arith.constant 64 : i32
      %parallel_loop3A_521 = arith.constant 1 : i32
      scf.for %parallel_loop3A_522 = %parallel_loop3A_519 to %parallel_loop3A_520 step %parallel_loop3A_521  : i32 {
        %parallel_loop3A_523 = arith.constant 16384 : i32
        %parallel_loop3A_524 = arith.muli %sub3A_445, %parallel_loop3A_523 : i32
        %parallel_loop3A_525 = arith.constant 4096 : i32
        %parallel_loop3A_526 = arith.muli %select_n3A_439, %parallel_loop3A_525 : i32
        %parallel_loop3A_527 = arith.addi %parallel_loop3A_524, %parallel_loop3A_526 : i32
        %parallel_loop3A_528 = arith.constant 64 : i32
        %parallel_loop3A_529 = arith.muli %parallel_loop3A_522, %parallel_loop3A_528 : i32
        %parallel_loop3A_530 = arith.addi %parallel_loop3A_527, %parallel_loop3A_529 : i32
        %parallel_loop3A_531 = arith.constant 0 : i32
        %parallel_loop3A_532 = arith.addi %parallel_loop3A_530, %parallel_loop3A_531 : i32
        %parallel_loop3A_533 = arith.constant 4 : i32
        %parallel_loop3A_534 = arith.muli %parallel_loop3A_522, %parallel_loop3A_533 : i32
        %parallel_loop3A_535 = arith.constant 0 : i32
        %parallel_loop3A_536 = arith.addi %parallel_loop3A_534, %parallel_loop3A_535 : i32
        %parallel_loop3A_537 = arith.constant 8 : i32
        %parallel_loop3A_538 = arith.divsi %parallel_loop3A_536, %parallel_loop3A_537 : i32
        %parallel_loop3A_539 = arith.constant 0 : i32
        %parallel_loop3A_540 = arith.cmpi sgt, %parallel_loop3A_536, %parallel_loop3A_539 : i32
        %parallel_loop3A_541 = arith.extui %parallel_loop3A_540 : i1 to i32
        %parallel_loop3A_542 = arith.constant 0 : i32
        %parallel_loop3A_543 = arith.cmpi slt, %parallel_loop3A_536, %parallel_loop3A_542 : i32
        %parallel_loop3A_544 = arith.extui %parallel_loop3A_543 : i1 to i32
        %parallel_loop3A_545 = arith.subi %parallel_loop3A_541, %parallel_loop3A_544 : i32
        %parallel_loop3A_546 = arith.constant 0 : i32
        %parallel_loop3A_547 = arith.cmpi sgt, %parallel_loop3A_537, %parallel_loop3A_546 : i32
        %parallel_loop3A_548 = arith.extui %parallel_loop3A_547 : i1 to i32
        %parallel_loop3A_549 = arith.constant 0 : i32
        %parallel_loop3A_550 = arith.cmpi slt, %parallel_loop3A_537, %parallel_loop3A_549 : i32
        %parallel_loop3A_551 = arith.extui %parallel_loop3A_550 : i1 to i32
        %parallel_loop3A_552 = arith.subi %parallel_loop3A_548, %parallel_loop3A_551 : i32
        %parallel_loop3A_553 = arith.cmpi ne, %parallel_loop3A_545, %parallel_loop3A_552 : i32
        %parallel_loop3A_554 = arith.remsi %parallel_loop3A_536, %parallel_loop3A_537 : i32
        %parallel_loop3A_555 = arith.constant 0 : i32
        %parallel_loop3A_556 = arith.cmpi ne, %parallel_loop3A_554, %parallel_loop3A_555 : i32
        %parallel_loop3A_557 = arith.andi %parallel_loop3A_553, %parallel_loop3A_556 : i1
        %parallel_loop3A_558 = arith.constant 1 : i32
        %parallel_loop3A_559 = arith.subi %parallel_loop3A_538, %parallel_loop3A_558 : i32
        %parallel_loop3A_560 = arith.select %parallel_loop3A_557, %parallel_loop3A_559, %parallel_loop3A_538 : i32
        %parallel_loop3A_561 = arith.constant 1024 : i32
        %parallel_loop3A_562 = arith.muli %parallel_loop3A_560, %parallel_loop3A_561 : i32
        %parallel_loop3A_563 = arith.constant 128 : i32
        %parallel_loop3A_564 = arith.muli %scan3A_476, %parallel_loop3A_563 : i32
        %parallel_loop3A_565 = arith.addi %parallel_loop3A_562, %parallel_loop3A_564 : i32
        %parallel_loop3A_566 = arith.constant 8 : i32
        %parallel_loop3A_567 = arith.constant 0 : i32
        %parallel_loop3A_568 = arith.cmpi eq, %parallel_loop3A_566, %parallel_loop3A_567 : i32
        %parallel_loop3A_569 = arith.constant 1 : i32
        %parallel_loop3A_570 = arith.select %parallel_loop3A_568, %parallel_loop3A_569, %parallel_loop3A_566 : i32
        %parallel_loop3A_571 = arith.remsi %parallel_loop3A_536, %parallel_loop3A_570 : i32
        %parallel_loop3A_572 = arith.constant 0 : i32
        %parallel_loop3A_573 = arith.cmpi ne, %parallel_loop3A_571, %parallel_loop3A_572 : i32
        %parallel_loop3A_574 = arith.constant 0 : i32
        %parallel_loop3A_575 = arith.cmpi slt, %parallel_loop3A_571, %parallel_loop3A_574 : i32
        %parallel_loop3A_576 = arith.constant 0 : i32
        %parallel_loop3A_577 = arith.cmpi slt, %parallel_loop3A_570, %parallel_loop3A_576 : i32
        %parallel_loop3A_578 = arith.xori %parallel_loop3A_575, %parallel_loop3A_577 : i1
        %parallel_loop3A_579 = arith.andi %parallel_loop3A_578, %parallel_loop3A_573 : i1
        %parallel_loop3A_580 = arith.addi %parallel_loop3A_571, %parallel_loop3A_570 : i32
        %parallel_loop3A_581 = arith.select %parallel_loop3A_579, %parallel_loop3A_580, %parallel_loop3A_571 : i32
        %parallel_loop3A_582 = arith.constant 16 : i32
        %parallel_loop3A_583 = arith.muli %parallel_loop3A_581, %parallel_loop3A_582 : i32
        %parallel_loop3A_584 = arith.addi %parallel_loop3A_565, %parallel_loop3A_583 : i32
        %parallel_loop3A_585 = arith.index_cast %parallel_loop3A_532 : i32 to index
        %parallel_loop3A_586 = tpu.vector_load %arg5[%parallel_loop3A_585] {strides = array<i32>} : memref<32768xf32, #tpu.memory_space<vmem>>, vector<16xf32>,
        %parallel_loop3A_587 = arith.mulf %parallel_loop3A_586, %gather3A : vector<16xf32>
        %parallel_loop3A_588 = arith.addf %parallel_loop3A_587, %get3A_491 : vector<16xf32>
        %parallel_loop3A_589 = arith.index_cast %parallel_loop3A_584 : i32 to index
        %parallel_loop3A_590 = tpu.vector_load %arg10[%parallel_loop3A_589] {strides = array<i32>} : memref<32768xf32, #tpu.memory_space<vmem>>, vector<16xf32>,
        tpu.vector_store %arg10[%parallel_loop3A_589], %parallel_loop3A_588 {strides = array<i32>} : memref<32768xf32, #tpu.memory_space<vmem>>, vector<16xf32>,
        %parallel_loop3A_591 = arith.constant 16384 : i32
        %parallel_loop3A_592 = arith.muli %sub3A_445, %parallel_loop3A_591 : i32
        %parallel_loop3A_593 = arith.constant 4096 : i32
        %parallel_loop3A_594 = arith.muli %select_n3A_439, %parallel_loop3A_593 : i32
        %parallel_loop3A_595 = arith.addi %parallel_loop3A_592, %parallel_loop3A_594 : i32
        %parallel_loop3A_596 = arith.constant 64 : i32
        %parallel_loop3A_597 = arith.muli %parallel_loop3A_522, %parallel_loop3A_596 : i32
        %parallel_loop3A_598 = arith.addi %parallel_loop3A_595, %parallel_loop3A_597 : i32
        %parallel_loop3A_599 = arith.constant 16 : i32
        %parallel_loop3A_600 = arith.addi %parallel_loop3A_598, %parallel_loop3A_599 : i32
        %parallel_loop3A_601 = arith.constant 4 : i32
        %parallel_loop3A_602 = arith.muli %parallel_loop3A_522, %parallel_loop3A_601 : i32
        %parallel_loop3A_603 = arith.constant 1 : i32
        %parallel_loop3A_604 = arith.addi %parallel_loop3A_602, %parallel_loop3A_603 : i32
        %parallel_loop3A_605 = arith.constant 8 : i32
        %parallel_loop3A_606 = arith.divsi %parallel_loop3A_604, %parallel_loop3A_605 : i32
        %parallel_loop3A_607 = arith.constant 0 : i32
        %parallel_loop3A_608 = arith.cmpi sgt, %parallel_loop3A_604, %parallel_loop3A_607 : i32
        %parallel_loop3A_609 = arith.extui %parallel_loop3A_608 : i1 to i32
        %parallel_loop3A_610 = arith.constant 0 : i32
        %parallel_loop3A_611 = arith.cmpi slt, %parallel_loop3A_604, %parallel_loop3A_610 : i32
        %parallel_loop3A_612 = arith.extui %parallel_loop3A_611 : i1 to i32
        %parallel_loop3A_613 = arith.subi %parallel_loop3A_609, %parallel_loop3A_612 : i32
        %parallel_loop3A_614 = arith.constant 0 : i32
        %parallel_loop3A_615 = arith.cmpi sgt, %parallel_loop3A_605, %parallel_loop3A_614 : i32
        %parallel_loop3A_616 = arith.extui %parallel_loop3A_615 : i1 to i32
        %parallel_loop3A_617 = arith.constant 0 : i32
        %parallel_loop3A_618 = arith.cmpi slt, %parallel_loop3A_605, %parallel_loop3A_617 : i32
        %parallel_loop3A_619 = arith.extui %parallel_loop3A_618 : i1 to i32
        %parallel_loop3A_620 = arith.subi %parallel_loop3A_616, %parallel_loop3A_619 : i32
        %parallel_loop3A_621 = arith.cmpi ne, %parallel_loop3A_613, %parallel_loop3A_620 : i32
        %parallel_loop3A_622 = arith.remsi %parallel_loop3A_604, %parallel_loop3A_605 : i32
        %parallel_loop3A_623 = arith.constant 0 : i32
        %parallel_loop3A_624 = arith.cmpi ne, %parallel_loop3A_622, %parallel_loop3A_623 : i32
        %parallel_loop3A_625 = arith.andi %parallel_loop3A_621, %parallel_loop3A_624 : i1
        %parallel_loop3A_626 = arith.constant 1 : i32
        %parallel_loop3A_627 = arith.subi %parallel_loop3A_606, %parallel_loop3A_626 : i32
        %parallel_loop3A_628 = arith.select %parallel_loop3A_625, %parallel_loop3A_627, %parallel_loop3A_606 : i32
        %parallel_loop3A_629 = arith.constant 1024 : i32
        %parallel_loop3A_630 = arith.muli %parallel_loop3A_628, %parallel_loop3A_629 : i32
        %parallel_loop3A_631 = arith.constant 128 : i32
        %parallel_loop3A_632 = arith.muli %scan3A_476, %parallel_loop3A_631 : i32
        %parallel_loop3A_633 = arith.addi %parallel_loop3A_630, %parallel_loop3A_632 : i32
        %parallel_loop3A_634 = arith.constant 8 : i32
        %parallel_loop3A_635 = arith.constant 0 : i32
        %parallel_loop3A_636 = arith.cmpi eq, %parallel_loop3A_634, %parallel_loop3A_635 : i32
        %parallel_loop3A_637 = arith.constant 1 : i32
        %parallel_loop3A_638 = arith.select %parallel_loop3A_636, %parallel_loop3A_637, %parallel_loop3A_634 : i32
        %parallel_loop3A_639 = arith.remsi %parallel_loop3A_604, %parallel_loop3A_638 : i32
        %parallel_loop3A_640 = arith.constant 0 : i32
        %parallel_loop3A_641 = arith.cmpi ne, %parallel_loop3A_639, %parallel_loop3A_640 : i32
        %parallel_loop3A_642 = arith.constant 0 : i32
        %parallel_loop3A_643 = arith.cmpi slt, %parallel_loop3A_639, %parallel_loop3A_642 : i32
        %parallel_loop3A_644 = arith.constant 0 : i32
        %parallel_loop3A_645 = arith.cmpi slt, %parallel_loop3A_638, %parallel_loop3A_644 : i32
        %parallel_loop3A_646 = arith.xori %parallel_loop3A_643, %parallel_loop3A_645 : i1
        %parallel_loop3A_647 = arith.andi %parallel_loop3A_646, %parallel_loop3A_641 : i1
        %parallel_loop3A_648 = arith.addi %parallel_loop3A_639, %parallel_loop3A_638 : i32
        %parallel_loop3A_649 = arith.select %parallel_loop3A_647, %parallel_loop3A_648, %parallel_loop3A_639 : i32
        %parallel_loop3A_650 = arith.constant 16 : i32
        %parallel_loop3A_651 = arith.muli %parallel_loop3A_649, %parallel_loop3A_650 : i32
        %parallel_loop3A_652 = arith.addi %parallel_loop3A_633, %parallel_loop3A_651 : i32
        %parallel_loop3A_653 = arith.index_cast %parallel_loop3A_600 : i32 to index
        %parallel_loop3A_654 = tpu.vector_load %arg5[%parallel_loop3A_653] {strides = array<i32>} : memref<32768xf32, #tpu.memory_space<vmem>>, vector<16xf32>,
        %parallel_loop3A_655 = arith.mulf %parallel_loop3A_654, %gather3A : vector<16xf32>
        %parallel_loop3A_656 = arith.addf %parallel_loop3A_655, %get3A_500 : vector<16xf32>
        %parallel_loop3A_657 = arith.index_cast %parallel_loop3A_652 : i32 to index
        %parallel_loop3A_658 = tpu.vector_load %arg10[%parallel_loop3A_657] {strides = array<i32>} : memref<32768xf32, #tpu.memory_space<vmem>>, vector<16xf32>,
        tpu.vector_store %arg10[%parallel_loop3A_657], %parallel_loop3A_656 {strides = array<i32>} : memref<32768xf32, #tpu.memory_space<vmem>>, vector<16xf32>,
        %parallel_loop3A_659 = arith.constant 16384 : i32
        %parallel_loop3A_660 = arith.muli %sub3A_445, %parallel_loop3A_659 : i32
        %parallel_loop3A_661 = arith.constant 4096 : i32
        %parallel_loop3A_662 = arith.muli %select_n3A_439, %parallel_loop3A_661 : i32
        %parallel_loop3A_663 = arith.addi %parallel_loop3A_660, %parallel_loop3A_662 : i32
        %parallel_loop3A_664 = arith.constant 64 : i32
        %parallel_loop3A_665 = arith.muli %parallel_loop3A_522, %parallel_loop3A_664 : i32
        %parallel_loop3A_666 = arith.addi %parallel_loop3A_663, %parallel_loop3A_665 : i32
        %parallel_loop3A_667 = arith.constant 32 : i32
        %parallel_loop3A_668 = arith.addi %parallel_loop3A_666, %parallel_loop3A_667 : i32
        %parallel_loop3A_669 = arith.constant 4 : i32
        %parallel_loop3A_670 = arith.muli %parallel_loop3A_522, %parallel_loop3A_669 : i32
        %parallel_loop3A_671 = arith.constant 2 : i32
        %parallel_loop3A_672 = arith.addi %parallel_loop3A_670, %parallel_loop3A_671 : i32
        %parallel_loop3A_673 = arith.constant 8 : i32
        %parallel_loop3A_674 = arith.divsi %parallel_loop3A_672, %parallel_loop3A_673 : i32
        %parallel_loop3A_675 = arith.constant 0 : i32
        %parallel_loop3A_676 = arith.cmpi sgt, %parallel_loop3A_672, %parallel_loop3A_675 : i32
        %parallel_loop3A_677 = arith.extui %parallel_loop3A_676 : i1 to i32
        %parallel_loop3A_678 = arith.constant 0 : i32
        %parallel_loop3A_679 = arith.cmpi slt, %parallel_loop3A_672, %parallel_loop3A_678 : i32
        %parallel_loop3A_680 = arith.extui %parallel_loop3A_679 : i1 to i32
        %parallel_loop3A_681 = arith.subi %parallel_loop3A_677, %parallel_loop3A_680 : i32
        %parallel_loop3A_682 = arith.constant 0 : i32
        %parallel_loop3A_683 = arith.cmpi sgt, %parallel_loop3A_673, %parallel_loop3A_682 : i32
        %parallel_loop3A_684 = arith.extui %parallel_loop3A_683 : i1 to i32
        %parallel_loop3A_685 = arith.constant 0 : i32
        %parallel_loop3A_686 = arith.cmpi slt, %parallel_loop3A_673, %parallel_loop3A_685 : i32
        %parallel_loop3A_687 = arith.extui %parallel_loop3A_686 : i1 to i32
        %parallel_loop3A_688 = arith.subi %parallel_loop3A_684, %parallel_loop3A_687 : i32
        %parallel_loop3A_689 = arith.cmpi ne, %parallel_loop3A_681, %parallel_loop3A_688 : i32
        %parallel_loop3A_690 = arith.remsi %parallel_loop3A_672, %parallel_loop3A_673 : i32
        %parallel_loop3A_691 = arith.constant 0 : i32
        %parallel_loop3A_692 = arith.cmpi ne, %parallel_loop3A_690, %parallel_loop3A_691 : i32
        %parallel_loop3A_693 = arith.andi %parallel_loop3A_689, %parallel_loop3A_692 : i1
        %parallel_loop3A_694 = arith.constant 1 : i32
        %parallel_loop3A_695 = arith.subi %parallel_loop3A_674, %parallel_loop3A_694 : i32
        %parallel_loop3A_696 = arith.select %parallel_loop3A_693, %parallel_loop3A_695, %parallel_loop3A_674 : i32
        %parallel_loop3A_697 = arith.constant 1024 : i32
        %parallel_loop3A_698 = arith.muli %parallel_loop3A_696, %parallel_loop3A_697 : i32
        %parallel_loop3A_699 = arith.constant 128 : i32
        %parallel_loop3A_700 = arith.muli %scan3A_476, %parallel_loop3A_699 : i32
        %parallel_loop3A_701 = arith.addi %parallel_loop3A_698, %parallel_loop3A_700 : i32
        %parallel_loop3A_702 = arith.constant 8 : i32
        %parallel_loop3A_703 = arith.constant 0 : i32
        %parallel_loop3A_704 = arith.cmpi eq, %parallel_loop3A_702, %parallel_loop3A_703 : i32
        %parallel_loop3A_705 = arith.constant 1 : i32
        %parallel_loop3A_706 = arith.select %parallel_loop3A_704, %parallel_loop3A_705, %parallel_loop3A_702 : i32
        %parallel_loop3A_707 = arith.remsi %parallel_loop3A_672, %parallel_loop3A_706 : i32
        %parallel_loop3A_708 = arith.constant 0 : i32
        %parallel_loop3A_709 = arith.cmpi ne, %parallel_loop3A_707, %parallel_loop3A_708 : i32
        %parallel_loop3A_710 = arith.constant 0 : i32
        %parallel_loop3A_711 = arith.cmpi slt, %parallel_loop3A_707, %parallel_loop3A_710 : i32
        %parallel_loop3A_712 = arith.constant 0 : i32
        %parallel_loop3A_713 = arith.cmpi slt, %parallel_loop3A_706, %parallel_loop3A_712 : i32
        %parallel_loop3A_714 = arith.xori %parallel_loop3A_711, %parallel_loop3A_713 : i1
        %parallel_loop3A_715 = arith.andi %parallel_loop3A_714, %parallel_loop3A_709 : i1
        %parallel_loop3A_716 = arith.addi %parallel_loop3A_707, %parallel_loop3A_706 : i32
        %parallel_loop3A_717 = arith.select %parallel_loop3A_715, %parallel_loop3A_716, %parallel_loop3A_707 : i32
        %parallel_loop3A_718 = arith.constant 16 : i32
        %parallel_loop3A_719 = arith.muli %parallel_loop3A_717, %parallel_loop3A_718 : i32
        %parallel_loop3A_720 = arith.addi %parallel_loop3A_701, %parallel_loop3A_719 : i32
        %parallel_loop3A_721 = arith.index_cast %parallel_loop3A_668 : i32 to index
        %parallel_loop3A_722 = tpu.vector_load %arg5[%parallel_loop3A_721] {strides = array<i32>} : memref<32768xf32, #tpu.memory_space<vmem>>, vector<16xf32>,
        %parallel_loop3A_723 = arith.mulf %parallel_loop3A_722, %gather3A : vector<16xf32>
        %parallel_loop3A_724 = arith.addf %parallel_loop3A_723, %get3A_509 : vector<16xf32>
        %parallel_loop3A_725 = arith.index_cast %parallel_loop3A_720 : i32 to index
        %parallel_loop3A_726 = tpu.vector_load %arg10[%parallel_loop3A_725] {strides = array<i32>} : memref<32768xf32, #tpu.memory_space<vmem>>, vector<16xf32>,
        tpu.vector_store %arg10[%parallel_loop3A_725], %parallel_loop3A_724 {strides = array<i32>} : memref<32768xf32, #tpu.memory_space<vmem>>, vector<16xf32>,
        %parallel_loop3A_727 = arith.constant 16384 : i32
        %parallel_loop3A_728 = arith.muli %sub3A_445, %parallel_loop3A_727 : i32
        %parallel_loop3A_729 = arith.constant 4096 : i32
        %parallel_loop3A_730 = arith.muli %select_n3A_439, %parallel_loop3A_729 : i32
        %parallel_loop3A_731 = arith.addi %parallel_loop3A_728, %parallel_loop3A_730 : i32
        %parallel_loop3A_732 = arith.constant 64 : i32
        %parallel_loop3A_733 = arith.muli %parallel_loop3A_522, %parallel_loop3A_732 : i32
        %parallel_loop3A_734 = arith.addi %parallel_loop3A_731, %parallel_loop3A_733 : i32
        %parallel_loop3A_735 = arith.constant 48 : i32
        %parallel_loop3A_736 = arith.addi %parallel_loop3A_734, %parallel_loop3A_735 : i32
        %parallel_loop3A_737 = arith.constant 4 : i32
        %parallel_loop3A_738 = arith.muli %parallel_loop3A_522, %parallel_loop3A_737 : i32
        %parallel_loop3A_739 = arith.constant 3 : i32
        %parallel_loop3A_740 = arith.addi %parallel_loop3A_738, %parallel_loop3A_739 : i32
        %parallel_loop3A_741 = arith.constant 8 : i32
        %parallel_loop3A_742 = arith.divsi %parallel_loop3A_740, %parallel_loop3A_741 : i32
        %parallel_loop3A_743 = arith.constant 0 : i32
        %parallel_loop3A_744 = arith.cmpi sgt, %parallel_loop3A_740, %parallel_loop3A_743 : i32
        %parallel_loop3A_745 = arith.extui %parallel_loop3A_744 : i1 to i32
        %parallel_loop3A_746 = arith.constant 0 : i32
        %parallel_loop3A_747 = arith.cmpi slt, %parallel_loop3A_740, %parallel_loop3A_746 : i32
        %parallel_loop3A_748 = arith.extui %parallel_loop3A_747 : i1 to i32
        %parallel_loop3A_749 = arith.subi %parallel_loop3A_745, %parallel_loop3A_748 : i32
        %parallel_loop3A_750 = arith.constant 0 : i32
        %parallel_loop3A_751 = arith.cmpi sgt, %parallel_loop3A_741, %parallel_loop3A_750 : i32
        %parallel_loop3A_752 = arith.extui %parallel_loop3A_751 : i1 to i32
        %parallel_loop3A_753 = arith.constant 0 : i32
        %parallel_loop3A_754 = arith.cmpi slt, %parallel_loop3A_741, %parallel_loop3A_753 : i32
        %parallel_loop3A_755 = arith.extui %parallel_loop3A_754 : i1 to i32
        %parallel_loop3A_756 = arith.subi %parallel_loop3A_752, %parallel_loop3A_755 : i32
        %parallel_loop3A_757 = arith.cmpi ne, %parallel_loop3A_749, %parallel_loop3A_756 : i32
        %parallel_loop3A_758 = arith.remsi %parallel_loop3A_740, %parallel_loop3A_741 : i32
        %parallel_loop3A_759 = arith.constant 0 : i32
        %parallel_loop3A_760 = arith.cmpi ne, %parallel_loop3A_758, %parallel_loop3A_759 : i32
        %parallel_loop3A_761 = arith.andi %parallel_loop3A_757, %parallel_loop3A_760 : i1
        %parallel_loop3A_762 = arith.constant 1 : i32
        %parallel_loop3A_763 = arith.subi %parallel_loop3A_742, %parallel_loop3A_762 : i32
        %parallel_loop3A_764 = arith.select %parallel_loop3A_761, %parallel_loop3A_763, %parallel_loop3A_742 : i32
        %parallel_loop3A_765 = arith.constant 1024 : i32
        %parallel_loop3A_766 = arith.muli %parallel_loop3A_764, %parallel_loop3A_765 : i32
        %parallel_loop3A_767 = arith.constant 128 : i32
        %parallel_loop3A_768 = arith.muli %scan3A_476, %parallel_loop3A_767 : i32
        %parallel_loop3A_769 = arith.addi %parallel_loop3A_766, %parallel_loop3A_768 : i32
        %parallel_loop3A_770 = arith.constant 8 : i32
        %parallel_loop3A_771 = arith.constant 0 : i32
        %parallel_loop3A_772 = arith.cmpi eq, %parallel_loop3A_770, %parallel_loop3A_771 : i32
        %parallel_loop3A_773 = arith.constant 1 : i32
        %parallel_loop3A_774 = arith.select %parallel_loop3A_772, %parallel_loop3A_773, %parallel_loop3A_770 : i32
        %parallel_loop3A_775 = arith.remsi %parallel_loop3A_740, %parallel_loop3A_774 : i32
        %parallel_loop3A_776 = arith.constant 0 : i32
        %parallel_loop3A_777 = arith.cmpi ne, %parallel_loop3A_775, %parallel_loop3A_776 : i32
        %parallel_loop3A_778 = arith.constant 0 : i32
        %parallel_loop3A_779 = arith.cmpi slt, %parallel_loop3A_775, %parallel_loop3A_778 : i32
        %parallel_loop3A_780 = arith.constant 0 : i32
        %parallel_loop3A_781 = arith.cmpi slt, %parallel_loop3A_774, %parallel_loop3A_780 : i32
        %parallel_loop3A_782 = arith.xori %parallel_loop3A_779, %parallel_loop3A_781 : i1
        %parallel_loop3A_783 = arith.andi %parallel_loop3A_782, %parallel_loop3A_777 : i1
        %parallel_loop3A_784 = arith.addi %parallel_loop3A_775, %parallel_loop3A_774 : i32
        %parallel_loop3A_785 = arith.select %parallel_loop3A_783, %parallel_loop3A_784, %parallel_loop3A_775 : i32
        %parallel_loop3A_786 = arith.constant 16 : i32
        %parallel_loop3A_787 = arith.muli %parallel_loop3A_785, %parallel_loop3A_786 : i32
        %parallel_loop3A_788 = arith.addi %parallel_loop3A_769, %parallel_loop3A_787 : i32
        %parallel_loop3A_789 = arith.index_cast %parallel_loop3A_736 : i32 to index
        %parallel_loop3A_790 = tpu.vector_load %arg5[%parallel_loop3A_789] {strides = array<i32>} : memref<32768xf32, #tpu.memory_space<vmem>>, vector<16xf32>,
        %parallel_loop3A_791 = arith.mulf %parallel_loop3A_790, %gather3A : vector<16xf32>
        %parallel_loop3A_792 = arith.addf %parallel_loop3A_791, %get3A_518 : vector<16xf32>
        %parallel_loop3A_793 = arith.index_cast %parallel_loop3A_788 : i32 to index
        %parallel_loop3A_794 = tpu.vector_load %arg10[%parallel_loop3A_793] {strides = array<i32>} : memref<32768xf32, #tpu.memory_space<vmem>>, vector<16xf32>,
        tpu.vector_store %arg10[%parallel_loop3A_793], %parallel_loop3A_792 {strides = array<i32>} : memref<32768xf32, #tpu.memory_space<vmem>>, vector<16xf32>,
      } {sc.loop_unroll_factor = 8 : i64, sc.parallel_access}
    }
    %scan3A_451 = arith.constant 8 : i32
    %mul3A_452 = arith.constant 32768 : i32
    %mul3A_453 = arith.muli %add3A_359, %mul3A_452 : i32
    %dma_start3A_454 = tpu.memref_slice %arg4[%mul3A_453] : memref<34603008xf32, #tpu.memory_space<hbm>> -> memref<32768xf32, #tpu.memory_space<hbm>>
    %dma_start3A_455 = tpu.memref_slice %arg4[%mul3A_453] : memref<34603008xf32, #tpu.memory_space<hbm>> -> memref<32768xf32, #tpu.memory_space<hbm>>
    tpu.enqueue_dma source(%arg10 : memref<32768xf32, #tpu.memory_space<vmem>>) target(%dma_start3A_455 : memref<32768xf32, #tpu.memory_space<hbm>>) target_semaphore(%arg12 : memref<!tpu.dma_semaphore, #tpu.memory_space<semaphore_mem>>)
    %mul3A_456 = arith.constant 33 : i32
    %mul3A_457 = arith.muli %add3A, %mul3A_456 : i32
    %add3A_458 = arith.constant 33 : i32
    %add3A_459 = arith.addi %mul3A_457, %add3A_458 : i32
    %sub3A_460 = arith.constant 2 : i32
    %sub3A_461 = arith.subi %add3A_459, %sub3A_460 : i32
    %mul3A_462 = arith.constant 32768 : i32
    %mul3A_463 = arith.muli %sub3A_461, %mul3A_462 : i32
    %dma_wait3A_464 = tpu.memref_slice %arg4[%mul3A_463] : memref<34603008xf32, #tpu.memory_space<hbm>> -> memref<32768xf32, #tpu.memory_space<hbm>>
    %dma_wait3A_465 = tpu.memref_slice %arg4[%mul3A_463] : memref<34603008xf32, #tpu.memory_space<hbm>> -> memref<32768xf32, #tpu.memory_space<hbm>>
    tpu.wait_dma2 semaphore(%arg13 : memref<!tpu.dma_semaphore, #tpu.memory_space<semaphore_mem>>) src(%arg11 : memref<32768xf32, #tpu.memory_space<vmem>>) dst(%dma_wait3A_465 : memref<32768xf32, #tpu.memory_space<hbm>>)
    %mul3A_466 = arith.constant 33 : i32
    %mul3A_467 = arith.muli %add3A, %mul3A_466 : i32
    %add3A_468 = arith.constant 33 : i32
    %add3A_469 = arith.addi %mul3A_467, %add3A_468 : i32
    %sub3A_470 = arith.constant 1 : i32
    %sub3A_471 = arith.subi %add3A_469, %sub3A_470 : i32
    %mul3A_472 = arith.constant 32768 : i32
    %mul3A_473 = arith.muli %sub3A_471, %mul3A_472 : i32
    %dma_wait3A_474 = tpu.memref_slice %arg4[%mul3A_473] : memref<34603008xf32, #tpu.memory_space<hbm>> -> memref<32768xf32, #tpu.memory_space<hbm>>
    %dma_wait3A_475 = tpu.memref_slice %arg4[%mul3A_473] : memref<34603008xf32, #tpu.memory_space<hbm>> -> memref<32768xf32, #tpu.memory_space<hbm>>
    tpu.wait_dma2 semaphore(%arg12 : memref<!tpu.dma_semaphore, #tpu.memory_space<semaphore_mem>>) src(%arg10 : memref<32768xf32, #tpu.memory_space<vmem>>) dst(%dma_wait3A_475 : memref<32768xf32, #tpu.memory_space<hbm>>)
    return
  }
}

</mosaic_0001>

<sc_bundles>
// kernel: _sc_embed.3.cloned.1.call-start
scs
__scs_entry_jumppad:
0x0: {  	(pc) =	sbr.rel $0x88, $3  }
0x1: {  	(tag) =	ssettag $0x0;
	lr =	simm.s32 $0x1  }
0x2: {  	[smem:$0x3F9F] =	sst lr;
	_ =	strace $0xD0000000  }
0x3: {  	_ = 	snop  }
0x4: {  	_ = 	snop  }
0x5: {  	_ = 	snop  }
0x6: {  	_ = 	snop  }
0x7: {  	_ = 	snop  }
__scs_overlays_trampoline_lowered:
0x8: {  	[smem:$0x3FAE] =	sst s0  }
0x9: {  	[smem:$0x3FAF] =	sst s1  }
0xa: {  	[smem:$0x3FB0] =	sst s2  }
0xb: {  	[smem:$0x3FB1] =	sst s3  }
0xc: {  	[smem:$0x3FB2] =	sst s4  }
0xd: {  	[smem:$0x3FB3] =	sst s5  }
0xe: {  	[smem:$0x3FB4] =	sst s6  }
0xf: {  	[smem:$0x3FB5] =	sst s7  }
0x10: {  	[smem:$0x3FB6] =	sst s8  }
0x11: {  	[smem:$0x3FB7] =	sst s9;
	s0 =	simm.s32 @!p0 $0x0  }
0x12: {  	s1 =	sld [smem:$0x3F9D];
	s0 =	simm.s32 @p0 $0x1  }
0x13: {  	[smem:$0x3FB8] =	sst s0;
	s0 =	simm.s32 @!p1 $0x0  }
0x14: {  	s2 =	sld [smem:$0x3F9C];
	s0 =	simm.s32 @p1 $0x1  }
0x15: {  	[smem:$0x3FB9] =	sst s0;
	s0 =	simm.s32 @!p2 $0x0  }
0x16: {  	s3 =	sld [smem:$0x3FDB];
	s0 =	simm.s32 @p2 $0x1  }
0x17: {  	s4 =	simm.s32 $0x1BF5;
	[smem:$0x3FBB] =	sst s0  }
0x18: {  	s0 =	sld [smem:$0x3F9E];
	_ =	swait.ge [sflag:s4], $0x0  }
0x19: {  	s7 =	sld [smem:$0x3F9F]  }
0x1a: {  	s8 =	sadd.s32 $0xFFFFE003, lr  }
0x1b: {  	s9 =	sadd.s32 $0xFFFFFEF7, lr;
	s5 =	simm.s32 $0xFFFFFFFF;
	p2 =	slt.u32 s8, $0xFFFFF086  }
0x1c: {  	p1 =	slt.u32 s9, $0xF7A;
	s5 =	simm.s32 @!p2 $0x0  }
0x1d: {  	s5 =	simm.s32 @p1 $0x1;
	p0 =	seq.s32 s7, s2  }
0x1e: {  	s7 =	smul.u32 @!p0 $0xF7A, s2;
	p2 =	seq.s32 @!p0 s5, $0x0  }
0x1f: {  	s9 =	smul.u32 $0xF7A, s1;
	s8 =	simm.s32 @!p0 $0x1BF5;
	p2 =	por !p2, p0  }
0x20: {  	[sflag:s8] =	ssyncset.s32 @!p0 $0xFFFFF086;
	s6 =	sadd.s32 @!p0 s3, s7;
	s7 =	simm.s32 @!p0 $0x108  }
0x21: {  	s3 =	sadd.s32 s3, s9;
	s6 =	sadd.s32 @!p0 $0x88, s6;
	s7 =	simm.s32 @p2 $0x1082  }
0x22: {  	[simem:s7], [sflag:s8] =	dma.local @!p0 [hbm:s6], $0xF7A  }
0x23: {  	s9 =	sor.u32 $0xD0000000, s2;
	s6 =	simm.s32 $0x108;
	_ =	swait.ge @!p0 [sflag:s8], $0x0  }
0x24: {  	s3 =	sadd.s32 $0x88, s3;
	s6 =	simm.s32 @!p1 $0x1082;
	[sflag:s4] =	ssyncset.s32 $0xFFFFF086  }
0x25: {  	[simem:s6], [sflag:s4] =	dma.local [hbm:s3], $0xF7A  }
0x26: {  	[smem:$0x3F9F] =	sst s1;
	(tag) =	ssettag s2;
	_ =	strace s9  }
0x27: {  	s1 =	sld [smem:$0x3FAF]  }
0x28: {  	s2 =	sld [smem:$0x3FB0]  }
0x29: {  	s4 =	sld [smem:$0x3FB2]  }
0x2a: {  	p0 =	seq.s32 s5, $0x0;
	s5 =	sld [smem:$0x3FB3]  }
0x2b: {  	s6 =	sld [smem:$0x3FB4]  }
0x2c: {  	s7 =	sld [smem:$0x3FB5]  }
0x2d: {  	s3 =	simm.s32 $0x108;
	s8 =	sld [smem:$0x3FB6]  }
0x2e: {  	s3 =	simm.s32 @!p0 $0x1082;
	s9 =	sld [smem:$0x3FB7]  }
0x2f: {  	lr =	sadd.s32 s0, s3;
	s0 =	sld [smem:$0x3FAE]  }
0x30: {  	s3 =	sld [smem:$0x3FB1]  }
0x31: {  	[smem:$0x3FBA] =	sst s10  }
0x32: {  	s10 =	sld [smem:$0x3FB8];
	_ =	sdelay $0x3  }
0x33: {  	p0 =	seq.s32 s10, $0x1;
	s10 =	sld [smem:$0x3FBA];
	_ =	sdelay $0x3  }
0x34: {  	[smem:$0x3FBA] =	sst s10  }
0x35: {  	s10 =	sld [smem:$0x3FB9];
	_ =	sdelay $0x3  }
0x36: {  	p1 =	seq.s32 s10, $0x1;
	s10 =	sld [smem:$0x3FBA];
	_ =	sdelay $0x3  }
0x37: {  	[smem:$0x3FBA] =	sst s10  }
0x38: {  	s10 =	sld [smem:$0x3FBB]  }
0x39: {  	_ = 	snop;
	(pc) =	sbr.ind lr, $3  }
0x3a: {  	_ = 	snop  }
0x3b: {  	_ = 	snop  }
0x3c: {  	p2 =	seq.s32 s10, $0x1;
	s10 =	sld [smem:$0x3FBA]  }
0x3d: {  	_ =	shalt  }
0x3e: {  	_ =	shalt  }
0x3f: {  	_ =	shalt  }
0x40: {  	_ =	shalt  }
0x41: {  	_ =	shalt  }
0x42: {  	_ =	shalt  }
0x43: {  	_ =	shalt  }
0x44: {  	_ =	shalt  }
0x45: {  	_ =	shalt  }
0x46: {  	_ =	shalt  }
0x47: {  	_ =	shalt  }
0x48: {  	_ =	shalt  }
0x49: {  	_ =	shalt  }
0x4a: {  	_ =	shalt  }
0x4b: {  	_ =	shalt  }
0x4c: {  	_ =	shalt  }
0x4d: {  	_ =	shalt  }
0x4e: {  	_ =	shalt  }
0x4f: {  	_ =	shalt  }
0x50: {  	_ =	shalt  }
0x51: {  	_ =	shalt  }
0x52: {  	_ =	shalt  }
0x53: {  	_ =	shalt  }
0x54: {  	_ =	shalt  }
0x55: {  	_ =	shalt  }
0x56: {  	_ =	shalt  }
0x57: {  	_ =	shalt  }
0x58: {  	_ =	shalt  }
0x59: {  	_ =	shalt  }
0x5a: {  	_ =	shalt  }
0x5b: {  	_ =	shalt  }
0x5c: {  	_ =	shalt  }
0x5d: {  	_ =	shalt  }
0x5e: {  	_ =	shalt  }
0x5f: {  	_ =	shalt  }
0x60: {  	_ =	shalt  }
0x61: {  	_ =	shalt  }
0x62: {  	_ =	shalt  }
0x63: {  	_ =	shalt  }
0x64: {  	_ =	shalt  }
0x65: {  	_ =	shalt  }
0x66: {  	_ =	shalt  }
0x67: {  	_ =	shalt  }
0x68: {  	_ =	shalt  }
0x69: {  	_ =	shalt  }
0x6a: {  	_ =	shalt  }
0x6b: {  	_ =	shalt  }
0x6c: {  	_ =	shalt  }
0x6d: {  	_ =	shalt  }
0x6e: {  	_ =	shalt  }
0x6f: {  	_ =	shalt  }
0x70: {  	_ =	shalt  }
0x71: {  	_ =	shalt  }
0x72: {  	_ =	shalt  }
0x73: {  	_ =	shalt  }
0x74: {  	_ =	shalt  }
0x75: {  	_ =	shalt  }
0x76: {  	_ =	shalt  }
0x77: {  	_ =	shalt  }
0x78: {  	_ =	shalt  }
0x79: {  	_ =	shalt  }
0x7a: {  	_ =	shalt  }
0x7b: {  	_ =	shalt  }
0x7c: {  	_ =	shalt  }
0x7d: {  	_ =	shalt  }
0x7e: {  	_ =	shalt  }
0x7f: {  	_ =	shalt  }
0x80: {  	_ =	shalt  }
0x81: {  	_ =	shalt  }
0x82: {  	_ =	shalt  }
0x83: {  	_ =	shalt  }
0x84: {  	_ =	shalt  }
0x85: {  	_ =	shalt  }
0x86: {  	_ =	shalt  }
0x87: {  	_ =	shalt  }
.Lfunc_end0:
.L_simem_size_0:
called_computation_lowered:
.L_overlay_start_0:
0x88: {  	s2 =	sld [smem:$0x3FD9]  }
0x89: {  	s3 =	sld [smem:$0x3FFE];
	_ =	sdelay $0x1  }
0x8a: {  	s1 =	srdreg.scid  }
0x8b: {  	s0 =	sand.u32 $0x1, s1  }
0x8c: {  	s18 =	sshll.u32 s0, $0xA;
	s2 =	sadd.s32 s3, s2  }
0x8d: {  	s2 =	sadd.s32 s2, s18  }
0x8e: {  	[smem:$0x3FC6] =	sst s2  }
0x8f: {  	_ = 	snop  }
0x90: {  	s2 =	sld [smem:$0x3FC9]  }
0x91: {  	s19 =	sld [smem:$0x3FC8]  }
0x92: {  	s4 =	sld [smem:$0x3FD0];
	(tm) =	ssettm $0x1  }
0x93: {  	s5 =	sld [smem:$0x3FFB];
	_ =	sdelay $0x3  }
0x94: {  	_ =	strace s5  }
0x95: {  	s5 =	sld [smem:$0x3FFC];
	_ =	sdelay $0x3  }
0x96: {  	_ =	strace s5  }
0x97: {  	s5 =	sld [smem:$0x3FFD];
	_ =	sdelay $0x3  }
0x98: {  	_ =	strace s5  }
0x99: {  	_ =	strace $0x8FFFFFFF  }
0x9a: {  	s20 =	sld [smem:$0x3FDB];
	_ =	sdelay $0x1  }
0x9b: {  	s6 =	simm.s32 $_scs_section_size  }
0x9c: {  	s7 =	simm.s32 $_size__tile_overlayer_lowered;
	s8 =	simm.s32 $_tile_overlayer_lowered  }
0x9d: {  	s23 =	simm.s32 $0x1BFF;
	s22 =	sshll.u32 s8, $0x1;
	s5 =	sadd.s32 s6, s20  }
0x9e: {  	s9 =	simm.s32 $0x0;
	s21 =	sshll.u32 s7, $0x1;
	s7 =	sadd.s32 s22, s5  }
0x9f: {  	[timem:s9], [sflag:s23] =	dma.local [hbm:s7], s21  }
0xa0: {  	_ =	swait.ge [sflag:s23], s21  }
0xa1: {  	s6 =	ssub.s32 $0x0, s21;
	[sflag:s23] =	ssyncset.done $0x0  }
0xa2: {  	[sflag:s23] =	ssyncadd.s32 s6;
	_ =	sdelay $0x1  }
0xa3: {  	s24 =	simm.s32 $0x1B8B  }
0xa4: {  	_ =	swait.ge [sflag:s24], $0x1  }
0xa5: {  	[sflag:s24] =	ssyncset.done $0x0  }
0xa6: {  	s25 =	simm.s32 $0x1B8E;
	[sflag:s24] =	ssyncadd.s32 $0xFFFFFFFF  }
0xa7: {  	s26 =	simm.s32 $execute0_lowered;
	[smem:$0x3FD2] =	sst s25  }
0xa8: {  	s6 =	sshll.u32 s26, $0x1;
	_ =	strace $0x80000046;
	[dreg:$0x1] =	wrdreg $0xFFFFFFFF  }
0xa9: {  	s28 =	simm.s32 $_size_execute0_lowered;
	s5 =	sadd.s32 s5, s6;
	[dreg:$0x0] =	wrdreg $0x0  }
0xaa: {  	s6 =	sshll.u32 s28, $0x1;
	[dreg:$0x2] =	wrdreg s5  }
0xab: {  	[dreg:$0x3] =	wrdreg s6  }
0xac: {  	[dreg:$0x4] =	wrdreg $0xC0  }
0xad: {  	_ =	task [dreg:s9], $0x5FFFF  }
0xae: {  	[dreg:$0x1] =	wrdreg $0xFFFFFFFF  }
0xaf: {  	[dreg:$0x0] =	wrdreg $0x60  }
0xb0: {  	[dreg:$0x2] =	wrdreg s2  }
0xb1: {  	[dreg:$0x3] =	wrdreg s19  }
0xb2: {  	[dreg:$0x4] =	wrdreg s4  }
0xb3: {  	[dreg:$0x5] =	wrdreg $0x9  }
0xb4: {  	_ =	task.clear_ibuf [dreg:s9], $0x6FFFF;
	_ =	strace $0x90000046  }
0xb5: {  	s29 =	simm.s32 $0x9;
	_ =	strace $0x80000048  }
0xb6: {  	_ =	swait.ge [sflag:s29], $0x1  }
0xb7: {  	[sflag:s29] =	ssyncadd.s32 $0xFFFFFFFF  }
0xb8: {  	_ =	strace $0x90000048  }
0xb9: {  	_ =	sfence  }
0xba: {  	s30 =	sld [smem:$0x0];
	_ =	sdelay $0x2  }
0xbb: {  	s31 =	sshll.u32 s1, $0xD;
	s1 =	sshrl.u32 s1, $0x2  }
0xbc: {  	s3 =	sand.u32 $0x4000, s31;
	s1 =	sadd.s32 s1, s30  }
0xbd: {  	s0 =	sor.u32 s3, s0;
	s1 =	sshll.u32 s1, $0x11  }
0xbe: {  	s0 =	sor.u32 s1, s0  }
0xbf: {  	s0 =	sadd.s32 $0x8F2B, s0  }
0xc0: {  	[sflag:s0] =	ssyncadd.remote.s32 $0x1  }
0xc1: {  	_ =	sfence.sel $0xFFFF  }
0xc2: {  	[dreg:$0x0] =	wrdreg $0xFFFFFFFF;
	(pc) =	sbr.abs _section_cstart, $3  }
0xc3: {  	[dreg:$0x1] =	wrdreg $0xFFFFFFFF  }
0xc4: {  	_ =	task.clear_ibuf [dreg:s9], $0x2FFFF;
	_ =	strace $0x9FFFFFFF  }
0xc5: {  	(tm) =	ssettm $0x7FFFFFFF  }
tec
execute0_lowered:
.L_overlay_start_1:
0x0: {  	(tag) =	ssettag $0x1  }
0x1: {  	s0 =	srdreg.scid;
	s1 =	rddreg [dreg:$0x0]  }
0x2: {  	s8 =	stileid.u32;
	s9 =	rddreg [dreg:$0x2];
	s25 =	simm.s32 $0x0  }
0x3: {  	s2 =	sand.u32 $0x1, s0;
	s16 =	sshll.u32 s8, $0x1;
	s31 =	smul.u32 $0x42, s8  }
0x4: {  	s0 =	sor.u32 s2, s16;
	s3 =	ssub.s32 $0x2, s2;
	s2 =	smul.u32 $0x21, s2  }
0x5: {  	[smem:$0x7FF] =	sst s25;
	s6 =	smul.u32 $0x21, s0  }
0x6: {  	_ =	strace $0x80000047;
	s5 =	sshrl.u32 s3, $0x1;
	s18 =	smul.u32 $0x21000, s0  }
0x7: {  	s11 =	sand.u32 $0x3, s0;
	s13 =	sadd.s32 $0x1, s0;
	s3 =	ssub.s32 s3, s5  }
0x8: {  	s4 =	sshll.u32 s6, $0x6;
	s10 =	sshrl.u32 s6, $0x5;
	s17 =	sshll.u32 s6, $0x1  }
0x9: {  	s19 =	sadd.s32 $0x1, s6;
	[dreg:$0x4] =	wrdreg s6;
	s21 =	sadd.s32 $0x20, s6  }
0xa: {  	s8 =	smax.u32 s3, $0x1;
	s4 =	sand.u32 $0xF800, s4;
	p0 =	sne.s32 s10, $0x0  }
0xb: {  	s24 =	sand.u32 $0x38, s17;
	s20 =	sshrl.u32 s19, $0x5;
	s22 =	sshll.u32 s19, $0x1  }
0xc: {  	s7 =	sshrl.u32 s21, $0x5;
	s5 =	sshll.u32 s19, $0xC;
	[dreg:$0xe] =	wrdreg s8  }
0xd: {  	[dreg:$0x5] =	wrdreg s10;
	s1 =	sadd.s32 s1, s4;
	s4 =	sadd.s32 s9, s18  }
0xe: {  	s26 =	sand.u32 $0x38, s22;
	s23 =	ssub.s32 s7, s10;
	[dreg:$0x7] =	wrdreg s24  }
0xf: {  	s5 =	sadd.s32 s9, s5;
	s7 =	sshll.u32 s21, $0xC;
	[dreg:$0x6] =	wrdreg s1  }
0x10: {  	s21 =	sadd.s32 $0x2, s0;
	s0 =	sadd.s32 $0x3, s0;
	[dreg:$0x8] =	wrdreg s4  }
0x11: {  	s22 =	sadd.s32 $0xFFFFFFFF, s10;
	s1 =	ssub.s32 s20, s10;
	[dreg:$0xb] =	wrdreg s5  }
0x12: {  	s29 =	sshll.u32 s23, $0xE;
	s4 =	sand.u32 $0x3, s13;
	[dreg:$0x15] =	wrdreg s21  }
0x13: {  	[dreg:$0x16] =	wrdreg s0;
	s0 =	simm.s32 $0x80C0;
	s1 =	sshll.u32 s1, $0xE  }
0x14: {  	[dreg:$0x9] =	wrdreg s26;
	s4 =	sshll.u32 s4, $0xC;
	s1 =	sshra.s32 s1, $0x2  }
0x15: {  	s0 =	simm.s32 @!p0 $0x8080;
	s28 =	sadd.s32 $0x9280, s1;
	s1 =	sshra.s32 s29, $0x2  }
0x16: {  	[dreg:$0x17] =	wrdreg s0;
	s29 =	sadd.s32 $0x9280, s1;
	s1 =	sadd.s32 s9, s7  }
0x17: {  	s9 =	sadd.s32 s2, s31;
	s2 =	sshll.u32 s11, $0xC;
	[dreg:$0xa] =	wrdreg s28  }
0x18: {  	s7 =	simm.s32 $0x9180;
	[dreg:$0xd] =	wrdreg s1;
	s12 =	sshll.u32 s9, $0x9  }
0x19: {  	s23 =	sor.u32 $0x1C0, s2;
	s17 =	sor.u32 $0x100, s2;
	s18 =	sadd.s32 $0x2, s9  }
0x1a: {  	s1 =	sadd.s32 $0x3, s9;
	s9 =	simm.s32 $0x9200;
	[dreg:$0xc] =	wrdreg s29  }
0x1b: {  	s14 =	sadd.s32 $0x200, s12;
	s15 =	sand.u32 $0xFC000, s12;
	[dreg:$0x12] =	wrdreg s18  }
0x1c: {  	s3 =	sadd.s32 $0x4000, s12;
	[dreg:$0x14] =	wrdreg s1;
	s1 =	simm.s32 $0x80D0  }
0x1d: {  	[dreg:$0xf] =	wrdreg s23;
	s5 =	sand.u32 $0x1FC000, s14;
	s16 =	ssub.s32 $0x140, s15  }
0x1e: {  	s3 =	sand.u32 $0x1FC000, s3;
	s20 =	ssub.s32 $0x0, s15;
	[dreg:$0x11] =	wrdreg s16  }
0x1f: {  	s1 =	simm.s32 @!p0 $0x8090;
	s4 =	sor.u32 s4, s5;
	[dreg:$0x13] =	wrdreg s20  }
0x20: {  	s2 =	sor.u32 s2, s3;
	[dreg:$0x18] =	wrdreg s1;
	s3 =	simm.s32 $0x80E0  }
0x21: {  	v0 =	vlaneseq.u32;
	s4 =	ssub.s32 s4, s15;
	s2 =	ssub.s32 s2, s15;
	s3 =	simm.s32 @!p0 $0x80A0  }
0x22: {  	v2 =	vor.u32 $0x30, v0;
	v62 =	vor.u32 $0x20, v0;
	s30 =	sor.u32 $0x140, s4;
	s19 =	sor.u32 $0x100, s4;
	[dreg:$0x1a] =	wrdreg s3  }
0x23: {  	v3 =	vor.u32 $0x10, v0;
	v63 =	vmov s10;
	v1 =	vmov s22;
	s31 =	sor.u32 $0x140, s2;
	s4 =	simm.s32 $0x80F0;
	[dreg:$0x10] =	wrdreg s30  }
0x24: {  	vm4 =	veq.s32 v63, v3;
	vm5 =	veq.s32 v63, v0;
	vm0 =	veq.s32 v1, v2;
	s1 =	sor.u32 $0x100, s2;
	s4 =	simm.s32 @!p0 $0x80B0;
	[dreg:$0x19] =	wrdreg s31  }
0x25: {  	vm1 =	veq.s32 v1, v62;
	vm2 =	veq.s32 v1, v3;
	vm3 =	veq.s32 v1, v0;
	s2 =	simm.s32 $0x8000;
	[dreg:$0x1b] =	wrdreg s4;
	s4 =	simm.s32 $0x0  }
.LBB2_1:
0x26: {  	[dreg:$0x1c] =	wrdreg s4  }
0x27: {  	s0 =	rddreg [dreg:$0x6];
	s3 =	simm.s32 $0x3  }
0x28: {  	[tilespmem:s25], [sflag:$0x3] =	stream.linear.gather [hbm4b:s0+s25], $0x8000, $0x38;
	[tilespmem:$0x1B280] =	vst v63  }
0x29: {  	_ =	swait.ge [sflag:s3], $0x8000  }
0x2a: {  	[sflag:s3] =	ssyncset.done $0x0  }
0x2b: {  	[sflag:s3] =	ssyncadd.s32 $0xFFFF8000  }
0x2c: {  	s12 =	rddreg [dreg:$0x1]  }
0x2d: {  	[tilespmem:s2], [sflag:$0x3] =	stream.linear.gather [hbm4b:s12+s25], $0x1180, $0x38;
	[tilespmem:$0x1B280] =	vst v63  }
0x2e: {  	_ =	swait.ge [sflag:s3], $0x1180  }
0x2f: {  	[sflag:s3] =	ssyncset.done $0x0  }
0x30: {  	[sflag:s3] =	ssyncadd.s32 $0xFFFFEE80  }
0x31: {  	v0 =	vld [tilespmem:$0x8140]  }
0x32: {  	v1 =	vld [tilespmem:$0x8100]  }
0x33: {  	v2 =	vld [tilespmem:$0x8150]  }
0x34: {  	v3 =	vld [tilespmem:$0x8110]  }
0x35: {  	v4 =	vld [tilespmem:$0x8160]  }
0x36: {  	v5 =	vld [tilespmem:$0x8120]  }
0x37: {  	v6 =	vld [tilespmem:$0x8170]  }
0x38: {  	v7 =	vld [tilespmem:$0x8130];
	_ =	sdelay $0x1  }
0x39: {  	v0 =	vsub.f32 v0, v1  }
0x3a: {  	v1 =	vsub.f32 v2, v3  }
0x3b: {  	[tilespmem:$0x9200] =	vst v0;
	v0 =	vsub.f32 v4, v5  }
0x3c: {  	[tilespmem:$0x9210] =	vst v1;
	v1 =	vsub.f32 v6, v7  }
0x3d: {  	[tilespmem:$0x9220] =	vst v0  }
0x3e: {  	s13 =	rddreg [dreg:$0x17];
	[tilespmem:$0x9230] =	vst v1;
	v1 =	vld [tilespmem:$0x8040]  }
0x3f: {  	v0 =	vld [tilespmem:s13+$0x0];
	_ =	sdelay $0x1  }
0x40: {  	v2 =	vld [tilespmem:$0x8100];
	_ =	sdelay $0x2  }
0x41: {  	v0 =	vadd.f32 v0, v1;
	_ =	sdelay $0x1  }
0x42: {  	v0 =	vadd.f32 v2, v0;
	_ =	sdelay $0x1  }
0x43: {  	s14 =	rddreg [dreg:$0x18];
	v1 =	vld [tilespmem:$0x8050];
	[tilespmem:$0x9180] =	vst v0  }
0x44: {  	v0 =	vld [tilespmem:s14+$0x0];
	_ =	sdelay $0x1  }
0x45: {  	v2 =	vld [tilespmem:$0x8110];
	_ =	sdelay $0x2  }
0x46: {  	v0 =	vadd.f32 v0, v1;
	_ =	sdelay $0x1  }
0x47: {  	v0 =	vadd.f32 v2, v0;
	_ =	sdelay $0x1  }
0x48: {  	s15 =	rddreg [dreg:$0x1a];
	v1 =	vld [tilespmem:$0x8060];
	[tilespmem:$0x9190] =	vst v0  }
0x49: {  	v0 =	vld [tilespmem:s15+$0x0];
	_ =	sdelay $0x1  }
0x4a: {  	v2 =	vld [tilespmem:$0x8120];
	_ =	sdelay $0x2  }
0x4b: {  	v0 =	vadd.f32 v0, v1;
	_ =	sdelay $0x1  }
0x4c: {  	v0 =	vadd.f32 v2, v0;
	_ =	sdelay $0x1  }
0x4d: {  	s16 =	rddreg [dreg:$0x1b];
	v1 =	vld [tilespmem:$0x8070];
	[tilespmem:$0x91A0] =	vst v0  }
0x4e: {  	v0 =	vld [tilespmem:s16+$0x0];
	_ =	sdelay $0x1  }
0x4f: {  	v2 =	vld [tilespmem:$0x8130]  }
0x50: {  	v3 =	vmov s25  }
0x51: {  	v3 =	vand.u32 $0xFFFFFFFE, v3  }
0x52: {  	v0 =	vadd.f32 v0, v1;
	v1 =	vbroadcast v3, $0x0;
	_ =	sdelay $0x1  }
0x53: {  	v0 =	vadd.f32 v2, v0;
	_ =	sdelay $0x1  }
0x54: {  	s3 =	simm.s32 $0x81F0;
	[tilespmem:$0x91B0] =	vst v0  }
0x55: {  	v0 =	vld [tilespmem:s3+$0xFFFFFF90]  }
0x56: {  	v12 =	vld.idx.msk [tilespmem:v1+s7+$0x0], $0xffff  }
0x57: {  	s18 =	simm.s32 $0x1;
	v14 =	vld.idx.msk [tilespmem:v1+s9+$0x0], $0xffff  }
0x58: {  	v1 =	vmov s18  }
0x59: {  	s20 =	simm.s32 $0x2  }
0x5a: {  	v2 =	vmov s20  }
0x5b: {  	v2 =	vand.u32 $0xFFFFFFFE, v2;
	v3 =	vadd.f32 v0, v12  }
0x5c: {  	v2 =	vbroadcast v2, $0x0;
	v4 =	vnsel vm3, $0x0, v14  }
0x5d: {  	v0 =	vld.idx.msk [tilespmem:v1+s7+$0x0], $0xffff;
	v3 =	vadd.f32 v3, v4  }
0x5e: {  	s12 =	simm.s32 $0x92A0;
	v4 =	vld [tilespmem:s3+$0xFFFFFFD0]  }
0x5f: {  	s21 =	simm.s32 $0x3;
	v1 =	vld.idx.msk [tilespmem:v1+s9+$0x0], $0xffff;
	[tilespmem:s12+$0xFFFFFFE0] =	vst v3  }
0x60: {  	s4 =	simm.s32 $0x8270;
	v3 =	vmov s21;
	v7 =	vld [tilespmem:s3+$0xFFFFFFA0]  }
0x61: {  	v9 =	vld [tilespmem:s4+$0xFFFFFF90]  }
0x62: {  	v5 =	vld.idx.msk [tilespmem:v2+s7+$0x0], $0xffff  }
0x63: {  	s22 =	simm.s32 $0x5;
	v6 =	vld.idx.msk [tilespmem:v2+s9+$0x0], $0xffff;
	v4 =	vadd.f32 v4, v0  }
0x64: {  	v10 =	vmov s22;
	v8 =	vnsel vm3, $0x0, v1  }
0x65: {  	s29 =	simm.s32 $0x4;
	v2 =	vld.idx.msk [tilespmem:v3+s9+$0x0], $0xffff;
	v4 =	vadd.f32 v4, v8;
	v7 =	vadd.f32 v7, v12  }
0x66: {  	v11 =	vnsel vm2, $0x0, v14;
	v8 =	vld.idx.msk [tilespmem:v3+s7+$0x0], $0xffff;
	v3 =	vmov s29  }
0x67: {  	v13 =	vld [tilespmem:s4+$0xFFFFFFD0];
	v3 =	vand.u32 $0xFFFFFFFE, v3;
	[tilespmem:s12+$0x20] =	vst v4;
	v4 =	vadd.f32 v9, v5;
	v7 =	vadd.f32 v7, v11  }
0x68: {  	v15 =	vnsel vm3, $0x0, v6;
	v9 =	vld [tilespmem:s3+$0xFFFFFFE0];
	v11 =	vbroadcast v3, $0x0  }
0x69: {  	v3 =	vld.idx.msk [tilespmem:v10+s9+$0x0], $0xffff;
	v15 =	vadd.f32 v4, v15;
	[tilespmem:s12+$0xFFFFFFF0] =	vst v7  }
0x6a: {  	s0 =	simm.s32 $0x9320;
	v16 =	vld [tilespmem:s3+$0xFFFFFFB0]  }
0x6b: {  	v4 =	vld.idx.msk [tilespmem:v10+s7+$0x0], $0xffff;
	[tilespmem:s0+$0xFFFFFFE0] =	vst v15  }
0x6c: {  	s10 =	simm.s32 $0x82F0;
	v7 =	vadd.f32 v13, v8;
	v10 =	vld [tilespmem:s4+$0xFFFFFFA0]  }
0x6d: {  	s5 =	simm.s32 $0x7;
	v17 =	vld [tilespmem:s10+$0xFFFFFF90];
	v13 =	vnsel vm3, $0x0, v2;
	v15 =	vadd.f32 v9, v0  }
0x6e: {  	v18 =	vmov s5;
	v13 =	vadd.f32 v7, v13;
	v7 =	vnsel vm2, $0x0, v1;
	v9 =	vld.idx.msk [tilespmem:v11+s7+$0x0], $0xffff  }
0x6f: {  	s5 =	simm.s32 $0x40;
	v15 =	vadd.f32 v15, v7;
	v7 =	vld.idx.msk [tilespmem:v11+s9+$0x0], $0xffff;
	v11 =	vadd.f32 v16, v12  }
0x70: {  	s6 =	simm.s32 $0x6;
	s8 =	sor.u32 $0x50, s5;
	[tilespmem:s0+$0x20] =	vst v13;
	v13 =	vld [tilespmem:s10+$0xFFFFFFD0];
	v16 =	vnsel vm1, $0x0, v14  }
0x71: {  	v19 =	vmov s6;
	[tilespmem:s8+$0x9280] =	vst v15;
	v15 =	vld [tilespmem:s4+$0xFFFFFFE0];
	v20 =	vadd.f32 v10, v5;
	v11 =	vadd.f32 v11, v16  }
0x72: {  	v10 =	vand.u32 $0xFFFFFFFE, v19;
	v19 =	vnsel vm2, $0x0, v6;
	v16 =	vld [tilespmem:s3+$0xFFFFFFF0]  }
0x73: {  	v21 =	vbroadcast v10, $0x0;
	v10 =	vld.idx.msk [tilespmem:v18+s9+$0x0], $0xffff;
	v17 =	vadd.f32 v17, v9;
	v19 =	vadd.f32 v20, v19;
	[tilespmem:s12+$0x0] =	vst v11  }
0x74: {  	v20 =	vnsel vm3, $0x0, v7;
	v22 =	vld [tilespmem:s3+$0xFFFFFFC0]  }
0x75: {  	v13 =	vadd.f32 v13, v4;
	v11 =	vld.idx.msk [tilespmem:v18+s7+$0x0], $0xffff;
	v17 =	vadd.f32 v17, v20;
	[tilespmem:s0+$0xFFFFFFF0] =	vst v19  }
0x76: {  	s11 =	simm.s32 $0x8370;
	s6 =	simm.s32 $0x93A0;
	v20 =	vnsel vm3, $0x0, v3;
	v19 =	vld [tilespmem:s4+$0xFFFFFFB0];
	v15 =	vadd.f32 v15, v8  }
0x77: {  	v18 =	vld [tilespmem:s11+$0xFFFFFF90];
	v13 =	vadd.f32 v13, v20;
	[tilespmem:s6+$0xFFFFFFE0] =	vst v17;
	v17 =	vnsel vm2, $0x0, v2  }
0x78: {  	s8 =	simm.s32 $0xC0;
	v16 =	vadd.f32 v16, v0;
	v20 =	vld [tilespmem:s10+$0xFFFFFFA0];
	v15 =	vadd.f32 v15, v17  }
0x79: {  	s14 =	simm.s32 $0x9;
	s13 =	sor.u32 $0x50, s8;
	v17 =	vnsel vm1, $0x0, v1;
	[tilespmem:s6+$0x20] =	vst v13;
	v13 =	vld.idx.msk [tilespmem:v21+s9+$0x0], $0xffff;
	v23 =	vadd.f32 v22, v12  }
0x7a: {  	v14 =	vnsel vm0, $0x0, v14;
	v16 =	vadd.f32 v16, v17;
	v12 =	vld.idx.msk [tilespmem:v21+s7+$0x0], $0xffff;
	[tilespmem:s13+$0x9280] =	vst v15;
	v15 =	vmov s14  }
0x7b: {  	s31 =	sor.u32 $0x60, s5;
	v22 =	vld [tilespmem:s11+$0xFFFFFFD0];
	v17 =	vadd.f32 v19, v5;
	v24 =	vadd.f32 v23, v14  }
0x7c: {  	s15 =	simm.s32 $0x8;
	v21 =	vld [tilespmem:s10+$0xFFFFFFE0];
	[tilespmem:s31+$0x9280] =	vst v16;
	v16 =	vnsel vm1, $0x0, v6  }
0x7d: {  	s14 =	simm.s32 $0xA;
	s13 =	simm.s32 $0xC0;
	v19 =	vld [tilespmem:s4+$0xFFFFFFF0];
	v14 =	vmov s15;
	v23 =	vadd.f32 v20, v9;
	v20 =	vadd.f32 v17, v16;
	[tilespmem:s12+$0x10] =	vst v24;
	s12 =	simm.s32 $0x93A0  }
.LBB2_2:
0x7e: {  	p0 =	slt.u32 s14, $0x3E;
	v14 =	vand.u32 $0xFFFFFFFE, v14;
	v16 =	vnsel vm2, $0x0, v7;
	v17 =	vld [tilespmem:s3+$0x0];
	s3 =	smov.u32 s4;
	s4 =	smov.u32 s10  }
0x7f: {  	v18 =	vadd.f32 v18, v12;
	s10 =	smov.u32 s11;
	v14 =	vbroadcast v14, $0x0;
	v24 =	vld.idx.msk [tilespmem:v15+s9+$0x0], $0xffff;
	v16 =	vadd.f32 v23, v16;
	[tilespmem:s0+$0x0] =	vst v20  }
0x80: {  	v25 =	vmovc v12;
	v20 =	vnsel vm3, $0x0, v13;
	v26 =	vmov v13;
	v22 =	vadd.f32 v22, v11;
	v23 =	vld [tilespmem:s3+$0xFFFFFFC0]  }
0x81: {  	v13 =	vnsel vm3, $0x0, v10;
	v12 =	vadd.f32 v18, v20;
	v27 =	vld.idx.msk [tilespmem:v15+s7+$0x0], $0xffff;
	[tilespmem:s6+$0xFFFFFFF0] =	vst v16;
	v15 =	vadd.f32 v21, v4  }
0x82: {  	s11 =	sadd.s32 $0x80, s11;
	v20 =	vnsel vm2, $0x0, v3;
	s6 =	sadd.s32 $0x80, s6;
	v13 =	vadd.f32 v22, v13;
	v16 =	vld [tilespmem:s4+$0xFFFFFFB0];
	v19 =	vadd.f32 v19, v8  }
0x83: {  	s8 =	sadd.s32 $0x80, s8;
	v18 =	vld [tilespmem:s11+$0xFFFFFF90];
	[tilespmem:s6+$0xFFFFFFE0] =	vst v12;
	v15 =	vadd.f32 v15, v20;
	v12 =	vnsel vm1, $0x0, v2;
	v17 =	vadd.f32 v17, v0;
	v0 =	vmovc v8  }
0x84: {  	s15 =	sor.u32 $0x50, s8;
	v20 =	vld [tilespmem:s10+$0xFFFFFFA0];
	[tilespmem:s6+$0x20] =	vst v13;
	v21 =	vadd.f32 v19, v12;
	v13 =	vnsel vm0, $0x0, v1;
	v1 =	vmovc v2;
	v2 =	vmovc v3;
	v3 =	vmov v10  }
.Ltmp0:
0x85: {  	s16 =	sadd.s32 $0x1, s14;
	v10 =	vmov v24;
	v12 =	vld.idx.msk [tilespmem:v14+s7+$0x0], $0xffff;
	[tilespmem:s15+$0x9280] =	vst v15;
	v19 =	vadd.f32 v23, v5;
	s15 =	sor.u32 $0x60, s13;
	v17 =	vadd.f32 v17, v13;
	(pc) =	sbr.rel @p0 .LBB2_2-.Ltmp0, $4  }
0x86: {  	v8 =	vmovc v4;
	v4 =	vmovc v11;
	v15 =	vmov s16;
	v5 =	vmov v9;
	v13 =	vld.idx.msk [tilespmem:v14+s9+$0x0], $0xffff;
	v14 =	vnsel vm0, $0x0, v6;
	[tilespmem:s15+$0x9280] =	vst v21;
	s15 =	sor.u32 $0x70, s5;
	s5 =	smov.u32 s13;
	s13 =	smov.u32 s8  }
0x87: {  	v9 =	vmovc v25;
	v11 =	vmov v27;
	v22 =	vld [tilespmem:s11+$0xFFFFFFD0];
	v16 =	vadd.f32 v16, v5;
	v24 =	vadd.f32 v19, v14;
	[tilespmem:s15+$0x9280] =	vst v17  }
0x88: {  	v6 =	vmov v7;
	v17 =	vnsel vm1, $0x0, v7;
	v7 =	vmov v26;
	v21 =	vld [tilespmem:s10+$0xFFFFFFE0]  }
0x89: {  	v14 =	vmov s14;
	s14 =	sadd.s32 $0x2, s14;
	v23 =	vadd.f32 v20, v9;
	v20 =	vadd.f32 v16, v17;
	v19 =	vld [tilespmem:s4+$0xFFFFFFF0];
	[tilespmem:s0+$0x10] =	vst v24;
	s0 =	smov.u32 s12;
	s12 =	smov.u32 s6  }
0x8a: {  	v14 =	vand.u32 $0xFFFFFFFE, v14  }
0x8b: {  	v16 =	vbroadcast v14, $0x0;
	_ =	sdelay $0x2  }
0x8c: {  	s16 =	sadd.s32 $0x80, s11;
	v14 =	vld.idx.msk [tilespmem:v15+s7+$0x0], $0xffff  }
0x8d: {  	v24 =	vld [tilespmem:s16+$0xFFFFFF90]  }
0x8e: {  	v25 =	vld [tilespmem:s16+$0xFFFFFFD0]  }
0x8f: {  	v17 =	vld.idx.msk [tilespmem:v16+s7+$0x0], $0xffff  }
0x90: {  	v16 =	vld.idx.msk [tilespmem:v16+s9+$0x0], $0xffff  }
0x91: {  	v15 =	vld.idx.msk [tilespmem:v15+s9+$0x0], $0xffff  }
0x92: {  	v18 =	vadd.f32 v18, v12  }
0x93: {  	v26 =	vnsel vm3, $0x0, v13;
	v22 =	vadd.f32 v22, v11  }
0x94: {  	v32 =	vnsel vm3, $0x0, v10;
	v18 =	vadd.f32 v18, v26;
	v24 =	vadd.f32 v24, v17  }
0x95: {  	s14 =	sadd.s32 $0x80, s6;
	v22 =	vadd.f32 v22, v32;
	v25 =	vadd.f32 v25, v14;
	v33 =	vnsel vm3, $0x0, v16  }
0x96: {  	[tilespmem:s14+$0xFFFFFFE0] =	vst v18;
	v34 =	vnsel vm3, $0x0, v15;
	v18 =	vadd.f32 v24, v33  }
0x97: {  	s15 =	sadd.s32 $0x80, s14;
	v35 =	vld [tilespmem:s11+$0xFFFFFFA0];
	[tilespmem:s14+$0x20] =	vst v22;
	v36 =	vadd.f32 v25, v34  }
0x98: {  	v37 =	vld [tilespmem:s11+$0xFFFFFFE0];
	[tilespmem:s15+$0xFFFFFFE0] =	vst v18  }
0x99: {  	[tilespmem:s15+$0x20] =	vst v36;
	v18 =	vld [tilespmem:s16+$0xFFFFFFA0]  }
0x9a: {  	v22 =	vld [tilespmem:s16+$0xFFFFFFE0]  }
0x9b: {  	v38 =	vnsel vm2, $0x0, v7;
	v21 =	vadd.f32 v21, v4  }
0x9c: {  	v39 =	vnsel vm2, $0x0, v3;
	v23 =	vadd.f32 v23, v38;
	v26 =	vadd.f32 v35, v12  }
0x9d: {  	s8 =	sadd.s32 $0x80, s8;
	v40 =	vnsel vm2, $0x0, v13;
	v21 =	vadd.f32 v21, v39;
	v24 =	vadd.f32 v37, v11  }
0x9e: {  	v42 =	vnsel vm2, $0x0, v10;
	s20 =	sor.u32 $0x50, s8;
	[tilespmem:s6+$0xFFFFFFF0] =	vst v23;
	v41 =	vadd.f32 v26, v40;
	v18 =	vadd.f32 v18, v17  }
0x9f: {  	s6 =	sadd.s32 $0x80, s8;
	v43 =	vld [tilespmem:s10+$0xFFFFFFB0];
	[tilespmem:s20+$0x9280] =	vst v21;
	v45 =	vnsel vm2, $0x0, v16;
	v44 =	vadd.f32 v24, v42;
	v22 =	vadd.f32 v22, v14  }
0xa0: {  	s18 =	sor.u32 $0x50, s6;
	v47 =	vnsel vm2, $0x0, v15;
	v46 =	vld [tilespmem:s10+$0xFFFFFFF0];
	[tilespmem:s14+$0xFFFFFFF0] =	vst v41;
	v18 =	vadd.f32 v18, v45  }
0xa1: {  	s21 =	sadd.s32 $0x80, s6;
	v48 =	vld [tilespmem:s11+$0xFFFFFFB0];
	[tilespmem:s18+$0x9280] =	vst v44;
	v49 =	vadd.f32 v22, v47  }
0xa2: {  	s20 =	sor.u32 $0x50, s21;
	v50 =	vld [tilespmem:s11+$0xFFFFFFF0];
	[tilespmem:s15+$0xFFFFFFF0] =	vst v18  }
0xa3: {  	[tilespmem:s20+$0x9280] =	vst v49;
	v18 =	vadd.f32 v19, v8;
	v19 =	vld [tilespmem:s16+$0xFFFFFFB0]  }
0xa4: {  	v51 =	vnsel vm1, $0x0, v2;
	v52 =	vadd.f32 v43, v9;
	v53 =	vld [tilespmem:s16+$0xFFFFFFF0]  }
0xa5: {  	v54 =	vnsel vm1, $0x0, v7;
	v25 =	vadd.f32 v46, v4;
	v18 =	vadd.f32 v18, v51  }
0xa6: {  	s22 =	sor.u32 $0x60, s13;
	v55 =	vnsel vm1, $0x0, v3;
	[tilespmem:s0+$0x0] =	vst v20;
	v20 =	vld [tilespmem:s3+$0x0];
	v21 =	vadd.f32 v52, v54;
	v24 =	vadd.f32 v48, v12  }
0xa7: {  	v56 =	vnsel vm1, $0x0, v13;
	v23 =	vadd.f32 v25, v55;
	v22 =	vadd.f32 v50, v11;
	[tilespmem:s22+$0x9280] =	vst v18;
	v18 =	vld [tilespmem:s4+$0xFFFFFFC0]  }
0xa8: {  	v58 =	vnsel vm1, $0x0, v10;
	s29 =	sor.u32 $0x60, s8;
	[tilespmem:s12+$0x0] =	vst v21;
	v24 =	vadd.f32 v24, v56;
	v57 =	vld [tilespmem:s4+$0x0];
	v19 =	vadd.f32 v19, v17  }
0xa9: {  	v60 =	vnsel vm1, $0x0, v16;
	v59 =	vld [tilespmem:s10+$0xFFFFFFC0];
	[tilespmem:s29+$0x9280] =	vst v23;
	v22 =	vadd.f32 v22, v58;
	v26 =	vadd.f32 v53, v14  }
0xaa: {  	s31 =	sor.u32 $0x60, s6;
	v62 =	vnsel vm1, $0x0, v15;
	v61 =	vld [tilespmem:s10+$0x0];
	[tilespmem:s14+$0x0] =	vst v24;
	v19 =	vadd.f32 v19, v60  }
0xab: {  	v0 =	vadd.f32 v20, v0;
	v20 =	vld [tilespmem:s11+$0xFFFFFFC0];
	[tilespmem:s31+$0x9280] =	vst v22;
	v63 =	vadd.f32 v26, v62  }
0xac: {  	v1 =	vnsel vm0, $0x0, v1;
	s4 =	sor.u32 $0x60, s21;
	v5 =	vadd.f32 v18, v5;
	v18 =	vld [tilespmem:s11+$0x0];
	[tilespmem:s15+$0x0] =	vst v19  }
0xad: {  	v0 =	vadd.f32 v0, v1;
	v1 =	vnsel vm0, $0x0, v6;
	[tilespmem:s4+$0x9280] =	vst v63;
	v6 =	vadd.f32 v57, v8;
	v8 =	vld [tilespmem:s16+$0xFFFFFFC0]  }
0xae: {  	s5 =	sor.u32 $0x70, s5;
	v2 =	vnsel vm0, $0x0, v2;
	v1 =	vadd.f32 v5, v1;
	v5 =	vadd.f32 v59, v9;
	v9 =	vld [tilespmem:s16+$0x0]  }
0xaf: {  	[tilespmem:s5+$0x9280] =	vst v0;
	v4 =	vadd.f32 v61, v4;
	v0 =	vadd.f32 v6, v2;
	v2 =	vnsel vm0, $0x0, v7  }
0xb0: {  	s10 =	sor.u32 $0x70, s13;
	[tilespmem:s0+$0x10] =	vst v1;
	v1 =	vadd.f32 v5, v2;
	v2 =	vnsel vm0, $0x0, v3;
	v3 =	vadd.f32 v20, v12  }
0xb1: {  	[tilespmem:s10+$0x9280] =	vst v0;
	v0 =	vadd.f32 v4, v2;
	v2 =	vnsel vm0, $0x0, v13;
	v4 =	vadd.f32 v18, v11  }
0xb2: {  	s11 =	sor.u32 $0x70, s8;
	[tilespmem:s12+$0x10] =	vst v1;
	v1 =	vadd.f32 v3, v2;
	v2 =	vnsel vm0, $0x0, v10;
	v3 =	vadd.f32 v8, v17  }
0xb3: {  	[tilespmem:s11+$0x9280] =	vst v0;
	v0 =	vadd.f32 v4, v2;
	v2 =	vnsel vm0, $0x0, v16;
	v4 =	vadd.f32 v9, v14  }
0xb4: {  	s12 =	sor.u32 $0x70, s6;
	[tilespmem:s14+$0x10] =	vst v1;
	v1 =	vadd.f32 v3, v2;
	v2 =	vnsel vm0, $0x0, v15  }
0xb5: {  	[tilespmem:s12+$0x9280] =	vst v0;
	v0 =	vadd.f32 v4, v2  }
0xb6: {  	s13 =	sor.u32 $0x70, s21;
	[tilespmem:s15+$0x10] =	vst v1  }
0xb7: {  	[tilespmem:s13+$0x9280] =	vst v0  }
0xb8: {  	v0 =	vld [tilespmem:$0x80C0]  }
0xb9: {  	v1 =	vld [tilespmem:$0x8040]  }
0xba: {  	v2 =	vld [tilespmem:$0x8100]  }
0xbb: {  	v3 =	vld [tilespmem:$0x80D0]  }
0xbc: {  	v4 =	vld [tilespmem:$0x8050]  }
0xbd: {  	v5 =	vld [tilespmem:$0x8110]  }
0xbe: {  	v6 =	vld [tilespmem:$0x80E0]  }
0xbf: {  	v7 =	vld [tilespmem:$0x8060]  }
0xc0: {  	v8 =	vld [tilespmem:$0x80F0]  }
0xc1: {  	v9 =	vld [tilespmem:$0x8070]  }
0xc2: {  	v10 =	vld [tilespmem:$0x8120]  }
0xc3: {  	s0 =	simm.s32 $0x0;
	v0 =	vadd.f32 v1, v0;
	v1 =	vld [tilespmem:$0x8130]  }
0xc4: {  	v3 =	vadd.f32 v4, v3;
	v4 =	vmov s0  }
0xc5: {  	v4 =	vand.u32 $0xFFFFFFFE, v4;
	v0 =	vadd.f32 v2, v0;
	v2 =	vadd.f32 v7, v6  }
0xc6: {  	v3 =	vadd.f32 v5, v3;
	v5 =	vadd.f32 v9, v8;
	v4 =	vbroadcast v4, $0x0  }
0xc7: {  	[tilespmem:$0x9180] =	vst v0;
	v0 =	vadd.f32 v10, v2  }
0xc8: {  	[tilespmem:$0x9190] =	vst v3;
	v1 =	vadd.f32 v1, v5  }
0xc9: {  	[tilespmem:$0x91A0] =	vst v0  }
0xca: {  	s4 =	simm.s32 $0x81F0;
	[tilespmem:$0x91B0] =	vst v1  }
0xcb: {  	v0 =	vld [tilespmem:s4+$0xFFFFFF90]  }
0xcc: {  	v10 =	vld.idx.msk [tilespmem:v4+s7+$0x0], $0xffff  }
0xcd: {  	s14 =	simm.s32 $0x1;
	v3 =	vld.idx.msk [tilespmem:v4+s9+$0x0], $0xffff  }
0xce: {  	v1 =	vmov s14  }
0xcf: {  	s15 =	simm.s32 $0x2  }
0xd0: {  	v2 =	vmov s15  }
0xd1: {  	v2 =	vand.u32 $0xFFFFFFFE, v2;
	v4 =	vadd.f32 v0, v10  }
0xd2: {  	v2 =	vbroadcast v2, $0x0;
	v5 =	vnsel vm5, $0x0, v3  }
0xd3: {  	v0 =	vld.idx.msk [tilespmem:v1+s7+$0x0], $0xffff;
	v4 =	vadd.f32 v4, v5  }
0xd4: {  	s3 =	simm.s32 $0xA2F0;
	v5 =	vld [tilespmem:s4+$0xFFFFFFD0]  }
0xd5: {  	s16 =	simm.s32 $0x3;
	v7 =	vld.idx.msk [tilespmem:v1+s9+$0x0], $0xffff;
	[tilespmem:s3+$0xFFFFFF90] =	vst v4  }
0xd6: {  	s10 =	simm.s32 $0x8270;
	v4 =	vmov s16;
	v6 =	vld [tilespmem:s4+$0xFFFFFFA0]  }
0xd7: {  	v8 =	vld [tilespmem:s10+$0xFFFFFF90]  }
0xd8: {  	v1 =	vld.idx.msk [tilespmem:v2+s7+$0x0], $0xffff  }
0xd9: {  	s18 =	simm.s32 $0x5;
	v9 =	vld.idx.msk [tilespmem:v2+s9+$0x0], $0xffff;
	v5 =	vadd.f32 v5, v0  }
0xda: {  	v11 =	vmov s18;
	v2 =	vnsel vm5, $0x0, v7  }
0xdb: {  	s20 =	simm.s32 $0x4;
	v13 =	vld.idx.msk [tilespmem:v4+s9+$0x0], $0xffff;
	v5 =	vadd.f32 v5, v2;
	v6 =	vadd.f32 v6, v10  }
0xdc: {  	v3 =	vnsel vm4, $0x0, v3;
	v2 =	vld.idx.msk [tilespmem:v4+s7+$0x0], $0xffff;
	v4 =	vmov s20  }
0xdd: {  	v8 =	vadd.f32 v8, v1;
	v4 =	vand.u32 $0xFFFFFFFE, v4;
	[tilespmem:s3+$0xFFFFFFD0] =	vst v5;
	v5 =	vld [tilespmem:s10+$0xFFFFFFD0];
	v3 =	vadd.f32 v6, v3  }
0xde: {  	v14 =	vbroadcast v4, $0x0;
	v4 =	vnsel vm5, $0x0, v9;
	v12 =	vld [tilespmem:s4+$0xFFFFFFE0]  }
0xdf: {  	v6 =	vld.idx.msk [tilespmem:v11+s9+$0x0], $0xffff;
	v4 =	vadd.f32 v8, v4;
	[tilespmem:s3+$0xFFFFFFA0] =	vst v3  }
0xe0: {  	s5 =	simm.s32 $0xA370;
	s21 =	simm.s32 $0x7;
	v15 =	vld [tilespmem:s4+$0xFFFFFFB0]  }
0xe1: {  	v17 =	vmov s21;
	v3 =	vld.idx.msk [tilespmem:v11+s7+$0x0], $0xffff;
	[tilespmem:s5+$0xFFFFFF90] =	vst v4  }
0xe2: {  	s11 =	simm.s32 $0x82F0;
	v4 =	vadd.f32 v5, v2;
	v5 =	vld [tilespmem:s10+$0xFFFFFFA0]  }
0xe3: {  	v8 =	vnsel vm5, $0x0, v13;
	v11 =	vadd.f32 v12, v0;
	v12 =	vld [tilespmem:s11+$0xFFFFFF90]  }
0xe4: {  	v7 =	vnsel vm4, $0x0, v7;
	v16 =	vadd.f32 v4, v8;
	v4 =	vld.idx.msk [tilespmem:v14+s7+$0x0], $0xffff  }
0xe5: {  	v8 =	vld.idx.msk [tilespmem:v14+s9+$0x0], $0xffff;
	v7 =	vadd.f32 v11, v7;
	v11 =	vadd.f32 v15, v10  }
0xe6: {  	s22 =	simm.s32 $0x6;
	v18 =	vnsel vm4, $0x0, v9;
	v9 =	vld.idx.msk [tilespmem:v17+s9+$0x0], $0xffff  }
0xe7: {  	v14 =	vld [tilespmem:s11+$0xFFFFFFD0];
	[tilespmem:s5+$0xFFFFFFD0] =	vst v16;
	v15 =	vmov s22;
	v5 =	vadd.f32 v5, v1;
	v11 =	vadd.f32 $0.0e+00, v11  }
0xe8: {  	[tilespmem:s3+$0xFFFFFFE0] =	vst v7;
	v7 =	vld [tilespmem:s10+$0xFFFFFFE0];
	v15 =	vand.u32 $0xFFFFFFFE, v15  }
0xe9: {  	v16 =	vld [tilespmem:s4+$0xFFFFFFF0];
	v15 =	vbroadcast v15, $0x0;
	v12 =	vadd.f32 v12, v4;
	v18 =	vadd.f32 v5, v18;
	[tilespmem:s3+$0xFFFFFFB0] =	vst v11  }
0xea: {  	v11 =	vnsel vm5, $0x0, v8;
	v19 =	vld [tilespmem:s4+$0xFFFFFFC0]  }
0xeb: {  	v5 =	vld.idx.msk [tilespmem:v17+s7+$0x0], $0xffff;
	v11 =	vadd.f32 v12, v11;
	[tilespmem:s5+$0xFFFFFFA0] =	vst v18  }
0xec: {  	s6 =	simm.s32 $0x8370;
	s12 =	simm.s32 $0xA3F0;
	v14 =	vadd.f32 v14, v3;
	v17 =	vld [tilespmem:s10+$0xFFFFFFB0]  }
0xed: {  	v18 =	vnsel vm5, $0x0, v6;
	v12 =	vld [tilespmem:s6+$0xFFFFFF90];
	v7 =	vadd.f32 v7, v2;
	[tilespmem:s12+$0xFFFFFF90] =	vst v11  }
0xee: {  	v13 =	vnsel vm4, $0x0, v13;
	v11 =	vadd.f32 v14, v18;
	v14 =	vadd.f32 v16, v0;
	v20 =	vld [tilespmem:s11+$0xFFFFFFA0]  }
0xef: {  	s29 =	simm.s32 $0x9;
	v13 =	vadd.f32 v7, v13;
	v7 =	vld.idx.msk [tilespmem:v15+s7+$0x0], $0xffff;
	v18 =	vadd.f32 v19, v10  }
0xf0: {  	[tilespmem:s12+$0xFFFFFFD0] =	vst v11;
	v11 =	vadd.f32 $0.0e+00, v14;
	v10 =	vld.idx.msk [tilespmem:v15+s9+$0x0], $0xffff;
	v15 =	vmov s29  }
0xf1: {  	v16 =	vld [tilespmem:s6+$0xFFFFFFD0];
	[tilespmem:s5+$0xFFFFFFE0] =	vst v13;
	v13 =	vadd.f32 v17, v1;
	v19 =	vadd.f32 $0.0e+00, v18  }
0xf2: {  	s31 =	simm.s32 $0x8;
	v14 =	vld [tilespmem:s11+$0xFFFFFFE0];
	[tilespmem:s3+$0xFFFFFFF0] =	vst v11  }
0xf3: {  	s8 =	simm.s32 $0xA3F0;
	s13 =	simm.s32 $0xA;
	v11 =	vld [tilespmem:s10+$0xFFFFFFF0];
	v18 =	vmov s31;
	v17 =	vadd.f32 v20, v4;
	v13 =	vadd.f32 $0.0e+00, v13;
	[tilespmem:s3+$0xFFFFFFC0] =	vst v19  }
.LBB2_4:
0xf4: {  	p0 =	slt.u32 s13, $0x3E;
	v18 =	vand.u32 $0xFFFFFFFE, v18;
	v23 =	vnsel vm4, $0x0, v8;
	v19 =	vld [tilespmem:s4+$0x0];
	s4 =	smov.u32 s10;
	s10 =	smov.u32 s11  }
0xf5: {  	v12 =	vadd.f32 v12, v7;
	s11 =	smov.u32 s6;
	v18 =	vbroadcast v18, $0x0;
	v20 =	vld.idx.msk [tilespmem:v15+s9+$0x0], $0xffff;
	v17 =	vadd.f32 v17, v23;
	[tilespmem:s5+$0xFFFFFFB0] =	vst v13  }
0xf6: {  	v22 =	vmovc v7;
	v13 =	vnsel vm5, $0x0, v10;
	v8 =	vmov v10;
	v16 =	vadd.f32 v16, v5;
	v21 =	vld [tilespmem:s4+$0xFFFFFFC0]  }
0xf7: {  	v10 =	vnsel vm5, $0x0, v9;
	v7 =	vadd.f32 v12, v13;
	v23 =	vld.idx.msk [tilespmem:v15+s7+$0x0], $0xffff;
	[tilespmem:s12+$0xFFFFFFA0] =	vst v17;
	v13 =	vadd.f32 v14, v3  }
0xf8: {  	s6 =	sadd.s32 $0x80, s6;
	v15 =	vnsel vm4, $0x0, v6;
	s12 =	sadd.s32 $0x80, s12;
	v6 =	vmovc v9;
	v10 =	vadd.f32 v16, v10;
	v14 =	vld [tilespmem:s10+$0xFFFFFFB0];
	v11 =	vadd.f32 v11, v2  }
0xf9: {  	v12 =	vld [tilespmem:s6+$0xFFFFFF90];
	[tilespmem:s12+$0xFFFFFF90] =	vst v7;
	v15 =	vadd.f32 v13, v15;
	v13 =	vadd.f32 v19, v0;
	v0 =	vmovc v2;
	v2 =	vmov v3  }
0xfa: {  	v3 =	vmov v5;
	v17 =	vld [tilespmem:s11+$0xFFFFFFA0];
	[tilespmem:s12+$0xFFFFFFD0] =	vst v10;
	v11 =	vadd.f32 $0.0e+00, v11  }
.Ltmp1:
0xfb: {  	s14 =	sadd.s32 $0x1, s13;
	v9 =	vmovc v20;
	v7 =	vld.idx.msk [tilespmem:v18+s7+$0x0], $0xffff;
	[tilespmem:s8+$0xFFFFFFE0] =	vst v15;
	v21 =	vadd.f32 v21, v1;
	v13 =	vadd.f32 $0.0e+00, v13;
	v1 =	vmov v4;
	(pc) =	sbr.rel @p0 .LBB2_4-.Ltmp1, $4  }
0xfc: {  	v15 =	vmov s14;
	v4 =	vmov v22;
	v10 =	vld.idx.msk [tilespmem:v18+s9+$0x0], $0xffff;
	[tilespmem:s5+$0xFFFFFFF0] =	vst v11  }
0xfd: {  	v5 =	vmov v23;
	v16 =	vld [tilespmem:s6+$0xFFFFFFD0];
	v11 =	vadd.f32 v14, v1;
	v19 =	vadd.f32 $0.0e+00, v21;
	[tilespmem:s3+$0x0] =	vst v13;
	s3 =	smov.u32 s5;
	s5 =	smov.u32 s8;
	s8 =	smov.u32 s12  }
0xfe: {  	v14 =	vld [tilespmem:s11+$0xFFFFFFE0]  }
0xff: {  	v18 =	vmov s13;
	s13 =	sadd.s32 $0x2, s13;
	v17 =	vadd.f32 v17, v4;
	v13 =	vadd.f32 $0.0e+00, v11;
	v11 =	vld [tilespmem:s10+$0xFFFFFFF0];
	[tilespmem:s3+$0xFFFFFFC0] =	vst v19  }
0x100: {  	v18 =	vand.u32 $0xFFFFFFFE, v18  }
0x101: {  	v18 =	vbroadcast v18, $0x0;
	_ =	sdelay $0x2  }
0x102: {  	v19 =	vld.idx.msk [tilespmem:v15+s7+$0x0], $0xffff;
	s15 =	sadd.s32 $0x80, s6  }
0x103: {  	v20 =	vld [tilespmem:s15+$0xFFFFFF90]  }
0x104: {  	v22 =	vld [tilespmem:s15+$0xFFFFFFD0]  }
0x105: {  	v21 =	vld.idx.msk [tilespmem:v18+s7+$0x0], $0xffff  }
0x106: {  	v18 =	vld.idx.msk [tilespmem:v18+s9+$0x0], $0xffff  }
0x107: {  	v52 =	vld.idx.msk [tilespmem:v15+s9+$0x0], $0xffff  }
0x108: {  	v12 =	vadd.f32 v12, v7  }
0x109: {  	v23 =	vnsel vm5, $0x0, v10;
	v16 =	vadd.f32 v16, v5  }
0x10a: {  	v53 =	vnsel vm5, $0x0, v9;
	v12 =	vadd.f32 v12, v23;
	v20 =	vadd.f32 v20, v21  }
0x10b: {  	s13 =	sadd.s32 $0x80, s12;
	v16 =	vadd.f32 v16, v53;
	v22 =	vadd.f32 v22, v19;
	v54 =	vnsel vm5, $0x0, v18  }
0x10c: {  	[tilespmem:s13+$0xFFFFFF90] =	vst v12;
	v56 =	vnsel vm5, $0x0, v52;
	v55 =	vadd.f32 v20, v54  }
0x10d: {  	s14 =	sadd.s32 $0x80, s13;
	v57 =	vld [tilespmem:s6+$0xFFFFFFA0];
	[tilespmem:s13+$0xFFFFFFD0] =	vst v16;
	v20 =	vadd.f32 v22, v56  }
0x10e: {  	v58 =	vld [tilespmem:s6+$0xFFFFFFE0];
	[tilespmem:s14+$0xFFFFFF90] =	vst v55  }
0x10f: {  	[tilespmem:s14+$0xFFFFFFD0] =	vst v20;
	v12 =	vld [tilespmem:s15+$0xFFFFFFA0]  }
0x110: {  	v14 =	vadd.f32 v14, v3;
	v20 =	vld [tilespmem:s15+$0xFFFFFFE0]  }
0x111: {  	v6 =	vnsel vm4, $0x0, v6  }
0x112: {  	v8 =	vnsel vm4, $0x0, v8;
	v6 =	vadd.f32 v14, v6;
	v16 =	vadd.f32 v57, v7  }
0x113: {  	v8 =	vadd.f32 v17, v8;
	v59 =	vnsel vm4, $0x0, v10;
	v60 =	vadd.f32 v58, v5  }
0x114: {  	v62 =	vnsel vm4, $0x0, v9;
	[tilespmem:s8+$0xFFFFFFE0] =	vst v6;
	v61 =	vadd.f32 v16, v59;
	v63 =	vadd.f32 v12, v21  }
0x115: {  	[tilespmem:s12+$0xFFFFFFA0] =	vst v8;
	v26 =	vld [tilespmem:s11+$0xFFFFFFF0];
	v24 =	vnsel vm4, $0x0, v18;
	v23 =	vadd.f32 v60, v62;
	v25 =	vadd.f32 v20, v19  }
0x116: {  	v28 =	vnsel vm4, $0x0, v52;
	v22 =	vld [tilespmem:s11+$0xFFFFFFB0];
	[tilespmem:s13+$0xFFFFFFA0] =	vst v61;
	v27 =	vadd.f32 v63, v24  }
0x117: {  	v29 =	vld [tilespmem:s6+$0xFFFFFFB0];
	[tilespmem:s13+$0xFFFFFFE0] =	vst v23;
	v30 =	vadd.f32 v25, v28  }
0x118: {  	v31 =	vld [tilespmem:s6+$0xFFFFFFF0];
	[tilespmem:s14+$0xFFFFFFA0] =	vst v27  }
0x119: {  	v32 =	vadd.f32 v11, v2;
	[tilespmem:s14+$0xFFFFFFE0] =	vst v30;
	v33 =	vld [tilespmem:s15+$0xFFFFFFB0]  }
0x11a: {  	v36 =	vadd.f32 v26, v3;
	v35 =	vld [tilespmem:s15+$0xFFFFFFF0]  }
0x11b: {  	v8 =	vadd.f32 $0.0e+00, v32;
	v34 =	vadd.f32 v22, v4  }
0x11c: {  	v37 =	vld [tilespmem:s4+$0x0];
	[tilespmem:s5+$0xFFFFFFB0] =	vst v13;
	v38 =	vadd.f32 $0.0e+00, v36;
	v10 =	vadd.f32 v29, v7  }
0x11d: {  	v13 =	vld [tilespmem:s10+$0xFFFFFFC0];
	[tilespmem:s5+$0xFFFFFFF0] =	vst v8;
	v6 =	vadd.f32 $0.0e+00, v34;
	v9 =	vadd.f32 v31, v5  }
0x11e: {  	v39 =	vld [tilespmem:s10+$0x0];
	[tilespmem:s8+$0xFFFFFFF0] =	vst v38;
	v40 =	vadd.f32 $0.0e+00, v10;
	v41 =	vadd.f32 v33, v21  }
0x11f: {  	v45 =	vld [tilespmem:s11+$0x0];
	[tilespmem:s8+$0xFFFFFFB0] =	vst v6;
	v43 =	vadd.f32 $0.0e+00, v9;
	v44 =	vadd.f32 v35, v19  }
0x120: {  	v42 =	vld [tilespmem:s11+$0xFFFFFFC0];
	[tilespmem:s13+$0xFFFFFFB0] =	vst v40;
	v46 =	vadd.f32 $0.0e+00, v41  }
0x121: {  	v0 =	vadd.f32 v37, v0;
	v47 =	vld [tilespmem:s6+$0xFFFFFFC0];
	[tilespmem:s13+$0xFFFFFFF0] =	vst v43;
	v48 =	vadd.f32 $0.0e+00, v44  }
0x122: {  	v1 =	vadd.f32 v13, v1;
	v49 =	vld [tilespmem:s6+$0x0];
	[tilespmem:s14+$0xFFFFFFB0] =	vst v46  }
0x123: {  	v0 =	vadd.f32 $0.0e+00, v0;
	v50 =	vadd.f32 v39, v2;
	[tilespmem:s14+$0xFFFFFFF0] =	vst v48;
	v6 =	vld [tilespmem:s15+$0xFFFFFFC0]  }
0x124: {  	v1 =	vadd.f32 $0.0e+00, v1;
	v53 =	vadd.f32 v45, v3;
	v8 =	vld [tilespmem:s15+$0x0]  }
0x125: {  	[tilespmem:s3+$0x0] =	vst v0;
	v52 =	vadd.f32 $0.0e+00, v50;
	v51 =	vadd.f32 v42, v4  }
0x126: {  	[tilespmem:s5+$0xFFFFFFC0] =	vst v1;
	v56 =	vadd.f32 $0.0e+00, v53;
	v55 =	vadd.f32 v47, v7  }
0x127: {  	[tilespmem:s5+$0x0] =	vst v52;
	v54 =	vadd.f32 $0.0e+00, v51;
	v57 =	vadd.f32 v49, v5  }
0x128: {  	[tilespmem:s8+$0x0] =	vst v56;
	v58 =	vadd.f32 $0.0e+00, v55;
	v59 =	vadd.f32 v6, v21  }
0x129: {  	[tilespmem:s8+$0xFFFFFFC0] =	vst v54;
	v60 =	vadd.f32 $0.0e+00, v57;
	v61 =	vadd.f32 v8, v19  }
0x12a: {  	[tilespmem:s13+$0xFFFFFFC0] =	vst v58;
	v62 =	vadd.f32 $0.0e+00, v59  }
0x12b: {  	[tilespmem:s13+$0x0] =	vst v60;
	v63 =	vadd.f32 $0.0e+00, v61  }
0x12c: {  	[tilespmem:s14+$0xFFFFFFC0] =	vst v62  }
0x12d: {  	s3 =	simm.s32 $0xBA80;
	[tilespmem:s14+$0x0] =	vst v63  }
.LBB2_6:
0x12e: {  	s4 =	sor.u32 s24, s0  }
0x12f: {  	v0 =	vmov s4;
	_ =	sdelay $0x1  }
0x130: {  	v5 =	vld [tilespmem:s17+$0xC0]  }
0x131: {  	v6 =	vld [tilespmem:s17+$0xFFFFFF40]  }
0x132: {  	v7 =	vld [tilespmem:s17+$0xFFFFFF80]  }
0x133: {  	s4 =	sshll.u32 s4, $0x6;
	v0 =	vld.idx.msk [tilespmem:v0+s2+$0x0], $0xffff  }
0x134: {  	v8 =	vld [tilespmem:s17+$0xFFFFFFC0];
	s4 =	sand.u32 $0x3FFFFFC0, s4  }
0x135: {  	v3 =	vld [tilespmem:s4+$0x9280]  }
0x136: {  	v9 =	vld [tilespmem:s17+$0x0]  }
0x137: {  	v10 =	vld [tilespmem:s17+$0x40]  }
0x138: {  	v11 =	vld [tilespmem:s17+$0x80];
	v5 =	vmul.f32 v5, v0  }
0x139: {  	v12 =	vld [tilespmem:s17+$0xFFFFFF00];
	v6 =	vmul.f32 v6, v0  }
0x13a: {  	v4 =	vld [tilespmem:s4+$0x9290];
	v5 =	vadd.f32 v5, v3  }
0x13b: {  	v2 =	vld [tilespmem:s4+$0x92A0];
	v7 =	vmul.f32 v7, v0;
	v6 =	vadd.f32 v6, v3  }
0x13c: {  	s10 =	sor.u32 $0x50, s23;
	v1 =	vld [tilespmem:s4+$0x92B0];
	[tilespmem:s3+$0x440] =	vst v5;
	v5 =	vmul.f32 v8, v0  }
0x13d: {  	v7 =	vadd.f32 v7, v3;
	[tilespmem:s3+$0xFFFFF840] =	vst v6;
	v8 =	vmul.f32 v9, v0;
	v6 =	vld [tilespmem:s10+$0x0]  }
0x13e: {  	v10 =	vmul.f32 v10, v0;
	v9 =	vld [tilespmem:s17+$0xFFFFFF50];
	v5 =	vadd.f32 v5, v3  }
0x13f: {  	s8 =	sadd.s32 $0xFFFFFF00, s23;
	[tilespmem:s3+$0xFFFFFC00] =	vst v7;
	v7 =	vadd.f32 v8, v3;
	v8 =	vmul.f32 v11, v0  }
0x140: {  	s11 =	sor.u32 $0x50, s8;
	v11 =	vmul.f32 v12, v0;
	v12 =	vld [tilespmem:s17+$0xFFFFFF90];
	[tilespmem:s3+$0xFFFFFC40] =	vst v5;
	v5 =	vadd.f32 v10, v3  }
0x141: {  	s6 =	sadd.s32 $0xFFFFFF80, s23;
	[tilespmem:s3+$0x0] =	vst v7;
	v7 =	vadd.f32 v8, v3;
	v10 =	vld [tilespmem:s11+$0x0]  }
0x142: {  	s12 =	sor.u32 $0x50, s6;
	v8 =	vadd.f32 v11, v3;
	v11 =	vld [tilespmem:s17+$0x10];
	v6 =	vmul.f32 v6, v0;
	[tilespmem:s3+$0x40] =	vst v5  }
0x143: {  	v5 =	vmul.f32 v9, v0;
	[tilespmem:s3+$0x400] =	vst v7;
	v9 =	vld [tilespmem:s12+$0x0]  }
0x144: {  	[tilespmem:s3+$0xFFFFF800] =	vst v8;
	v7 =	vld [tilespmem:s17+$0x90];
	v6 =	vadd.f32 v6, v4  }
0x145: {  	v8 =	vld [tilespmem:s17+$0xFFFFFF10];
	v12 =	vmul.f32 v12, v0;
	v5 =	vadd.f32 v5, v4  }
0x146: {  	s13 =	sor.u32 $0x60, s23;
	[tilespmem:s3+$0x450] =	vst v6;
	v6 =	vmul.f32 v10, v0  }
0x147: {  	[tilespmem:s3+$0xFFFFF850] =	vst v5;
	v10 =	vadd.f32 v12, v4;
	v11 =	vmul.f32 v11, v0;
	v5 =	vld [tilespmem:s13+$0x0]  }
0x148: {  	v12 =	vld [tilespmem:s17+$0xFFFFFF60];
	v6 =	vadd.f32 v6, v4;
	v9 =	vmul.f32 v9, v0  }
0x149: {  	[tilespmem:s3+$0xFFFFFC10] =	vst v10;
	v10 =	vadd.f32 v11, v4;
	v7 =	vmul.f32 v7, v0  }
0x14a: {  	s14 =	sor.u32 $0x60, s8;
	v8 =	vmul.f32 v8, v0;
	v11 =	vld [tilespmem:s17+$0xFFFFFFA0];
	[tilespmem:s3+$0xFFFFFC50] =	vst v6;
	v6 =	vadd.f32 v9, v4  }
0x14b: {  	[tilespmem:s3+$0x10] =	vst v10;
	v7 =	vadd.f32 v7, v4;
	v9 =	vld [tilespmem:s14+$0x0]  }
0x14c: {  	s15 =	sor.u32 $0x60, s6;
	v8 =	vadd.f32 v8, v4;
	v10 =	vld [tilespmem:s17+$0x20];
	v5 =	vmul.f32 v5, v0;
	[tilespmem:s3+$0x50] =	vst v6  }
0x14d: {  	v6 =	vmul.f32 v12, v0;
	[tilespmem:s3+$0x410] =	vst v7;
	v12 =	vld [tilespmem:s15+$0x0]  }
0x14e: {  	[tilespmem:s3+$0xFFFFF810] =	vst v8;
	v7 =	vld [tilespmem:s17+$0xA0];
	v5 =	vadd.f32 v5, v2  }
0x14f: {  	s5 =	sadd.s32 $0x200, s17;
	v8 =	vld [tilespmem:s17+$0xFFFFFF20];
	v6 =	vadd.f32 v6, v2;
	v11 =	vmul.f32 v11, v0  }
0x150: {  	s16 =	sor.u32 $0x70, s23;
	v13 =	vld [tilespmem:s5+$0xC0];
	[tilespmem:s3+$0x460] =	vst v5;
	v5 =	vmul.f32 v9, v0  }
0x151: {  	[tilespmem:s3+$0xFFFFF860] =	vst v6;
	v9 =	vadd.f32 v11, v2;
	v10 =	vmul.f32 v10, v0;
	v6 =	vld [tilespmem:s16+$0x0]  }
0x152: {  	v11 =	vld [tilespmem:s17+$0xFFFFFF70];
	v5 =	vadd.f32 v5, v2;
	v12 =	vmul.f32 v12, v0  }
0x153: {  	[tilespmem:s3+$0xFFFFFC20] =	vst v9;
	v9 =	vadd.f32 v10, v2;
	v7 =	vmul.f32 v7, v0;
	v10 =	vld [tilespmem:s5+$0xFFFFFF40]  }
0x154: {  	v8 =	vmul.f32 v8, v0;
	[tilespmem:s3+$0xFFFFFC60] =	vst v5;
	v5 =	vadd.f32 v12, v2;
	v12 =	vld [tilespmem:s5+$0xFFFFFF80]  }
0x155: {  	v13 =	vmul.f32 v13, v0;
	[tilespmem:s3+$0x20] =	vst v9;
	v7 =	vadd.f32 v7, v2;
	v9 =	vld [tilespmem:s5+$0xFFFFFFC0]  }
0x156: {  	v8 =	vadd.f32 v8, v2;
	v6 =	vmul.f32 v6, v0;
	[tilespmem:s3+$0x60] =	vst v5;
	v5 =	vld [tilespmem:s5+$0x0]  }
0x157: {  	v13 =	vadd.f32 v13, v3;
	v11 =	vmul.f32 v11, v0;
	[tilespmem:s3+$0x420] =	vst v7;
	v7 =	vld [tilespmem:s5+$0x40]  }
0x158: {  	s10 =	sadd.s32 $0x1000, s3;
	[tilespmem:s3+$0xFFFFF820] =	vst v8;
	v8 =	vmul.f32 v10, v0;
	v10 =	vld [tilespmem:s5+$0x80];
	v6 =	vadd.f32 v6, v1  }
0x159: {  	v14 =	vld [tilespmem:s5+$0xFFFFFF00];
	[tilespmem:s10+$0x440] =	vst v13;
	v11 =	vadd.f32 v11, v1;
	v12 =	vmul.f32 v12, v0  }
0x15a: {  	s4 =	sadd.s32 $0x200, s23;
	[tilespmem:s3+$0x470] =	vst v6;
	v6 =	vadd.f32 v8, v3;
	v8 =	vmul.f32 v9, v0;
	v9 =	vld [tilespmem:s17+$0xFFFFFF30]  }
0x15b: {  	s11 =	sor.u32 $0x50, s4;
	[tilespmem:s3+$0xFFFFF870] =	vst v11;
	v11 =	vadd.f32 v12, v3;
	v5 =	vmul.f32 v5, v0;
	v12 =	vld [tilespmem:s17+$0xFFFFFFB0]  }
0x15c: {  	v7 =	vmul.f32 v7, v0;
	[tilespmem:s10+$0xFFFFF840] =	vst v6;
	v6 =	vadd.f32 v8, v3;
	v8 =	vld [tilespmem:s11+$0x0]  }
0x15d: {  	s18 =	sadd.s32 $0xFFFFFF00, s4;
	v10 =	vmul.f32 v10, v0;
	v13 =	vld [tilespmem:s5+$0xFFFFFF50];
	[tilespmem:s10+$0xFFFFFC00] =	vst v11;
	v5 =	vadd.f32 v5, v3  }
0x15e: {  	s12 =	sor.u32 $0x50, s18;
	v11 =	vmul.f32 v14, v0;
	v14 =	vld [tilespmem:s5+$0xFFFFFF90];
	[tilespmem:s10+$0xFFFFFC40] =	vst v6;
	v6 =	vadd.f32 v7, v3  }
0x15f: {  	s13 =	sadd.s32 $0xFFFFFF80, s4;
	v7 =	vld [tilespmem:s12+$0x0];
	[tilespmem:s10+$0x0] =	vst v5;
	v5 =	vadd.f32 v10, v3;
	v9 =	vmul.f32 v9, v0  }
0x160: {  	s20 =	sor.u32 $0x50, s13;
	v10 =	vadd.f32 v11, v3;
	v11 =	vld [tilespmem:s5+$0x10];
	[tilespmem:s10+$0x40] =	vst v6;
	v6 =	vmul.f32 v12, v0  }
0x161: {  	v12 =	vld [tilespmem:s20+$0x0];
	[tilespmem:s10+$0x400] =	vst v5;
	v5 =	vmul.f32 v8, v0;
	v8 =	vadd.f32 v9, v1  }
0x162: {  	[tilespmem:s10+$0xFFFFF800] =	vst v10;
	v9 =	vmul.f32 v13, v0;
	v10 =	vld [tilespmem:s5+$0x90];
	v6 =	vadd.f32 v6, v1  }
0x163: {  	s8 =	sor.u32 $0x70, s8;
	v13 =	vld [tilespmem:s5+$0xFFFFFF10];
	v14 =	vmul.f32 v14, v0;
	v5 =	vadd.f32 v5, v4;
	[tilespmem:s3+$0xFFFFF830] =	vst v8  }
0x164: {  	v8 =	vadd.f32 v9, v4;
	v7 =	vmul.f32 v7, v0;
	[tilespmem:s3+$0xFFFFFC30] =	vst v6;
	v6 =	vld [tilespmem:s8+$0x0]  }
0x165: {  	s21 =	sor.u32 $0x60, s4;
	v9 =	vadd.f32 v14, v4;
	v11 =	vmul.f32 v11, v0;
	[tilespmem:s10+$0x450] =	vst v5;
	v5 =	vld [tilespmem:s17+$0x30]  }
0x166: {  	[tilespmem:s10+$0xFFFFF850] =	vst v8;
	v7 =	vadd.f32 v7, v4;
	v8 =	vmul.f32 v12, v0;
	v12 =	vld [tilespmem:s21+$0x0]  }
0x167: {  	v14 =	vld [tilespmem:s5+$0xFFFFFF60];
	[tilespmem:s10+$0xFFFFFC10] =	vst v9;
	v9 =	vadd.f32 v11, v4;
	v10 =	vmul.f32 v10, v0  }
0x168: {  	s22 =	sor.u32 $0x60, s18;
	v11 =	vmul.f32 v13, v0;
	v13 =	vld [tilespmem:s5+$0xFFFFFFA0];
	[tilespmem:s10+$0xFFFFFC50] =	vst v7;
	v7 =	vadd.f32 v8, v4  }
0x169: {  	v8 =	vld [tilespmem:s22+$0x0];
	[tilespmem:s10+$0x10] =	vst v9;
	v9 =	vadd.f32 v10, v4;
	v6 =	vmul.f32 v6, v0  }
0x16a: {  	s29 =	sor.u32 $0x60, s13;
	v10 =	vadd.f32 v11, v4;
	v11 =	vld [tilespmem:s5+$0x20];
	[tilespmem:s10+$0x50] =	vst v7;
	v5 =	vmul.f32 v5, v0  }
0x16b: {  	v15 =	vld [tilespmem:s29+$0x0];
	[tilespmem:s10+$0x410] =	vst v9;
	v7 =	vmul.f32 v12, v0;
	v6 =	vadd.f32 v6, v1  }
0x16c: {  	[tilespmem:s10+$0xFFFFF810] =	vst v10;
	v9 =	vmul.f32 v14, v0;
	v14 =	vld [tilespmem:s5+$0xA0];
	v10 =	vadd.f32 v5, v1  }
0x16d: {  	s6 =	sor.u32 $0x70, s6;
	v5 =	vld [tilespmem:s5+$0xFFFFFF20];
	v12 =	vmul.f32 v13, v0;
	v7 =	vadd.f32 v7, v2;
	[tilespmem:s3+$0xFFFFFC70] =	vst v6  }
0x16e: {  	v6 =	vld [tilespmem:s6+$0x0];
	v9 =	vadd.f32 v9, v2;
	v8 =	vmul.f32 v8, v0;
	[tilespmem:s3+$0x30] =	vst v10  }
0x16f: {  	s31 =	sor.u32 $0x70, s4;
	v12 =	vadd.f32 v12, v2;
	v13 =	vmul.f32 v11, v0;
	[tilespmem:s10+$0x460] =	vst v7;
	v7 =	vld [tilespmem:s17+$0xB0]  }
0x170: {  	s11 =	sor.u32 $0x70, s13;
	s13 =	sadd.s32 $0x200, s5;
	[tilespmem:s10+$0xFFFFF860] =	vst v9;
	v10 =	vadd.f32 v8, v2;
	v9 =	vld [tilespmem:s31+$0x0];
	v11 =	vmul.f32 v15, v0  }
0x171: {  	s12 =	simm.s32 $0x8;
	s8 =	smov.u32 s3;
	s6 =	sor.u32 $0x70, s18;
	v8 =	vld [tilespmem:s5+$0xFFFFFF70];
	[tilespmem:s10+$0xFFFFFC20] =	vst v12;
	v12 =	vadd.f32 v13, v2;
	v13 =	vmul.f32 v14, v0  }
.LBB2_7:
0x172: {  	v14 =	vld [tilespmem:s13+$0xC0];
	s12 =	sadd.s32 $0x8, s12;
	v5 =	vmul.f32 v5, v0;
	[tilespmem:s10+$0xFFFFFC60] =	vst v10;
	v10 =	vadd.f32 v11, v2  }
0x173: {  	v11 =	vld [tilespmem:s13+$0xFFFFFF40];
	p0 =	slt.u32 s12, $0x38;
	[tilespmem:s10+$0x20] =	vst v12;
	v12 =	vadd.f32 v13, v2;
	v6 =	vmul.f32 v6, v0  }
0x174: {  	v13 =	vld [tilespmem:s13+$0xFFFFFF80];
	v5 =	vadd.f32 v5, v2;
	[tilespmem:s10+$0x60] =	vst v10;
	v7 =	vmul.f32 v7, v0  }
0x175: {  	v10 =	vld [tilespmem:s13+$0xFFFFFFC0];
	[tilespmem:s10+$0x420] =	vst v12;
	v9 =	vmul.f32 v9, v0;
	v6 =	vadd.f32 v6, v1  }
0x176: {  	v12 =	vld [tilespmem:s13+$0x0];
	[tilespmem:s10+$0xFFFFF820] =	vst v5;
	v5 =	vmul.f32 v8, v0;
	v7 =	vadd.f32 v7, v1  }
0x177: {  	v8 =	vld [tilespmem:s13+$0x40];
	v14 =	vmul.f32 v14, v0;
	v9 =	vadd.f32 v9, v1;
	[tilespmem:s8+$0x70] =	vst v6  }
0x178: {  	v6 =	vmul.f32 v11, v0;
	v11 =	vld [tilespmem:s13+$0x80];
	v5 =	vadd.f32 v5, v1;
	[tilespmem:s8+$0x430] =	vst v7;
	s8 =	smov.u32 s10  }
0x179: {  	v7 =	vld [tilespmem:s13+$0xFFFFFF00];
	v13 =	vmul.f32 v13, v0;
	v14 =	vadd.f32 v14, v3;
	[tilespmem:s10+$0x470] =	vst v9  }
0x17a: {  	s4 =	sadd.s32 $0x200, s4;
	s10 =	sadd.s32 $0x1000, s10;
	v6 =	vadd.f32 v6, v3;
	v9 =	vmul.f32 v10, v0;
	v10 =	vld [tilespmem:s5+$0xFFFFFF30];
	[tilespmem:s8+$0xFFFFF870] =	vst v5  }
0x17b: {  	s14 =	sadd.s32 $0xFFFFFF00, s4;
	s18 =	sadd.s32 $0xFFFFFF80, s4;
	s15 =	sor.u32 $0x50, s4;
	v5 =	vadd.f32 v13, v3;
	v12 =	vmul.f32 v12, v0;
	[tilespmem:s10+$0x440] =	vst v14;
	v13 =	vld [tilespmem:s5+$0xFFFFFFB0]  }
0x17c: {  	s20 =	sor.u32 $0x50, s14;
	s16 =	sor.u32 $0x60, s14;
	s21 =	sor.u32 $0x50, s18;
	[tilespmem:s10+$0xFFFFF840] =	vst v6;
	v6 =	vadd.f32 v9, v3;
	v8 =	vmul.f32 v8, v0;
	v9 =	vld [tilespmem:s15+$0x0]  }
0x17d: {  	s22 =	sor.u32 $0x70, s14;
	s14 =	sor.u32 $0x70, s18;
	s15 =	sor.u32 $0x60, s18;
	v14 =	vld [tilespmem:s13+$0xFFFFFF50];
	[tilespmem:s10+$0xFFFFFC00] =	vst v5;
	v5 =	vadd.f32 v12, v3;
	v11 =	vmul.f32 v11, v0  }
0x17e: {  	v7 =	vmul.f32 v7, v0;
	v12 =	vld [tilespmem:s13+$0xFFFFFF90];
	[tilespmem:s10+$0xFFFFFC40] =	vst v6;
	v6 =	vadd.f32 v8, v3  }
0x17f: {  	v8 =	vld [tilespmem:s20+$0x0];
	[tilespmem:s10+$0x0] =	vst v5;
	v5 =	vadd.f32 v11, v3;
	v10 =	vmul.f32 v10, v0  }
0x180: {  	v7 =	vadd.f32 v7, v3;
	v11 =	vld [tilespmem:s13+$0x10];
	[tilespmem:s10+$0x40] =	vst v6;
	v6 =	vmul.f32 v13, v0  }
0x181: {  	v13 =	vld [tilespmem:s21+$0x0];
	[tilespmem:s10+$0x400] =	vst v5;
	v5 =	vmul.f32 v9, v0;
	v9 =	vadd.f32 v10, v1  }
0x182: {  	[tilespmem:s10+$0xFFFFF800] =	vst v7;
	v7 =	vmul.f32 v14, v0;
	v10 =	vld [tilespmem:s13+$0x90];
	v6 =	vadd.f32 v6, v1  }
0x183: {  	v14 =	vld [tilespmem:s13+$0xFFFFFF10];
	v12 =	vmul.f32 v12, v0;
	v5 =	vadd.f32 v5, v4;
	[tilespmem:s8+$0xFFFFF830] =	vst v9  }
0x184: {  	v7 =	vadd.f32 v7, v4;
	v8 =	vmul.f32 v8, v0;
	[tilespmem:s8+$0xFFFFFC30] =	vst v6;
	v6 =	vld [tilespmem:s6+$0x0];
	s6 =	smov.u32 s22  }
0x185: {  	s18 =	sor.u32 $0x60, s4;
	v9 =	vadd.f32 v12, v4;
	v11 =	vmul.f32 v11, v0;
	[tilespmem:s10+$0x450] =	vst v5;
	v5 =	vld [tilespmem:s5+$0x30]  }
0x186: {  	[tilespmem:s10+$0xFFFFF850] =	vst v7;
	v7 =	vadd.f32 v8, v4;
	v8 =	vmul.f32 v13, v0;
	v12 =	vld [tilespmem:s18+$0x0]  }
0x187: {  	v13 =	vld [tilespmem:s13+$0xFFFFFF60];
	[tilespmem:s10+$0xFFFFFC10] =	vst v9;
	v9 =	vadd.f32 v11, v4;
	v10 =	vmul.f32 v10, v0  }
0x188: {  	v11 =	vmul.f32 v14, v0;
	v14 =	vld [tilespmem:s13+$0xFFFFFFA0];
	[tilespmem:s10+$0xFFFFFC50] =	vst v7;
	v7 =	vadd.f32 v8, v4  }
0x189: {  	v8 =	vld [tilespmem:s16+$0x0];
	[tilespmem:s10+$0x10] =	vst v9;
	v9 =	vadd.f32 v10, v4;
	v6 =	vmul.f32 v6, v0  }
0x18a: {  	v10 =	vadd.f32 v11, v4;
	v11 =	vld [tilespmem:s13+$0x20];
	[tilespmem:s10+$0x50] =	vst v7;
	v5 =	vmul.f32 v5, v0  }
0x18b: {  	v15 =	vld [tilespmem:s15+$0x0];
	[tilespmem:s10+$0x410] =	vst v9;
	v7 =	vmul.f32 v12, v0;
	v6 =	vadd.f32 v6, v1  }
0x18c: {  	[tilespmem:s10+$0xFFFFF810] =	vst v10;
	v9 =	vmul.f32 v13, v0;
	v13 =	vld [tilespmem:s13+$0xA0];
	v10 =	vadd.f32 v5, v1  }
.Ltmp2:
0x18d: {  	v5 =	vld [tilespmem:s13+$0xFFFFFF20];
	v12 =	vmul.f32 v14, v0;
	v7 =	vadd.f32 v7, v2;
	[tilespmem:s8+$0xFFFFFC70] =	vst v6;
	(pc) =	sbr.rel @p0 .LBB2_7-.Ltmp2, $4  }
0x18e: {  	v9 =	vadd.f32 v9, v2;
	v8 =	vmul.f32 v8, v0;
	[tilespmem:s8+$0x30] =	vst v10;
	v6 =	vld [tilespmem:s11+$0x0];
	s11 =	smov.u32 s14  }
0x18f: {  	s14 =	sor.u32 $0x70, s4;
	v12 =	vadd.f32 v12, v2;
	v14 =	vmul.f32 v11, v0;
	[tilespmem:s10+$0x460] =	vst v7;
	v7 =	vld [tilespmem:s5+$0xB0];
	s5 =	smov.u32 s13  }
0x190: {  	[tilespmem:s10+$0xFFFFF860] =	vst v9;
	v10 =	vadd.f32 v8, v2;
	v11 =	vmul.f32 v15, v0;
	v9 =	vld [tilespmem:s14+$0x0]  }
0x191: {  	s13 =	sadd.s32 $0x200, s13;
	v8 =	vld [tilespmem:s5+$0xFFFFFF70];
	[tilespmem:s10+$0xFFFFFC20] =	vst v12;
	v12 =	vadd.f32 v14, v2;
	v13 =	vmul.f32 v13, v0  }
0x192: {  	v3 =	vmul.f32 v5, v0;
	[tilespmem:s10+$0xFFFFFC60] =	vst v10;
	v4 =	vadd.f32 v11, v2;
	v49 =	vld [tilespmem:s5+$0xFFFFFFB0]  }
0x193: {  	v48 =	vmul.f32 v6, v0;
	[tilespmem:s10+$0x20] =	vst v12;
	v50 =	vadd.f32 v13, v2;
	v10 =	vld [tilespmem:s6+$0x0]  }
0x194: {  	v3 =	vadd.f32 v3, v2;
	v7 =	vmul.f32 v7, v0;
	[tilespmem:s10+$0x60] =	vst v4;
	v52 =	vld [tilespmem:s5+$0x30]  }
0x195: {  	v51 =	vmul.f32 v9, v0;
	v5 =	vadd.f32 v48, v1;
	[tilespmem:s10+$0x420] =	vst v50;
	v54 =	vld [tilespmem:s11+$0x0]  }
0x196: {  	[tilespmem:s10+$0xFFFFF820] =	vst v3;
	v53 =	vmul.f32 v8, v0;
	v7 =	vadd.f32 v7, v1;
	v55 =	vld [tilespmem:s5+$0xB0]  }
0x197: {  	v3 =	vld [tilespmem:s5+$0xFFFFFF30];
	v4 =	vadd.f32 v51, v1;
	[tilespmem:s8+$0x70] =	vst v5;
	v6 =	vmul.f32 v49, v0  }
0x198: {  	v2 =	vadd.f32 v53, v1;
	[tilespmem:s8+$0x430] =	vst v7;
	v56 =	vmul.f32 v10, v0  }
0x199: {  	[tilespmem:s10+$0x470] =	vst v4;
	v57 =	vadd.f32 v6, v1;
	v58 =	vmul.f32 v52, v0  }
0x19a: {  	s0 =	sadd.s32 $0x1, s0;
	[tilespmem:s10+$0xFFFFF870] =	vst v2;
	v59 =	vadd.f32 v56, v1;
	v60 =	vmul.f32 v54, v0  }
0x19b: {  	p0 =	sne.s32 s0, $0x8;
	[tilespmem:s10+$0xFFFFFC30] =	vst v57;
	v61 =	vadd.f32 v58, v1;
	v62 =	vmul.f32 v55, v0  }
.Ltmp3:
0x19c: {  	v3 =	vmul.f32 v3, v0;
	[tilespmem:s10+$0xFFFFFC70] =	vst v59;
	v63 =	vadd.f32 v60, v1;
	(pc) =	sbr.rel @p0 .LBB2_6-.Ltmp3, $4  }
0x19d: {  	[tilespmem:s10+$0x30] =	vst v61;
	v0 =	vadd.f32 v62, v1  }
0x19e: {  	v3 =	vadd.f32 v3, v1;
	[tilespmem:s10+$0x70] =	vst v63  }
0x19f: {  	[tilespmem:s10+$0x430] =	vst v0  }
0x1a0: {  	s3 =	sadd.s32 $0x80, s3;
	[tilespmem:s10+$0xFFFFF830] =	vst v3  }
0x1a1: {  	s0 =	simm.s32 $0x0;
	s3 =	rddreg [dreg:$0x8];
	s4 =	simm.s32 $0xB280  }
0x1a2: {  	[hbm4b:s3+s0] =	stream.linear.scatter [tilespmem:s4], [sflag:$0x1], $0x8000, $0x38;
	[tilespmem:$0x1B280] =	vst v63  }
0x1a3: {  	s3 =	simm.s32 $0x13A80  }
.LBB2_10:
0x1a4: {  	s4 =	sor.u32 s26, s0  }
0x1a5: {  	v0 =	vmov s4;
	_ =	sdelay $0x1  }
0x1a6: {  	v5 =	vld [tilespmem:s19+$0xC0]  }
0x1a7: {  	v6 =	vld [tilespmem:s19+$0xFFFFFF40];
	s4 =	sshll.u32 s4, $0x6  }
0x1a8: {  	v7 =	vld [tilespmem:s19+$0xFFFFFF80];
	s5 =	sand.u32 $0xF80, s4  }
0x1a9: {  	s4 =	sand.u32 $0x40, s4;
	s5 =	sadd.s32 s5, s28;
	v0 =	vld.idx.msk [tilespmem:v0+s2+$0x0], $0xffff  }
0x1aa: {  	v8 =	vld [tilespmem:s19+$0xFFFFFFC0];
	s4 =	sadd.s32 s4, s5  }
0x1ab: {  	v3 =	vld [tilespmem:s4+$0x0]  }
0x1ac: {  	v9 =	vld [tilespmem:s19+$0x0]  }
0x1ad: {  	v10 =	vld [tilespmem:s19+$0x40]  }
0x1ae: {  	v11 =	vld [tilespmem:s19+$0x80];
	v5 =	vmul.f32 v5, v0  }
0x1af: {  	v12 =	vld [tilespmem:s19+$0xFFFFFF00];
	v6 =	vmul.f32 v6, v0  }
0x1b0: {  	v4 =	vld [tilespmem:s4+$0x10];
	v5 =	vadd.f32 v5, v3  }
0x1b1: {  	s24 =	sadd.s32 $0x80, s30;
	v2 =	vld [tilespmem:s4+$0x20];
	v6 =	vadd.f32 v6, v3  }
0x1b2: {  	s29 =	sor.u32 $0x50, s24;
	v1 =	vld [tilespmem:s4+$0x30];
	v7 =	vmul.f32 v7, v0;
	[tilespmem:s3+$0x440] =	vst v5  }
0x1b3: {  	v5 =	vmul.f32 v8, v0;
	[tilespmem:s3+$0xFFFFF840] =	vst v6;
	v6 =	vld [tilespmem:s29+$0x0]  }
0x1b4: {  	v7 =	vadd.f32 v7, v3;
	v8 =	vmul.f32 v9, v0;
	v9 =	vld [tilespmem:s19+$0xFFFFFF50]  }
0x1b5: {  	v10 =	vmul.f32 v10, v0;
	v5 =	vadd.f32 v5, v3  }
0x1b6: {  	s31 =	sadd.s32 $0xFFFFFF80, s30;
	[tilespmem:s3+$0xFFFFFC00] =	vst v7;
	v7 =	vadd.f32 v8, v3;
	v8 =	vmul.f32 v11, v0  }
0x1b7: {  	s6 =	sor.u32 $0x50, s31;
	v11 =	vmul.f32 v12, v0;
	v12 =	vld [tilespmem:s19+$0xFFFFFF90];
	[tilespmem:s3+$0xFFFFFC40] =	vst v5;
	v5 =	vadd.f32 v10, v3  }
0x1b8: {  	[tilespmem:s3+$0x0] =	vst v7;
	v7 =	vadd.f32 v8, v3;
	v10 =	vld [tilespmem:s6+$0x0];
	v6 =	vmul.f32 v6, v0  }
0x1b9: {  	s13 =	sor.u32 $0x50, s30;
	v8 =	vadd.f32 v11, v3;
	v11 =	vld [tilespmem:s19+$0x10];
	[tilespmem:s3+$0x40] =	vst v5;
	v5 =	vmul.f32 v9, v0  }
0x1ba: {  	[tilespmem:s3+$0x400] =	vst v7;
	v9 =	vld [tilespmem:s13+$0x0];
	v6 =	vadd.f32 v6, v4  }
0x1bb: {  	[tilespmem:s3+$0xFFFFF800] =	vst v8;
	v7 =	vld [tilespmem:s19+$0x90];
	v5 =	vadd.f32 v5, v4  }
0x1bc: {  	s14 =	sor.u32 $0x60, s24;
	v8 =	vld [tilespmem:s19+$0xFFFFFF10];
	v12 =	vmul.f32 v12, v0;
	[tilespmem:s3+$0x450] =	vst v6  }
0x1bd: {  	v6 =	vmul.f32 v10, v0;
	[tilespmem:s3+$0xFFFFF850] =	vst v5;
	v5 =	vld [tilespmem:s14+$0x0]  }
0x1be: {  	v10 =	vadd.f32 v12, v4;
	v11 =	vmul.f32 v11, v0;
	v12 =	vld [tilespmem:s19+$0xFFFFFF60]  }
0x1bf: {  	v6 =	vadd.f32 v6, v4;
	v9 =	vmul.f32 v9, v0  }
0x1c0: {  	[tilespmem:s3+$0xFFFFFC10] =	vst v10;
	v10 =	vadd.f32 v11, v4;
	v7 =	vmul.f32 v7, v0  }
0x1c1: {  	s15 =	sor.u32 $0x60, s31;
	v8 =	vmul.f32 v8, v0;
	v11 =	vld [tilespmem:s19+$0xFFFFFFA0];
	[tilespmem:s3+$0xFFFFFC50] =	vst v6;
	v6 =	vadd.f32 v9, v4  }
0x1c2: {  	[tilespmem:s3+$0x10] =	vst v10;
	v7 =	vadd.f32 v7, v4;
	v9 =	vld [tilespmem:s15+$0x0];
	v5 =	vmul.f32 v5, v0  }
0x1c3: {  	s16 =	sor.u32 $0x60, s30;
	v8 =	vadd.f32 v8, v4;
	v10 =	vld [tilespmem:s19+$0x20];
	[tilespmem:s3+$0x50] =	vst v6;
	v6 =	vmul.f32 v12, v0  }
0x1c4: {  	[tilespmem:s3+$0x410] =	vst v7;
	v12 =	vld [tilespmem:s16+$0x0];
	v5 =	vadd.f32 v5, v2  }
0x1c5: {  	[tilespmem:s3+$0xFFFFF810] =	vst v8;
	v7 =	vld [tilespmem:s19+$0xA0];
	v6 =	vadd.f32 v6, v2  }
0x1c6: {  	s5 =	sor.u32 $0x70, s24;
	v8 =	vld [tilespmem:s19+$0xFFFFFF20];
	v11 =	vmul.f32 v11, v0;
	[tilespmem:s3+$0x460] =	vst v5  }
0x1c7: {  	v5 =	vmul.f32 v9, v0;
	[tilespmem:s3+$0xFFFFF860] =	vst v6;
	v6 =	vld [tilespmem:s5+$0x0]  }
0x1c8: {  	v9 =	vadd.f32 v11, v2;
	v10 =	vmul.f32 v10, v0;
	v11 =	vld [tilespmem:s19+$0xFFFFFF70];
	s5 =	sadd.s32 $0x200, s19  }
0x1c9: {  	v5 =	vadd.f32 v5, v2;
	v12 =	vmul.f32 v12, v0;
	v13 =	vld [tilespmem:s5+$0xC0]  }
0x1ca: {  	[tilespmem:s3+$0xFFFFFC20] =	vst v9;
	v9 =	vadd.f32 v10, v2;
	v7 =	vmul.f32 v7, v0;
	v10 =	vld [tilespmem:s5+$0xFFFFFF40]  }
0x1cb: {  	v8 =	vmul.f32 v8, v0;
	[tilespmem:s3+$0xFFFFFC60] =	vst v5;
	v5 =	vadd.f32 v12, v2;
	v12 =	vld [tilespmem:s5+$0xFFFFFF80]  }
0x1cc: {  	[tilespmem:s3+$0x20] =	vst v9;
	v7 =	vadd.f32 v7, v2;
	v9 =	vld [tilespmem:s5+$0xFFFFFFC0];
	v6 =	vmul.f32 v6, v0  }
0x1cd: {  	v8 =	vadd.f32 v8, v2;
	[tilespmem:s3+$0x60] =	vst v5;
	v5 =	vld [tilespmem:s5+$0x0];
	v11 =	vmul.f32 v11, v0  }
0x1ce: {  	[tilespmem:s3+$0x420] =	vst v7;
	v7 =	vld [tilespmem:s5+$0x40];
	v13 =	vmul.f32 v13, v0;
	v6 =	vadd.f32 v6, v1  }
0x1cf: {  	[tilespmem:s3+$0xFFFFF820] =	vst v8;
	v8 =	vmul.f32 v10, v0;
	v10 =	vld [tilespmem:s5+$0x80];
	v11 =	vadd.f32 v11, v1  }
0x1d0: {  	s11 =	sadd.s32 $0x200, s30;
	v14 =	vld [tilespmem:s5+$0xFFFFFF00];
	v12 =	vmul.f32 v12, v0;
	v13 =	vadd.f32 v13, v3;
	[tilespmem:s3+$0x470] =	vst v6  }
0x1d1: {  	s10 =	sadd.s32 $0x1000, s3;
	s18 =	sadd.s32 $0x80, s11;
	v6 =	vadd.f32 v8, v3;
	v8 =	vmul.f32 v9, v0;
	v9 =	vld [tilespmem:s19+$0xFFFFFF30];
	[tilespmem:s3+$0xFFFFF870] =	vst v11  }
0x1d2: {  	s8 =	sor.u32 $0x50, s18;
	v11 =	vadd.f32 v12, v3;
	v5 =	vmul.f32 v5, v0;
	[tilespmem:s10+$0x440] =	vst v13;
	v12 =	vld [tilespmem:s19+$0xFFFFFFB0]  }
0x1d3: {  	v7 =	vmul.f32 v7, v0;
	[tilespmem:s10+$0xFFFFF840] =	vst v6;
	v6 =	vadd.f32 v8, v3;
	v8 =	vld [tilespmem:s8+$0x0]  }
0x1d4: {  	s20 =	sadd.s32 $0xFFFFFF80, s11;
	v10 =	vmul.f32 v10, v0;
	v13 =	vld [tilespmem:s5+$0xFFFFFF50];
	[tilespmem:s10+$0xFFFFFC00] =	vst v11;
	v5 =	vadd.f32 v5, v3  }
0x1d5: {  	s12 =	sor.u32 $0x50, s20;
	v11 =	vmul.f32 v14, v0;
	v14 =	vld [tilespmem:s5+$0xFFFFFF90];
	[tilespmem:s10+$0xFFFFFC40] =	vst v6;
	v6 =	vadd.f32 v7, v3  }
0x1d6: {  	v7 =	vld [tilespmem:s12+$0x0];
	[tilespmem:s10+$0x0] =	vst v5;
	v5 =	vadd.f32 v10, v3;
	v9 =	vmul.f32 v9, v0  }
0x1d7: {  	s21 =	sor.u32 $0x50, s11;
	v10 =	vadd.f32 v11, v3;
	v11 =	vld [tilespmem:s5+$0x10];
	[tilespmem:s10+$0x40] =	vst v6;
	v6 =	vmul.f32 v12, v0  }
0x1d8: {  	v12 =	vld [tilespmem:s21+$0x0];
	[tilespmem:s10+$0x400] =	vst v5;
	v5 =	vmul.f32 v8, v0;
	v8 =	vadd.f32 v9, v1  }
0x1d9: {  	[tilespmem:s10+$0xFFFFF800] =	vst v10;
	v9 =	vmul.f32 v13, v0;
	v10 =	vld [tilespmem:s5+$0x90];
	v6 =	vadd.f32 v6, v1  }
0x1da: {  	s4 =	sor.u32 $0x70, s31;
	v13 =	vld [tilespmem:s5+$0xFFFFFF10];
	v14 =	vmul.f32 v14, v0;
	v5 =	vadd.f32 v5, v4;
	[tilespmem:s3+$0xFFFFF830] =	vst v8  }
0x1db: {  	v8 =	vadd.f32 v9, v4;
	v7 =	vmul.f32 v7, v0;
	[tilespmem:s3+$0xFFFFFC30] =	vst v6;
	v6 =	vld [tilespmem:s4+$0x0]  }
0x1dc: {  	s22 =	sor.u32 $0x60, s18;
	v9 =	vadd.f32 v14, v4;
	v11 =	vmul.f32 v11, v0;
	[tilespmem:s10+$0x450] =	vst v5;
	v5 =	vld [tilespmem:s19+$0x30]  }
0x1dd: {  	[tilespmem:s10+$0xFFFFF850] =	vst v8;
	v7 =	vadd.f32 v7, v4;
	v8 =	vmul.f32 v12, v0;
	v12 =	vld [tilespmem:s22+$0x0]  }
0x1de: {  	v14 =	vld [tilespmem:s5+$0xFFFFFF60];
	[tilespmem:s10+$0xFFFFFC10] =	vst v9;
	v9 =	vadd.f32 v11, v4;
	v10 =	vmul.f32 v10, v0  }
0x1df: {  	s23 =	sor.u32 $0x60, s20;
	v11 =	vmul.f32 v13, v0;
	v13 =	vld [tilespmem:s5+$0xFFFFFFA0];
	[tilespmem:s10+$0xFFFFFC50] =	vst v7;
	v7 =	vadd.f32 v8, v4  }
0x1e0: {  	v8 =	vld [tilespmem:s23+$0x0];
	[tilespmem:s10+$0x10] =	vst v9;
	v9 =	vadd.f32 v10, v4;
	v6 =	vmul.f32 v6, v0  }
0x1e1: {  	s24 =	sor.u32 $0x60, s11;
	v10 =	vadd.f32 v11, v4;
	v11 =	vld [tilespmem:s5+$0x20];
	[tilespmem:s10+$0x50] =	vst v7;
	v5 =	vmul.f32 v5, v0  }
0x1e2: {  	v15 =	vld [tilespmem:s24+$0x0];
	[tilespmem:s10+$0x410] =	vst v9;
	v7 =	vmul.f32 v12, v0;
	v6 =	vadd.f32 v6, v1  }
0x1e3: {  	[tilespmem:s10+$0xFFFFF810] =	vst v10;
	v9 =	vmul.f32 v14, v0;
	v14 =	vld [tilespmem:s5+$0xA0];
	v10 =	vadd.f32 v5, v1  }
0x1e4: {  	s29 =	sor.u32 $0x70, s30;
	v5 =	vld [tilespmem:s5+$0xFFFFFF20];
	v12 =	vmul.f32 v13, v0;
	v7 =	vadd.f32 v7, v2;
	[tilespmem:s3+$0xFFFFFC70] =	vst v6  }
0x1e5: {  	v6 =	vld [tilespmem:s29+$0x0];
	v9 =	vadd.f32 v9, v2;
	v8 =	vmul.f32 v8, v0;
	[tilespmem:s3+$0x30] =	vst v10  }
0x1e6: {  	s31 =	sor.u32 $0x70, s18;
	v12 =	vadd.f32 v12, v2;
	v13 =	vmul.f32 v11, v0;
	[tilespmem:s10+$0x460] =	vst v7;
	v7 =	vld [tilespmem:s19+$0xB0]  }
0x1e7: {  	s6 =	sor.u32 $0x70, s20;
	s13 =	sadd.s32 $0x200, s5;
	[tilespmem:s10+$0xFFFFF860] =	vst v9;
	v10 =	vadd.f32 v8, v2;
	v9 =	vld [tilespmem:s31+$0x0];
	v11 =	vmul.f32 v15, v0  }
0x1e8: {  	s8 =	smov.u32 s3;
	s12 =	simm.s32 $0x8;
	s4 =	sor.u32 $0x70, s11;
	v8 =	vld [tilespmem:s5+$0xFFFFFF70];
	[tilespmem:s10+$0xFFFFFC20] =	vst v12;
	v12 =	vadd.f32 v13, v2;
	v13 =	vmul.f32 v14, v0  }
.LBB2_11:
0x1e9: {  	v14 =	vld [tilespmem:s13+$0xC0];
	s12 =	sadd.s32 $0x8, s12;
	v5 =	vmul.f32 v5, v0;
	[tilespmem:s10+$0xFFFFFC60] =	vst v10;
	v10 =	vadd.f32 v11, v2  }
0x1ea: {  	v11 =	vld [tilespmem:s13+$0xFFFFFF40];
	p0 =	slt.u32 s12, $0x38;
	[tilespmem:s10+$0x20] =	vst v12;
	v12 =	vadd.f32 v13, v2;
	v6 =	vmul.f32 v6, v0  }
0x1eb: {  	v13 =	vld [tilespmem:s13+$0xFFFFFF80];
	v5 =	vadd.f32 v5, v2;
	[tilespmem:s10+$0x60] =	vst v10;
	v7 =	vmul.f32 v7, v0  }
0x1ec: {  	v10 =	vld [tilespmem:s13+$0xFFFFFFC0];
	[tilespmem:s10+$0x420] =	vst v12;
	v9 =	vmul.f32 v9, v0;
	v6 =	vadd.f32 v6, v1  }
0x1ed: {  	v12 =	vld [tilespmem:s13+$0x0];
	[tilespmem:s10+$0xFFFFF820] =	vst v5;
	v5 =	vmul.f32 v8, v0;
	v7 =	vadd.f32 v7, v1  }
0x1ee: {  	v8 =	vld [tilespmem:s13+$0x40];
	v14 =	vmul.f32 v14, v0;
	v9 =	vadd.f32 v9, v1;
	[tilespmem:s8+$0x70] =	vst v6  }
0x1ef: {  	v6 =	vmul.f32 v11, v0;
	v11 =	vld [tilespmem:s13+$0x80];
	v5 =	vadd.f32 v5, v1;
	[tilespmem:s8+$0x430] =	vst v7;
	s8 =	smov.u32 s10  }
0x1f0: {  	s11 =	sadd.s32 $0x200, s11;
	v7 =	vld [tilespmem:s13+$0xFFFFFF00];
	v13 =	vmul.f32 v13, v0;
	v14 =	vadd.f32 v14, v3;
	[tilespmem:s10+$0x470] =	vst v9  }
0x1f1: {  	s15 =	sadd.s32 $0xFFFFFF80, s11;
	s14 =	sadd.s32 $0x80, s11;
	s10 =	sadd.s32 $0x1000, s10;
	v6 =	vadd.f32 v6, v3;
	v9 =	vmul.f32 v10, v0;
	v10 =	vld [tilespmem:s5+$0xFFFFFF30];
	[tilespmem:s8+$0xFFFFF870] =	vst v5  }
0x1f2: {  	s21 =	sor.u32 $0x50, s11;
	s20 =	sor.u32 $0x50, s15;
	s22 =	sor.u32 $0x50, s14;
	v5 =	vadd.f32 v13, v3;
	v12 =	vmul.f32 v12, v0;
	[tilespmem:s10+$0x440] =	vst v14;
	v13 =	vld [tilespmem:s5+$0xFFFFFFB0]  }
0x1f3: {  	s16 =	sor.u32 $0x60, s11;
	s18 =	sor.u32 $0x60, s15;
	s23 =	sor.u32 $0x70, s15;
	[tilespmem:s10+$0xFFFFF840] =	vst v6;
	v6 =	vadd.f32 v9, v3;
	v8 =	vmul.f32 v8, v0;
	v9 =	vld [tilespmem:s22+$0x0]  }
0x1f4: {  	s15 =	sor.u32 $0x70, s11;
	v14 =	vld [tilespmem:s13+$0xFFFFFF50];
	[tilespmem:s10+$0xFFFFFC00] =	vst v5;
	v5 =	vadd.f32 v12, v3;
	v11 =	vmul.f32 v11, v0  }
0x1f5: {  	v7 =	vmul.f32 v7, v0;
	v12 =	vld [tilespmem:s13+$0xFFFFFF90];
	[tilespmem:s10+$0xFFFFFC40] =	vst v6;
	v6 =	vadd.f32 v8, v3  }
0x1f6: {  	v8 =	vld [tilespmem:s20+$0x0];
	[tilespmem:s10+$0x0] =	vst v5;
	v5 =	vadd.f32 v11, v3;
	v10 =	vmul.f32 v10, v0  }
0x1f7: {  	v7 =	vadd.f32 v7, v3;
	v11 =	vld [tilespmem:s13+$0x10];
	[tilespmem:s10+$0x40] =	vst v6;
	v6 =	vmul.f32 v13, v0  }
0x1f8: {  	v13 =	vld [tilespmem:s21+$0x0];
	[tilespmem:s10+$0x400] =	vst v5;
	v5 =	vmul.f32 v9, v0;
	v9 =	vadd.f32 v10, v1  }
0x1f9: {  	[tilespmem:s10+$0xFFFFF800] =	vst v7;
	v7 =	vmul.f32 v14, v0;
	v10 =	vld [tilespmem:s13+$0x90];
	v6 =	vadd.f32 v6, v1  }
0x1fa: {  	v14 =	vld [tilespmem:s13+$0xFFFFFF10];
	v12 =	vmul.f32 v12, v0;
	v5 =	vadd.f32 v5, v4;
	[tilespmem:s8+$0xFFFFF830] =	vst v9  }
0x1fb: {  	v7 =	vadd.f32 v7, v4;
	v8 =	vmul.f32 v8, v0;
	[tilespmem:s8+$0xFFFFFC30] =	vst v6;
	v6 =	vld [tilespmem:s6+$0x0];
	s6 =	smov.u32 s23  }
0x1fc: {  	s20 =	sor.u32 $0x60, s14;
	v9 =	vadd.f32 v12, v4;
	v11 =	vmul.f32 v11, v0;
	[tilespmem:s10+$0x450] =	vst v5;
	v5 =	vld [tilespmem:s5+$0x30]  }
0x1fd: {  	[tilespmem:s10+$0xFFFFF850] =	vst v7;
	v7 =	vadd.f32 v8, v4;
	v8 =	vmul.f32 v13, v0;
	v12 =	vld [tilespmem:s20+$0x0]  }
0x1fe: {  	v13 =	vld [tilespmem:s13+$0xFFFFFF60];
	[tilespmem:s10+$0xFFFFFC10] =	vst v9;
	v9 =	vadd.f32 v11, v4;
	v10 =	vmul.f32 v10, v0  }
0x1ff: {  	v11 =	vmul.f32 v14, v0;
	v14 =	vld [tilespmem:s13+$0xFFFFFFA0];
	[tilespmem:s10+$0xFFFFFC50] =	vst v7;
	v7 =	vadd.f32 v8, v4  }
0x200: {  	v8 =	vld [tilespmem:s18+$0x0];
	[tilespmem:s10+$0x10] =	vst v9;
	v9 =	vadd.f32 v10, v4;
	v6 =	vmul.f32 v6, v0  }
0x201: {  	v10 =	vadd.f32 v11, v4;
	v11 =	vld [tilespmem:s13+$0x20];
	[tilespmem:s10+$0x50] =	vst v7;
	v5 =	vmul.f32 v5, v0  }
0x202: {  	v15 =	vld [tilespmem:s16+$0x0];
	[tilespmem:s10+$0x410] =	vst v9;
	v7 =	vmul.f32 v12, v0;
	v6 =	vadd.f32 v6, v1  }
0x203: {  	[tilespmem:s10+$0xFFFFF810] =	vst v10;
	v9 =	vmul.f32 v13, v0;
	v13 =	vld [tilespmem:s13+$0xA0];
	v10 =	vadd.f32 v5, v1  }
.Ltmp4:
0x204: {  	v5 =	vld [tilespmem:s13+$0xFFFFFF20];
	v12 =	vmul.f32 v14, v0;
	v7 =	vadd.f32 v7, v2;
	[tilespmem:s8+$0xFFFFFC70] =	vst v6;
	(pc) =	sbr.rel @p0 .LBB2_11-.Ltmp4, $4  }
0x205: {  	v9 =	vadd.f32 v9, v2;
	v8 =	vmul.f32 v8, v0;
	[tilespmem:s8+$0x30] =	vst v10;
	v6 =	vld [tilespmem:s4+$0x0];
	s4 =	smov.u32 s15  }
0x206: {  	s14 =	sor.u32 $0x70, s14;
	v12 =	vadd.f32 v12, v2;
	v14 =	vmul.f32 v11, v0;
	[tilespmem:s10+$0x460] =	vst v7;
	v7 =	vld [tilespmem:s5+$0xB0];
	s5 =	smov.u32 s13  }
0x207: {  	[tilespmem:s10+$0xFFFFF860] =	vst v9;
	v10 =	vadd.f32 v8, v2;
	v11 =	vmul.f32 v15, v0;
	v9 =	vld [tilespmem:s14+$0x0]  }
0x208: {  	s13 =	sadd.s32 $0x200, s13;
	v8 =	vld [tilespmem:s5+$0xFFFFFF70];
	[tilespmem:s10+$0xFFFFFC20] =	vst v12;
	v12 =	vadd.f32 v14, v2;
	v13 =	vmul.f32 v13, v0  }
0x209: {  	v3 =	vmul.f32 v5, v0;
	[tilespmem:s10+$0xFFFFFC60] =	vst v10;
	v4 =	vadd.f32 v11, v2;
	v49 =	vld [tilespmem:s5+$0xFFFFFFB0]  }
0x20a: {  	v48 =	vmul.f32 v6, v0;
	[tilespmem:s10+$0x20] =	vst v12;
	v50 =	vadd.f32 v13, v2;
	v10 =	vld [tilespmem:s6+$0x0]  }
0x20b: {  	v3 =	vadd.f32 v3, v2;
	v7 =	vmul.f32 v7, v0;
	[tilespmem:s10+$0x60] =	vst v4;
	v52 =	vld [tilespmem:s5+$0x30]  }
0x20c: {  	v51 =	vmul.f32 v9, v0;
	v5 =	vadd.f32 v48, v1;
	[tilespmem:s10+$0x420] =	vst v50;
	v54 =	vld [tilespmem:s4+$0x0]  }
0x20d: {  	[tilespmem:s10+$0xFFFFF820] =	vst v3;
	v53 =	vmul.f32 v8, v0;
	v7 =	vadd.f32 v7, v1;
	v55 =	vld [tilespmem:s5+$0xB0]  }
0x20e: {  	v3 =	vld [tilespmem:s5+$0xFFFFFF30];
	v4 =	vadd.f32 v51, v1;
	[tilespmem:s8+$0x70] =	vst v5;
	v6 =	vmul.f32 v49, v0  }
0x20f: {  	v2 =	vadd.f32 v53, v1;
	[tilespmem:s8+$0x430] =	vst v7;
	v56 =	vmul.f32 v10, v0  }
0x210: {  	[tilespmem:s10+$0x470] =	vst v4;
	v57 =	vadd.f32 v6, v1;
	v58 =	vmul.f32 v52, v0  }
0x211: {  	s0 =	sadd.s32 $0x1, s0;
	[tilespmem:s10+$0xFFFFF870] =	vst v2;
	v59 =	vadd.f32 v56, v1;
	v60 =	vmul.f32 v54, v0  }
0x212: {  	p0 =	sne.s32 s0, $0x8;
	[tilespmem:s10+$0xFFFFFC30] =	vst v57;
	v61 =	vadd.f32 v58, v1;
	v62 =	vmul.f32 v55, v0  }
.Ltmp5:
0x213: {  	v3 =	vmul.f32 v3, v0;
	[tilespmem:s10+$0xFFFFFC70] =	vst v59;
	v63 =	vadd.f32 v60, v1;
	(pc) =	sbr.rel @p0 .LBB2_10-.Ltmp5, $4  }
0x214: {  	[tilespmem:s10+$0x30] =	vst v61;
	v0 =	vadd.f32 v62, v1  }
0x215: {  	v3 =	vadd.f32 v3, v1;
	[tilespmem:s10+$0x70] =	vst v63  }
0x216: {  	[tilespmem:s10+$0x430] =	vst v0  }
0x217: {  	s3 =	sadd.s32 $0x80, s3;
	[tilespmem:s10+$0xFFFFF830] =	vst v3  }
0x218: {  	s0 =	rddreg [dreg:$0xb]  }
0x219: {  	s8 =	rddreg [dreg:$0x15]  }
0x21a: {  	s3 =	simm.s32 $0x13280;
	s10 =	rddreg [dreg:$0x12]  }
0x21b: {  	[hbm4b:s0+s25] =	stream.linear.scatter [tilespmem:s3], [sflag:$0x2], $0x8000, $0x38;
	[tilespmem:$0x1B280] =	vst v63  }
0x21c: {  	s3 =	rddreg [dreg:$0x16]  }
0x21d: {  	s24 =	simm.s32 $0x1;
	s0 =	rddreg [dreg:$0x14]  }
.LBB2_14:
0x21e: {  	[dreg:$0x1e] =	wrdreg s0  }
0x21f: {  	[dreg:$0x1d] =	wrdreg s3  }
0x220: {  	s6 =	rddreg [dreg:$0x11]  }
0x221: {  	s5 =	rddreg [dreg:$0x13]  }
0x222: {  	s14 =	sshll.u32 s0, $0x9;
	s15 =	sshll.u32 s3, $0xC;
	[smem:$0x7FC] =	sst s10  }
0x223: {  	s16 =	sshll.u32 s10, $0x9;
	[dreg:$0x1f] =	wrdreg s8;
	s18 =	sshll.u32 s8, $0xC  }
0x224: {  	s20 =	sshll.u32 s24, $0x1;
	s21 =	rddreg [dreg:$0x4];
	s25 =	simm.s32 $0x1  }
0x225: {  	s11 =	simm.s32 $0x0;
	s0 =	sand.u32 $0xFFFFC000, s14;
	s3 =	sand.u32 $0x3000, s15  }
0x226: {  	[smem:$0x7FD] =	sst s20;
	s14 =	sadd.s32 s21, s20;
	s4 =	sadd.s32 s0, s6  }
0x227: {  	s0 =	sadd.s32 s0, s5;
	s23 =	sshrl.u32 s14, $0x5;
	_ =	swait.ge [sflag:s25], $0x8000  }
0x228: {  	s28 =	sshll.u32 s14, $0x1;
	s31 =	sadd.s32 s3, s4;
	s0 =	sadd.s32 s3, s0  }
0x229: {  	s3 =	sand.u32 $0xFFFFC000, s16;
	s4 =	sand.u32 $0x3000, s18;
	s26 =	rddreg [dreg:$0x5]  }
0x22a: {  	[sflag:s25] =	ssyncset.done $0x0;
	s0 =	sshll.u32 s0, $0x2;
	s5 =	sadd.s32 s3, s5  }
0x22b: {  	s3 =	sadd.s32 s3, s6;
	[sflag:s25] =	ssyncadd.s32 $0xFFFF8000;
	s6 =	simm.s32 $0xBA80  }
0x22c: {  	s5 =	sadd.s32 s4, s5;
	s12 =	sadd.s32 s4, s3;
	s3 =	ssub.s32 s23, s26  }
0x22d: {  	s0 =	sshra.s32 s0, $0x2;
	s5 =	sshll.u32 s5, $0x2;
	s29 =	sshll.u32 s3, $0xE  }
0x22e: {  	s0 =	sadd.s32 $0x100, s0;
	s22 =	sshra.s32 s5, $0x2;
	s30 =	sshra.s32 s29, $0x2  }
0x22f: {  	s3 =	sand.u32 $0x38, s28;
	s5 =	sadd.s32 $0x100, s22;
	s10 =	sadd.s32 $0x9280, s30  }
.LBB2_15:
0x230: {  	s4 =	sor.u32 s3, s11  }
0x231: {  	v0 =	vmov s4;
	_ =	sdelay $0x1  }
0x232: {  	v5 =	vld [tilespmem:s5+$0xC0]  }
0x233: {  	v6 =	vld [tilespmem:s5+$0xFFFFFF40];
	s4 =	sshll.u32 s4, $0x6  }
0x234: {  	v7 =	vld [tilespmem:s5+$0xFFFFFF80];
	s8 =	sand.u32 $0xF80, s4  }
0x235: {  	s4 =	sand.u32 $0x40, s4;
	s8 =	sadd.s32 s8, s10;
	v0 =	vld.idx.msk [tilespmem:v0+s2+$0x0], $0xffff  }
0x236: {  	v8 =	vld [tilespmem:s5+$0xFFFFFFC0];
	s4 =	sadd.s32 s4, s8  }
0x237: {  	v3 =	vld [tilespmem:s4+$0x0]  }
0x238: {  	v9 =	vld [tilespmem:s5+$0x0]  }
0x239: {  	v10 =	vld [tilespmem:s5+$0x40]  }
0x23a: {  	v11 =	vld [tilespmem:s5+$0x80];
	v5 =	vmul.f32 v5, v0  }
0x23b: {  	v12 =	vld [tilespmem:s5+$0xFFFFFF00];
	v6 =	vmul.f32 v6, v0  }
0x23c: {  	v4 =	vld [tilespmem:s4+$0x10];
	v5 =	vadd.f32 v5, v3  }
0x23d: {  	s20 =	sadd.s32 $0x80, s12;
	v2 =	vld [tilespmem:s4+$0x20];
	v7 =	vmul.f32 v7, v0;
	v6 =	vadd.f32 v6, v3  }
0x23e: {  	s21 =	sor.u32 $0x50, s20;
	v1 =	vld [tilespmem:s4+$0x30];
	[tilespmem:s6+$0x440] =	vst v5;
	v5 =	vmul.f32 v8, v0  }
0x23f: {  	v7 =	vadd.f32 v7, v3;
	[tilespmem:s6+$0xFFFFF840] =	vst v6;
	v8 =	vmul.f32 v9, v0;
	v6 =	vld [tilespmem:s21+$0x0]  }
0x240: {  	v10 =	vmul.f32 v10, v0;
	v9 =	vld [tilespmem:s5+$0xFFFFFF50];
	v5 =	vadd.f32 v5, v3  }
0x241: {  	s22 =	sadd.s32 $0xFFFFFF80, s12;
	[tilespmem:s6+$0xFFFFFC00] =	vst v7;
	v7 =	vadd.f32 v8, v3;
	v8 =	vmul.f32 v11, v0  }
0x242: {  	s13 =	sor.u32 $0x50, s22;
	v11 =	vmul.f32 v12, v0;
	v12 =	vld [tilespmem:s5+$0xFFFFFF90];
	[tilespmem:s6+$0xFFFFFC40] =	vst v5;
	v5 =	vadd.f32 v10, v3  }
0x243: {  	[tilespmem:s6+$0x0] =	vst v7;
	v7 =	vadd.f32 v8, v3;
	v10 =	vld [tilespmem:s13+$0x0]  }
0x244: {  	s25 =	sor.u32 $0x50, s12;
	v8 =	vadd.f32 v11, v3;
	v11 =	vld [tilespmem:s5+$0x10];
	v6 =	vmul.f32 v6, v0;
	[tilespmem:s6+$0x40] =	vst v5  }
0x245: {  	v5 =	vmul.f32 v9, v0;
	[tilespmem:s6+$0x400] =	vst v7;
	v9 =	vld [tilespmem:s25+$0x0]  }
0x246: {  	[tilespmem:s6+$0xFFFFF800] =	vst v8;
	v7 =	vld [tilespmem:s5+$0x90];
	v6 =	vadd.f32 v6, v4  }
0x247: {  	v8 =	vld [tilespmem:s5+$0xFFFFFF10];
	v12 =	vmul.f32 v12, v0;
	v5 =	vadd.f32 v5, v4  }
0x248: {  	s26 =	sor.u32 $0x60, s20;
	[tilespmem:s6+$0x450] =	vst v6;
	v6 =	vmul.f32 v10, v0  }
0x249: {  	[tilespmem:s6+$0xFFFFF850] =	vst v5;
	v10 =	vadd.f32 v12, v4;
	v11 =	vmul.f32 v11, v0;
	v5 =	vld [tilespmem:s26+$0x0]  }
0x24a: {  	v12 =	vld [tilespmem:s5+$0xFFFFFF60];
	v6 =	vadd.f32 v6, v4;
	v9 =	vmul.f32 v9, v0  }
0x24b: {  	[tilespmem:s6+$0xFFFFFC10] =	vst v10;
	v10 =	vadd.f32 v11, v4;
	v7 =	vmul.f32 v7, v0  }
0x24c: {  	s28 =	sor.u32 $0x60, s22;
	v8 =	vmul.f32 v8, v0;
	v11 =	vld [tilespmem:s5+$0xFFFFFFA0];
	[tilespmem:s6+$0xFFFFFC50] =	vst v6;
	v6 =	vadd.f32 v9, v4  }
0x24d: {  	[tilespmem:s6+$0x10] =	vst v10;
	v7 =	vadd.f32 v7, v4;
	v9 =	vld [tilespmem:s28+$0x0]  }
0x24e: {  	s29 =	sor.u32 $0x60, s12;
	v8 =	vadd.f32 v8, v4;
	v10 =	vld [tilespmem:s5+$0x20];
	v5 =	vmul.f32 v5, v0;
	[tilespmem:s6+$0x50] =	vst v6  }
0x24f: {  	v6 =	vmul.f32 v12, v0;
	[tilespmem:s6+$0x410] =	vst v7;
	v12 =	vld [tilespmem:s29+$0x0]  }
0x250: {  	[tilespmem:s6+$0xFFFFF810] =	vst v8;
	v7 =	vld [tilespmem:s5+$0xA0];
	v5 =	vadd.f32 v5, v2  }
0x251: {  	s21 =	sadd.s32 $0x200, s5;
	v8 =	vld [tilespmem:s5+$0xFFFFFF20];
	v6 =	vadd.f32 v6, v2;
	v11 =	vmul.f32 v11, v0  }
0x252: {  	s4 =	sor.u32 $0x70, s20;
	v13 =	vld [tilespmem:s21+$0xC0];
	[tilespmem:s6+$0x460] =	vst v5;
	v5 =	vmul.f32 v9, v0  }
0x253: {  	[tilespmem:s6+$0xFFFFF860] =	vst v6;
	v9 =	vadd.f32 v11, v2;
	v10 =	vmul.f32 v10, v0;
	v6 =	vld [tilespmem:s4+$0x0]  }
0x254: {  	v11 =	vld [tilespmem:s5+$0xFFFFFF70];
	v5 =	vadd.f32 v5, v2;
	v12 =	vmul.f32 v12, v0  }
0x255: {  	[tilespmem:s6+$0xFFFFFC20] =	vst v9;
	v9 =	vadd.f32 v10, v2;
	v7 =	vmul.f32 v7, v0;
	v10 =	vld [tilespmem:s21+$0xFFFFFF40]  }
0x256: {  	v8 =	vmul.f32 v8, v0;
	[tilespmem:s6+$0xFFFFFC60] =	vst v5;
	v5 =	vadd.f32 v12, v2;
	v12 =	vld [tilespmem:s21+$0xFFFFFF80]  }
0x257: {  	v13 =	vmul.f32 v13, v0;
	[tilespmem:s6+$0x20] =	vst v9;
	v7 =	vadd.f32 v7, v2;
	v9 =	vld [tilespmem:s21+$0xFFFFFFC0]  }
0x258: {  	v8 =	vadd.f32 v8, v2;
	v6 =	vmul.f32 v6, v0;
	[tilespmem:s6+$0x60] =	vst v5;
	v5 =	vld [tilespmem:s21+$0x0]  }
0x259: {  	v13 =	vadd.f32 v13, v3;
	v11 =	vmul.f32 v11, v0;
	[tilespmem:s6+$0x420] =	vst v7;
	v7 =	vld [tilespmem:s21+$0x40]  }
0x25a: {  	s15 =	sadd.s32 $0x1000, s6;
	[tilespmem:s6+$0xFFFFF820] =	vst v8;
	v8 =	vmul.f32 v10, v0;
	v10 =	vld [tilespmem:s21+$0x80];
	v6 =	vadd.f32 v6, v1  }
0x25b: {  	v14 =	vld [tilespmem:s21+$0xFFFFFF00];
	[tilespmem:s15+$0x440] =	vst v13;
	s4 =	sadd.s32 $0x200, s12;
	v11 =	vadd.f32 v11, v1;
	v12 =	vmul.f32 v12, v0  }
0x25c: {  	s30 =	sadd.s32 $0x80, s4;
	[tilespmem:s6+$0x470] =	vst v6;
	v6 =	vadd.f32 v8, v3;
	v8 =	vmul.f32 v9, v0;
	v9 =	vld [tilespmem:s5+$0xFFFFFF30]  }
0x25d: {  	s16 =	sor.u32 $0x50, s30;
	[tilespmem:s6+$0xFFFFF870] =	vst v11;
	v11 =	vadd.f32 v12, v3;
	v5 =	vmul.f32 v5, v0;
	v12 =	vld [tilespmem:s5+$0xFFFFFFB0]  }
0x25e: {  	v7 =	vmul.f32 v7, v0;
	[tilespmem:s15+$0xFFFFF840] =	vst v6;
	v6 =	vadd.f32 v8, v3;
	v8 =	vld [tilespmem:s16+$0x0]  }
0x25f: {  	s20 =	sadd.s32 $0xFFFFFF80, s4;
	v10 =	vmul.f32 v10, v0;
	v13 =	vld [tilespmem:s21+$0xFFFFFF50];
	[tilespmem:s15+$0xFFFFFC00] =	vst v11;
	v5 =	vadd.f32 v5, v3  }
0x260: {  	s18 =	sor.u32 $0x50, s20;
	v11 =	vmul.f32 v14, v0;
	v14 =	vld [tilespmem:s21+$0xFFFFFF90];
	[tilespmem:s15+$0xFFFFFC40] =	vst v6;
	v6 =	vadd.f32 v7, v3  }
0x261: {  	v7 =	vld [tilespmem:s18+$0x0];
	[tilespmem:s15+$0x0] =	vst v5;
	v5 =	vadd.f32 v10, v3;
	v9 =	vmul.f32 v9, v0  }
0x262: {  	s23 =	sor.u32 $0x50, s4;
	v10 =	vadd.f32 v11, v3;
	v11 =	vld [tilespmem:s21+$0x10];
	[tilespmem:s15+$0x40] =	vst v6;
	v6 =	vmul.f32 v12, v0  }
0x263: {  	v12 =	vld [tilespmem:s23+$0x0];
	[tilespmem:s15+$0x400] =	vst v5;
	v5 =	vmul.f32 v8, v0;
	v8 =	vadd.f32 v9, v1  }
0x264: {  	[tilespmem:s15+$0xFFFFF800] =	vst v10;
	v9 =	vmul.f32 v13, v0;
	v10 =	vld [tilespmem:s21+$0x90];
	v6 =	vadd.f32 v6, v1  }
0x265: {  	s8 =	sor.u32 $0x70, s22;
	v13 =	vld [tilespmem:s21+$0xFFFFFF10];
	v14 =	vmul.f32 v14, v0;
	v5 =	vadd.f32 v5, v4;
	[tilespmem:s6+$0xFFFFF830] =	vst v8  }
0x266: {  	v8 =	vadd.f32 v9, v4;
	v7 =	vmul.f32 v7, v0;
	[tilespmem:s6+$0xFFFFFC30] =	vst v6;
	v6 =	vld [tilespmem:s8+$0x0]  }
0x267: {  	s25 =	sor.u32 $0x60, s30;
	v9 =	vadd.f32 v14, v4;
	v11 =	vmul.f32 v11, v0;
	[tilespmem:s15+$0x450] =	vst v5;
	v5 =	vld [tilespmem:s5+$0x30]  }
0x268: {  	[tilespmem:s15+$0xFFFFF850] =	vst v8;
	v7 =	vadd.f32 v7, v4;
	v8 =	vmul.f32 v12, v0;
	v12 =	vld [tilespmem:s25+$0x0]  }
0x269: {  	v14 =	vld [tilespmem:s21+$0xFFFFFF60];
	[tilespmem:s15+$0xFFFFFC10] =	vst v9;
	v9 =	vadd.f32 v11, v4;
	v10 =	vmul.f32 v10, v0  }
0x26a: {  	s26 =	sor.u32 $0x60, s20;
	v11 =	vmul.f32 v13, v0;
	v13 =	vld [tilespmem:s21+$0xFFFFFFA0];
	[tilespmem:s15+$0xFFFFFC50] =	vst v7;
	v7 =	vadd.f32 v8, v4  }
0x26b: {  	v8 =	vld [tilespmem:s26+$0x0];
	[tilespmem:s15+$0x10] =	vst v9;
	v9 =	vadd.f32 v10, v4;
	v6 =	vmul.f32 v6, v0  }
0x26c: {  	s28 =	sor.u32 $0x60, s4;
	v10 =	vadd.f32 v11, v4;
	v11 =	vld [tilespmem:s21+$0x20];
	[tilespmem:s15+$0x50] =	vst v7;
	v5 =	vmul.f32 v5, v0  }
0x26d: {  	v15 =	vld [tilespmem:s28+$0x0];
	[tilespmem:s15+$0x410] =	vst v9;
	v7 =	vmul.f32 v12, v0;
	v6 =	vadd.f32 v6, v1  }
0x26e: {  	[tilespmem:s15+$0xFFFFF810] =	vst v10;
	v9 =	vmul.f32 v14, v0;
	v14 =	vld [tilespmem:s21+$0xA0];
	v10 =	vadd.f32 v5, v1  }
0x26f: {  	s29 =	sor.u32 $0x70, s12;
	v5 =	vld [tilespmem:s21+$0xFFFFFF20];
	v12 =	vmul.f32 v13, v0;
	v7 =	vadd.f32 v7, v2;
	[tilespmem:s6+$0xFFFFFC70] =	vst v6  }
0x270: {  	v6 =	vld [tilespmem:s29+$0x0];
	v9 =	vadd.f32 v9, v2;
	v8 =	vmul.f32 v8, v0;
	[tilespmem:s6+$0x30] =	vst v10  }
0x271: {  	s30 =	sor.u32 $0x70, s30;
	v12 =	vadd.f32 v12, v2;
	v13 =	vmul.f32 v11, v0;
	[tilespmem:s15+$0x460] =	vst v7;
	v7 =	vld [tilespmem:s5+$0xB0]  }
0x272: {  	s22 =	simm.s32 $0x8;
	s13 =	smov.u32 s6;
	[tilespmem:s15+$0xFFFFF860] =	vst v9;
	v10 =	vadd.f32 v8, v2;
	v9 =	vld [tilespmem:s30+$0x0];
	v11 =	vmul.f32 v15, v0  }
0x273: {  	s20 =	sor.u32 $0x70, s20;
	s16 =	sadd.s32 $0x200, s21;
	s8 =	sor.u32 $0x70, s4;
	v8 =	vld [tilespmem:s21+$0xFFFFFF70];
	[tilespmem:s15+$0xFFFFFC20] =	vst v12;
	v12 =	vadd.f32 v13, v2;
	v13 =	vmul.f32 v14, v0  }
.LBB2_16:
0x274: {  	v14 =	vld [tilespmem:s16+$0xC0];
	s22 =	sadd.s32 $0x8, s22;
	v5 =	vmul.f32 v5, v0;
	[tilespmem:s15+$0xFFFFFC60] =	vst v10;
	v10 =	vadd.f32 v11, v2  }
0x275: {  	v11 =	vld [tilespmem:s16+$0xFFFFFF40];
	p0 =	slt.u32 s22, $0x38;
	[tilespmem:s15+$0x20] =	vst v12;
	v12 =	vadd.f32 v13, v2;
	v6 =	vmul.f32 v6, v0  }
0x276: {  	v13 =	vld [tilespmem:s16+$0xFFFFFF80];
	v5 =	vadd.f32 v5, v2;
	[tilespmem:s15+$0x60] =	vst v10;
	v7 =	vmul.f32 v7, v0  }
0x277: {  	v10 =	vld [tilespmem:s16+$0xFFFFFFC0];
	[tilespmem:s15+$0x420] =	vst v12;
	v9 =	vmul.f32 v9, v0;
	v6 =	vadd.f32 v6, v1  }
0x278: {  	v12 =	vld [tilespmem:s16+$0x0];
	[tilespmem:s15+$0xFFFFF820] =	vst v5;
	v5 =	vmul.f32 v8, v0;
	v7 =	vadd.f32 v7, v1  }
0x279: {  	v8 =	vld [tilespmem:s16+$0x40];
	v14 =	vmul.f32 v14, v0;
	v9 =	vadd.f32 v9, v1;
	[tilespmem:s13+$0x70] =	vst v6  }
0x27a: {  	v6 =	vmul.f32 v11, v0;
	v11 =	vld [tilespmem:s16+$0x80];
	v5 =	vadd.f32 v5, v1;
	[tilespmem:s13+$0x430] =	vst v7;
	s13 =	smov.u32 s15  }
0x27b: {  	s4 =	sadd.s32 $0x200, s4;
	v7 =	vld [tilespmem:s16+$0xFFFFFF00];
	v13 =	vmul.f32 v13, v0;
	v14 =	vadd.f32 v14, v3;
	[tilespmem:s15+$0x470] =	vst v9  }
0x27c: {  	s23 =	sadd.s32 $0xFFFFFF80, s4;
	s18 =	sadd.s32 $0x80, s4;
	s15 =	sadd.s32 $0x1000, s15;
	v6 =	vadd.f32 v6, v3;
	v9 =	vmul.f32 v10, v0;
	v10 =	vld [tilespmem:s21+$0xFFFFFF30];
	[tilespmem:s13+$0xFFFFF870] =	vst v5  }
0x27d: {  	s28 =	sor.u32 $0x50, s4;
	s26 =	sor.u32 $0x50, s23;
	s29 =	sor.u32 $0x50, s18;
	v5 =	vadd.f32 v13, v3;
	v12 =	vmul.f32 v12, v0;
	[tilespmem:s15+$0x440] =	vst v14;
	v13 =	vld [tilespmem:s21+$0xFFFFFFB0]  }
0x27e: {  	s25 =	sor.u32 $0x60, s23;
	s30 =	sor.u32 $0x70, s23;
	s23 =	sor.u32 $0x60, s4;
	[tilespmem:s15+$0xFFFFF840] =	vst v6;
	v6 =	vadd.f32 v9, v3;
	v8 =	vmul.f32 v8, v0;
	v9 =	vld [tilespmem:s29+$0x0]  }
0x27f: {  	s29 =	sor.u32 $0x70, s4;
	v14 =	vld [tilespmem:s16+$0xFFFFFF50];
	[tilespmem:s15+$0xFFFFFC00] =	vst v5;
	v5 =	vadd.f32 v12, v3;
	v11 =	vmul.f32 v11, v0  }
0x280: {  	v7 =	vmul.f32 v7, v0;
	v12 =	vld [tilespmem:s16+$0xFFFFFF90];
	[tilespmem:s15+$0xFFFFFC40] =	vst v6;
	v6 =	vadd.f32 v8, v3  }
0x281: {  	v8 =	vld [tilespmem:s26+$0x0];
	[tilespmem:s15+$0x0] =	vst v5;
	v5 =	vadd.f32 v11, v3;
	v10 =	vmul.f32 v10, v0  }
0x282: {  	v7 =	vadd.f32 v7, v3;
	v11 =	vld [tilespmem:s16+$0x10];
	[tilespmem:s15+$0x40] =	vst v6;
	v6 =	vmul.f32 v13, v0  }
0x283: {  	v13 =	vld [tilespmem:s28+$0x0];
	[tilespmem:s15+$0x400] =	vst v5;
	v5 =	vmul.f32 v9, v0;
	v9 =	vadd.f32 v10, v1  }
0x284: {  	[tilespmem:s15+$0xFFFFF800] =	vst v7;
	v7 =	vmul.f32 v14, v0;
	v10 =	vld [tilespmem:s16+$0x90];
	v6 =	vadd.f32 v6, v1  }
0x285: {  	v14 =	vld [tilespmem:s16+$0xFFFFFF10];
	v12 =	vmul.f32 v12, v0;
	v5 =	vadd.f32 v5, v4;
	[tilespmem:s13+$0xFFFFF830] =	vst v9  }
0x286: {  	v7 =	vadd.f32 v7, v4;
	v8 =	vmul.f32 v8, v0;
	[tilespmem:s13+$0xFFFFFC30] =	vst v6;
	v6 =	vld [tilespmem:s20+$0x0];
	s20 =	smov.u32 s30  }
0x287: {  	s26 =	sor.u32 $0x60, s18;
	v9 =	vadd.f32 v12, v4;
	v11 =	vmul.f32 v11, v0;
	[tilespmem:s15+$0x450] =	vst v5;
	v5 =	vld [tilespmem:s21+$0x30]  }
0x288: {  	[tilespmem:s15+$0xFFFFF850] =	vst v7;
	v7 =	vadd.f32 v8, v4;
	v8 =	vmul.f32 v13, v0;
	v12 =	vld [tilespmem:s26+$0x0]  }
0x289: {  	v13 =	vld [tilespmem:s16+$0xFFFFFF60];
	[tilespmem:s15+$0xFFFFFC10] =	vst v9;
	v9 =	vadd.f32 v11, v4;
	v10 =	vmul.f32 v10, v0  }
0x28a: {  	v11 =	vmul.f32 v14, v0;
	v14 =	vld [tilespmem:s16+$0xFFFFFFA0];
	[tilespmem:s15+$0xFFFFFC50] =	vst v7;
	v7 =	vadd.f32 v8, v4  }
0x28b: {  	v8 =	vld [tilespmem:s25+$0x0];
	[tilespmem:s15+$0x10] =	vst v9;
	v9 =	vadd.f32 v10, v4;
	v6 =	vmul.f32 v6, v0  }
0x28c: {  	v10 =	vadd.f32 v11, v4;
	v11 =	vld [tilespmem:s16+$0x20];
	[tilespmem:s15+$0x50] =	vst v7;
	v5 =	vmul.f32 v5, v0  }
0x28d: {  	v15 =	vld [tilespmem:s23+$0x0];
	[tilespmem:s15+$0x410] =	vst v9;
	v7 =	vmul.f32 v12, v0;
	v6 =	vadd.f32 v6, v1  }
0x28e: {  	[tilespmem:s15+$0xFFFFF810] =	vst v10;
	v9 =	vmul.f32 v13, v0;
	v13 =	vld [tilespmem:s16+$0xA0];
	v10 =	vadd.f32 v5, v1  }
.Ltmp6:
0x28f: {  	v5 =	vld [tilespmem:s16+$0xFFFFFF20];
	v12 =	vmul.f32 v14, v0;
	v7 =	vadd.f32 v7, v2;
	[tilespmem:s13+$0xFFFFFC70] =	vst v6;
	(pc) =	sbr.rel @p0 .LBB2_16-.Ltmp6, $4  }
0x290: {  	v9 =	vadd.f32 v9, v2;
	v8 =	vmul.f32 v8, v0;
	[tilespmem:s13+$0x30] =	vst v10;
	v6 =	vld [tilespmem:s8+$0x0];
	s8 =	smov.u32 s29  }
0x291: {  	s18 =	sor.u32 $0x70, s18;
	v12 =	vadd.f32 v12, v2;
	v14 =	vmul.f32 v11, v0;
	[tilespmem:s15+$0x460] =	vst v7;
	v7 =	vld [tilespmem:s21+$0xB0];
	s21 =	smov.u32 s16  }
0x292: {  	[tilespmem:s15+$0xFFFFF860] =	vst v9;
	v10 =	vadd.f32 v8, v2;
	v11 =	vmul.f32 v15, v0;
	v9 =	vld [tilespmem:s18+$0x0]  }
0x293: {  	s16 =	sadd.s32 $0x200, s16;
	v8 =	vld [tilespmem:s21+$0xFFFFFF70];
	[tilespmem:s15+$0xFFFFFC20] =	vst v12;
	v12 =	vadd.f32 v14, v2;
	v13 =	vmul.f32 v13, v0  }
0x294: {  	v3 =	vmul.f32 v5, v0;
	[tilespmem:s15+$0xFFFFFC60] =	vst v10;
	v4 =	vadd.f32 v11, v2;
	v49 =	vld [tilespmem:s21+$0xFFFFFFB0]  }
0x295: {  	v48 =	vmul.f32 v6, v0;
	[tilespmem:s15+$0x20] =	vst v12;
	v50 =	vadd.f32 v13, v2;
	v10 =	vld [tilespmem:s20+$0x0]  }
0x296: {  	v3 =	vadd.f32 v3, v2;
	v7 =	vmul.f32 v7, v0;
	[tilespmem:s15+$0x60] =	vst v4;
	v52 =	vld [tilespmem:s21+$0x30]  }
0x297: {  	v51 =	vmul.f32 v9, v0;
	v5 =	vadd.f32 v48, v1;
	[tilespmem:s15+$0x420] =	vst v50;
	v54 =	vld [tilespmem:s8+$0x0]  }
0x298: {  	[tilespmem:s15+$0xFFFFF820] =	vst v3;
	v53 =	vmul.f32 v8, v0;
	v7 =	vadd.f32 v7, v1;
	v55 =	vld [tilespmem:s21+$0xB0]  }
0x299: {  	v3 =	vld [tilespmem:s21+$0xFFFFFF30];
	v4 =	vadd.f32 v51, v1;
	[tilespmem:s13+$0x70] =	vst v5;
	v6 =	vmul.f32 v49, v0  }
0x29a: {  	v2 =	vadd.f32 v53, v1;
	[tilespmem:s13+$0x430] =	vst v7;
	v56 =	vmul.f32 v10, v0  }
0x29b: {  	[tilespmem:s15+$0x470] =	vst v4;
	v57 =	vadd.f32 v6, v1;
	v58 =	vmul.f32 v52, v0  }
0x29c: {  	s11 =	sadd.s32 $0x1, s11;
	[tilespmem:s15+$0xFFFFF870] =	vst v2;
	v59 =	vadd.f32 v56, v1;
	v60 =	vmul.f32 v54, v0  }
0x29d: {  	p0 =	sne.s32 s11, $0x8;
	[tilespmem:s15+$0xFFFFFC30] =	vst v57;
	v61 =	vadd.f32 v58, v1;
	v62 =	vmul.f32 v55, v0  }
.Ltmp7:
0x29e: {  	v3 =	vmul.f32 v3, v0;
	[tilespmem:s15+$0xFFFFFC70] =	vst v59;
	v63 =	vadd.f32 v60, v1;
	(pc) =	sbr.rel @p0 .LBB2_15-.Ltmp7, $4  }
0x29f: {  	[tilespmem:s15+$0x30] =	vst v61;
	v0 =	vadd.f32 v62, v1  }
0x2a0: {  	v3 =	vadd.f32 v3, v1;
	[tilespmem:s15+$0x70] =	vst v63  }
0x2a1: {  	[tilespmem:s15+$0x430] =	vst v0  }
0x2a2: {  	s6 =	sadd.s32 $0x80, s6;
	[tilespmem:s15+$0xFFFFF830] =	vst v3  }
0x2a3: {  	s3 =	sshll.u32 s14, $0xC;
	s30 =	rddreg [dreg:$0x2]  }
0x2a4: {  	s12 =	simm.s32 $0x0;
	s25 =	sld [smem:$0x7FD];
	s3 =	sand.u32 $0x1FFFF000, s3  }
0x2a5: {  	s4 =	simm.s32 $0xB280;
	s23 =	rddreg [dreg:$0x4];
	s3 =	sadd.s32 s30, s3  }
0x2a6: {  	[hbm4b:s3+s12] =	stream.linear.scatter [tilespmem:s4], [sflag:$0x1], $0x8000, $0x38;
	[tilespmem:$0x1B280] =	vst v63  }
0x2a7: {  	s5 =	simm.s32 $0x2;
	s3 =	sadd.s32 s25, s23  }
0x2a8: {  	s14 =	sadd.s32 $0x1, s3;
	_ =	swait.ge [sflag:s5], $0x8000  }
0x2a9: {  	s3 =	sshrl.u32 s14, $0x5;
	s26 =	rddreg [dreg:$0x5]  }
0x2aa: {  	s3 =	ssub.s32 s3, s26  }
0x2ab: {  	s10 =	simm.s32 $0x13A80;
	s3 =	sshll.u32 s3, $0xE  }
0x2ac: {  	[sflag:s5] =	ssyncset.done $0x0;
	s28 =	sshll.u32 s14, $0x1;
	s29 =	sshra.s32 s3, $0x2  }
0x2ad: {  	[sflag:s5] =	ssyncadd.s32 $0xFFFF8000;
	s3 =	sand.u32 $0x38, s28;
	s5 =	sadd.s32 $0x9280, s29  }
.LBB2_19:
0x2ae: {  	s4 =	sor.u32 s3, s12  }
0x2af: {  	v0 =	vmov s4;
	_ =	sdelay $0x1  }
0x2b0: {  	v5 =	vld [tilespmem:s0+$0xC0]  }
0x2b1: {  	v6 =	vld [tilespmem:s0+$0xFFFFFF40];
	s4 =	sshll.u32 s4, $0x6  }
0x2b2: {  	v7 =	vld [tilespmem:s0+$0xFFFFFF80];
	s6 =	sand.u32 $0xF80, s4  }
0x2b3: {  	s4 =	sand.u32 $0x40, s4;
	s6 =	sadd.s32 s6, s5;
	v0 =	vld.idx.msk [tilespmem:v0+s2+$0x0], $0xffff  }
0x2b4: {  	v8 =	vld [tilespmem:s0+$0xFFFFFFC0];
	s4 =	sadd.s32 s4, s6  }
0x2b5: {  	v3 =	vld [tilespmem:s4+$0x0]  }
0x2b6: {  	v9 =	vld [tilespmem:s0+$0x0]  }
0x2b7: {  	v10 =	vld [tilespmem:s0+$0x40]  }
0x2b8: {  	v11 =	vld [tilespmem:s0+$0x80];
	v5 =	vmul.f32 v5, v0  }
0x2b9: {  	v12 =	vld [tilespmem:s0+$0xFFFFFF00];
	v6 =	vmul.f32 v6, v0  }
0x2ba: {  	v4 =	vld [tilespmem:s4+$0x10];
	v5 =	vadd.f32 v5, v3  }
0x2bb: {  	s26 =	sadd.s32 $0x80, s31;
	v2 =	vld [tilespmem:s4+$0x20];
	v7 =	vmul.f32 v7, v0;
	v6 =	vadd.f32 v6, v3  }
0x2bc: {  	s28 =	sor.u32 $0x50, s26;
	v1 =	vld [tilespmem:s4+$0x30];
	[tilespmem:s10+$0x440] =	vst v5;
	v5 =	vmul.f32 v8, v0  }
0x2bd: {  	v7 =	vadd.f32 v7, v3;
	[tilespmem:s10+$0xFFFFF840] =	vst v6;
	v8 =	vmul.f32 v9, v0;
	v6 =	vld [tilespmem:s28+$0x0]  }
0x2be: {  	v10 =	vmul.f32 v10, v0;
	v9 =	vld [tilespmem:s0+$0xFFFFFF50];
	v5 =	vadd.f32 v5, v3  }
0x2bf: {  	s29 =	sadd.s32 $0xFFFFFF80, s31;
	[tilespmem:s10+$0xFFFFFC00] =	vst v7;
	v7 =	vadd.f32 v8, v3;
	v8 =	vmul.f32 v11, v0  }
0x2c0: {  	s8 =	sor.u32 $0x50, s29;
	v11 =	vmul.f32 v12, v0;
	v12 =	vld [tilespmem:s0+$0xFFFFFF90];
	[tilespmem:s10+$0xFFFFFC40] =	vst v5;
	v5 =	vadd.f32 v10, v3  }
0x2c1: {  	[tilespmem:s10+$0x0] =	vst v7;
	v7 =	vadd.f32 v8, v3;
	v10 =	vld [tilespmem:s8+$0x0]  }
0x2c2: {  	s13 =	sor.u32 $0x50, s31;
	v8 =	vadd.f32 v11, v3;
	v11 =	vld [tilespmem:s0+$0x10];
	v6 =	vmul.f32 v6, v0;
	[tilespmem:s10+$0x40] =	vst v5  }
0x2c3: {  	v5 =	vmul.f32 v9, v0;
	[tilespmem:s10+$0x400] =	vst v7;
	v9 =	vld [tilespmem:s13+$0x0]  }
0x2c4: {  	[tilespmem:s10+$0xFFFFF800] =	vst v8;
	v7 =	vld [tilespmem:s0+$0x90];
	v6 =	vadd.f32 v6, v4  }
0x2c5: {  	v8 =	vld [tilespmem:s0+$0xFFFFFF10];
	v12 =	vmul.f32 v12, v0;
	v5 =	vadd.f32 v5, v4  }
0x2c6: {  	s15 =	sor.u32 $0x60, s26;
	[tilespmem:s10+$0x450] =	vst v6;
	v6 =	vmul.f32 v10, v0  }
0x2c7: {  	[tilespmem:s10+$0xFFFFF850] =	vst v5;
	v10 =	vadd.f32 v12, v4;
	v11 =	vmul.f32 v11, v0;
	v5 =	vld [tilespmem:s15+$0x0]  }
0x2c8: {  	v12 =	vld [tilespmem:s0+$0xFFFFFF60];
	v6 =	vadd.f32 v6, v4;
	v9 =	vmul.f32 v9, v0  }
0x2c9: {  	[tilespmem:s10+$0xFFFFFC10] =	vst v10;
	v10 =	vadd.f32 v11, v4;
	v7 =	vmul.f32 v7, v0  }
0x2ca: {  	s16 =	sor.u32 $0x60, s29;
	v8 =	vmul.f32 v8, v0;
	v11 =	vld [tilespmem:s0+$0xFFFFFFA0];
	[tilespmem:s10+$0xFFFFFC50] =	vst v6;
	v6 =	vadd.f32 v9, v4  }
0x2cb: {  	[tilespmem:s10+$0x10] =	vst v10;
	v7 =	vadd.f32 v7, v4;
	v9 =	vld [tilespmem:s16+$0x0]  }
0x2cc: {  	s18 =	sor.u32 $0x60, s31;
	v8 =	vadd.f32 v8, v4;
	v10 =	vld [tilespmem:s0+$0x20];
	v5 =	vmul.f32 v5, v0;
	[tilespmem:s10+$0x50] =	vst v6  }
0x2cd: {  	v6 =	vmul.f32 v12, v0;
	[tilespmem:s10+$0x410] =	vst v7;
	v12 =	vld [tilespmem:s18+$0x0]  }
0x2ce: {  	[tilespmem:s10+$0xFFFFF810] =	vst v8;
	v7 =	vld [tilespmem:s0+$0xA0];
	v5 =	vadd.f32 v5, v2  }
0x2cf: {  	s11 =	sadd.s32 $0x200, s0;
	v8 =	vld [tilespmem:s0+$0xFFFFFF20];
	v6 =	vadd.f32 v6, v2;
	v11 =	vmul.f32 v11, v0  }
0x2d0: {  	v13 =	vld [tilespmem:s11+$0xC0];
	s4 =	sor.u32 $0x70, s26;
	[tilespmem:s10+$0x460] =	vst v5;
	v5 =	vmul.f32 v9, v0  }
0x2d1: {  	[tilespmem:s10+$0xFFFFF860] =	vst v6;
	v9 =	vadd.f32 v11, v2;
	v10 =	vmul.f32 v10, v0;
	v6 =	vld [tilespmem:s4+$0x0]  }
0x2d2: {  	v11 =	vld [tilespmem:s0+$0xFFFFFF70];
	v5 =	vadd.f32 v5, v2;
	v12 =	vmul.f32 v12, v0  }
0x2d3: {  	[tilespmem:s10+$0xFFFFFC20] =	vst v9;
	v9 =	vadd.f32 v10, v2;
	v7 =	vmul.f32 v7, v0;
	v10 =	vld [tilespmem:s11+$0xFFFFFF40]  }
0x2d4: {  	v8 =	vmul.f32 v8, v0;
	[tilespmem:s10+$0xFFFFFC60] =	vst v5;
	v5 =	vadd.f32 v12, v2;
	v12 =	vld [tilespmem:s11+$0xFFFFFF80]  }
0x2d5: {  	v13 =	vmul.f32 v13, v0;
	[tilespmem:s10+$0x20] =	vst v9;
	v7 =	vadd.f32 v7, v2;
	v9 =	vld [tilespmem:s11+$0xFFFFFFC0]  }
0x2d6: {  	v8 =	vadd.f32 v8, v2;
	v6 =	vmul.f32 v6, v0;
	[tilespmem:s10+$0x60] =	vst v5;
	v5 =	vld [tilespmem:s11+$0x0]  }
0x2d7: {  	v13 =	vadd.f32 v13, v3;
	v11 =	vmul.f32 v11, v0;
	[tilespmem:s10+$0x420] =	vst v7;
	v7 =	vld [tilespmem:s11+$0x40]  }
0x2d8: {  	s13 =	sadd.s32 $0x1000, s10;
	[tilespmem:s10+$0xFFFFF820] =	vst v8;
	v8 =	vmul.f32 v10, v0;
	v10 =	vld [tilespmem:s11+$0x80];
	v6 =	vadd.f32 v6, v1  }
0x2d9: {  	v14 =	vld [tilespmem:s11+$0xFFFFFF00];
	[tilespmem:s13+$0x440] =	vst v13;
	s4 =	sadd.s32 $0x200, s31;
	v11 =	vadd.f32 v11, v1;
	v12 =	vmul.f32 v12, v0  }
0x2da: {  	s20 =	sadd.s32 $0x80, s4;
	[tilespmem:s10+$0x470] =	vst v6;
	v6 =	vadd.f32 v8, v3;
	v8 =	vmul.f32 v9, v0;
	v9 =	vld [tilespmem:s0+$0xFFFFFF30]  }
0x2db: {  	s15 =	sor.u32 $0x50, s20;
	[tilespmem:s10+$0xFFFFF870] =	vst v11;
	v11 =	vadd.f32 v12, v3;
	v5 =	vmul.f32 v5, v0;
	v12 =	vld [tilespmem:s0+$0xFFFFFFB0]  }
0x2dc: {  	v7 =	vmul.f32 v7, v0;
	[tilespmem:s13+$0xFFFFF840] =	vst v6;
	v6 =	vadd.f32 v8, v3;
	v8 =	vld [tilespmem:s15+$0x0]  }
0x2dd: {  	s21 =	sadd.s32 $0xFFFFFF80, s4;
	v10 =	vmul.f32 v10, v0;
	v13 =	vld [tilespmem:s11+$0xFFFFFF50];
	[tilespmem:s13+$0xFFFFFC00] =	vst v11;
	v5 =	vadd.f32 v5, v3  }
0x2de: {  	s16 =	sor.u32 $0x50, s21;
	v11 =	vmul.f32 v14, v0;
	v14 =	vld [tilespmem:s11+$0xFFFFFF90];
	[tilespmem:s13+$0xFFFFFC40] =	vst v6;
	v6 =	vadd.f32 v7, v3  }
0x2df: {  	v7 =	vld [tilespmem:s16+$0x0];
	[tilespmem:s13+$0x0] =	vst v5;
	v5 =	vadd.f32 v10, v3;
	v9 =	vmul.f32 v9, v0  }
0x2e0: {  	s22 =	sor.u32 $0x50, s4;
	v10 =	vadd.f32 v11, v3;
	v11 =	vld [tilespmem:s11+$0x10];
	[tilespmem:s13+$0x40] =	vst v6;
	v6 =	vmul.f32 v12, v0  }
0x2e1: {  	v12 =	vld [tilespmem:s22+$0x0];
	[tilespmem:s13+$0x400] =	vst v5;
	v5 =	vmul.f32 v8, v0;
	v8 =	vadd.f32 v9, v1  }
0x2e2: {  	[tilespmem:s13+$0xFFFFF800] =	vst v10;
	v9 =	vmul.f32 v13, v0;
	v10 =	vld [tilespmem:s11+$0x90];
	v6 =	vadd.f32 v6, v1  }
0x2e3: {  	s6 =	sor.u32 $0x70, s29;
	v13 =	vld [tilespmem:s11+$0xFFFFFF10];
	v14 =	vmul.f32 v14, v0;
	v5 =	vadd.f32 v5, v4;
	[tilespmem:s10+$0xFFFFF830] =	vst v8  }
0x2e4: {  	v8 =	vadd.f32 v9, v4;
	v7 =	vmul.f32 v7, v0;
	[tilespmem:s10+$0xFFFFFC30] =	vst v6;
	v6 =	vld [tilespmem:s6+$0x0]  }
0x2e5: {  	s23 =	sor.u32 $0x60, s20;
	v9 =	vadd.f32 v14, v4;
	v11 =	vmul.f32 v11, v0;
	[tilespmem:s13+$0x450] =	vst v5;
	v5 =	vld [tilespmem:s0+$0x30]  }
0x2e6: {  	[tilespmem:s13+$0xFFFFF850] =	vst v8;
	v7 =	vadd.f32 v7, v4;
	v8 =	vmul.f32 v12, v0;
	v12 =	vld [tilespmem:s23+$0x0]  }
0x2e7: {  	v14 =	vld [tilespmem:s11+$0xFFFFFF60];
	[tilespmem:s13+$0xFFFFFC10] =	vst v9;
	v9 =	vadd.f32 v11, v4;
	v10 =	vmul.f32 v10, v0  }
0x2e8: {  	s25 =	sor.u32 $0x60, s21;
	v11 =	vmul.f32 v13, v0;
	v13 =	vld [tilespmem:s11+$0xFFFFFFA0];
	[tilespmem:s13+$0xFFFFFC50] =	vst v7;
	v7 =	vadd.f32 v8, v4  }
0x2e9: {  	v8 =	vld [tilespmem:s25+$0x0];
	[tilespmem:s13+$0x10] =	vst v9;
	v9 =	vadd.f32 v10, v4;
	v6 =	vmul.f32 v6, v0  }
0x2ea: {  	s26 =	sor.u32 $0x60, s4;
	v10 =	vadd.f32 v11, v4;
	v11 =	vld [tilespmem:s11+$0x20];
	[tilespmem:s13+$0x50] =	vst v7;
	v5 =	vmul.f32 v5, v0  }
0x2eb: {  	v15 =	vld [tilespmem:s26+$0x0];
	[tilespmem:s13+$0x410] =	vst v9;
	v7 =	vmul.f32 v12, v0;
	v6 =	vadd.f32 v6, v1  }
0x2ec: {  	[tilespmem:s13+$0xFFFFF810] =	vst v10;
	v9 =	vmul.f32 v14, v0;
	v14 =	vld [tilespmem:s11+$0xA0];
	v10 =	vadd.f32 v5, v1  }
0x2ed: {  	s28 =	sor.u32 $0x70, s31;
	v5 =	vld [tilespmem:s11+$0xFFFFFF20];
	v12 =	vmul.f32 v13, v0;
	v7 =	vadd.f32 v7, v2;
	[tilespmem:s10+$0xFFFFFC70] =	vst v6  }
0x2ee: {  	v6 =	vld [tilespmem:s28+$0x0];
	v9 =	vadd.f32 v9, v2;
	v8 =	vmul.f32 v8, v0;
	[tilespmem:s10+$0x30] =	vst v10  }
0x2ef: {  	s29 =	sor.u32 $0x70, s20;
	v12 =	vadd.f32 v12, v2;
	v13 =	vmul.f32 v11, v0;
	[tilespmem:s13+$0x460] =	vst v7;
	v7 =	vld [tilespmem:s0+$0xB0]  }
0x2f0: {  	s8 =	sor.u32 $0x70, s4;
	s20 =	simm.s32 $0x8;
	[tilespmem:s13+$0xFFFFF860] =	vst v9;
	v10 =	vadd.f32 v8, v2;
	v9 =	vld [tilespmem:s29+$0x0];
	v11 =	vmul.f32 v15, v0  }
0x2f1: {  	s15 =	sor.u32 $0x70, s21;
	s16 =	sadd.s32 $0x200, s11;
	s6 =	smov.u32 s10;
	v8 =	vld [tilespmem:s11+$0xFFFFFF70];
	[tilespmem:s13+$0xFFFFFC20] =	vst v12;
	v12 =	vadd.f32 v13, v2;
	v13 =	vmul.f32 v14, v0  }
.LBB2_20:
0x2f2: {  	v14 =	vld [tilespmem:s16+$0xC0];
	s20 =	sadd.s32 $0x8, s20;
	v5 =	vmul.f32 v5, v0;
	[tilespmem:s13+$0xFFFFFC60] =	vst v10;
	v10 =	vadd.f32 v11, v2  }
0x2f3: {  	v11 =	vld [tilespmem:s16+$0xFFFFFF40];
	p0 =	slt.u32 s20, $0x38;
	[tilespmem:s13+$0x20] =	vst v12;
	v12 =	vadd.f32 v13, v2;
	v6 =	vmul.f32 v6, v0  }
0x2f4: {  	v13 =	vld [tilespmem:s16+$0xFFFFFF80];
	v5 =	vadd.f32 v5, v2;
	[tilespmem:s13+$0x60] =	vst v10;
	v7 =	vmul.f32 v7, v0  }
0x2f5: {  	v10 =	vld [tilespmem:s16+$0xFFFFFFC0];
	[tilespmem:s13+$0x420] =	vst v12;
	v9 =	vmul.f32 v9, v0;
	v6 =	vadd.f32 v6, v1  }
0x2f6: {  	v12 =	vld [tilespmem:s16+$0x0];
	[tilespmem:s13+$0xFFFFF820] =	vst v5;
	v5 =	vmul.f32 v8, v0;
	v7 =	vadd.f32 v7, v1  }
0x2f7: {  	v8 =	vld [tilespmem:s16+$0x40];
	v14 =	vmul.f32 v14, v0;
	v9 =	vadd.f32 v9, v1;
	[tilespmem:s6+$0x70] =	vst v6  }
0x2f8: {  	v6 =	vmul.f32 v11, v0;
	v11 =	vld [tilespmem:s16+$0x80];
	v5 =	vadd.f32 v5, v1;
	[tilespmem:s6+$0x430] =	vst v7;
	s6 =	smov.u32 s13  }
0x2f9: {  	s4 =	sadd.s32 $0x200, s4;
	v7 =	vld [tilespmem:s16+$0xFFFFFF00];
	v13 =	vmul.f32 v13, v0;
	v14 =	vadd.f32 v14, v3;
	[tilespmem:s13+$0x470] =	vst v9  }
0x2fa: {  	s21 =	sadd.s32 $0xFFFFFF80, s4;
	s18 =	sadd.s32 $0x80, s4;
	s13 =	sadd.s32 $0x1000, s13;
	v6 =	vadd.f32 v6, v3;
	v9 =	vmul.f32 v10, v0;
	v10 =	vld [tilespmem:s11+$0xFFFFFF30];
	[tilespmem:s6+$0xFFFFF870] =	vst v5  }
0x2fb: {  	s26 =	sor.u32 $0x50, s4;
	s25 =	sor.u32 $0x50, s21;
	s28 =	sor.u32 $0x50, s18;
	v5 =	vadd.f32 v13, v3;
	v12 =	vmul.f32 v12, v0;
	[tilespmem:s13+$0x440] =	vst v14;
	v13 =	vld [tilespmem:s11+$0xFFFFFFB0]  }
0x2fc: {  	s22 =	sor.u32 $0x60, s4;
	s23 =	sor.u32 $0x60, s21;
	s29 =	sor.u32 $0x70, s21;
	[tilespmem:s13+$0xFFFFF840] =	vst v6;
	v6 =	vadd.f32 v9, v3;
	v8 =	vmul.f32 v8, v0;
	v9 =	vld [tilespmem:s28+$0x0]  }
0x2fd: {  	s21 =	sor.u32 $0x70, s4;
	v14 =	vld [tilespmem:s16+$0xFFFFFF50];
	[tilespmem:s13+$0xFFFFFC00] =	vst v5;
	v5 =	vadd.f32 v12, v3;
	v11 =	vmul.f32 v11, v0  }
0x2fe: {  	v7 =	vmul.f32 v7, v0;
	v12 =	vld [tilespmem:s16+$0xFFFFFF90];
	[tilespmem:s13+$0xFFFFFC40] =	vst v6;
	v6 =	vadd.f32 v8, v3  }
0x2ff: {  	v8 =	vld [tilespmem:s25+$0x0];
	[tilespmem:s13+$0x0] =	vst v5;
	v5 =	vadd.f32 v11, v3;
	v10 =	vmul.f32 v10, v0  }
0x300: {  	v7 =	vadd.f32 v7, v3;
	v11 =	vld [tilespmem:s16+$0x10];
	[tilespmem:s13+$0x40] =	vst v6;
	v6 =	vmul.f32 v13, v0  }
0x301: {  	v13 =	vld [tilespmem:s26+$0x0];
	[tilespmem:s13+$0x400] =	vst v5;
	v5 =	vmul.f32 v9, v0;
	v9 =	vadd.f32 v10, v1  }
0x302: {  	[tilespmem:s13+$0xFFFFF800] =	vst v7;
	v7 =	vmul.f32 v14, v0;
	v10 =	vld [tilespmem:s16+$0x90];
	v6 =	vadd.f32 v6, v1  }
0x303: {  	v14 =	vld [tilespmem:s16+$0xFFFFFF10];
	v12 =	vmul.f32 v12, v0;
	v5 =	vadd.f32 v5, v4;
	[tilespmem:s6+$0xFFFFF830] =	vst v9  }
0x304: {  	v7 =	vadd.f32 v7, v4;
	v8 =	vmul.f32 v8, v0;
	[tilespmem:s6+$0xFFFFFC30] =	vst v6;
	v6 =	vld [tilespmem:s15+$0x0];
	s15 =	smov.u32 s29  }
0x305: {  	s25 =	sor.u32 $0x60, s18;
	v9 =	vadd.f32 v12, v4;
	v11 =	vmul.f32 v11, v0;
	[tilespmem:s13+$0x450] =	vst v5;
	v5 =	vld [tilespmem:s11+$0x30]  }
0x306: {  	[tilespmem:s13+$0xFFFFF850] =	vst v7;
	v7 =	vadd.f32 v8, v4;
	v8 =	vmul.f32 v13, v0;
	v12 =	vld [tilespmem:s25+$0x0]  }
0x307: {  	v13 =	vld [tilespmem:s16+$0xFFFFFF60];
	[tilespmem:s13+$0xFFFFFC10] =	vst v9;
	v9 =	vadd.f32 v11, v4;
	v10 =	vmul.f32 v10, v0  }
0x308: {  	v11 =	vmul.f32 v14, v0;
	v14 =	vld [tilespmem:s16+$0xFFFFFFA0];
	[tilespmem:s13+$0xFFFFFC50] =	vst v7;
	v7 =	vadd.f32 v8, v4  }
0x309: {  	v8 =	vld [tilespmem:s23+$0x0];
	[tilespmem:s13+$0x10] =	vst v9;
	v9 =	vadd.f32 v10, v4;
	v6 =	vmul.f32 v6, v0  }
0x30a: {  	v10 =	vadd.f32 v11, v4;
	v11 =	vld [tilespmem:s16+$0x20];
	[tilespmem:s13+$0x50] =	vst v7;
	v5 =	vmul.f32 v5, v0  }
0x30b: {  	v15 =	vld [tilespmem:s22+$0x0];
	[tilespmem:s13+$0x410] =	vst v9;
	v7 =	vmul.f32 v12, v0;
	v6 =	vadd.f32 v6, v1  }
0x30c: {  	[tilespmem:s13+$0xFFFFF810] =	vst v10;
	v9 =	vmul.f32 v13, v0;
	v13 =	vld [tilespmem:s16+$0xA0];
	v10 =	vadd.f32 v5, v1  }
.Ltmp8:
0x30d: {  	v5 =	vld [tilespmem:s16+$0xFFFFFF20];
	v12 =	vmul.f32 v14, v0;
	v7 =	vadd.f32 v7, v2;
	[tilespmem:s6+$0xFFFFFC70] =	vst v6;
	(pc) =	sbr.rel @p0 .LBB2_20-.Ltmp8, $4  }
0x30e: {  	v9 =	vadd.f32 v9, v2;
	v8 =	vmul.f32 v8, v0;
	[tilespmem:s6+$0x30] =	vst v10;
	v6 =	vld [tilespmem:s8+$0x0];
	s8 =	smov.u32 s21  }
0x30f: {  	s18 =	sor.u32 $0x70, s18;
	v12 =	vadd.f32 v12, v2;
	v14 =	vmul.f32 v11, v0;
	[tilespmem:s13+$0x460] =	vst v7;
	v7 =	vld [tilespmem:s11+$0xB0];
	s11 =	smov.u32 s16  }
0x310: {  	[tilespmem:s13+$0xFFFFF860] =	vst v9;
	v10 =	vadd.f32 v8, v2;
	v11 =	vmul.f32 v15, v0;
	v9 =	vld [tilespmem:s18+$0x0]  }
0x311: {  	s16 =	sadd.s32 $0x200, s16;
	v8 =	vld [tilespmem:s11+$0xFFFFFF70];
	[tilespmem:s13+$0xFFFFFC20] =	vst v12;
	v12 =	vadd.f32 v14, v2;
	v13 =	vmul.f32 v13, v0  }
0x312: {  	v3 =	vmul.f32 v5, v0;
	[tilespmem:s13+$0xFFFFFC60] =	vst v10;
	v4 =	vadd.f32 v11, v2;
	v49 =	vld [tilespmem:s11+$0xFFFFFFB0]  }
0x313: {  	v48 =	vmul.f32 v6, v0;
	[tilespmem:s13+$0x20] =	vst v12;
	v50 =	vadd.f32 v13, v2;
	v10 =	vld [tilespmem:s15+$0x0]  }
0x314: {  	v3 =	vadd.f32 v3, v2;
	v7 =	vmul.f32 v7, v0;
	[tilespmem:s13+$0x60] =	vst v4;
	v52 =	vld [tilespmem:s11+$0x30]  }
0x315: {  	v51 =	vmul.f32 v9, v0;
	v5 =	vadd.f32 v48, v1;
	[tilespmem:s13+$0x420] =	vst v50;
	v54 =	vld [tilespmem:s8+$0x0]  }
0x316: {  	[tilespmem:s13+$0xFFFFF820] =	vst v3;
	v53 =	vmul.f32 v8, v0;
	v7 =	vadd.f32 v7, v1;
	v55 =	vld [tilespmem:s11+$0xB0]  }
0x317: {  	v3 =	vld [tilespmem:s11+$0xFFFFFF30];
	v4 =	vadd.f32 v51, v1;
	[tilespmem:s6+$0x70] =	vst v5;
	v6 =	vmul.f32 v49, v0  }
0x318: {  	v2 =	vadd.f32 v53, v1;
	[tilespmem:s6+$0x430] =	vst v7;
	v56 =	vmul.f32 v10, v0  }
0x319: {  	[tilespmem:s13+$0x470] =	vst v4;
	v57 =	vadd.f32 v6, v1;
	v58 =	vmul.f32 v52, v0  }
0x31a: {  	s12 =	sadd.s32 $0x1, s12;
	[tilespmem:s13+$0xFFFFF870] =	vst v2;
	v59 =	vadd.f32 v56, v1;
	v60 =	vmul.f32 v54, v0  }
0x31b: {  	p0 =	sne.s32 s12, $0x8;
	[tilespmem:s13+$0xFFFFFC30] =	vst v57;
	v61 =	vadd.f32 v58, v1;
	v62 =	vmul.f32 v55, v0  }
.Ltmp9:
0x31c: {  	v3 =	vmul.f32 v3, v0;
	[tilespmem:s13+$0xFFFFFC70] =	vst v59;
	v63 =	vadd.f32 v60, v1;
	(pc) =	sbr.rel @p0 .LBB2_19-.Ltmp9, $4  }
0x31d: {  	[tilespmem:s13+$0x30] =	vst v61;
	v0 =	vadd.f32 v62, v1  }
0x31e: {  	v3 =	vadd.f32 v3, v1;
	[tilespmem:s13+$0x70] =	vst v63  }
0x31f: {  	[tilespmem:s13+$0x430] =	vst v0  }
0x320: {  	s10 =	sadd.s32 $0x80, s10;
	[tilespmem:s13+$0xFFFFF830] =	vst v3  }
0x321: {  	s24 =	sadd.s32 $0x1, s24  }
0x322: {  	s0 =	sshll.u32 s14, $0xC;
	s10 =	sld [smem:$0x7FC];
	p0 =	sne.s32 s24, $0x10  }
.Ltmp10:
0x323: {  	s25 =	simm.s32 $0x0;
	s8 =	rddreg [dreg:$0x1f];
	(pc) =	sbr.rel @p0 .LBB2_14-.Ltmp10, $4  }
0x324: {  	s3 =	simm.s32 $0x13280;
	s31 =	rddreg [dreg:$0x1d];
	s0 =	sand.u32 $0x1FFFF000, s0  }
0x325: {  	s8 =	sadd.s32 $0x2, s8;
	s0 =	sadd.s32 s30, s0;
	s30 =	rddreg [dreg:$0x1e]  }
0x326: {  	[hbm4b:s0+s25] =	stream.linear.scatter [tilespmem:s3], [sflag:$0x2], $0x8000, $0x38;
	[tilespmem:$0x1B280] =	vst v63  }
0x327: {  	s10 =	sadd.s32 $0x2, s10;
	s0 =	sadd.s32 $0x2, s30;
	s3 =	sadd.s32 $0x2, s31  }
0x328: {  	s0 =	simm.s32 $0x1  }
0x329: {  	_ =	swait.ge [sflag:s0], $0x8000  }
0x32a: {  	s24 =	rddreg [dreg:$0x7]  }
0x32b: {  	s26 =	rddreg [dreg:$0x9]  }
0x32c: {  	s28 =	rddreg [dreg:$0xa]  }
0x32d: {  	s29 =	rddreg [dreg:$0xc]  }
0x32e: {  	s3 =	simm.s32 $0xBA80;
	[sflag:s0] =	ssyncset.done $0x0;
	s30 =	rddreg [dreg:$0x10]  }
0x32f: {  	s31 =	rddreg [dreg:$0x19];
	[sflag:s0] =	ssyncadd.s32 $0xFFFF8000;
	s0 =	simm.s32 $0x0  }
.LBB2_24:
0x330: {  	s4 =	sor.u32 s24, s0  }
0x331: {  	v0 =	vmov s4;
	_ =	sdelay $0x1  }
0x332: {  	v5 =	vld [tilespmem:s1+$0xC0]  }
0x333: {  	v6 =	vld [tilespmem:s1+$0xFFFFFF40];
	s4 =	sshll.u32 s4, $0x6  }
0x334: {  	v7 =	vld [tilespmem:s1+$0xFFFFFF80];
	s5 =	sand.u32 $0xF80, s4  }
0x335: {  	s4 =	sand.u32 $0x40, s4;
	s5 =	sadd.s32 s5, s29;
	v0 =	vld.idx.msk [tilespmem:v0+s2+$0x0], $0xffff  }
0x336: {  	v8 =	vld [tilespmem:s1+$0xFFFFFFC0];
	s4 =	sadd.s32 s4, s5  }
0x337: {  	v3 =	vld [tilespmem:s4+$0x0]  }
0x338: {  	v9 =	vld [tilespmem:s1+$0x0]  }
0x339: {  	v10 =	vld [tilespmem:s1+$0x40]  }
0x33a: {  	v11 =	vld [tilespmem:s1+$0x80];
	v5 =	vmul.f32 v5, v0  }
0x33b: {  	v12 =	vld [tilespmem:s1+$0xFFFFFF00];
	v6 =	vmul.f32 v6, v0  }
0x33c: {  	v4 =	vld [tilespmem:s4+$0x10];
	v5 =	vadd.f32 v5, v3  }
0x33d: {  	s23 =	sadd.s32 $0x80, s31;
	v2 =	vld [tilespmem:s4+$0x20];
	v7 =	vmul.f32 v7, v0;
	v6 =	vadd.f32 v6, v3  }
0x33e: {  	s8 =	sor.u32 $0x50, s23;
	v1 =	vld [tilespmem:s4+$0x30];
	[tilespmem:s3+$0x440] =	vst v5;
	v5 =	vmul.f32 v8, v0  }
0x33f: {  	v7 =	vadd.f32 v7, v3;
	[tilespmem:s3+$0xFFFFF840] =	vst v6;
	v8 =	vmul.f32 v9, v0;
	v6 =	vld [tilespmem:s8+$0x0]  }
0x340: {  	v10 =	vmul.f32 v10, v0;
	v9 =	vld [tilespmem:s1+$0xFFFFFF50];
	v5 =	vadd.f32 v5, v3  }
0x341: {  	s6 =	sadd.s32 $0xFFFFFF80, s31;
	[tilespmem:s3+$0xFFFFFC00] =	vst v7;
	v7 =	vadd.f32 v8, v3;
	v8 =	vmul.f32 v11, v0  }
0x342: {  	s10 =	sor.u32 $0x50, s6;
	v11 =	vmul.f32 v12, v0;
	v12 =	vld [tilespmem:s1+$0xFFFFFF90];
	[tilespmem:s3+$0xFFFFFC40] =	vst v5;
	v5 =	vadd.f32 v10, v3  }
0x343: {  	[tilespmem:s3+$0x0] =	vst v7;
	v7 =	vadd.f32 v8, v3;
	v10 =	vld [tilespmem:s10+$0x0]  }
0x344: {  	s11 =	sor.u32 $0x50, s31;
	v8 =	vadd.f32 v11, v3;
	v11 =	vld [tilespmem:s1+$0x10];
	v6 =	vmul.f32 v6, v0;
	[tilespmem:s3+$0x40] =	vst v5  }
0x345: {  	v5 =	vmul.f32 v9, v0;
	[tilespmem:s3+$0x400] =	vst v7;
	v9 =	vld [tilespmem:s11+$0x0]  }
0x346: {  	[tilespmem:s3+$0xFFFFF800] =	vst v8;
	v7 =	vld [tilespmem:s1+$0x90];
	v6 =	vadd.f32 v6, v4  }
0x347: {  	v8 =	vld [tilespmem:s1+$0xFFFFFF10];
	v12 =	vmul.f32 v12, v0;
	v5 =	vadd.f32 v5, v4  }
0x348: {  	s12 =	sor.u32 $0x60, s23;
	[tilespmem:s3+$0x450] =	vst v6;
	v6 =	vmul.f32 v10, v0  }
0x349: {  	[tilespmem:s3+$0xFFFFF850] =	vst v5;
	v10 =	vadd.f32 v12, v4;
	v11 =	vmul.f32 v11, v0;
	v5 =	vld [tilespmem:s12+$0x0]  }
0x34a: {  	v12 =	vld [tilespmem:s1+$0xFFFFFF60];
	v6 =	vadd.f32 v6, v4;
	v9 =	vmul.f32 v9, v0  }
0x34b: {  	[tilespmem:s3+$0xFFFFFC10] =	vst v10;
	v10 =	vadd.f32 v11, v4;
	v7 =	vmul.f32 v7, v0  }
0x34c: {  	s13 =	sor.u32 $0x60, s6;
	v8 =	vmul.f32 v8, v0;
	v11 =	vld [tilespmem:s1+$0xFFFFFFA0];
	[tilespmem:s3+$0xFFFFFC50] =	vst v6;
	v6 =	vadd.f32 v9, v4  }
0x34d: {  	[tilespmem:s3+$0x10] =	vst v10;
	v7 =	vadd.f32 v7, v4;
	v9 =	vld [tilespmem:s13+$0x0]  }
0x34e: {  	s14 =	sor.u32 $0x60, s31;
	v8 =	vadd.f32 v8, v4;
	v10 =	vld [tilespmem:s1+$0x20];
	v5 =	vmul.f32 v5, v0;
	[tilespmem:s3+$0x50] =	vst v6  }
0x34f: {  	v6 =	vmul.f32 v12, v0;
	[tilespmem:s3+$0x410] =	vst v7;
	v12 =	vld [tilespmem:s14+$0x0]  }
0x350: {  	[tilespmem:s3+$0xFFFFF810] =	vst v8;
	v7 =	vld [tilespmem:s1+$0xA0];
	v5 =	vadd.f32 v5, v2  }
0x351: {  	s5 =	sadd.s32 $0x200, s1;
	v8 =	vld [tilespmem:s1+$0xFFFFFF20];
	v6 =	vadd.f32 v6, v2;
	v11 =	vmul.f32 v11, v0  }
0x352: {  	s4 =	sor.u32 $0x70, s23;
	v13 =	vld [tilespmem:s5+$0xC0];
	[tilespmem:s3+$0x460] =	vst v5;
	v5 =	vmul.f32 v9, v0  }
0x353: {  	[tilespmem:s3+$0xFFFFF860] =	vst v6;
	v9 =	vadd.f32 v11, v2;
	v10 =	vmul.f32 v10, v0;
	v6 =	vld [tilespmem:s4+$0x0]  }
0x354: {  	v11 =	vld [tilespmem:s1+$0xFFFFFF70];
	v5 =	vadd.f32 v5, v2;
	v12 =	vmul.f32 v12, v0  }
0x355: {  	[tilespmem:s3+$0xFFFFFC20] =	vst v9;
	v9 =	vadd.f32 v10, v2;
	v7 =	vmul.f32 v7, v0;
	v10 =	vld [tilespmem:s5+$0xFFFFFF40]  }
0x356: {  	v8 =	vmul.f32 v8, v0;
	[tilespmem:s3+$0xFFFFFC60] =	vst v5;
	v5 =	vadd.f32 v12, v2;
	v12 =	vld [tilespmem:s5+$0xFFFFFF80]  }
0x357: {  	v13 =	vmul.f32 v13, v0;
	[tilespmem:s3+$0x20] =	vst v9;
	v7 =	vadd.f32 v7, v2;
	v9 =	vld [tilespmem:s5+$0xFFFFFFC0]  }
0x358: {  	v8 =	vadd.f32 v8, v2;
	v6 =	vmul.f32 v6, v0;
	[tilespmem:s3+$0x60] =	vst v5;
	v5 =	vld [tilespmem:s5+$0x0]  }
0x359: {  	v13 =	vadd.f32 v13, v3;
	v11 =	vmul.f32 v11, v0;
	[tilespmem:s3+$0x420] =	vst v7;
	v7 =	vld [tilespmem:s5+$0x40]  }
0x35a: {  	s10 =	sadd.s32 $0x1000, s3;
	[tilespmem:s3+$0xFFFFF820] =	vst v8;
	v8 =	vmul.f32 v10, v0;
	v10 =	vld [tilespmem:s5+$0x80];
	v6 =	vadd.f32 v6, v1  }
0x35b: {  	v14 =	vld [tilespmem:s5+$0xFFFFFF00];
	[tilespmem:s10+$0x440] =	vst v13;
	s4 =	sadd.s32 $0x200, s31;
	v11 =	vadd.f32 v11, v1;
	v12 =	vmul.f32 v12, v0  }
0x35c: {  	s8 =	sadd.s32 $0x80, s4;
	[tilespmem:s3+$0x470] =	vst v6;
	v6 =	vadd.f32 v8, v3;
	v8 =	vmul.f32 v9, v0;
	v9 =	vld [tilespmem:s1+$0xFFFFFF30]  }
0x35d: {  	s11 =	sor.u32 $0x50, s8;
	[tilespmem:s3+$0xFFFFF870] =	vst v11;
	v11 =	vadd.f32 v12, v3;
	v5 =	vmul.f32 v5, v0;
	v12 =	vld [tilespmem:s1+$0xFFFFFFB0]  }
0x35e: {  	v7 =	vmul.f32 v7, v0;
	[tilespmem:s10+$0xFFFFF840] =	vst v6;
	v6 =	vadd.f32 v8, v3;
	v8 =	vld [tilespmem:s11+$0x0]  }
0x35f: {  	s15 =	sadd.s32 $0xFFFFFF80, s4;
	v10 =	vmul.f32 v10, v0;
	v13 =	vld [tilespmem:s5+$0xFFFFFF50];
	[tilespmem:s10+$0xFFFFFC00] =	vst v11;
	v5 =	vadd.f32 v5, v3  }
0x360: {  	s12 =	sor.u32 $0x50, s15;
	v11 =	vmul.f32 v14, v0;
	v14 =	vld [tilespmem:s5+$0xFFFFFF90];
	[tilespmem:s10+$0xFFFFFC40] =	vst v6;
	v6 =	vadd.f32 v7, v3  }
0x361: {  	v7 =	vld [tilespmem:s12+$0x0];
	[tilespmem:s10+$0x0] =	vst v5;
	v5 =	vadd.f32 v10, v3;
	v9 =	vmul.f32 v9, v0  }
0x362: {  	s16 =	sor.u32 $0x50, s4;
	v10 =	vadd.f32 v11, v3;
	v11 =	vld [tilespmem:s5+$0x10];
	[tilespmem:s10+$0x40] =	vst v6;
	v6 =	vmul.f32 v12, v0  }
0x363: {  	v12 =	vld [tilespmem:s16+$0x0];
	[tilespmem:s10+$0x400] =	vst v5;
	v5 =	vmul.f32 v8, v0;
	v8 =	vadd.f32 v9, v1  }
0x364: {  	[tilespmem:s10+$0xFFFFF800] =	vst v10;
	v9 =	vmul.f32 v13, v0;
	v10 =	vld [tilespmem:s5+$0x90];
	v6 =	vadd.f32 v6, v1  }
0x365: {  	s6 =	sor.u32 $0x70, s6;
	v13 =	vld [tilespmem:s5+$0xFFFFFF10];
	v14 =	vmul.f32 v14, v0;
	v5 =	vadd.f32 v5, v4;
	[tilespmem:s3+$0xFFFFF830] =	vst v8  }
0x366: {  	v8 =	vadd.f32 v9, v4;
	v7 =	vmul.f32 v7, v0;
	[tilespmem:s3+$0xFFFFFC30] =	vst v6;
	v6 =	vld [tilespmem:s6+$0x0]  }
0x367: {  	s18 =	sor.u32 $0x60, s8;
	v9 =	vadd.f32 v14, v4;
	v11 =	vmul.f32 v11, v0;
	[tilespmem:s10+$0x450] =	vst v5;
	v5 =	vld [tilespmem:s1+$0x30]  }
0x368: {  	[tilespmem:s10+$0xFFFFF850] =	vst v8;
	v7 =	vadd.f32 v7, v4;
	v8 =	vmul.f32 v12, v0;
	v12 =	vld [tilespmem:s18+$0x0]  }
0x369: {  	v14 =	vld [tilespmem:s5+$0xFFFFFF60];
	[tilespmem:s10+$0xFFFFFC10] =	vst v9;
	v9 =	vadd.f32 v11, v4;
	v10 =	vmul.f32 v10, v0  }
0x36a: {  	s20 =	sor.u32 $0x60, s15;
	v11 =	vmul.f32 v13, v0;
	v13 =	vld [tilespmem:s5+$0xFFFFFFA0];
	[tilespmem:s10+$0xFFFFFC50] =	vst v7;
	v7 =	vadd.f32 v8, v4  }
0x36b: {  	v8 =	vld [tilespmem:s20+$0x0];
	[tilespmem:s10+$0x10] =	vst v9;
	v9 =	vadd.f32 v10, v4;
	v6 =	vmul.f32 v6, v0  }
0x36c: {  	s21 =	sor.u32 $0x60, s4;
	v10 =	vadd.f32 v11, v4;
	v11 =	vld [tilespmem:s5+$0x20];
	[tilespmem:s10+$0x50] =	vst v7;
	v5 =	vmul.f32 v5, v0  }
0x36d: {  	v15 =	vld [tilespmem:s21+$0x0];
	[tilespmem:s10+$0x410] =	vst v9;
	v7 =	vmul.f32 v12, v0;
	v6 =	vadd.f32 v6, v1  }
0x36e: {  	[tilespmem:s10+$0xFFFFF810] =	vst v10;
	v9 =	vmul.f32 v14, v0;
	v14 =	vld [tilespmem:s5+$0xA0];
	v10 =	vadd.f32 v5, v1  }
0x36f: {  	s22 =	sor.u32 $0x70, s31;
	v5 =	vld [tilespmem:s5+$0xFFFFFF20];
	v12 =	vmul.f32 v13, v0;
	v7 =	vadd.f32 v7, v2;
	[tilespmem:s3+$0xFFFFFC70] =	vst v6  }
0x370: {  	v6 =	vld [tilespmem:s22+$0x0];
	v9 =	vadd.f32 v9, v2;
	v8 =	vmul.f32 v8, v0;
	[tilespmem:s3+$0x30] =	vst v10  }
0x371: {  	s23 =	sor.u32 $0x70, s8;
	v12 =	vadd.f32 v12, v2;
	v13 =	vmul.f32 v11, v0;
	[tilespmem:s10+$0x460] =	vst v7;
	v7 =	vld [tilespmem:s1+$0xB0]  }
0x372: {  	s13 =	sadd.s32 $0x200, s5;
	s8 =	sor.u32 $0x70, s4;
	[tilespmem:s10+$0xFFFFF860] =	vst v9;
	v10 =	vadd.f32 v8, v2;
	v9 =	vld [tilespmem:s23+$0x0];
	v11 =	vmul.f32 v15, v0  }
0x373: {  	s11 =	sor.u32 $0x70, s15;
	s12 =	simm.s32 $0x8;
	s6 =	smov.u32 s3;
	v8 =	vld [tilespmem:s5+$0xFFFFFF70];
	[tilespmem:s10+$0xFFFFFC20] =	vst v12;
	v12 =	vadd.f32 v13, v2;
	v13 =	vmul.f32 v14, v0  }
.LBB2_25:
0x374: {  	v14 =	vld [tilespmem:s13+$0xC0];
	s12 =	sadd.s32 $0x8, s12;
	v5 =	vmul.f32 v5, v0;
	[tilespmem:s10+$0xFFFFFC60] =	vst v10;
	v10 =	vadd.f32 v11, v2  }
0x375: {  	v11 =	vld [tilespmem:s13+$0xFFFFFF40];
	p0 =	slt.u32 s12, $0x38;
	[tilespmem:s10+$0x20] =	vst v12;
	v12 =	vadd.f32 v13, v2;
	v6 =	vmul.f32 v6, v0  }
0x376: {  	v13 =	vld [tilespmem:s13+$0xFFFFFF80];
	v5 =	vadd.f32 v5, v2;
	[tilespmem:s10+$0x60] =	vst v10;
	v7 =	vmul.f32 v7, v0  }
0x377: {  	v10 =	vld [tilespmem:s13+$0xFFFFFFC0];
	[tilespmem:s10+$0x420] =	vst v12;
	v9 =	vmul.f32 v9, v0;
	v6 =	vadd.f32 v6, v1  }
0x378: {  	v12 =	vld [tilespmem:s13+$0x0];
	[tilespmem:s10+$0xFFFFF820] =	vst v5;
	v5 =	vmul.f32 v8, v0;
	v7 =	vadd.f32 v7, v1  }
0x379: {  	v8 =	vld [tilespmem:s13+$0x40];
	v14 =	vmul.f32 v14, v0;
	v9 =	vadd.f32 v9, v1;
	[tilespmem:s6+$0x70] =	vst v6  }
0x37a: {  	v6 =	vmul.f32 v11, v0;
	v11 =	vld [tilespmem:s13+$0x80];
	v5 =	vadd.f32 v5, v1;
	[tilespmem:s6+$0x430] =	vst v7;
	s6 =	smov.u32 s10  }
0x37b: {  	s4 =	sadd.s32 $0x200, s4;
	v7 =	vld [tilespmem:s13+$0xFFFFFF00];
	v13 =	vmul.f32 v13, v0;
	v14 =	vadd.f32 v14, v3;
	[tilespmem:s10+$0x470] =	vst v9  }
0x37c: {  	s15 =	sadd.s32 $0xFFFFFF80, s4;
	s14 =	sadd.s32 $0x80, s4;
	s10 =	sadd.s32 $0x1000, s10;
	v6 =	vadd.f32 v6, v3;
	v9 =	vmul.f32 v10, v0;
	v10 =	vld [tilespmem:s5+$0xFFFFFF30];
	[tilespmem:s6+$0xFFFFF870] =	vst v5  }
0x37d: {  	s21 =	sor.u32 $0x50, s4;
	s20 =	sor.u32 $0x50, s15;
	s22 =	sor.u32 $0x50, s14;
	v5 =	vadd.f32 v13, v3;
	v12 =	vmul.f32 v12, v0;
	[tilespmem:s10+$0x440] =	vst v14;
	v13 =	vld [tilespmem:s5+$0xFFFFFFB0]  }
0x37e: {  	s16 =	sor.u32 $0x60, s4;
	s18 =	sor.u32 $0x60, s15;
	s23 =	sor.u32 $0x70, s15;
	[tilespmem:s10+$0xFFFFF840] =	vst v6;
	v6 =	vadd.f32 v9, v3;
	v8 =	vmul.f32 v8, v0;
	v9 =	vld [tilespmem:s22+$0x0]  }
0x37f: {  	s15 =	sor.u32 $0x70, s4;
	v14 =	vld [tilespmem:s13+$0xFFFFFF50];
	[tilespmem:s10+$0xFFFFFC00] =	vst v5;
	v5 =	vadd.f32 v12, v3;
	v11 =	vmul.f32 v11, v0  }
0x380: {  	v7 =	vmul.f32 v7, v0;
	v12 =	vld [tilespmem:s13+$0xFFFFFF90];
	[tilespmem:s10+$0xFFFFFC40] =	vst v6;
	v6 =	vadd.f32 v8, v3  }
0x381: {  	v8 =	vld [tilespmem:s20+$0x0];
	[tilespmem:s10+$0x0] =	vst v5;
	v5 =	vadd.f32 v11, v3;
	v10 =	vmul.f32 v10, v0  }
0x382: {  	v7 =	vadd.f32 v7, v3;
	v11 =	vld [tilespmem:s13+$0x10];
	[tilespmem:s10+$0x40] =	vst v6;
	v6 =	vmul.f32 v13, v0  }
0x383: {  	v13 =	vld [tilespmem:s21+$0x0];
	[tilespmem:s10+$0x400] =	vst v5;
	v5 =	vmul.f32 v9, v0;
	v9 =	vadd.f32 v10, v1  }
0x384: {  	[tilespmem:s10+$0xFFFFF800] =	vst v7;
	v7 =	vmul.f32 v14, v0;
	v10 =	vld [tilespmem:s13+$0x90];
	v6 =	vadd.f32 v6, v1  }
0x385: {  	v14 =	vld [tilespmem:s13+$0xFFFFFF10];
	v12 =	vmul.f32 v12, v0;
	v5 =	vadd.f32 v5, v4;
	[tilespmem:s6+$0xFFFFF830] =	vst v9  }
0x386: {  	v7 =	vadd.f32 v7, v4;
	v8 =	vmul.f32 v8, v0;
	[tilespmem:s6+$0xFFFFFC30] =	vst v6;
	v6 =	vld [tilespmem:s11+$0x0];
	s11 =	smov.u32 s23  }
0x387: {  	s20 =	sor.u32 $0x60, s14;
	v9 =	vadd.f32 v12, v4;
	v11 =	vmul.f32 v11, v0;
	[tilespmem:s10+$0x450] =	vst v5;
	v5 =	vld [tilespmem:s5+$0x30]  }
0x388: {  	[tilespmem:s10+$0xFFFFF850] =	vst v7;
	v7 =	vadd.f32 v8, v4;
	v8 =	vmul.f32 v13, v0;
	v12 =	vld [tilespmem:s20+$0x0]  }
0x389: {  	v13 =	vld [tilespmem:s13+$0xFFFFFF60];
	[tilespmem:s10+$0xFFFFFC10] =	vst v9;
	v9 =	vadd.f32 v11, v4;
	v10 =	vmul.f32 v10, v0  }
0x38a: {  	v11 =	vmul.f32 v14, v0;
	v14 =	vld [tilespmem:s13+$0xFFFFFFA0];
	[tilespmem:s10+$0xFFFFFC50] =	vst v7;
	v7 =	vadd.f32 v8, v4  }
0x38b: {  	v8 =	vld [tilespmem:s18+$0x0];
	[tilespmem:s10+$0x10] =	vst v9;
	v9 =	vadd.f32 v10, v4;
	v6 =	vmul.f32 v6, v0  }
0x38c: {  	v10 =	vadd.f32 v11, v4;
	v11 =	vld [tilespmem:s13+$0x20];
	[tilespmem:s10+$0x50] =	vst v7;
	v5 =	vmul.f32 v5, v0  }
0x38d: {  	v15 =	vld [tilespmem:s16+$0x0];
	[tilespmem:s10+$0x410] =	vst v9;
	v7 =	vmul.f32 v12, v0;
	v6 =	vadd.f32 v6, v1  }
0x38e: {  	[tilespmem:s10+$0xFFFFF810] =	vst v10;
	v9 =	vmul.f32 v13, v0;
	v13 =	vld [tilespmem:s13+$0xA0];
	v10 =	vadd.f32 v5, v1  }
.Ltmp11:
0x38f: {  	v5 =	vld [tilespmem:s13+$0xFFFFFF20];
	v12 =	vmul.f32 v14, v0;
	v7 =	vadd.f32 v7, v2;
	[tilespmem:s6+$0xFFFFFC70] =	vst v6;
	(pc) =	sbr.rel @p0 .LBB2_25-.Ltmp11, $4  }
0x390: {  	v9 =	vadd.f32 v9, v2;
	v8 =	vmul.f32 v8, v0;
	[tilespmem:s6+$0x30] =	vst v10;
	v6 =	vld [tilespmem:s8+$0x0];
	s8 =	smov.u32 s15  }
0x391: {  	s14 =	sor.u32 $0x70, s14;
	v12 =	vadd.f32 v12, v2;
	v14 =	vmul.f32 v11, v0;
	[tilespmem:s10+$0x460] =	vst v7;
	v7 =	vld [tilespmem:s5+$0xB0];
	s5 =	smov.u32 s13  }
0x392: {  	[tilespmem:s10+$0xFFFFF860] =	vst v9;
	v10 =	vadd.f32 v8, v2;
	v11 =	vmul.f32 v15, v0;
	v9 =	vld [tilespmem:s14+$0x0]  }
0x393: {  	s13 =	sadd.s32 $0x200, s13;
	v8 =	vld [tilespmem:s5+$0xFFFFFF70];
	[tilespmem:s10+$0xFFFFFC20] =	vst v12;
	v12 =	vadd.f32 v14, v2;
	v13 =	vmul.f32 v13, v0  }
0x394: {  	v3 =	vmul.f32 v5, v0;
	[tilespmem:s10+$0xFFFFFC60] =	vst v10;
	v4 =	vadd.f32 v11, v2;
	v49 =	vld [tilespmem:s5+$0xFFFFFFB0]  }
0x395: {  	v48 =	vmul.f32 v6, v0;
	[tilespmem:s10+$0x20] =	vst v12;
	v50 =	vadd.f32 v13, v2;
	v10 =	vld [tilespmem:s11+$0x0]  }
0x396: {  	v3 =	vadd.f32 v3, v2;
	v7 =	vmul.f32 v7, v0;
	[tilespmem:s10+$0x60] =	vst v4;
	v52 =	vld [tilespmem:s5+$0x30]  }
0x397: {  	v51 =	vmul.f32 v9, v0;
	v5 =	vadd.f32 v48, v1;
	[tilespmem:s10+$0x420] =	vst v50;
	v54 =	vld [tilespmem:s8+$0x0]  }
0x398: {  	[tilespmem:s10+$0xFFFFF820] =	vst v3;
	v53 =	vmul.f32 v8, v0;
	v7 =	vadd.f32 v7, v1;
	v55 =	vld [tilespmem:s5+$0xB0]  }
0x399: {  	v3 =	vld [tilespmem:s5+$0xFFFFFF30];
	v4 =	vadd.f32 v51, v1;
	[tilespmem:s6+$0x70] =	vst v5;
	v6 =	vmul.f32 v49, v0  }
0x39a: {  	v2 =	vadd.f32 v53, v1;
	[tilespmem:s6+$0x430] =	vst v7;
	v56 =	vmul.f32 v10, v0  }
0x39b: {  	[tilespmem:s10+$0x470] =	vst v4;
	v57 =	vadd.f32 v6, v1;
	v58 =	vmul.f32 v52, v0  }
0x39c: {  	s0 =	sadd.s32 $0x1, s0;
	[tilespmem:s10+$0xFFFFF870] =	vst v2;
	v59 =	vadd.f32 v56, v1;
	v60 =	vmul.f32 v54, v0  }
0x39d: {  	p0 =	sne.s32 s0, $0x8;
	[tilespmem:s10+$0xFFFFFC30] =	vst v57;
	v61 =	vadd.f32 v58, v1;
	v62 =	vmul.f32 v55, v0  }
.Ltmp12:
0x39e: {  	v3 =	vmul.f32 v3, v0;
	[tilespmem:s10+$0xFFFFFC70] =	vst v59;
	v63 =	vadd.f32 v60, v1;
	(pc) =	sbr.rel @p0 .LBB2_24-.Ltmp12, $4  }
0x39f: {  	[tilespmem:s10+$0x30] =	vst v61;
	v0 =	vadd.f32 v62, v1  }
0x3a0: {  	v3 =	vadd.f32 v3, v1;
	[tilespmem:s10+$0x70] =	vst v63  }
0x3a1: {  	[tilespmem:s10+$0x430] =	vst v0  }
0x3a2: {  	s3 =	sadd.s32 $0x80, s3;
	[tilespmem:s10+$0xFFFFF830] =	vst v3  }
0x3a3: {  	s0 =	rddreg [dreg:$0xd];
	s3 =	simm.s32 $0xB280;
	s23 =	simm.s32 $0x2  }
0x3a4: {  	[hbm4b:s0+s25] =	stream.linear.scatter [tilespmem:s3], [sflag:$0x1], $0x8000, $0x38;
	[tilespmem:$0x1B280] =	vst v63  }
0x3a5: {  	_ =	swait.ge [sflag:s23], $0x8000  }
0x3a6: {  	[sflag:s23] =	ssyncset.done $0x0  }
0x3a7: {  	s29 =	simm.s32 $0x1;
	[sflag:s23] =	ssyncadd.s32 $0xFFFF8000  }
0x3a8: {  	_ =	swait.ge [sflag:s29], $0x8000  }
0x3a9: {  	s4 =	rddreg [dreg:$0x1c]  }
0x3aa: {  	s31 =	rddreg [dreg:$0xe];
	s4 =	sadd.s32 $0x1, s4  }
0x3ab: {  	p0 =	sne.s32 s4, s31  }
.Ltmp13:
0x3ac: {  	_ = 	snop;
	(pc) =	sbr.rel @p0 .LBB2_1-.Ltmp13, $3  }
0x3ad: {  	_ =	sdelay $0x1  }
0x3ae: {  	[sflag:s29] =	ssyncset.done $0x0  }
0x3af: {  	s23 =	rddreg [dreg:$0xf];
	[sflag:s29] =	ssyncadd.s32 $0xFFFF8000  }
0x3b0: {  	_ =	sfence.sel $0x180000  }
0x3b1: {  	[bflag:$0x0] =	sbarrier.arrive $0xFFFF  }
0x3b2: {  	_ =	strace $0x90000047  }
0x3b3: {  	s0 =	stileid.u32;
	[bflag:$0x2] =	sbarrier.arrive $0xFFFF  }
0x3b4: {  	p0 =	sne.s32 s0, $0x0;
	s0 =	rddreg [dreg:$0x3]  }
0x3b5: {  	s0 =	sadd.s32 @!p0 $0x100000, s0  }
0x3b6: {  	[sflag:s0] =	ssyncadd.tile.s32 @!p0 $0x1;
	_ =	shalt  }
.Lfunc_end2:
_tile_overlayer_lowered:
.L_overlay_start_2:
0x3b7: {  	(tag) =	ssettag $0x2  }
0x3b8: {  	s0 =	rddreg [dreg:$0x0];
	s2 =	stileid.u32  }
0x3b9: {  	s1 =	rddreg [dreg:$0x1];
	p0 =	sne.s32 s2, $0x0  }
0x3ba: {  	s3 =	rddreg [dreg:$0x2];
	[bflag:$0x3] =	sbarrier.arrive $0xFFFF;
	s2 =	simm.s32 @!p0 $0x1C03  }
0x3bb: {  	[timem:s3], [sflag:s2] =	dma.local @!p0 [hbm:s0], s1  }
0x3bc: {  	s0 =	simm.s32 @!p0 $0x3  }
0x3bd: {  	_ =	swait.ge @!p0 [sflag:s0], s1  }
0x3be: {  	s1 =	ssub.s32 @!p0 $0x0, s1;
	[sflag:s0] =	ssyncset.done @!p0 $0x0  }
0x3bf: {  	[sflag:s0] =	ssyncadd.s32 @!p0 s1  }
0x3c0: {  	[bflag:$0x3] =	sbarrier.arrive $0xFFFF  }
0x3c1: {  	_ =	shalt  }

</sc_bundles>
